<compile_context>
chip_gen: v7x
topology: tpu7x:2x2x1
jax: 0.10.2.dev20260603
libtpu: 0.0.44.dev20260713+nightly
codegen_flags: <defaults>
</compile_context>

<pallas_src>
import functools

import jax
import jax.numpy as jnp
from jax import lax
from jax.experimental import pallas as pl
from jax.experimental.pallas import tpu as pltpu
from jax.experimental.pallas import tpu_sc as plsc

NUM_CORES = 2
NUM_SUBCORES = 16
BLK = 128
CHUNK = 8
HALF = 128
PAD_ROWS = 8
LANES = 16

_MESH = plsc.VectorSubcoreMesh(
    core_axis_name="c", subcore_axis_name="s",
    num_cores=NUM_CORES, num_subcores=NUM_SUBCORES)


def _stripes(n_dst):
    stripe = ((n_dst + NUM_SUBCORES - 1) // NUM_SUBCORES + 7) // 8 * 8
    return stripe, n_dst - (NUM_SUBCORES - 1) * stripe


def _sc_gather_scatter(x0a, x1a, esa, eda, x0b, x1b, esb, edb, n_dst):
    n_blocks = esa.shape[0]
    blocks_per_sub = n_blocks // NUM_SUBCORES
    n_chunks = blocks_per_sub // CHUNK
    n_acc = n_dst + PAD_ROWS
    stripe, last_stripe = _stripes(n_dst)

    zf = jnp.zeros((n_dst, HALF), jnp.float32)
    out = jax.ShapeDtypeStruct((n_dst, HALF), jnp.float32)

    @functools.partial(
        pl.kernel,
        out_type=(out, out, out, out),
        mesh=_MESH,
        scratch_types=[
            pltpu.VMEM((2, CHUNK, BLK), jnp.int32),
            pltpu.VMEM((2, CHUNK, BLK), jnp.int32),
            pltpu.VMEM((BLK, HALF), jnp.float32),
            pltpu.VMEM((BLK, HALF), jnp.float32),
            pltpu.VMEM_SHARED((n_acc, HALF), jnp.float32),
            pltpu.SemaphoreType.DMA,
            pltpu.SemaphoreType.DMA,
            pltpu.SemaphoreType.DMA,
            pltpu.SemaphoreType.DMA,
            pltpu.SemaphoreType.DMA,
        ],
    )
    def k(x0a_hbm, x1a_hbm, esa_hbm, eda_hbm,
          x0b_hbm, x1b_hbm, esb_hbm, edb_hbm, zf_hbm,
          agg0a_hbm, agg1a_hbm, agg0b_hbm, agg1b_hbm,
          idx_s, idx_d, rows0, rows1, acc,
          sem0, sem1, ssem0, ssem1, sem_i):
        c = lax.axis_index("c")
        s = lax.axis_index("s")

        def on_stripe(fn):
            @pl.when(s < NUM_SUBCORES - 1)
            def _():
                fn(s * stripe, stripe)

            @pl.when(s == NUM_SUBCORES - 1)
            def _():
                fn((NUM_SUBCORES - 1) * stripe, last_stripe)

        blk0 = s * blocks_per_sub
        bufs = ((rows0, sem0, ssem0), (rows1, sem1, ssem1))

        def idx_load(es_hbm, ed_hbm, m, sl):
            return (
                pltpu.make_async_copy(
                    es_hbm.at[pl.ds(blk0 + m * CHUNK, CHUNK)],
                    idx_s.at[sl], sem_i),
                pltpu.make_async_copy(
                    ed_hbm.at[pl.ds(blk0 + m * CHUNK, CHUNK)],
                    idx_d.at[sl], sem_i),
            )

        def main_loop(x_hbm, es_hbm, ed_hbm):
            def gather(sl, j, rows, sem):
                return pltpu.make_async_copy(x_hbm.at[idx_s.at[sl].at[j]],
                                             rows, sem)

            class scatter:
                def __init__(self, sl, j):
                    self.rows, _, self.ssem = bufs[j % 2]
                    self.sl, self.j = sl, j

                def start(self):
                    pltpu.async_copy(
                        self.rows, acc.at[idx_d.at[self.sl].at[self.j]],
                        self.ssem, add=True)

                def wait(self):
                    pltpu.make_async_copy(
                        self.rows, acc.at[idx_d.at[self.sl].at[self.j]],
                        self.ssem).wait()

            for d in idx_load(es_hbm, ed_hbm, 0, 0):
                d.start()

            @pl.loop(0, n_chunks)
            def _(m):
                sl = lax.rem(m, 2)
                nsl = 1 - sl
                for d in idx_load(es_hbm, ed_hbm, m, sl):
                    d.wait()

                @pl.when(m > 0)
                def _():
                    scatter(nsl, CHUNK - 2).wait()
                    scatter(nsl, CHUNK - 1).wait()

                @pl.when(m + 1 < n_chunks)
                def _():
                    for d in idx_load(es_hbm, ed_hbm, m + 1, nsl):
                        d.start()

                gather(sl, 0, rows0, sem0).start()
                for j in range(CHUNK):
                    if j + 1 < CHUNK:
                        if j >= 1:
                            scatter(sl, j - 1).wait()
                        nrows, nsem, _ = bufs[(j + 1) % 2]
                        gather(sl, j + 1, nrows, nsem).start()
                    rows, sem, _ = bufs[j % 2]
                    gather(sl, j, rows, sem).wait()
                    scatter(sl, j).start()

            last = (n_chunks - 1) % 2
            scatter(last, CHUNK - 2).wait()
            scatter(last, CHUNK - 1).wait()

        def phase(x0_hbm, x1_hbm, es_hbm, ed_hbm, out0_hbm, out1_hbm):
            on_stripe(lambda r0, nr: pltpu.sync_copy(
                zf_hbm.at[pl.ds(r0, nr)], acc.at[pl.ds(r0, nr)]))
            plsc.subcore_barrier()

            @pl.when(c == 0)
            def _():
                main_loop(x0_hbm, es_hbm, ed_hbm)

            @pl.when(c == 1)
            def _():
                main_loop(x1_hbm, es_hbm, ed_hbm)

            plsc.subcore_barrier()

            @pl.when(c == 0)
            def _():
                on_stripe(lambda r0, nr: pltpu.sync_copy(
                    acc.at[pl.ds(r0, nr)], out0_hbm.at[pl.ds(r0, nr)]))

            @pl.when(c == 1)
            def _():
                on_stripe(lambda r0, nr: pltpu.sync_copy(
                    acc.at[pl.ds(r0, nr)], out1_hbm.at[pl.ds(r0, nr)]))

        phase(x0a_hbm, x1a_hbm, esa_hbm, eda_hbm, agg0a_hbm, agg1a_hbm)
        phase(x0b_hbm, x1b_hbm, esb_hbm, edb_hbm, agg0b_hbm, agg1b_hbm)

    return k(x0a, x1a, esa, eda, x0b, x1b, esb, edb, zf)


def _sc_degree(eda, edb, n_dst):
    n_blocks = eda.shape[0]
    blocks_per_w = n_blocks // (NUM_CORES * NUM_SUBCORES)
    n_chunks = blocks_per_w // CHUNK
    n_acc = n_dst + PAD_ROWS
    stripe, last_stripe = _stripes(n_dst)

    zd = jnp.zeros((n_dst, HALF), jnp.float32)
    ones = jnp.ones((BLK, HALF), jnp.float32)
    out = jax.ShapeDtypeStruct((n_dst, HALF), jnp.float32)

    @functools.partial(
        pl.kernel,
        out_type=(out, out, out, out),
        mesh=_MESH,
        scratch_types=[
            pltpu.VMEM((CHUNK, BLK), jnp.int32),
            pltpu.VMEM((BLK, HALF), jnp.float32),
            pltpu.VMEM_SHARED((n_acc, HALF), jnp.float32),
        ],
    )
    def k(eda_hbm, edb_hbm, zd_hbm, ones_hbm,
          degaa_hbm, degba_hbm, degab_hbm, degbb_hbm,
          idx_d, ones_v, dacc):
        c = lax.axis_index("c")
        s = lax.axis_index("s")

        def on_stripe(fn):
            @pl.when(s < NUM_SUBCORES - 1)
            def _():
                fn(s * stripe, stripe)

            @pl.when(s == NUM_SUBCORES - 1)
            def _():
                fn((NUM_SUBCORES - 1) * stripe, last_stripe)

        blk0 = (c * NUM_SUBCORES + s) * blocks_per_w
        pltpu.sync_copy(ones_hbm, ones_v)

        def phase(ed_hbm, dega_hbm, degb_hbm):
            on_stripe(lambda r0, nr: pltpu.sync_copy(
                zd_hbm.at[pl.ds(r0, nr)], dacc.at[pl.ds(r0, nr)]))
            plsc.subcore_barrier()

            @pl.loop(0, n_chunks)
            def _(m):
                pltpu.sync_copy(ed_hbm.at[pl.ds(blk0 + m * CHUNK, CHUNK)],
                                idx_d)
                for j in range(CHUNK):
                    pltpu.sync_copy(ones_v, dacc.at[idx_d.at[j]], add=True)

            plsc.subcore_barrier()

            @pl.when(c == 0)
            def _():
                on_stripe(lambda r0, nr: pltpu.sync_copy(
                    dacc.at[pl.ds(r0, nr)], dega_hbm.at[pl.ds(r0, nr)]))

            @pl.when(c == 1)
            def _():
                on_stripe(lambda r0, nr: pltpu.sync_copy(
                    dacc.at[pl.ds(r0, nr)], degb_hbm.at[pl.ds(r0, nr)]))

        phase(eda_hbm, degaa_hbm, degba_hbm)
        phase(edb_hbm, degab_hbm, degbb_hbm)

    return k(eda, edb, zd, ones)


def _tc_mean_matmul(agg0, agg1, dega, degb, x_dst, w_nbr, w_self):
    n, d = x_dst.shape
    blk = 1000
    wn0 = w_nbr[:HALF]
    wn1 = w_nbr[HALF:]

    def body(a0_ref, a1_ref, da_ref, db_ref, x_ref,
             wn0_ref, wn1_ref, ws_ref, o_ref):
        deg = da_ref[:, 0:1] + db_ref[:, 0:1]
        r = 1.0 / jnp.maximum(deg, 1.0)
        o_ref[...] = (
            jnp.dot(a0_ref[...] * r, wn0_ref[...],
                    preferred_element_type=jnp.float32)
            + jnp.dot(a1_ref[...] * r, wn1_ref[...],
                      preferred_element_type=jnp.float32)
            + jnp.dot(x_ref[...], ws_ref[...],
                      preferred_element_type=jnp.float32)
        )

    return pl.pallas_call(
        body,
        grid=(n // blk,),
        in_specs=[
            pl.BlockSpec((blk, HALF), lambda i: (i, 0)),
            pl.BlockSpec((blk, HALF), lambda i: (i, 0)),
            pl.BlockSpec((blk, HALF), lambda i: (i, 0)),
            pl.BlockSpec((blk, HALF), lambda i: (i, 0)),
            pl.BlockSpec((blk, d), lambda i: (i, 0)),
            pl.BlockSpec((HALF, d), lambda i: (0, 0)),
            pl.BlockSpec((HALF, d), lambda i: (0, 0)),
            pl.BlockSpec((d, d), lambda i: (0, 0)),
        ],
        out_specs=pl.BlockSpec((blk, d), lambda i: (i, 0)),
        out_shape=jax.ShapeDtypeStruct((n, d), jnp.float32),
    )(agg0, agg1, dega, degb, x_dst, wn0, wn1, w_self)


def _pad_edges(e_src, e_dst, n_dst):
    e = e_src.shape[0]
    chunk = NUM_SUBCORES * BLK * CHUNK
    e_pad = ((e + chunk - 1) // chunk) * chunk
    npad = e_pad - e
    e_src = jnp.concatenate(
        [e_src.astype(jnp.int32), jnp.zeros((npad,), jnp.int32)])
    e_dst = jnp.concatenate(
        [e_dst.astype(jnp.int32), jnp.full((npad,), n_dst, jnp.int32)])
    return e_src.reshape(-1, BLK), e_dst.reshape(-1, BLK)


def kernel(x_user, x_item, u2i_src, u2i_dst, i2u_src, i2u_dst,
           n_user, n_item, W_nbr_u2i, W_self_u2i, W_nbr_i2u, W_self_i2u):
    n_item_s = x_item.shape[0]
    n_user_s = x_user.shape[0]
    esa, eda = _pad_edges(u2i_src, u2i_dst, n_item_s)
    esb, edb = _pad_edges(i2u_src, i2u_dst, n_user_s)
    agg0a, agg1a, agg0b, agg1b = _sc_gather_scatter(
        x_user[:, :HALF], x_user[:, HALF:], esa, eda,
        x_item[:, :HALF], x_item[:, HALF:], esb, edb, n_item_s)
    degaa, degba, degab, degbb = _sc_degree(eda, edb, n_item_s)
    out_item = _tc_mean_matmul(agg0a, agg1a, degaa, degba,
                               x_item, W_nbr_u2i, W_self_u2i)
    out_user = _tc_mean_matmul(agg0b, agg1b, degab, degbb,
                               x_user, W_nbr_i2u, W_self_i2u)
    return (out_user, out_item)

# --- scband reference (transcript-rebuilt; emitter-appended) ---
"""Pipeline reference for scband-hetero-gnnlayer-1099511628153 (READ-ONLY COPY).

The authoritative reference and input builder live on the scoring server;
editing this copy changes nothing except your own understanding.
"""

import jax, jax.numpy as jnp
import numpy as np

N_USER = 10000
N_ITEM = 10000
E = 160000
D = 256

def setup_inputs(seed: int = 0) -> dict:
    key = jax.random.key(seed)
    ks = jax.random.split(key, 10)
    x_user = jax.random.normal(ks[0], (N_USER, D), dtype=jnp.float32)
    x_item = jax.random.normal(ks[1], (N_ITEM, D), dtype=jnp.float32)
    u2i_src = jax.random.randint(ks[2], (E,), 0, N_USER, dtype=jnp.int64 if jax.config.jax_enable_x64 else jnp.int32)
    u2i_dst = jax.random.randint(ks[3], (E,), 0, N_ITEM, dtype=jnp.int64 if jax.config.jax_enable_x64 else jnp.int32)
    i2u_src = jax.random.randint(ks[4], (E,), 0, N_ITEM, dtype=jnp.int64 if jax.config.jax_enable_x64 else jnp.int32)
    i2u_dst = jax.random.randint(ks[5], (E,), 0, N_USER, dtype=jnp.int64 if jax.config.jax_enable_x64 else jnp.int32)
    scale = 1.0 / np.sqrt(D)
    W_nbr_u2i = jax.random.normal(ks[6], (D, D), dtype=jnp.float32) * scale
    W_self_u2i = jax.random.normal(ks[7], (D, D), dtype=jnp.float32) * scale
    W_nbr_i2u = jax.random.normal(ks[8], (D, D), dtype=jnp.float32) * scale
    W_self_i2u = jax.random.normal(ks[9], (D, D), dtype=jnp.float32) * scale
    return {"x_user": x_user, "x_item": x_item,
            "u2i_src": u2i_src, "u2i_dst": u2i_dst,
            "i2u_src": i2u_src, "i2u_dst": i2u_dst,
            "n_user": N_USER, "n_item": N_ITEM,
            "W_nbr_u2i": W_nbr_u2i, "W_self_u2i": W_self_u2i,
            "W_nbr_i2u": W_nbr_i2u, "W_self_i2u": W_self_i2u}

def _bipartite_sage_mean(x_src, x_dst, e_src, e_dst, n_dst, W_nbr, W_self):
    n_dst_static = x_dst.shape[0]
    # gather source features along edges (SparseCore gather)
    msgs = jnp.take(x_src, e_src, axis=0)
    in_range = (e_dst < n_dst).astype(x_src.dtype)
    msgs = msgs * in_range[:, None]
    # scatter-add into destination nodes (SparseCore scatter-add)
    agg = jax.ops.segment_sum(msgs, e_dst, num_segments=n_dst_static)
    deg = jax.ops.segment_sum(in_range, e_dst, num_segments=n_dst_static)
    agg = agg / jnp.clip(deg, 1.0, None)[:, None]
    return agg @ W_nbr + x_dst @ W_self

def reference(x_user, x_item, u2i_src, u2i_dst, i2u_src, i2u_dst, n_user, n_item,
              W_nbr_u2i, W_self_u2i, W_nbr_i2u, W_self_i2u):
    # HeteroGNNLayer.forward: iterate over edge types, accumulate per dst node type.
    # edge_types = [("u2i","user","item",...), ("i2u","item","user",...)]
    out_dict = {}
    # edge type u2i: src=user, dst=item
    res_u2i = _bipartite_sage_mean(x_user, x_item, u2i_src, u2i_dst, n_item, W_nbr_u2i, W_self_u2i)
    out_dict["item"] = res_u2i
    # edge type i2u: src=item, dst=user
    res_i2u = _bipartite_sage_mean(x_item, x_user, i2u_src, i2u_dst, n_user, W_nbr_i2u, W_self_i2u)
    out_dict["user"] = res_i2u
    return (out_dict["user"], out_dict["item"])

if __name__ == "__main__":
    import jax
    _d = setup_inputs()
    print(jax.jit(kernel)(*tuple(_d.values())))

</pallas_src>

<mosaic_0001>
#map = affine_map<(d0, d1) -> (0, 0)>
module attributes {stable_mosaic.version = 14 : i64} {
  func.func @k(%arg0: i32, %arg1: i32, %arg2: memref<10000x128xf32, #tpu.memory_space<hbm>>, %arg3: memref<10000x128xf32, #tpu.memory_space<hbm>>, %arg4: memref<1280x128xi32, #tpu.memory_space<hbm>>, %arg5: memref<1280x128xi32, #tpu.memory_space<hbm>>, %arg6: memref<10000x128xf32, #tpu.memory_space<hbm>>, %arg7: memref<10000x128xf32, #tpu.memory_space<hbm>>, %arg8: memref<1280x128xi32, #tpu.memory_space<hbm>>, %arg9: memref<1280x128xi32, #tpu.memory_space<hbm>>, %arg10: memref<10000x128xf32, #tpu.memory_space<hbm>>, %arg11: memref<10000x128xf32, #tpu.memory_space<hbm>>, %arg12: memref<10000x128xf32, #tpu.memory_space<hbm>>, %arg13: memref<10000x128xf32, #tpu.memory_space<hbm>>, %arg14: memref<10000x128xf32, #tpu.memory_space<hbm>>, %arg15: memref<2x8x128xi32, #tpu.memory_space<vmem>>, %arg16: memref<2x8x128xi32, #tpu.memory_space<vmem>>, %arg17: memref<128x128xf32, #tpu.memory_space<vmem>>, %arg18: memref<128x128xf32, #tpu.memory_space<vmem>>, %arg19: memref<10008x128xf32, #tpu.memory_space<vmem_shared>>, %arg20: memref<!tpu.dma_semaphore, #tpu.memory_space<semaphore_mem>>, %arg21: memref<!tpu.dma_semaphore, #tpu.memory_space<semaphore_mem>>, %arg22: memref<!tpu.dma_semaphore, #tpu.memory_space<semaphore_mem>>, %arg23: memref<!tpu.dma_semaphore, #tpu.memory_space<semaphore_mem>>, %arg24: memref<!tpu.dma_semaphore, #tpu.memory_space<semaphore_mem>>) attributes {dimension_semantics = [#tpu.dimension_semantics<core_parallel>, #tpu.dimension_semantics<subcore_parallel>], iteration_bounds = array<i64: 2, 16>, scalar_prefetch = 0 : i64, scratch_operands = 10 : i64, tpu.core_type = #tpu.core_type<sc_vector_subcore>, window_params = [{transform_indices = #map}, {transform_indices = #map}, {transform_indices = #map}, {transform_indices = #map}, {transform_indices = #map}, {transform_indices = #map}, {transform_indices = #map}, {transform_indices = #map}, {transform_indices = #map}, {transform_indices = #map}, {transform_indices = #map}, {transform_indices = #map}, {transform_indices = #map}]} {
    %mul3A = arith.constant 80 : i32
    %mul3A_0 = arith.muli %arg1, %mul3A : i32
    %lt3A = arith.constant 15 : i32
    %lt3A_1 = arith.cmpi slt, %arg1, %lt3A : i32
    %convert_element_type3A = arith.extui %lt3A_1 : i1 to i32
    %cond3A = arith.constant 0 : i32
    %cond3A_2 = arith.cmpi ne, %convert_element_type3A, %cond3A : i32
    scf.if %cond3A_2 {
      %mul3A_60 = arith.constant 632 : i32
      %mul3A_61 = arith.muli %arg1, %mul3A_60 : i32
      "tpu.region"() ({
        %run_scoped3A = tpu.sem_alloc : memref<!tpu.dma_semaphore, #tpu.memory_space<semaphore_mem>>
        %dma_start3A = arith.constant 0 : i32
        %dma_start3A_62 = tpu.memref_slice %arg19[%mul3A_61, %dma_start3A] : memref<10008x128xf32, #tpu.memory_space<vmem_shared>> -> memref<632x128xf32, #tpu.memory_space<vmem_shared>>
        %dma_start3A_63 = arith.constant 0 : i32
        %dma_start3A_64 = tpu.memref_slice %arg10[%mul3A_61, %dma_start3A_63] : memref<10000x128xf32, #tpu.memory_space<hbm>> -> memref<632x128xf32, #tpu.memory_space<hbm>>
        tpu.enqueue_dma source(%dma_start3A_64 : memref<632x128xf32, #tpu.memory_space<hbm>>) target(%dma_start3A_62 : memref<632x128xf32, #tpu.memory_space<vmem_shared>>) target_semaphore(%run_scoped3A : memref<!tpu.dma_semaphore, #tpu.memory_space<semaphore_mem>>)
        %dma_wait3A = arith.constant 0 : i32
        %dma_wait3A_65 = tpu.memref_slice %arg19[%mul3A_61, %dma_wait3A] : memref<10008x128xf32, #tpu.memory_space<vmem_shared>> -> memref<632x128xf32, #tpu.memory_space<vmem_shared>>
        %dma_wait3A_66 = arith.constant 0 : i32
        %dma_wait3A_67 = tpu.memref_slice %arg10[%mul3A_61, %dma_wait3A_66] : memref<10000x128xf32, #tpu.memory_space<hbm>> -> memref<632x128xf32, #tpu.memory_space<hbm>>
        tpu.wait_dma2 semaphore(%run_scoped3A : memref<!tpu.dma_semaphore, #tpu.memory_space<semaphore_mem>>) src(%dma_wait3A_67 : memref<632x128xf32, #tpu.memory_space<hbm>>) dst(%dma_wait3A_65 : memref<632x128xf32, #tpu.memory_space<vmem_shared>>)
        tpu.yield
      }) : () -> ()
    } else {
    }
    %eq3A = arith.constant 15 : i32
    %eq3A_3 = arith.cmpi eq, %arg1, %eq3A : i32
    %convert_element_type3A_4 = arith.extui %eq3A_3 : i1 to i32
    %cond3A_5 = arith.constant 0 : i32
    %cond3A_6 = arith.cmpi ne, %convert_element_type3A_4, %cond3A_5 : i32
    scf.if %cond3A_6 {
      "tpu.region"() ({
        %run_scoped3A = tpu.sem_alloc : memref<!tpu.dma_semaphore, #tpu.memory_space<semaphore_mem>>
        %dma_start3A = arith.constant 9480 : i32
        %dma_start3A_60 = arith.constant 0 : i32
        %dma_start3A_61 = tpu.memref_slice %arg19[%dma_start3A, %dma_start3A_60] : memref<10008x128xf32, #tpu.memory_space<vmem_shared>> -> memref<520x128xf32, #tpu.memory_space<vmem_shared>>
        %dma_start3A_62 = arith.constant 9480 : i32
        %dma_start3A_63 = arith.constant 0 : i32
        %dma_start3A_64 = tpu.memref_slice %arg10[%dma_start3A_62, %dma_start3A_63] : memref<10000x128xf32, #tpu.memory_space<hbm>> -> memref<520x128xf32, #tpu.memory_space<hbm>>
        tpu.enqueue_dma source(%dma_start3A_64 : memref<520x128xf32, #tpu.memory_space<hbm>>) target(%dma_start3A_61 : memref<520x128xf32, #tpu.memory_space<vmem_shared>>) target_semaphore(%run_scoped3A : memref<!tpu.dma_semaphore, #tpu.memory_space<semaphore_mem>>)
        %dma_wait3A = arith.constant 9480 : i32
        %dma_wait3A_65 = arith.constant 0 : i32
        %dma_wait3A_66 = tpu.memref_slice %arg19[%dma_wait3A, %dma_wait3A_65] : memref<10008x128xf32, #tpu.memory_space<vmem_shared>> -> memref<520x128xf32, #tpu.memory_space<vmem_shared>>
        %dma_wait3A_67 = arith.constant 9480 : i32
        %dma_wait3A_68 = arith.constant 0 : i32
        %dma_wait3A_69 = tpu.memref_slice %arg10[%dma_wait3A_67, %dma_wait3A_68] : memref<10000x128xf32, #tpu.memory_space<hbm>> -> memref<520x128xf32, #tpu.memory_space<hbm>>
        tpu.wait_dma2 semaphore(%run_scoped3A : memref<!tpu.dma_semaphore, #tpu.memory_space<semaphore_mem>>) src(%dma_wait3A_69 : memref<520x128xf32, #tpu.memory_space<hbm>>) dst(%dma_wait3A_66 : memref<520x128xf32, #tpu.memory_space<vmem_shared>>)
        tpu.yield
      }) : () -> ()
    } else {
    }
    %barrier3A = arith.constant 0 : index
    tpu.barrier barrier_id(%barrier3A)
    %eq3A_7 = arith.constant 0 : i32
    %eq3A_8 = arith.cmpi eq, %arg0, %eq3A_7 : i32
    %convert_element_type3A_9 = arith.extui %eq3A_8 : i1 to i32
    %cond3A_10 = arith.constant 0 : i32
    %cond3A_11 = arith.cmpi ne, %convert_element_type3A_9, %cond3A_10 : i32
    scf.if %cond3A_11 {
      %add3A = arith.constant 0 : i32
      %add3A_60 = arith.addi %mul3A_0, %add3A : i32
      %add3A_61 = arith.constant 0 : i32
      %add3A_62 = arith.addi %mul3A_0, %add3A_61 : i32
      %dma_start3A = arith.constant 0 : i32
      %dma_start3A_63 = arith.constant 0 : i32
      %dma_start3A_64 = arith.constant 0 : i32
      %dma_start3A_65 = tpu.memref_slice %arg15[%dma_start3A, %dma_start3A_63, %dma_start3A_64] : memref<2x8x128xi32, #tpu.memory_space<vmem>> -> memref<1x8x128xi32, #tpu.memory_space<vmem>>
      %dma_start3A_66 = tpu.memref_squeeze %dma_start3A_65 : memref<1x8x128xi32, #tpu.memory_space<vmem>> -> memref<8x128xi32, #tpu.memory_space<vmem>>
      %dma_start3A_67 = arith.constant 0 : i32
      %dma_start3A_68 = tpu.memref_slice %arg4[%add3A_60, %dma_start3A_67] : memref<1280x128xi32, #tpu.memory_space<hbm>> -> memref<8x128xi32, #tpu.memory_space<hbm>>
      %dma_start3A_69 = arith.constant 0 : i32
      %dma_start3A_70 = arith.constant 0 : i32
      %dma_start3A_71 = tpu.memref_slice %arg15[%dma_start3A, %dma_start3A_69, %dma_start3A_70] : memref<2x8x128xi32, #tpu.memory_space<vmem>> -> memref<1x8x128xi32, #tpu.memory_space<vmem>>
      %dma_start3A_72 = tpu.memref_squeeze %dma_start3A_71 : memref<1x8x128xi32, #tpu.memory_space<vmem>> -> memref<8x128xi32, #tpu.memory_space<vmem>>
      %dma_start3A_73 = arith.constant 0 : i32
      %dma_start3A_74 = tpu.memref_slice %arg4[%add3A_60, %dma_start3A_73] : memref<1280x128xi32, #tpu.memory_space<hbm>> -> memref<8x128xi32, #tpu.memory_space<hbm>>
      tpu.enqueue_dma source(%dma_start3A_74 : memref<8x128xi32, #tpu.memory_space<hbm>>) target(%dma_start3A_72 : memref<8x128xi32, #tpu.memory_space<vmem>>) target_semaphore(%arg24 : memref<!tpu.dma_semaphore, #tpu.memory_space<semaphore_mem>>)
      %dma_start3A_75 = arith.constant 0 : i32
      %dma_start3A_76 = arith.constant 0 : i32
      %dma_start3A_77 = arith.constant 0 : i32
      %dma_start3A_78 = tpu.memref_slice %arg16[%dma_start3A_75, %dma_start3A_76, %dma_start3A_77] : memref<2x8x128xi32, #tpu.memory_space<vmem>> -> memref<1x8x128xi32, #tpu.memory_space<vmem>>
      %dma_start3A_79 = tpu.memref_squeeze %dma_start3A_78 : memref<1x8x128xi32, #tpu.memory_space<vmem>> -> memref<8x128xi32, #tpu.memory_space<vmem>>
      %dma_start3A_80 = arith.constant 0 : i32
      %dma_start3A_81 = tpu.memref_slice %arg5[%add3A_62, %dma_start3A_80] : memref<1280x128xi32, #tpu.memory_space<hbm>> -> memref<8x128xi32, #tpu.memory_space<hbm>>
      %dma_start3A_82 = arith.constant 0 : i32
      %dma_start3A_83 = arith.constant 0 : i32
      %dma_start3A_84 = tpu.memref_slice %arg16[%dma_start3A_75, %dma_start3A_82, %dma_start3A_83] : memref<2x8x128xi32, #tpu.memory_space<vmem>> -> memref<1x8x128xi32, #tpu.memory_space<vmem>>
      %dma_start3A_85 = tpu.memref_squeeze %dma_start3A_84 : memref<1x8x128xi32, #tpu.memory_space<vmem>> -> memref<8x128xi32, #tpu.memory_space<vmem>>
      %dma_start3A_86 = arith.constant 0 : i32
      %dma_start3A_87 = tpu.memref_slice %arg5[%add3A_62, %dma_start3A_86] : memref<1280x128xi32, #tpu.memory_space<hbm>> -> memref<8x128xi32, #tpu.memory_space<hbm>>
      tpu.enqueue_dma source(%dma_start3A_87 : memref<8x128xi32, #tpu.memory_space<hbm>>) target(%dma_start3A_85 : memref<8x128xi32, #tpu.memory_space<vmem>>) target_semaphore(%arg24 : memref<!tpu.dma_semaphore, #tpu.memory_space<semaphore_mem>>)
      %scan3A = arith.constant 0 : i32
      %scan3A_88 = arith.constant 10 : i32
      %scan3A_89 = arith.addi %scan3A, %scan3A_88 : i32
      %scan3A_90 = arith.constant 1 : i32
      scf.for %scan3A_115 = %scan3A to %scan3A_89 step %scan3A_90  : i32 {
        %mul3A_116 = arith.constant 1 : i32
        %mul3A_117 = arith.muli %scan3A_115, %mul3A_116 : i32
        %add3A_118 = arith.constant 0 : i32
        %add3A_119 = arith.addi %add3A_118, %mul3A_117 : i32
        %rem3A = arith.constant 2 : i32
        %rem3A_120 = arith.remsi %add3A_119, %rem3A : i32
        %sub3A = arith.constant 1 : i32
        %sub3A_121 = arith.subi %sub3A, %rem3A_120 : i32
        %mul3A_122 = arith.constant 8 : i32
        %mul3A_123 = arith.muli %add3A_119, %mul3A_122 : i32
        %add3A_124 = arith.addi %mul3A_0, %mul3A_123 : i32
        %mul3A_125 = arith.constant 8 : i32
        %mul3A_126 = arith.muli %add3A_119, %mul3A_125 : i32
        %add3A_127 = arith.addi %mul3A_0, %mul3A_126 : i32
        %dma_wait3A_128 = arith.constant 0 : i32
        %dma_wait3A_129 = arith.constant 0 : i32
        %dma_wait3A_130 = tpu.memref_slice %arg15[%rem3A_120, %dma_wait3A_128, %dma_wait3A_129] : memref<2x8x128xi32, #tpu.memory_space<vmem>> -> memref<1x8x128xi32, #tpu.memory_space<vmem>>
        %dma_wait3A_131 = tpu.memref_squeeze %dma_wait3A_130 : memref<1x8x128xi32, #tpu.memory_space<vmem>> -> memref<8x128xi32, #tpu.memory_space<vmem>>
        %dma_wait3A_132 = arith.constant 0 : i32
        %dma_wait3A_133 = tpu.memref_slice %arg4[%add3A_124, %dma_wait3A_132] : memref<1280x128xi32, #tpu.memory_space<hbm>> -> memref<8x128xi32, #tpu.memory_space<hbm>>
        %dma_wait3A_134 = arith.constant 0 : i32
        %dma_wait3A_135 = arith.constant 0 : i32
        %dma_wait3A_136 = tpu.memref_slice %arg15[%rem3A_120, %dma_wait3A_134, %dma_wait3A_135] : memref<2x8x128xi32, #tpu.memory_space<vmem>> -> memref<1x8x128xi32, #tpu.memory_space<vmem>>
        %dma_wait3A_137 = tpu.memref_squeeze %dma_wait3A_136 : memref<1x8x128xi32, #tpu.memory_space<vmem>> -> memref<8x128xi32, #tpu.memory_space<vmem>>
        %dma_wait3A_138 = arith.constant 0 : i32
        %dma_wait3A_139 = tpu.memref_slice %arg4[%add3A_124, %dma_wait3A_138] : memref<1280x128xi32, #tpu.memory_space<hbm>> -> memref<8x128xi32, #tpu.memory_space<hbm>>
        tpu.wait_dma2 semaphore(%arg24 : memref<!tpu.dma_semaphore, #tpu.memory_space<semaphore_mem>>) src(%dma_wait3A_139 : memref<8x128xi32, #tpu.memory_space<hbm>>) dst(%dma_wait3A_137 : memref<8x128xi32, #tpu.memory_space<vmem>>)
        %dma_wait3A_140 = arith.constant 0 : i32
        %dma_wait3A_141 = arith.constant 0 : i32
        %dma_wait3A_142 = tpu.memref_slice %arg16[%rem3A_120, %dma_wait3A_140, %dma_wait3A_141] : memref<2x8x128xi32, #tpu.memory_space<vmem>> -> memref<1x8x128xi32, #tpu.memory_space<vmem>>
        %dma_wait3A_143 = tpu.memref_squeeze %dma_wait3A_142 : memref<1x8x128xi32, #tpu.memory_space<vmem>> -> memref<8x128xi32, #tpu.memory_space<vmem>>
        %dma_wait3A_144 = arith.constant 0 : i32
        %dma_wait3A_145 = tpu.memref_slice %arg5[%add3A_127, %dma_wait3A_144] : memref<1280x128xi32, #tpu.memory_space<hbm>> -> memref<8x128xi32, #tpu.memory_space<hbm>>
        %dma_wait3A_146 = arith.constant 0 : i32
        %dma_wait3A_147 = arith.constant 0 : i32
        %dma_wait3A_148 = tpu.memref_slice %arg16[%rem3A_120, %dma_wait3A_146, %dma_wait3A_147] : memref<2x8x128xi32, #tpu.memory_space<vmem>> -> memref<1x8x128xi32, #tpu.memory_space<vmem>>
        %dma_wait3A_149 = tpu.memref_squeeze %dma_wait3A_148 : memref<1x8x128xi32, #tpu.memory_space<vmem>> -> memref<8x128xi32, #tpu.memory_space<vmem>>
        %dma_wait3A_150 = arith.constant 0 : i32
        %dma_wait3A_151 = tpu.memref_slice %arg5[%add3A_127, %dma_wait3A_150] : memref<1280x128xi32, #tpu.memory_space<hbm>> -> memref<8x128xi32, #tpu.memory_space<hbm>>
        tpu.wait_dma2 semaphore(%arg24 : memref<!tpu.dma_semaphore, #tpu.memory_space<semaphore_mem>>) src(%dma_wait3A_151 : memref<8x128xi32, #tpu.memory_space<hbm>>) dst(%dma_wait3A_149 : memref<8x128xi32, #tpu.memory_space<vmem>>)
        %gt3A = arith.constant 0 : i32
        %gt3A_152 = arith.cmpi sgt, %add3A_119, %gt3A : i32
        %convert_element_type3A_153 = arith.extui %gt3A_152 : i1 to i32
        %cond3A_154 = arith.constant 0 : i32
        %cond3A_155 = arith.cmpi ne, %convert_element_type3A_153, %cond3A_154 : i32
        scf.if %cond3A_155 {
          %dma_wait3A_493 = arith.constant 6 : i32
          %dma_wait3A_494 = arith.constant 0 : i32
          %dma_wait3A_495 = arith.constant 0 : i32
          %dma_wait3A_496 = tpu.memref_slice %arg16[%sub3A_121, %dma_wait3A_494, %dma_wait3A_495] : memref<2x8x128xi32, #tpu.memory_space<vmem>> -> memref<1x8x128xi32, #tpu.memory_space<vmem>>
          %dma_wait3A_497 = tpu.memref_squeeze %dma_wait3A_496 : memref<1x8x128xi32, #tpu.memory_space<vmem>> -> memref<8x128xi32, #tpu.memory_space<vmem>>
          %dma_wait3A_498 = arith.constant 0 : i32
          %dma_wait3A_499 = tpu.memref_slice %dma_wait3A_497[%dma_wait3A_493, %dma_wait3A_498] : memref<8x128xi32, #tpu.memory_space<vmem>> -> memref<1x128xi32, #tpu.memory_space<vmem>>
          %dma_wait3A_500 = tpu.memref_squeeze %dma_wait3A_499 : memref<1x128xi32, #tpu.memory_space<vmem>> -> memref<128xi32, #tpu.memory_space<vmem>>
          %dma_wait3A_501 = arith.constant 0 : i32
          %dma_wait3A_502 = arith.constant 0 : i32
          %dma_wait3A_503 = tpu.memref_slice %arg19[%dma_wait3A_501, %dma_wait3A_502] : memref<10008x128xf32, #tpu.memory_space<vmem_shared>> -> memref<10008x128xf32, #tpu.memory_space<vmem_shared>>
          tpu.wait_indirect_dma semaphore(%arg22 : memref<!tpu.dma_semaphore, #tpu.memory_space<semaphore_mem>>) src(%arg17 : memref<128x128xf32, #tpu.memory_space<vmem>>) dst(%dma_wait3A_503 : memref<10008x128xf32, #tpu.memory_space<vmem_shared>>)
          %dma_wait3A_504 = arith.constant 7 : i32
          %dma_wait3A_505 = arith.constant 0 : i32
          %dma_wait3A_506 = arith.constant 0 : i32
          %dma_wait3A_507 = tpu.memref_slice %arg16[%sub3A_121, %dma_wait3A_505, %dma_wait3A_506] : memref<2x8x128xi32, #tpu.memory_space<vmem>> -> memref<1x8x128xi32, #tpu.memory_space<vmem>>
          %dma_wait3A_508 = tpu.memref_squeeze %dma_wait3A_507 : memref<1x8x128xi32, #tpu.memory_space<vmem>> -> memref<8x128xi32, #tpu.memory_space<vmem>>
          %dma_wait3A_509 = arith.constant 0 : i32
          %dma_wait3A_510 = tpu.memref_slice %dma_wait3A_508[%dma_wait3A_504, %dma_wait3A_509] : memref<8x128xi32, #tpu.memory_space<vmem>> -> memref<1x128xi32, #tpu.memory_space<vmem>>
          %dma_wait3A_511 = tpu.memref_squeeze %dma_wait3A_510 : memref<1x128xi32, #tpu.memory_space<vmem>> -> memref<128xi32, #tpu.memory_space<vmem>>
          %dma_wait3A_512 = arith.constant 0 : i32
          %dma_wait3A_513 = arith.constant 0 : i32
          %dma_wait3A_514 = tpu.memref_slice %arg19[%dma_wait3A_512, %dma_wait3A_513] : memref<10008x128xf32, #tpu.memory_space<vmem_shared>> -> memref<10008x128xf32, #tpu.memory_space<vmem_shared>>
          tpu.wait_indirect_dma semaphore(%arg23 : memref<!tpu.dma_semaphore, #tpu.memory_space<semaphore_mem>>) src(%arg18 : memref<128x128xf32, #tpu.memory_space<vmem>>) dst(%dma_wait3A_514 : memref<10008x128xf32, #tpu.memory_space<vmem_shared>>)
        } else {
        }
        %add3A_156 = arith.constant 1 : i32
        %add3A_157 = arith.addi %add3A_119, %add3A_156 : i32
        %lt3A_158 = arith.constant 10 : i32
        %lt3A_159 = arith.cmpi slt, %add3A_157, %lt3A_158 : i32
        %convert_element_type3A_160 = arith.extui %lt3A_159 : i1 to i32
        %cond3A_161 = arith.constant 0 : i32
        %cond3A_162 = arith.cmpi ne, %convert_element_type3A_160, %cond3A_161 : i32
        scf.if %cond3A_162 {
          %add3A_493 = arith.constant 1 : i32
          %add3A_494 = arith.addi %add3A_119, %add3A_493 : i32
          %mul3A_495 = arith.constant 8 : i32
          %mul3A_496 = arith.muli %add3A_494, %mul3A_495 : i32
          %add3A_497 = arith.addi %mul3A_0, %mul3A_496 : i32
          %mul3A_498 = arith.constant 8 : i32
          %mul3A_499 = arith.muli %add3A_494, %mul3A_498 : i32
          %add3A_500 = arith.addi %mul3A_0, %mul3A_499 : i32
          %dma_start3A_501 = arith.constant 0 : i32
          %dma_start3A_502 = arith.constant 0 : i32
          %dma_start3A_503 = tpu.memref_slice %arg15[%sub3A_121, %dma_start3A_501, %dma_start3A_502] : memref<2x8x128xi32, #tpu.memory_space<vmem>> -> memref<1x8x128xi32, #tpu.memory_space<vmem>>
          %dma_start3A_504 = tpu.memref_squeeze %dma_start3A_503 : memref<1x8x128xi32, #tpu.memory_space<vmem>> -> memref<8x128xi32, #tpu.memory_space<vmem>>
          %dma_start3A_505 = arith.constant 0 : i32
          %dma_start3A_506 = tpu.memref_slice %arg4[%add3A_497, %dma_start3A_505] : memref<1280x128xi32, #tpu.memory_space<hbm>> -> memref<8x128xi32, #tpu.memory_space<hbm>>
          %dma_start3A_507 = arith.constant 0 : i32
          %dma_start3A_508 = arith.constant 0 : i32
          %dma_start3A_509 = tpu.memref_slice %arg15[%sub3A_121, %dma_start3A_507, %dma_start3A_508] : memref<2x8x128xi32, #tpu.memory_space<vmem>> -> memref<1x8x128xi32, #tpu.memory_space<vmem>>
          %dma_start3A_510 = tpu.memref_squeeze %dma_start3A_509 : memref<1x8x128xi32, #tpu.memory_space<vmem>> -> memref<8x128xi32, #tpu.memory_space<vmem>>
          %dma_start3A_511 = arith.constant 0 : i32
          %dma_start3A_512 = tpu.memref_slice %arg4[%add3A_497, %dma_start3A_511] : memref<1280x128xi32, #tpu.memory_space<hbm>> -> memref<8x128xi32, #tpu.memory_space<hbm>>
          tpu.enqueue_dma source(%dma_start3A_512 : memref<8x128xi32, #tpu.memory_space<hbm>>) target(%dma_start3A_510 : memref<8x128xi32, #tpu.memory_space<vmem>>) target_semaphore(%arg24 : memref<!tpu.dma_semaphore, #tpu.memory_space<semaphore_mem>>)
          %dma_start3A_513 = arith.constant 0 : i32
          %dma_start3A_514 = arith.constant 0 : i32
          %dma_start3A_515 = tpu.memref_slice %arg16[%sub3A_121, %dma_start3A_513, %dma_start3A_514] : memref<2x8x128xi32, #tpu.memory_space<vmem>> -> memref<1x8x128xi32, #tpu.memory_space<vmem>>
          %dma_start3A_516 = tpu.memref_squeeze %dma_start3A_515 : memref<1x8x128xi32, #tpu.memory_space<vmem>> -> memref<8x128xi32, #tpu.memory_space<vmem>>
          %dma_start3A_517 = arith.constant 0 : i32
          %dma_start3A_518 = tpu.memref_slice %arg5[%add3A_500, %dma_start3A_517] : memref<1280x128xi32, #tpu.memory_space<hbm>> -> memref<8x128xi32, #tpu.memory_space<hbm>>
          %dma_start3A_519 = arith.constant 0 : i32
          %dma_start3A_520 = arith.constant 0 : i32
          %dma_start3A_521 = tpu.memref_slice %arg16[%sub3A_121, %dma_start3A_519, %dma_start3A_520] : memref<2x8x128xi32, #tpu.memory_space<vmem>> -> memref<1x8x128xi32, #tpu.memory_space<vmem>>
          %dma_start3A_522 = tpu.memref_squeeze %dma_start3A_521 : memref<1x8x128xi32, #tpu.memory_space<vmem>> -> memref<8x128xi32, #tpu.memory_space<vmem>>
          %dma_start3A_523 = arith.constant 0 : i32
          %dma_start3A_524 = tpu.memref_slice %arg5[%add3A_500, %dma_start3A_523] : memref<1280x128xi32, #tpu.memory_space<hbm>> -> memref<8x128xi32, #tpu.memory_space<hbm>>
          tpu.enqueue_dma source(%dma_start3A_524 : memref<8x128xi32, #tpu.memory_space<hbm>>) target(%dma_start3A_522 : memref<8x128xi32, #tpu.memory_space<vmem>>) target_semaphore(%arg24 : memref<!tpu.dma_semaphore, #tpu.memory_space<semaphore_mem>>)
        } else {
        }
        %dma_start3A_163 = arith.constant 0 : i32
        %dma_start3A_164 = arith.constant 0 : i32
        %dma_start3A_165 = arith.constant 0 : i32
        %dma_start3A_166 = tpu.memref_slice %arg15[%rem3A_120, %dma_start3A_164, %dma_start3A_165] : memref<2x8x128xi32, #tpu.memory_space<vmem>> -> memref<1x8x128xi32, #tpu.memory_space<vmem>>
        %dma_start3A_167 = tpu.memref_squeeze %dma_start3A_166 : memref<1x8x128xi32, #tpu.memory_space<vmem>> -> memref<8x128xi32, #tpu.memory_space<vmem>>
        %dma_start3A_168 = arith.constant 0 : i32
        %dma_start3A_169 = tpu.memref_slice %dma_start3A_167[%dma_start3A_163, %dma_start3A_168] : memref<8x128xi32, #tpu.memory_space<vmem>> -> memref<1x128xi32, #tpu.memory_space<vmem>>
        %dma_start3A_170 = tpu.memref_squeeze %dma_start3A_169 : memref<1x128xi32, #tpu.memory_space<vmem>> -> memref<128xi32, #tpu.memory_space<vmem>>
        %dma_start3A_171 = arith.constant 0 : i32
        %dma_start3A_172 = arith.constant 0 : i32
        %dma_start3A_173 = tpu.memref_slice %arg2[%dma_start3A_171, %dma_start3A_172] : memref<10000x128xf32, #tpu.memory_space<hbm>> -> memref<10000x128xf32, #tpu.memory_space<hbm>>
        tpu.enqueue_indirect_dma source(%dma_start3A_173 : memref<10000x128xf32, #tpu.memory_space<hbm>>) target(%arg17 : memref<128x128xf32, #tpu.memory_space<vmem>>) offsets(%dma_start3A_170 : memref<128xi32, #tpu.memory_space<vmem>>) semaphore(%arg20 : memref<!tpu.dma_semaphore, #tpu.memory_space<semaphore_mem>>)
        %dma_start3A_174 = arith.constant 1 : i32
        %dma_start3A_175 = arith.constant 0 : i32
        %dma_start3A_176 = arith.constant 0 : i32
        %dma_start3A_177 = tpu.memref_slice %arg15[%rem3A_120, %dma_start3A_175, %dma_start3A_176] : memref<2x8x128xi32, #tpu.memory_space<vmem>> -> memref<1x8x128xi32, #tpu.memory_space<vmem>>
        %dma_start3A_178 = tpu.memref_squeeze %dma_start3A_177 : memref<1x8x128xi32, #tpu.memory_space<vmem>> -> memref<8x128xi32, #tpu.memory_space<vmem>>
        %dma_start3A_179 = arith.constant 0 : i32
        %dma_start3A_180 = tpu.memref_slice %dma_start3A_178[%dma_start3A_174, %dma_start3A_179] : memref<8x128xi32, #tpu.memory_space<vmem>> -> memref<1x128xi32, #tpu.memory_space<vmem>>
        %dma_start3A_181 = tpu.memref_squeeze %dma_start3A_180 : memref<1x128xi32, #tpu.memory_space<vmem>> -> memref<128xi32, #tpu.memory_space<vmem>>
        %dma_start3A_182 = arith.constant 0 : i32
        %dma_start3A_183 = arith.constant 0 : i32
        %dma_start3A_184 = tpu.memref_slice %arg2[%dma_start3A_182, %dma_start3A_183] : memref<10000x128xf32, #tpu.memory_space<hbm>> -> memref<10000x128xf32, #tpu.memory_space<hbm>>
        tpu.enqueue_indirect_dma source(%dma_start3A_184 : memref<10000x128xf32, #tpu.memory_space<hbm>>) target(%arg18 : memref<128x128xf32, #tpu.memory_space<vmem>>) offsets(%dma_start3A_181 : memref<128xi32, #tpu.memory_space<vmem>>) semaphore(%arg21 : memref<!tpu.dma_semaphore, #tpu.memory_space<semaphore_mem>>)
        %dma_wait3A_185 = arith.constant 0 : i32
        %dma_wait3A_186 = arith.constant 0 : i32
        %dma_wait3A_187 = arith.constant 0 : i32
        %dma_wait3A_188 = tpu.memref_slice %arg15[%rem3A_120, %dma_wait3A_186, %dma_wait3A_187] : memref<2x8x128xi32, #tpu.memory_space<vmem>> -> memref<1x8x128xi32, #tpu.memory_space<vmem>>
        %dma_wait3A_189 = tpu.memref_squeeze %dma_wait3A_188 : memref<1x8x128xi32, #tpu.memory_space<vmem>> -> memref<8x128xi32, #tpu.memory_space<vmem>>
        %dma_wait3A_190 = arith.constant 0 : i32
        %dma_wait3A_191 = tpu.memref_slice %dma_wait3A_189[%dma_wait3A_185, %dma_wait3A_190] : memref<8x128xi32, #tpu.memory_space<vmem>> -> memref<1x128xi32, #tpu.memory_space<vmem>>
        %dma_wait3A_192 = tpu.memref_squeeze %dma_wait3A_191 : memref<1x128xi32, #tpu.memory_space<vmem>> -> memref<128xi32, #tpu.memory_space<vmem>>
        %dma_wait3A_193 = arith.constant 0 : i32
        %dma_wait3A_194 = arith.constant 0 : i32
        %dma_wait3A_195 = tpu.memref_slice %arg2[%dma_wait3A_193, %dma_wait3A_194] : memref<10000x128xf32, #tpu.memory_space<hbm>> -> memref<10000x128xf32, #tpu.memory_space<hbm>>
        tpu.wait_indirect_dma semaphore(%arg20 : memref<!tpu.dma_semaphore, #tpu.memory_space<semaphore_mem>>) src(%dma_wait3A_195 : memref<10000x128xf32, #tpu.memory_space<hbm>>) dst(%arg17 : memref<128x128xf32, #tpu.memory_space<vmem>>)
        %dma_start3A_196 = arith.constant 0 : i32
        %dma_start3A_197 = arith.constant 0 : i32
        %dma_start3A_198 = arith.constant 0 : i32
        %dma_start3A_199 = tpu.memref_slice %arg16[%rem3A_120, %dma_start3A_197, %dma_start3A_198] : memref<2x8x128xi32, #tpu.memory_space<vmem>> -> memref<1x8x128xi32, #tpu.memory_space<vmem>>
        %dma_start3A_200 = tpu.memref_squeeze %dma_start3A_199 : memref<1x8x128xi32, #tpu.memory_space<vmem>> -> memref<8x128xi32, #tpu.memory_space<vmem>>
        %dma_start3A_201 = arith.constant 0 : i32
        %dma_start3A_202 = tpu.memref_slice %dma_start3A_200[%dma_start3A_196, %dma_start3A_201] : memref<8x128xi32, #tpu.memory_space<vmem>> -> memref<1x128xi32, #tpu.memory_space<vmem>>
        %dma_start3A_203 = tpu.memref_squeeze %dma_start3A_202 : memref<1x128xi32, #tpu.memory_space<vmem>> -> memref<128xi32, #tpu.memory_space<vmem>>
        %dma_start3A_204 = arith.constant 0 : i32
        %dma_start3A_205 = arith.constant 0 : i32
        %dma_start3A_206 = tpu.memref_slice %arg19[%dma_start3A_204, %dma_start3A_205] : memref<10008x128xf32, #tpu.memory_space<vmem_shared>> -> memref<10008x128xf32, #tpu.memory_space<vmem_shared>>
        tpu.enqueue_indirect_dma source(%arg17 : memref<128x128xf32, #tpu.memory_space<vmem>>) target(%dma_start3A_206 : memref<10008x128xf32, #tpu.memory_space<vmem_shared>>) offsets(%dma_start3A_203 : memref<128xi32, #tpu.memory_space<vmem>>) semaphore(%arg22 : memref<!tpu.dma_semaphore, #tpu.memory_space<semaphore_mem>>) {add = true}
        %dma_wait3A_207 = arith.constant 0 : i32
        %dma_wait3A_208 = arith.constant 0 : i32
        %dma_wait3A_209 = arith.constant 0 : i32
        %dma_wait3A_210 = tpu.memref_slice %arg16[%rem3A_120, %dma_wait3A_208, %dma_wait3A_209] : memref<2x8x128xi32, #tpu.memory_space<vmem>> -> memref<1x8x128xi32, #tpu.memory_space<vmem>>
        %dma_wait3A_211 = tpu.memref_squeeze %dma_wait3A_210 : memref<1x8x128xi32, #tpu.memory_space<vmem>> -> memref<8x128xi32, #tpu.memory_space<vmem>>
        %dma_wait3A_212 = arith.constant 0 : i32
        %dma_wait3A_213 = tpu.memref_slice %dma_wait3A_211[%dma_wait3A_207, %dma_wait3A_212] : memref<8x128xi32, #tpu.memory_space<vmem>> -> memref<1x128xi32, #tpu.memory_space<vmem>>
        %dma_wait3A_214 = tpu.memref_squeeze %dma_wait3A_213 : memref<1x128xi32, #tpu.memory_space<vmem>> -> memref<128xi32, #tpu.memory_space<vmem>>
        %dma_wait3A_215 = arith.constant 0 : i32
        %dma_wait3A_216 = arith.constant 0 : i32
        %dma_wait3A_217 = tpu.memref_slice %arg19[%dma_wait3A_215, %dma_wait3A_216] : memref<10008x128xf32, #tpu.memory_space<vmem_shared>> -> memref<10008x128xf32, #tpu.memory_space<vmem_shared>>
        tpu.wait_indirect_dma semaphore(%arg22 : memref<!tpu.dma_semaphore, #tpu.memory_space<semaphore_mem>>) src(%arg17 : memref<128x128xf32, #tpu.memory_space<vmem>>) dst(%dma_wait3A_217 : memref<10008x128xf32, #tpu.memory_space<vmem_shared>>)
        %dma_start3A_218 = arith.constant 2 : i32
        %dma_start3A_219 = arith.constant 0 : i32
        %dma_start3A_220 = arith.constant 0 : i32
        %dma_start3A_221 = tpu.memref_slice %arg15[%rem3A_120, %dma_start3A_219, %dma_start3A_220] : memref<2x8x128xi32, #tpu.memory_space<vmem>> -> memref<1x8x128xi32, #tpu.memory_space<vmem>>
        %dma_start3A_222 = tpu.memref_squeeze %dma_start3A_221 : memref<1x8x128xi32, #tpu.memory_space<vmem>> -> memref<8x128xi32, #tpu.memory_space<vmem>>
        %dma_start3A_223 = arith.constant 0 : i32
        %dma_start3A_224 = tpu.memref_slice %dma_start3A_222[%dma_start3A_218, %dma_start3A_223] : memref<8x128xi32, #tpu.memory_space<vmem>> -> memref<1x128xi32, #tpu.memory_space<vmem>>
        %dma_start3A_225 = tpu.memref_squeeze %dma_start3A_224 : memref<1x128xi32, #tpu.memory_space<vmem>> -> memref<128xi32, #tpu.memory_space<vmem>>
        %dma_start3A_226 = arith.constant 0 : i32
        %dma_start3A_227 = arith.constant 0 : i32
        %dma_start3A_228 = tpu.memref_slice %arg2[%dma_start3A_226, %dma_start3A_227] : memref<10000x128xf32, #tpu.memory_space<hbm>> -> memref<10000x128xf32, #tpu.memory_space<hbm>>
        tpu.enqueue_indirect_dma source(%dma_start3A_228 : memref<10000x128xf32, #tpu.memory_space<hbm>>) target(%arg17 : memref<128x128xf32, #tpu.memory_space<vmem>>) offsets(%dma_start3A_225 : memref<128xi32, #tpu.memory_space<vmem>>) semaphore(%arg20 : memref<!tpu.dma_semaphore, #tpu.memory_space<semaphore_mem>>)
        %dma_wait3A_229 = arith.constant 1 : i32
        %dma_wait3A_230 = arith.constant 0 : i32
        %dma_wait3A_231 = arith.constant 0 : i32
        %dma_wait3A_232 = tpu.memref_slice %arg15[%rem3A_120, %dma_wait3A_230, %dma_wait3A_231] : memref<2x8x128xi32, #tpu.memory_space<vmem>> -> memref<1x8x128xi32, #tpu.memory_space<vmem>>
        %dma_wait3A_233 = tpu.memref_squeeze %dma_wait3A_232 : memref<1x8x128xi32, #tpu.memory_space<vmem>> -> memref<8x128xi32, #tpu.memory_space<vmem>>
        %dma_wait3A_234 = arith.constant 0 : i32
        %dma_wait3A_235 = tpu.memref_slice %dma_wait3A_233[%dma_wait3A_229, %dma_wait3A_234] : memref<8x128xi32, #tpu.memory_space<vmem>> -> memref<1x128xi32, #tpu.memory_space<vmem>>
        %dma_wait3A_236 = tpu.memref_squeeze %dma_wait3A_235 : memref<1x128xi32, #tpu.memory_space<vmem>> -> memref<128xi32, #tpu.memory_space<vmem>>
        %dma_wait3A_237 = arith.constant 0 : i32
        %dma_wait3A_238 = arith.constant 0 : i32
        %dma_wait3A_239 = tpu.memref_slice %arg2[%dma_wait3A_237, %dma_wait3A_238] : memref<10000x128xf32, #tpu.memory_space<hbm>> -> memref<10000x128xf32, #tpu.memory_space<hbm>>
        tpu.wait_indirect_dma semaphore(%arg21 : memref<!tpu.dma_semaphore, #tpu.memory_space<semaphore_mem>>) src(%dma_wait3A_239 : memref<10000x128xf32, #tpu.memory_space<hbm>>) dst(%arg18 : memref<128x128xf32, #tpu.memory_space<vmem>>)
        %dma_start3A_240 = arith.constant 1 : i32
        %dma_start3A_241 = arith.constant 0 : i32
        %dma_start3A_242 = arith.constant 0 : i32
        %dma_start3A_243 = tpu.memref_slice %arg16[%rem3A_120, %dma_start3A_241, %dma_start3A_242] : memref<2x8x128xi32, #tpu.memory_space<vmem>> -> memref<1x8x128xi32, #tpu.memory_space<vmem>>
        %dma_start3A_244 = tpu.memref_squeeze %dma_start3A_243 : memref<1x8x128xi32, #tpu.memory_space<vmem>> -> memref<8x128xi32, #tpu.memory_space<vmem>>
        %dma_start3A_245 = arith.constant 0 : i32
        %dma_start3A_246 = tpu.memref_slice %dma_start3A_244[%dma_start3A_240, %dma_start3A_245] : memref<8x128xi32, #tpu.memory_space<vmem>> -> memref<1x128xi32, #tpu.memory_space<vmem>>
        %dma_start3A_247 = tpu.memref_squeeze %dma_start3A_246 : memref<1x128xi32, #tpu.memory_space<vmem>> -> memref<128xi32, #tpu.memory_space<vmem>>
        %dma_start3A_248 = arith.constant 0 : i32
        %dma_start3A_249 = arith.constant 0 : i32
        %dma_start3A_250 = tpu.memref_slice %arg19[%dma_start3A_248, %dma_start3A_249] : memref<10008x128xf32, #tpu.memory_space<vmem_shared>> -> memref<10008x128xf32, #tpu.memory_space<vmem_shared>>
        tpu.enqueue_indirect_dma source(%arg18 : memref<128x128xf32, #tpu.memory_space<vmem>>) target(%dma_start3A_250 : memref<10008x128xf32, #tpu.memory_space<vmem_shared>>) offsets(%dma_start3A_247 : memref<128xi32, #tpu.memory_space<vmem>>) semaphore(%arg23 : memref<!tpu.dma_semaphore, #tpu.memory_space<semaphore_mem>>) {add = true}
        %dma_wait3A_251 = arith.constant 1 : i32
        %dma_wait3A_252 = arith.constant 0 : i32
        %dma_wait3A_253 = arith.constant 0 : i32
        %dma_wait3A_254 = tpu.memref_slice %arg16[%rem3A_120, %dma_wait3A_252, %dma_wait3A_253] : memref<2x8x128xi32, #tpu.memory_space<vmem>> -> memref<1x8x128xi32, #tpu.memory_space<vmem>>
        %dma_wait3A_255 = tpu.memref_squeeze %dma_wait3A_254 : memref<1x8x128xi32, #tpu.memory_space<vmem>> -> memref<8x128xi32, #tpu.memory_space<vmem>>
        %dma_wait3A_256 = arith.constant 0 : i32
        %dma_wait3A_257 = tpu.memref_slice %dma_wait3A_255[%dma_wait3A_251, %dma_wait3A_256] : memref<8x128xi32, #tpu.memory_space<vmem>> -> memref<1x128xi32, #tpu.memory_space<vmem>>
        %dma_wait3A_258 = tpu.memref_squeeze %dma_wait3A_257 : memref<1x128xi32, #tpu.memory_space<vmem>> -> memref<128xi32, #tpu.memory_space<vmem>>
        %dma_wait3A_259 = arith.constant 0 : i32
        %dma_wait3A_260 = arith.constant 0 : i32
        %dma_wait3A_261 = tpu.memref_slice %arg19[%dma_wait3A_259, %dma_wait3A_260] : memref<10008x128xf32, #tpu.memory_space<vmem_shared>> -> memref<10008x128xf32, #tpu.memory_space<vmem_shared>>
        tpu.wait_indirect_dma semaphore(%arg23 : memref<!tpu.dma_semaphore, #tpu.memory_space<semaphore_mem>>) src(%arg18 : memref<128x128xf32, #tpu.memory_space<vmem>>) dst(%dma_wait3A_261 : memref<10008x128xf32, #tpu.memory_space<vmem_shared>>)
        %dma_start3A_262 = arith.constant 3 : i32
        %dma_start3A_263 = arith.constant 0 : i32
        %dma_start3A_264 = arith.constant 0 : i32
        %dma_start3A_265 = tpu.memref_slice %arg15[%rem3A_120, %dma_start3A_263, %dma_start3A_264] : memref<2x8x128xi32, #tpu.memory_space<vmem>> -> memref<1x8x128xi32, #tpu.memory_space<vmem>>
        %dma_start3A_266 = tpu.memref_squeeze %dma_start3A_265 : memref<1x8x128xi32, #tpu.memory_space<vmem>> -> memref<8x128xi32, #tpu.memory_space<vmem>>
        %dma_start3A_267 = arith.constant 0 : i32
        %dma_start3A_268 = tpu.memref_slice %dma_start3A_266[%dma_start3A_262, %dma_start3A_267] : memref<8x128xi32, #tpu.memory_space<vmem>> -> memref<1x128xi32, #tpu.memory_space<vmem>>
        %dma_start3A_269 = tpu.memref_squeeze %dma_start3A_268 : memref<1x128xi32, #tpu.memory_space<vmem>> -> memref<128xi32, #tpu.memory_space<vmem>>
        %dma_start3A_270 = arith.constant 0 : i32
        %dma_start3A_271 = arith.constant 0 : i32
        %dma_start3A_272 = tpu.memref_slice %arg2[%dma_start3A_270, %dma_start3A_271] : memref<10000x128xf32, #tpu.memory_space<hbm>> -> memref<10000x128xf32, #tpu.memory_space<hbm>>
        tpu.enqueue_indirect_dma source(%dma_start3A_272 : memref<10000x128xf32, #tpu.memory_space<hbm>>) target(%arg18 : memref<128x128xf32, #tpu.memory_space<vmem>>) offsets(%dma_start3A_269 : memref<128xi32, #tpu.memory_space<vmem>>) semaphore(%arg21 : memref<!tpu.dma_semaphore, #tpu.memory_space<semaphore_mem>>)
        %dma_wait3A_273 = arith.constant 2 : i32
        %dma_wait3A_274 = arith.constant 0 : i32
        %dma_wait3A_275 = arith.constant 0 : i32
        %dma_wait3A_276 = tpu.memref_slice %arg15[%rem3A_120, %dma_wait3A_274, %dma_wait3A_275] : memref<2x8x128xi32, #tpu.memory_space<vmem>> -> memref<1x8x128xi32, #tpu.memory_space<vmem>>
        %dma_wait3A_277 = tpu.memref_squeeze %dma_wait3A_276 : memref<1x8x128xi32, #tpu.memory_space<vmem>> -> memref<8x128xi32, #tpu.memory_space<vmem>>
        %dma_wait3A_278 = arith.constant 0 : i32
        %dma_wait3A_279 = tpu.memref_slice %dma_wait3A_277[%dma_wait3A_273, %dma_wait3A_278] : memref<8x128xi32, #tpu.memory_space<vmem>> -> memref<1x128xi32, #tpu.memory_space<vmem>>
        %dma_wait3A_280 = tpu.memref_squeeze %dma_wait3A_279 : memref<1x128xi32, #tpu.memory_space<vmem>> -> memref<128xi32, #tpu.memory_space<vmem>>
        %dma_wait3A_281 = arith.constant 0 : i32
        %dma_wait3A_282 = arith.constant 0 : i32
        %dma_wait3A_283 = tpu.memref_slice %arg2[%dma_wait3A_281, %dma_wait3A_282] : memref<10000x128xf32, #tpu.memory_space<hbm>> -> memref<10000x128xf32, #tpu.memory_space<hbm>>
        tpu.wait_indirect_dma semaphore(%arg20 : memref<!tpu.dma_semaphore, #tpu.memory_space<semaphore_mem>>) src(%dma_wait3A_283 : memref<10000x128xf32, #tpu.memory_space<hbm>>) dst(%arg17 : memref<128x128xf32, #tpu.memory_space<vmem>>)
        %dma_start3A_284 = arith.constant 2 : i32
        %dma_start3A_285 = arith.constant 0 : i32
        %dma_start3A_286 = arith.constant 0 : i32
        %dma_start3A_287 = tpu.memref_slice %arg16[%rem3A_120, %dma_start3A_285, %dma_start3A_286] : memref<2x8x128xi32, #tpu.memory_space<vmem>> -> memref<1x8x128xi32, #tpu.memory_space<vmem>>
        %dma_start3A_288 = tpu.memref_squeeze %dma_start3A_287 : memref<1x8x128xi32, #tpu.memory_space<vmem>> -> memref<8x128xi32, #tpu.memory_space<vmem>>
        %dma_start3A_289 = arith.constant 0 : i32
        %dma_start3A_290 = tpu.memref_slice %dma_start3A_288[%dma_start3A_284, %dma_start3A_289] : memref<8x128xi32, #tpu.memory_space<vmem>> -> memref<1x128xi32, #tpu.memory_space<vmem>>
        %dma_start3A_291 = tpu.memref_squeeze %dma_start3A_290 : memref<1x128xi32, #tpu.memory_space<vmem>> -> memref<128xi32, #tpu.memory_space<vmem>>
        %dma_start3A_292 = arith.constant 0 : i32
        %dma_start3A_293 = arith.constant 0 : i32
        %dma_start3A_294 = tpu.memref_slice %arg19[%dma_start3A_292, %dma_start3A_293] : memref<10008x128xf32, #tpu.memory_space<vmem_shared>> -> memref<10008x128xf32, #tpu.memory_space<vmem_shared>>
        tpu.enqueue_indirect_dma source(%arg17 : memref<128x128xf32, #tpu.memory_space<vmem>>) target(%dma_start3A_294 : memref<10008x128xf32, #tpu.memory_space<vmem_shared>>) offsets(%dma_start3A_291 : memref<128xi32, #tpu.memory_space<vmem>>) semaphore(%arg22 : memref<!tpu.dma_semaphore, #tpu.memory_space<semaphore_mem>>) {add = true}
        %dma_wait3A_295 = arith.constant 2 : i32
        %dma_wait3A_296 = arith.constant 0 : i32
        %dma_wait3A_297 = arith.constant 0 : i32
        %dma_wait3A_298 = tpu.memref_slice %arg16[%rem3A_120, %dma_wait3A_296, %dma_wait3A_297] : memref<2x8x128xi32, #tpu.memory_space<vmem>> -> memref<1x8x128xi32, #tpu.memory_space<vmem>>
        %dma_wait3A_299 = tpu.memref_squeeze %dma_wait3A_298 : memref<1x8x128xi32, #tpu.memory_space<vmem>> -> memref<8x128xi32, #tpu.memory_space<vmem>>
        %dma_wait3A_300 = arith.constant 0 : i32
        %dma_wait3A_301 = tpu.memref_slice %dma_wait3A_299[%dma_wait3A_295, %dma_wait3A_300] : memref<8x128xi32, #tpu.memory_space<vmem>> -> memref<1x128xi32, #tpu.memory_space<vmem>>
        %dma_wait3A_302 = tpu.memref_squeeze %dma_wait3A_301 : memref<1x128xi32, #tpu.memory_space<vmem>> -> memref<128xi32, #tpu.memory_space<vmem>>
        %dma_wait3A_303 = arith.constant 0 : i32
        %dma_wait3A_304 = arith.constant 0 : i32
        %dma_wait3A_305 = tpu.memref_slice %arg19[%dma_wait3A_303, %dma_wait3A_304] : memref<10008x128xf32, #tpu.memory_space<vmem_shared>> -> memref<10008x128xf32, #tpu.memory_space<vmem_shared>>
        tpu.wait_indirect_dma semaphore(%arg22 : memref<!tpu.dma_semaphore, #tpu.memory_space<semaphore_mem>>) src(%arg17 : memref<128x128xf32, #tpu.memory_space<vmem>>) dst(%dma_wait3A_305 : memref<10008x128xf32, #tpu.memory_space<vmem_shared>>)
        %dma_start3A_306 = arith.constant 4 : i32
        %dma_start3A_307 = arith.constant 0 : i32
        %dma_start3A_308 = arith.constant 0 : i32
        %dma_start3A_309 = tpu.memref_slice %arg15[%rem3A_120, %dma_start3A_307, %dma_start3A_308] : memref<2x8x128xi32, #tpu.memory_space<vmem>> -> memref<1x8x128xi32, #tpu.memory_space<vmem>>
        %dma_start3A_310 = tpu.memref_squeeze %dma_start3A_309 : memref<1x8x128xi32, #tpu.memory_space<vmem>> -> memref<8x128xi32, #tpu.memory_space<vmem>>
        %dma_start3A_311 = arith.constant 0 : i32
        %dma_start3A_312 = tpu.memref_slice %dma_start3A_310[%dma_start3A_306, %dma_start3A_311] : memref<8x128xi32, #tpu.memory_space<vmem>> -> memref<1x128xi32, #tpu.memory_space<vmem>>
        %dma_start3A_313 = tpu.memref_squeeze %dma_start3A_312 : memref<1x128xi32, #tpu.memory_space<vmem>> -> memref<128xi32, #tpu.memory_space<vmem>>
        %dma_start3A_314 = arith.constant 0 : i32
        %dma_start3A_315 = arith.constant 0 : i32
        %dma_start3A_316 = tpu.memref_slice %arg2[%dma_start3A_314, %dma_start3A_315] : memref<10000x128xf32, #tpu.memory_space<hbm>> -> memref<10000x128xf32, #tpu.memory_space<hbm>>
        tpu.enqueue_indirect_dma source(%dma_start3A_316 : memref<10000x128xf32, #tpu.memory_space<hbm>>) target(%arg17 : memref<128x128xf32, #tpu.memory_space<vmem>>) offsets(%dma_start3A_313 : memref<128xi32, #tpu.memory_space<vmem>>) semaphore(%arg20 : memref<!tpu.dma_semaphore, #tpu.memory_space<semaphore_mem>>)
        %dma_wait3A_317 = arith.constant 3 : i32
        %dma_wait3A_318 = arith.constant 0 : i32
        %dma_wait3A_319 = arith.constant 0 : i32
        %dma_wait3A_320 = tpu.memref_slice %arg15[%rem3A_120, %dma_wait3A_318, %dma_wait3A_319] : memref<2x8x128xi32, #tpu.memory_space<vmem>> -> memref<1x8x128xi32, #tpu.memory_space<vmem>>
        %dma_wait3A_321 = tpu.memref_squeeze %dma_wait3A_320 : memref<1x8x128xi32, #tpu.memory_space<vmem>> -> memref<8x128xi32, #tpu.memory_space<vmem>>
        %dma_wait3A_322 = arith.constant 0 : i32
        %dma_wait3A_323 = tpu.memref_slice %dma_wait3A_321[%dma_wait3A_317, %dma_wait3A_322] : memref<8x128xi32, #tpu.memory_space<vmem>> -> memref<1x128xi32, #tpu.memory_space<vmem>>
        %dma_wait3A_324 = tpu.memref_squeeze %dma_wait3A_323 : memref<1x128xi32, #tpu.memory_space<vmem>> -> memref<128xi32, #tpu.memory_space<vmem>>
        %dma_wait3A_325 = arith.constant 0 : i32
        %dma_wait3A_326 = arith.constant 0 : i32
        %dma_wait3A_327 = tpu.memref_slice %arg2[%dma_wait3A_325, %dma_wait3A_326] : memref<10000x128xf32, #tpu.memory_space<hbm>> -> memref<10000x128xf32, #tpu.memory_space<hbm>>
        tpu.wait_indirect_dma semaphore(%arg21 : memref<!tpu.dma_semaphore, #tpu.memory_space<semaphore_mem>>) src(%dma_wait3A_327 : memref<10000x128xf32, #tpu.memory_space<hbm>>) dst(%arg18 : memref<128x128xf32, #tpu.memory_space<vmem>>)
        %dma_start3A_328 = arith.constant 3 : i32
        %dma_start3A_329 = arith.constant 0 : i32
        %dma_start3A_330 = arith.constant 0 : i32
        %dma_start3A_331 = tpu.memref_slice %arg16[%rem3A_120, %dma_start3A_329, %dma_start3A_330] : memref<2x8x128xi32, #tpu.memory_space<vmem>> -> memref<1x8x128xi32, #tpu.memory_space<vmem>>
        %dma_start3A_332 = tpu.memref_squeeze %dma_start3A_331 : memref<1x8x128xi32, #tpu.memory_space<vmem>> -> memref<8x128xi32, #tpu.memory_space<vmem>>
        %dma_start3A_333 = arith.constant 0 : i32
        %dma_start3A_334 = tpu.memref_slice %dma_start3A_332[%dma_start3A_328, %dma_start3A_333] : memref<8x128xi32, #tpu.memory_space<vmem>> -> memref<1x128xi32, #tpu.memory_space<vmem>>
        %dma_start3A_335 = tpu.memref_squeeze %dma_start3A_334 : memref<1x128xi32, #tpu.memory_space<vmem>> -> memref<128xi32, #tpu.memory_space<vmem>>
        %dma_start3A_336 = arith.constant 0 : i32
        %dma_start3A_337 = arith.constant 0 : i32
        %dma_start3A_338 = tpu.memref_slice %arg19[%dma_start3A_336, %dma_start3A_337] : memref<10008x128xf32, #tpu.memory_space<vmem_shared>> -> memref<10008x128xf32, #tpu.memory_space<vmem_shared>>
        tpu.enqueue_indirect_dma source(%arg18 : memref<128x128xf32, #tpu.memory_space<vmem>>) target(%dma_start3A_338 : memref<10008x128xf32, #tpu.memory_space<vmem_shared>>) offsets(%dma_start3A_335 : memref<128xi32, #tpu.memory_space<vmem>>) semaphore(%arg23 : memref<!tpu.dma_semaphore, #tpu.memory_space<semaphore_mem>>) {add = true}
        %dma_wait3A_339 = arith.constant 3 : i32
        %dma_wait3A_340 = arith.constant 0 : i32
        %dma_wait3A_341 = arith.constant 0 : i32
        %dma_wait3A_342 = tpu.memref_slice %arg16[%rem3A_120, %dma_wait3A_340, %dma_wait3A_341] : memref<2x8x128xi32, #tpu.memory_space<vmem>> -> memref<1x8x128xi32, #tpu.memory_space<vmem>>
        %dma_wait3A_343 = tpu.memref_squeeze %dma_wait3A_342 : memref<1x8x128xi32, #tpu.memory_space<vmem>> -> memref<8x128xi32, #tpu.memory_space<vmem>>
        %dma_wait3A_344 = arith.constant 0 : i32
        %dma_wait3A_345 = tpu.memref_slice %dma_wait3A_343[%dma_wait3A_339, %dma_wait3A_344] : memref<8x128xi32, #tpu.memory_space<vmem>> -> memref<1x128xi32, #tpu.memory_space<vmem>>
        %dma_wait3A_346 = tpu.memref_squeeze %dma_wait3A_345 : memref<1x128xi32, #tpu.memory_space<vmem>> -> memref<128xi32, #tpu.memory_space<vmem>>
        %dma_wait3A_347 = arith.constant 0 : i32
        %dma_wait3A_348 = arith.constant 0 : i32
        %dma_wait3A_349 = tpu.memref_slice %arg19[%dma_wait3A_347, %dma_wait3A_348] : memref<10008x128xf32, #tpu.memory_space<vmem_shared>> -> memref<10008x128xf32, #tpu.memory_space<vmem_shared>>
        tpu.wait_indirect_dma semaphore(%arg23 : memref<!tpu.dma_semaphore, #tpu.memory_space<semaphore_mem>>) src(%arg18 : memref<128x128xf32, #tpu.memory_space<vmem>>) dst(%dma_wait3A_349 : memref<10008x128xf32, #tpu.memory_space<vmem_shared>>)
        %dma_start3A_350 = arith.constant 5 : i32
        %dma_start3A_351 = arith.constant 0 : i32
        %dma_start3A_352 = arith.constant 0 : i32
        %dma_start3A_353 = tpu.memref_slice %arg15[%rem3A_120, %dma_start3A_351, %dma_start3A_352] : memref<2x8x128xi32, #tpu.memory_space<vmem>> -> memref<1x8x128xi32, #tpu.memory_space<vmem>>
        %dma_start3A_354 = tpu.memref_squeeze %dma_start3A_353 : memref<1x8x128xi32, #tpu.memory_space<vmem>> -> memref<8x128xi32, #tpu.memory_space<vmem>>
        %dma_start3A_355 = arith.constant 0 : i32
        %dma_start3A_356 = tpu.memref_slice %dma_start3A_354[%dma_start3A_350, %dma_start3A_355] : memref<8x128xi32, #tpu.memory_space<vmem>> -> memref<1x128xi32, #tpu.memory_space<vmem>>
        %dma_start3A_357 = tpu.memref_squeeze %dma_start3A_356 : memref<1x128xi32, #tpu.memory_space<vmem>> -> memref<128xi32, #tpu.memory_space<vmem>>
        %dma_start3A_358 = arith.constant 0 : i32
        %dma_start3A_359 = arith.constant 0 : i32
        %dma_start3A_360 = tpu.memref_slice %arg2[%dma_start3A_358, %dma_start3A_359] : memref<10000x128xf32, #tpu.memory_space<hbm>> -> memref<10000x128xf32, #tpu.memory_space<hbm>>
        tpu.enqueue_indirect_dma source(%dma_start3A_360 : memref<10000x128xf32, #tpu.memory_space<hbm>>) target(%arg18 : memref<128x128xf32, #tpu.memory_space<vmem>>) offsets(%dma_start3A_357 : memref<128xi32, #tpu.memory_space<vmem>>) semaphore(%arg21 : memref<!tpu.dma_semaphore, #tpu.memory_space<semaphore_mem>>)
        %dma_wait3A_361 = arith.constant 4 : i32
        %dma_wait3A_362 = arith.constant 0 : i32
        %dma_wait3A_363 = arith.constant 0 : i32
        %dma_wait3A_364 = tpu.memref_slice %arg15[%rem3A_120, %dma_wait3A_362, %dma_wait3A_363] : memref<2x8x128xi32, #tpu.memory_space<vmem>> -> memref<1x8x128xi32, #tpu.memory_space<vmem>>
        %dma_wait3A_365 = tpu.memref_squeeze %dma_wait3A_364 : memref<1x8x128xi32, #tpu.memory_space<vmem>> -> memref<8x128xi32, #tpu.memory_space<vmem>>
        %dma_wait3A_366 = arith.constant 0 : i32
        %dma_wait3A_367 = tpu.memref_slice %dma_wait3A_365[%dma_wait3A_361, %dma_wait3A_366] : memref<8x128xi32, #tpu.memory_space<vmem>> -> memref<1x128xi32, #tpu.memory_space<vmem>>
        %dma_wait3A_368 = tpu.memref_squeeze %dma_wait3A_367 : memref<1x128xi32, #tpu.memory_space<vmem>> -> memref<128xi32, #tpu.memory_space<vmem>>
        %dma_wait3A_369 = arith.constant 0 : i32
        %dma_wait3A_370 = arith.constant 0 : i32
        %dma_wait3A_371 = tpu.memref_slice %arg2[%dma_wait3A_369, %dma_wait3A_370] : memref<10000x128xf32, #tpu.memory_space<hbm>> -> memref<10000x128xf32, #tpu.memory_space<hbm>>
        tpu.wait_indirect_dma semaphore(%arg20 : memref<!tpu.dma_semaphore, #tpu.memory_space<semaphore_mem>>) src(%dma_wait3A_371 : memref<10000x128xf32, #tpu.memory_space<hbm>>) dst(%arg17 : memref<128x128xf32, #tpu.memory_space<vmem>>)
        %dma_start3A_372 = arith.constant 4 : i32
        %dma_start3A_373 = arith.constant 0 : i32
        %dma_start3A_374 = arith.constant 0 : i32
        %dma_start3A_375 = tpu.memref_slice %arg16[%rem3A_120, %dma_start3A_373, %dma_start3A_374] : memref<2x8x128xi32, #tpu.memory_space<vmem>> -> memref<1x8x128xi32, #tpu.memory_space<vmem>>
        %dma_start3A_376 = tpu.memref_squeeze %dma_start3A_375 : memref<1x8x128xi32, #tpu.memory_space<vmem>> -> memref<8x128xi32, #tpu.memory_space<vmem>>
        %dma_start3A_377 = arith.constant 0 : i32
        %dma_start3A_378 = tpu.memref_slice %dma_start3A_376[%dma_start3A_372, %dma_start3A_377] : memref<8x128xi32, #tpu.memory_space<vmem>> -> memref<1x128xi32, #tpu.memory_space<vmem>>
        %dma_start3A_379 = tpu.memref_squeeze %dma_start3A_378 : memref<1x128xi32, #tpu.memory_space<vmem>> -> memref<128xi32, #tpu.memory_space<vmem>>
        %dma_start3A_380 = arith.constant 0 : i32
        %dma_start3A_381 = arith.constant 0 : i32
        %dma_start3A_382 = tpu.memref_slice %arg19[%dma_start3A_380, %dma_start3A_381] : memref<10008x128xf32, #tpu.memory_space<vmem_shared>> -> memref<10008x128xf32, #tpu.memory_space<vmem_shared>>
        tpu.enqueue_indirect_dma source(%arg17 : memref<128x128xf32, #tpu.memory_space<vmem>>) target(%dma_start3A_382 : memref<10008x128xf32, #tpu.memory_space<vmem_shared>>) offsets(%dma_start3A_379 : memref<128xi32, #tpu.memory_space<vmem>>) semaphore(%arg22 : memref<!tpu.dma_semaphore, #tpu.memory_space<semaphore_mem>>) {add = true}
        %dma_wait3A_383 = arith.constant 4 : i32
        %dma_wait3A_384 = arith.constant 0 : i32
        %dma_wait3A_385 = arith.constant 0 : i32
        %dma_wait3A_386 = tpu.memref_slice %arg16[%rem3A_120, %dma_wait3A_384, %dma_wait3A_385] : memref<2x8x128xi32, #tpu.memory_space<vmem>> -> memref<1x8x128xi32, #tpu.memory_space<vmem>>
        %dma_wait3A_387 = tpu.memref_squeeze %dma_wait3A_386 : memref<1x8x128xi32, #tpu.memory_space<vmem>> -> memref<8x128xi32, #tpu.memory_space<vmem>>
        %dma_wait3A_388 = arith.constant 0 : i32
        %dma_wait3A_389 = tpu.memref_slice %dma_wait3A_387[%dma_wait3A_383, %dma_wait3A_388] : memref<8x128xi32, #tpu.memory_space<vmem>> -> memref<1x128xi32, #tpu.memory_space<vmem>>
        %dma_wait3A_390 = tpu.memref_squeeze %dma_wait3A_389 : memref<1x128xi32, #tpu.memory_space<vmem>> -> memref<128xi32, #tpu.memory_space<vmem>>
        %dma_wait3A_391 = arith.constant 0 : i32
        %dma_wait3A_392 = arith.constant 0 : i32
        %dma_wait3A_393 = tpu.memref_slice %arg19[%dma_wait3A_391, %dma_wait3A_392] : memref<10008x128xf32, #tpu.memory_space<vmem_shared>> -> memref<10008x128xf32, #tpu.memory_space<vmem_shared>>
        tpu.wait_indirect_dma semaphore(%arg22 : memref<!tpu.dma_semaphore, #tpu.memory_space<semaphore_mem>>) src(%arg17 : memref<128x128xf32, #tpu.memory_space<vmem>>) dst(%dma_wait3A_393 : memref<10008x128xf32, #tpu.memory_space<vmem_shared>>)
        %dma_start3A_394 = arith.constant 6 : i32
        %dma_start3A_395 = arith.constant 0 : i32
        %dma_start3A_396 = arith.constant 0 : i32
        %dma_start3A_397 = tpu.memref_slice %arg15[%rem3A_120, %dma_start3A_395, %dma_start3A_396] : memref<2x8x128xi32, #tpu.memory_space<vmem>> -> memref<1x8x128xi32, #tpu.memory_space<vmem>>
        %dma_start3A_398 = tpu.memref_squeeze %dma_start3A_397 : memref<1x8x128xi32, #tpu.memory_space<vmem>> -> memref<8x128xi32, #tpu.memory_space<vmem>>
        %dma_start3A_399 = arith.constant 0 : i32
        %dma_start3A_400 = tpu.memref_slice %dma_start3A_398[%dma_start3A_394, %dma_start3A_399] : memref<8x128xi32, #tpu.memory_space<vmem>> -> memref<1x128xi32, #tpu.memory_space<vmem>>
        %dma_start3A_401 = tpu.memref_squeeze %dma_start3A_400 : memref<1x128xi32, #tpu.memory_space<vmem>> -> memref<128xi32, #tpu.memory_space<vmem>>
        %dma_start3A_402 = arith.constant 0 : i32
        %dma_start3A_403 = arith.constant 0 : i32
        %dma_start3A_404 = tpu.memref_slice %arg2[%dma_start3A_402, %dma_start3A_403] : memref<10000x128xf32, #tpu.memory_space<hbm>> -> memref<10000x128xf32, #tpu.memory_space<hbm>>
        tpu.enqueue_indirect_dma source(%dma_start3A_404 : memref<10000x128xf32, #tpu.memory_space<hbm>>) target(%arg17 : memref<128x128xf32, #tpu.memory_space<vmem>>) offsets(%dma_start3A_401 : memref<128xi32, #tpu.memory_space<vmem>>) semaphore(%arg20 : memref<!tpu.dma_semaphore, #tpu.memory_space<semaphore_mem>>)
        %dma_wait3A_405 = arith.constant 5 : i32
        %dma_wait3A_406 = arith.constant 0 : i32
        %dma_wait3A_407 = arith.constant 0 : i32
        %dma_wait3A_408 = tpu.memref_slice %arg15[%rem3A_120, %dma_wait3A_406, %dma_wait3A_407] : memref<2x8x128xi32, #tpu.memory_space<vmem>> -> memref<1x8x128xi32, #tpu.memory_space<vmem>>
        %dma_wait3A_409 = tpu.memref_squeeze %dma_wait3A_408 : memref<1x8x128xi32, #tpu.memory_space<vmem>> -> memref<8x128xi32, #tpu.memory_space<vmem>>
        %dma_wait3A_410 = arith.constant 0 : i32
        %dma_wait3A_411 = tpu.memref_slice %dma_wait3A_409[%dma_wait3A_405, %dma_wait3A_410] : memref<8x128xi32, #tpu.memory_space<vmem>> -> memref<1x128xi32, #tpu.memory_space<vmem>>
        %dma_wait3A_412 = tpu.memref_squeeze %dma_wait3A_411 : memref<1x128xi32, #tpu.memory_space<vmem>> -> memref<128xi32, #tpu.memory_space<vmem>>
        %dma_wait3A_413 = arith.constant 0 : i32
        %dma_wait3A_414 = arith.constant 0 : i32
        %dma_wait3A_415 = tpu.memref_slice %arg2[%dma_wait3A_413, %dma_wait3A_414] : memref<10000x128xf32, #tpu.memory_space<hbm>> -> memref<10000x128xf32, #tpu.memory_space<hbm>>
        tpu.wait_indirect_dma semaphore(%arg21 : memref<!tpu.dma_semaphore, #tpu.memory_space<semaphore_mem>>) src(%dma_wait3A_415 : memref<10000x128xf32, #tpu.memory_space<hbm>>) dst(%arg18 : memref<128x128xf32, #tpu.memory_space<vmem>>)
        %dma_start3A_416 = arith.constant 5 : i32
        %dma_start3A_417 = arith.constant 0 : i32
        %dma_start3A_418 = arith.constant 0 : i32
        %dma_start3A_419 = tpu.memref_slice %arg16[%rem3A_120, %dma_start3A_417, %dma_start3A_418] : memref<2x8x128xi32, #tpu.memory_space<vmem>> -> memref<1x8x128xi32, #tpu.memory_space<vmem>>
        %dma_start3A_420 = tpu.memref_squeeze %dma_start3A_419 : memref<1x8x128xi32, #tpu.memory_space<vmem>> -> memref<8x128xi32, #tpu.memory_space<vmem>>
        %dma_start3A_421 = arith.constant 0 : i32
        %dma_start3A_422 = tpu.memref_slice %dma_start3A_420[%dma_start3A_416, %dma_start3A_421] : memref<8x128xi32, #tpu.memory_space<vmem>> -> memref<1x128xi32, #tpu.memory_space<vmem>>
        %dma_start3A_423 = tpu.memref_squeeze %dma_start3A_422 : memref<1x128xi32, #tpu.memory_space<vmem>> -> memref<128xi32, #tpu.memory_space<vmem>>
        %dma_start3A_424 = arith.constant 0 : i32
        %dma_start3A_425 = arith.constant 0 : i32
        %dma_start3A_426 = tpu.memref_slice %arg19[%dma_start3A_424, %dma_start3A_425] : memref<10008x128xf32, #tpu.memory_space<vmem_shared>> -> memref<10008x128xf32, #tpu.memory_space<vmem_shared>>
        tpu.enqueue_indirect_dma source(%arg18 : memref<128x128xf32, #tpu.memory_space<vmem>>) target(%dma_start3A_426 : memref<10008x128xf32, #tpu.memory_space<vmem_shared>>) offsets(%dma_start3A_423 : memref<128xi32, #tpu.memory_space<vmem>>) semaphore(%arg23 : memref<!tpu.dma_semaphore, #tpu.memory_space<semaphore_mem>>) {add = true}
        %dma_wait3A_427 = arith.constant 5 : i32
        %dma_wait3A_428 = arith.constant 0 : i32
        %dma_wait3A_429 = arith.constant 0 : i32
        %dma_wait3A_430 = tpu.memref_slice %arg16[%rem3A_120, %dma_wait3A_428, %dma_wait3A_429] : memref<2x8x128xi32, #tpu.memory_space<vmem>> -> memref<1x8x128xi32, #tpu.memory_space<vmem>>
        %dma_wait3A_431 = tpu.memref_squeeze %dma_wait3A_430 : memref<1x8x128xi32, #tpu.memory_space<vmem>> -> memref<8x128xi32, #tpu.memory_space<vmem>>
        %dma_wait3A_432 = arith.constant 0 : i32
        %dma_wait3A_433 = tpu.memref_slice %dma_wait3A_431[%dma_wait3A_427, %dma_wait3A_432] : memref<8x128xi32, #tpu.memory_space<vmem>> -> memref<1x128xi32, #tpu.memory_space<vmem>>
        %dma_wait3A_434 = tpu.memref_squeeze %dma_wait3A_433 : memref<1x128xi32, #tpu.memory_space<vmem>> -> memref<128xi32, #tpu.memory_space<vmem>>
        %dma_wait3A_435 = arith.constant 0 : i32
        %dma_wait3A_436 = arith.constant 0 : i32
        %dma_wait3A_437 = tpu.memref_slice %arg19[%dma_wait3A_435, %dma_wait3A_436] : memref<10008x128xf32, #tpu.memory_space<vmem_shared>> -> memref<10008x128xf32, #tpu.memory_space<vmem_shared>>
        tpu.wait_indirect_dma semaphore(%arg23 : memref<!tpu.dma_semaphore, #tpu.memory_space<semaphore_mem>>) src(%arg18 : memref<128x128xf32, #tpu.memory_space<vmem>>) dst(%dma_wait3A_437 : memref<10008x128xf32, #tpu.memory_space<vmem_shared>>)
        %dma_start3A_438 = arith.constant 7 : i32
        %dma_start3A_439 = arith.constant 0 : i32
        %dma_start3A_440 = arith.constant 0 : i32
        %dma_start3A_441 = tpu.memref_slice %arg15[%rem3A_120, %dma_start3A_439, %dma_start3A_440] : memref<2x8x128xi32, #tpu.memory_space<vmem>> -> memref<1x8x128xi32, #tpu.memory_space<vmem>>
        %dma_start3A_442 = tpu.memref_squeeze %dma_start3A_441 : memref<1x8x128xi32, #tpu.memory_space<vmem>> -> memref<8x128xi32, #tpu.memory_space<vmem>>
        %dma_start3A_443 = arith.constant 0 : i32
        %dma_start3A_444 = tpu.memref_slice %dma_start3A_442[%dma_start3A_438, %dma_start3A_443] : memref<8x128xi32, #tpu.memory_space<vmem>> -> memref<1x128xi32, #tpu.memory_space<vmem>>
        %dma_start3A_445 = tpu.memref_squeeze %dma_start3A_444 : memref<1x128xi32, #tpu.memory_space<vmem>> -> memref<128xi32, #tpu.memory_space<vmem>>
        %dma_start3A_446 = arith.constant 0 : i32
        %dma_start3A_447 = arith.constant 0 : i32
        %dma_start3A_448 = tpu.memref_slice %arg2[%dma_start3A_446, %dma_start3A_447] : memref<10000x128xf32, #tpu.memory_space<hbm>> -> memref<10000x128xf32, #tpu.memory_space<hbm>>
        tpu.enqueue_indirect_dma source(%dma_start3A_448 : memref<10000x128xf32, #tpu.memory_space<hbm>>) target(%arg18 : memref<128x128xf32, #tpu.memory_space<vmem>>) offsets(%dma_start3A_445 : memref<128xi32, #tpu.memory_space<vmem>>) semaphore(%arg21 : memref<!tpu.dma_semaphore, #tpu.memory_space<semaphore_mem>>)
        %dma_wait3A_449 = arith.constant 6 : i32
        %dma_wait3A_450 = arith.constant 0 : i32
        %dma_wait3A_451 = arith.constant 0 : i32
        %dma_wait3A_452 = tpu.memref_slice %arg15[%rem3A_120, %dma_wait3A_450, %dma_wait3A_451] : memref<2x8x128xi32, #tpu.memory_space<vmem>> -> memref<1x8x128xi32, #tpu.memory_space<vmem>>
        %dma_wait3A_453 = tpu.memref_squeeze %dma_wait3A_452 : memref<1x8x128xi32, #tpu.memory_space<vmem>> -> memref<8x128xi32, #tpu.memory_space<vmem>>
        %dma_wait3A_454 = arith.constant 0 : i32
        %dma_wait3A_455 = tpu.memref_slice %dma_wait3A_453[%dma_wait3A_449, %dma_wait3A_454] : memref<8x128xi32, #tpu.memory_space<vmem>> -> memref<1x128xi32, #tpu.memory_space<vmem>>
        %dma_wait3A_456 = tpu.memref_squeeze %dma_wait3A_455 : memref<1x128xi32, #tpu.memory_space<vmem>> -> memref<128xi32, #tpu.memory_space<vmem>>
        %dma_wait3A_457 = arith.constant 0 : i32
        %dma_wait3A_458 = arith.constant 0 : i32
        %dma_wait3A_459 = tpu.memref_slice %arg2[%dma_wait3A_457, %dma_wait3A_458] : memref<10000x128xf32, #tpu.memory_space<hbm>> -> memref<10000x128xf32, #tpu.memory_space<hbm>>
        tpu.wait_indirect_dma semaphore(%arg20 : memref<!tpu.dma_semaphore, #tpu.memory_space<semaphore_mem>>) src(%dma_wait3A_459 : memref<10000x128xf32, #tpu.memory_space<hbm>>) dst(%arg17 : memref<128x128xf32, #tpu.memory_space<vmem>>)
        %dma_start3A_460 = arith.constant 6 : i32
        %dma_start3A_461 = arith.constant 0 : i32
        %dma_start3A_462 = arith.constant 0 : i32
        %dma_start3A_463 = tpu.memref_slice %arg16[%rem3A_120, %dma_start3A_461, %dma_start3A_462] : memref<2x8x128xi32, #tpu.memory_space<vmem>> -> memref<1x8x128xi32, #tpu.memory_space<vmem>>
        %dma_start3A_464 = tpu.memref_squeeze %dma_start3A_463 : memref<1x8x128xi32, #tpu.memory_space<vmem>> -> memref<8x128xi32, #tpu.memory_space<vmem>>
        %dma_start3A_465 = arith.constant 0 : i32
        %dma_start3A_466 = tpu.memref_slice %dma_start3A_464[%dma_start3A_460, %dma_start3A_465] : memref<8x128xi32, #tpu.memory_space<vmem>> -> memref<1x128xi32, #tpu.memory_space<vmem>>
        %dma_start3A_467 = tpu.memref_squeeze %dma_start3A_466 : memref<1x128xi32, #tpu.memory_space<vmem>> -> memref<128xi32, #tpu.memory_space<vmem>>
        %dma_start3A_468 = arith.constant 0 : i32
        %dma_start3A_469 = arith.constant 0 : i32
        %dma_start3A_470 = tpu.memref_slice %arg19[%dma_start3A_468, %dma_start3A_469] : memref<10008x128xf32, #tpu.memory_space<vmem_shared>> -> memref<10008x128xf32, #tpu.memory_space<vmem_shared>>
        tpu.enqueue_indirect_dma source(%arg17 : memref<128x128xf32, #tpu.memory_space<vmem>>) target(%dma_start3A_470 : memref<10008x128xf32, #tpu.memory_space<vmem_shared>>) offsets(%dma_start3A_467 : memref<128xi32, #tpu.memory_space<vmem>>) semaphore(%arg22 : memref<!tpu.dma_semaphore, #tpu.memory_space<semaphore_mem>>) {add = true}
        %dma_wait3A_471 = arith.constant 7 : i32
        %dma_wait3A_472 = arith.constant 0 : i32
        %dma_wait3A_473 = arith.constant 0 : i32
        %dma_wait3A_474 = tpu.memref_slice %arg15[%rem3A_120, %dma_wait3A_472, %dma_wait3A_473] : memref<2x8x128xi32, #tpu.memory_space<vmem>> -> memref<1x8x128xi32, #tpu.memory_space<vmem>>
        %dma_wait3A_475 = tpu.memref_squeeze %dma_wait3A_474 : memref<1x8x128xi32, #tpu.memory_space<vmem>> -> memref<8x128xi32, #tpu.memory_space<vmem>>
        %dma_wait3A_476 = arith.constant 0 : i32
        %dma_wait3A_477 = tpu.memref_slice %dma_wait3A_475[%dma_wait3A_471, %dma_wait3A_476] : memref<8x128xi32, #tpu.memory_space<vmem>> -> memref<1x128xi32, #tpu.memory_space<vmem>>
        %dma_wait3A_478 = tpu.memref_squeeze %dma_wait3A_477 : memref<1x128xi32, #tpu.memory_space<vmem>> -> memref<128xi32, #tpu.memory_space<vmem>>
        %dma_wait3A_479 = arith.constant 0 : i32
        %dma_wait3A_480 = arith.constant 0 : i32
        %dma_wait3A_481 = tpu.memref_slice %arg2[%dma_wait3A_479, %dma_wait3A_480] : memref<10000x128xf32, #tpu.memory_space<hbm>> -> memref<10000x128xf32, #tpu.memory_space<hbm>>
        tpu.wait_indirect_dma semaphore(%arg21 : memref<!tpu.dma_semaphore, #tpu.memory_space<semaphore_mem>>) src(%dma_wait3A_481 : memref<10000x128xf32, #tpu.memory_space<hbm>>) dst(%arg18 : memref<128x128xf32, #tpu.memory_space<vmem>>)
        %dma_start3A_482 = arith.constant 7 : i32
        %dma_start3A_483 = arith.constant 0 : i32
        %dma_start3A_484 = arith.constant 0 : i32
        %dma_start3A_485 = tpu.memref_slice %arg16[%rem3A_120, %dma_start3A_483, %dma_start3A_484] : memref<2x8x128xi32, #tpu.memory_space<vmem>> -> memref<1x8x128xi32, #tpu.memory_space<vmem>>
        %dma_start3A_486 = tpu.memref_squeeze %dma_start3A_485 : memref<1x8x128xi32, #tpu.memory_space<vmem>> -> memref<8x128xi32, #tpu.memory_space<vmem>>
        %dma_start3A_487 = arith.constant 0 : i32
        %dma_start3A_488 = tpu.memref_slice %dma_start3A_486[%dma_start3A_482, %dma_start3A_487] : memref<8x128xi32, #tpu.memory_space<vmem>> -> memref<1x128xi32, #tpu.memory_space<vmem>>
        %dma_start3A_489 = tpu.memref_squeeze %dma_start3A_488 : memref<1x128xi32, #tpu.memory_space<vmem>> -> memref<128xi32, #tpu.memory_space<vmem>>
        %dma_start3A_490 = arith.constant 0 : i32
        %dma_start3A_491 = arith.constant 0 : i32
        %dma_start3A_492 = tpu.memref_slice %arg19[%dma_start3A_490, %dma_start3A_491] : memref<10008x128xf32, #tpu.memory_space<vmem_shared>> -> memref<10008x128xf32, #tpu.memory_space<vmem_shared>>
        tpu.enqueue_indirect_dma source(%arg18 : memref<128x128xf32, #tpu.memory_space<vmem>>) target(%dma_start3A_492 : memref<10008x128xf32, #tpu.memory_space<vmem_shared>>) offsets(%dma_start3A_489 : memref<128xi32, #tpu.memory_space<vmem>>) semaphore(%arg23 : memref<!tpu.dma_semaphore, #tpu.memory_space<semaphore_mem>>) {add = true}
      }
      %scan3A_91 = arith.constant 10 : i32
      %dma_wait3A = arith.constant 1 : i32
      %dma_wait3A_92 = arith.constant 6 : i32
      %dma_wait3A_93 = arith.constant 0 : i32
      %dma_wait3A_94 = arith.constant 0 : i32
      %dma_wait3A_95 = tpu.memref_slice %arg16[%dma_wait3A, %dma_wait3A_93, %dma_wait3A_94] : memref<2x8x128xi32, #tpu.memory_space<vmem>> -> memref<1x8x128xi32, #tpu.memory_space<vmem>>
      %dma_wait3A_96 = tpu.memref_squeeze %dma_wait3A_95 : memref<1x8x128xi32, #tpu.memory_space<vmem>> -> memref<8x128xi32, #tpu.memory_space<vmem>>
      %dma_wait3A_97 = arith.constant 0 : i32
      %dma_wait3A_98 = tpu.memref_slice %dma_wait3A_96[%dma_wait3A_92, %dma_wait3A_97] : memref<8x128xi32, #tpu.memory_space<vmem>> -> memref<1x128xi32, #tpu.memory_space<vmem>>
      %dma_wait3A_99 = tpu.memref_squeeze %dma_wait3A_98 : memref<1x128xi32, #tpu.memory_space<vmem>> -> memref<128xi32, #tpu.memory_space<vmem>>
      %dma_wait3A_100 = arith.constant 0 : i32
      %dma_wait3A_101 = arith.constant 0 : i32
      %dma_wait3A_102 = tpu.memref_slice %arg19[%dma_wait3A_100, %dma_wait3A_101] : memref<10008x128xf32, #tpu.memory_space<vmem_shared>> -> memref<10008x128xf32, #tpu.memory_space<vmem_shared>>
      tpu.wait_indirect_dma semaphore(%arg22 : memref<!tpu.dma_semaphore, #tpu.memory_space<semaphore_mem>>) src(%arg17 : memref<128x128xf32, #tpu.memory_space<vmem>>) dst(%dma_wait3A_102 : memref<10008x128xf32, #tpu.memory_space<vmem_shared>>)
      %dma_wait3A_103 = arith.constant 1 : i32
      %dma_wait3A_104 = arith.constant 7 : i32
      %dma_wait3A_105 = arith.constant 0 : i32
      %dma_wait3A_106 = arith.constant 0 : i32
      %dma_wait3A_107 = tpu.memref_slice %arg16[%dma_wait3A_103, %dma_wait3A_105, %dma_wait3A_106] : memref<2x8x128xi32, #tpu.memory_space<vmem>> -> memref<1x8x128xi32, #tpu.memory_space<vmem>>
      %dma_wait3A_108 = tpu.memref_squeeze %dma_wait3A_107 : memref<1x8x128xi32, #tpu.memory_space<vmem>> -> memref<8x128xi32, #tpu.memory_space<vmem>>
      %dma_wait3A_109 = arith.constant 0 : i32
      %dma_wait3A_110 = tpu.memref_slice %dma_wait3A_108[%dma_wait3A_104, %dma_wait3A_109] : memref<8x128xi32, #tpu.memory_space<vmem>> -> memref<1x128xi32, #tpu.memory_space<vmem>>
      %dma_wait3A_111 = tpu.memref_squeeze %dma_wait3A_110 : memref<1x128xi32, #tpu.memory_space<vmem>> -> memref<128xi32, #tpu.memory_space<vmem>>
      %dma_wait3A_112 = arith.constant 0 : i32
      %dma_wait3A_113 = arith.constant 0 : i32
      %dma_wait3A_114 = tpu.memref_slice %arg19[%dma_wait3A_112, %dma_wait3A_113] : memref<10008x128xf32, #tpu.memory_space<vmem_shared>> -> memref<10008x128xf32, #tpu.memory_space<vmem_shared>>
      tpu.wait_indirect_dma semaphore(%arg23 : memref<!tpu.dma_semaphore, #tpu.memory_space<semaphore_mem>>) src(%arg18 : memref<128x128xf32, #tpu.memory_space<vmem>>) dst(%dma_wait3A_114 : memref<10008x128xf32, #tpu.memory_space<vmem_shared>>)
    } else {
    }
    %eq3A_12 = arith.constant 1 : i32
    %eq3A_13 = arith.cmpi eq, %arg0, %eq3A_12 : i32
    %convert_element_type3A_14 = arith.extui %eq3A_13 : i1 to i32
    %cond3A_15 = arith.constant 0 : i32
    %cond3A_16 = arith.cmpi ne, %convert_element_type3A_14, %cond3A_15 : i32
    scf.if %cond3A_16 {
      %add3A = arith.constant 0 : i32
      %add3A_60 = arith.addi %mul3A_0, %add3A : i32
      %add3A_61 = arith.constant 0 : i32
      %add3A_62 = arith.addi %mul3A_0, %add3A_61 : i32
      %dma_start3A = arith.constant 0 : i32
      %dma_start3A_63 = arith.constant 0 : i32
      %dma_start3A_64 = arith.constant 0 : i32
      %dma_start3A_65 = tpu.memref_slice %arg15[%dma_start3A, %dma_start3A_63, %dma_start3A_64] : memref<2x8x128xi32, #tpu.memory_space<vmem>> -> memref<1x8x128xi32, #tpu.memory_space<vmem>>
      %dma_start3A_66 = tpu.memref_squeeze %dma_start3A_65 : memref<1x8x128xi32, #tpu.memory_space<vmem>> -> memref<8x128xi32, #tpu.memory_space<vmem>>
      %dma_start3A_67 = arith.constant 0 : i32
      %dma_start3A_68 = tpu.memref_slice %arg4[%add3A_60, %dma_start3A_67] : memref<1280x128xi32, #tpu.memory_space<hbm>> -> memref<8x128xi32, #tpu.memory_space<hbm>>
      %dma_start3A_69 = arith.constant 0 : i32
      %dma_start3A_70 = arith.constant 0 : i32
      %dma_start3A_71 = tpu.memref_slice %arg15[%dma_start3A, %dma_start3A_69, %dma_start3A_70] : memref<2x8x128xi32, #tpu.memory_space<vmem>> -> memref<1x8x128xi32, #tpu.memory_space<vmem>>
      %dma_start3A_72 = tpu.memref_squeeze %dma_start3A_71 : memref<1x8x128xi32, #tpu.memory_space<vmem>> -> memref<8x128xi32, #tpu.memory_space<vmem>>
      %dma_start3A_73 = arith.constant 0 : i32
      %dma_start3A_74 = tpu.memref_slice %arg4[%add3A_60, %dma_start3A_73] : memref<1280x128xi32, #tpu.memory_space<hbm>> -> memref<8x128xi32, #tpu.memory_space<hbm>>
      tpu.enqueue_dma source(%dma_start3A_74 : memref<8x128xi32, #tpu.memory_space<hbm>>) target(%dma_start3A_72 : memref<8x128xi32, #tpu.memory_space<vmem>>) target_semaphore(%arg24 : memref<!tpu.dma_semaphore, #tpu.memory_space<semaphore_mem>>)
      %dma_start3A_75 = arith.constant 0 : i32
      %dma_start3A_76 = arith.constant 0 : i32
      %dma_start3A_77 = arith.constant 0 : i32
      %dma_start3A_78 = tpu.memref_slice %arg16[%dma_start3A_75, %dma_start3A_76, %dma_start3A_77] : memref<2x8x128xi32, #tpu.memory_space<vmem>> -> memref<1x8x128xi32, #tpu.memory_space<vmem>>
      %dma_start3A_79 = tpu.memref_squeeze %dma_start3A_78 : memref<1x8x128xi32, #tpu.memory_space<vmem>> -> memref<8x128xi32, #tpu.memory_space<vmem>>
      %dma_start3A_80 = arith.constant 0 : i32
      %dma_start3A_81 = tpu.memref_slice %arg5[%add3A_62, %dma_start3A_80] : memref<1280x128xi32, #tpu.memory_space<hbm>> -> memref<8x128xi32, #tpu.memory_space<hbm>>
      %dma_start3A_82 = arith.constant 0 : i32
      %dma_start3A_83 = arith.constant 0 : i32
      %dma_start3A_84 = tpu.memref_slice %arg16[%dma_start3A_75, %dma_start3A_82, %dma_start3A_83] : memref<2x8x128xi32, #tpu.memory_space<vmem>> -> memref<1x8x128xi32, #tpu.memory_space<vmem>>
      %dma_start3A_85 = tpu.memref_squeeze %dma_start3A_84 : memref<1x8x128xi32, #tpu.memory_space<vmem>> -> memref<8x128xi32, #tpu.memory_space<vmem>>
      %dma_start3A_86 = arith.constant 0 : i32
      %dma_start3A_87 = tpu.memref_slice %arg5[%add3A_62, %dma_start3A_86] : memref<1280x128xi32, #tpu.memory_space<hbm>> -> memref<8x128xi32, #tpu.memory_space<hbm>>
      tpu.enqueue_dma source(%dma_start3A_87 : memref<8x128xi32, #tpu.memory_space<hbm>>) target(%dma_start3A_85 : memref<8x128xi32, #tpu.memory_space<vmem>>) target_semaphore(%arg24 : memref<!tpu.dma_semaphore, #tpu.memory_space<semaphore_mem>>)
      %scan3A = arith.constant 0 : i32
      %scan3A_88 = arith.constant 10 : i32
      %scan3A_89 = arith.addi %scan3A, %scan3A_88 : i32
      %scan3A_90 = arith.constant 1 : i32
      scf.for %scan3A_115 = %scan3A to %scan3A_89 step %scan3A_90  : i32 {
        %mul3A_116 = arith.constant 1 : i32
        %mul3A_117 = arith.muli %scan3A_115, %mul3A_116 : i32
        %add3A_118 = arith.constant 0 : i32
        %add3A_119 = arith.addi %add3A_118, %mul3A_117 : i32
        %rem3A = arith.constant 2 : i32
        %rem3A_120 = arith.remsi %add3A_119, %rem3A : i32
        %sub3A = arith.constant 1 : i32
        %sub3A_121 = arith.subi %sub3A, %rem3A_120 : i32
        %mul3A_122 = arith.constant 8 : i32
        %mul3A_123 = arith.muli %add3A_119, %mul3A_122 : i32
        %add3A_124 = arith.addi %mul3A_0, %mul3A_123 : i32
        %mul3A_125 = arith.constant 8 : i32
        %mul3A_126 = arith.muli %add3A_119, %mul3A_125 : i32
        %add3A_127 = arith.addi %mul3A_0, %mul3A_126 : i32
        %dma_wait3A_128 = arith.constant 0 : i32
        %dma_wait3A_129 = arith.constant 0 : i32
        %dma_wait3A_130 = tpu.memref_slice %arg15[%rem3A_120, %dma_wait3A_128, %dma_wait3A_129] : memref<2x8x128xi32, #tpu.memory_space<vmem>> -> memref<1x8x128xi32, #tpu.memory_space<vmem>>
        %dma_wait3A_131 = tpu.memref_squeeze %dma_wait3A_130 : memref<1x8x128xi32, #tpu.memory_space<vmem>> -> memref<8x128xi32, #tpu.memory_space<vmem>>
        %dma_wait3A_132 = arith.constant 0 : i32
        %dma_wait3A_133 = tpu.memref_slice %arg4[%add3A_124, %dma_wait3A_132] : memref<1280x128xi32, #tpu.memory_space<hbm>> -> memref<8x128xi32, #tpu.memory_space<hbm>>
        %dma_wait3A_134 = arith.constant 0 : i32
        %dma_wait3A_135 = arith.constant 0 : i32
        %dma_wait3A_136 = tpu.memref_slice %arg15[%rem3A_120, %dma_wait3A_134, %dma_wait3A_135] : memref<2x8x128xi32, #tpu.memory_space<vmem>> -> memref<1x8x128xi32, #tpu.memory_space<vmem>>
        %dma_wait3A_137 = tpu.memref_squeeze %dma_wait3A_136 : memref<1x8x128xi32, #tpu.memory_space<vmem>> -> memref<8x128xi32, #tpu.memory_space<vmem>>
        %dma_wait3A_138 = arith.constant 0 : i32
        %dma_wait3A_139 = tpu.memref_slice %arg4[%add3A_124, %dma_wait3A_138] : memref<1280x128xi32, #tpu.memory_space<hbm>> -> memref<8x128xi32, #tpu.memory_space<hbm>>
        tpu.wait_dma2 semaphore(%arg24 : memref<!tpu.dma_semaphore, #tpu.memory_space<semaphore_mem>>) src(%dma_wait3A_139 : memref<8x128xi32, #tpu.memory_space<hbm>>) dst(%dma_wait3A_137 : memref<8x128xi32, #tpu.memory_space<vmem>>)
        %dma_wait3A_140 = arith.constant 0 : i32
        %dma_wait3A_141 = arith.constant 0 : i32
        %dma_wait3A_142 = tpu.memref_slice %arg16[%rem3A_120, %dma_wait3A_140, %dma_wait3A_141] : memref<2x8x128xi32, #tpu.memory_space<vmem>> -> memref<1x8x128xi32, #tpu.memory_space<vmem>>
        %dma_wait3A_143 = tpu.memref_squeeze %dma_wait3A_142 : memref<1x8x128xi32, #tpu.memory_space<vmem>> -> memref<8x128xi32, #tpu.memory_space<vmem>>
        %dma_wait3A_144 = arith.constant 0 : i32
        %dma_wait3A_145 = tpu.memref_slice %arg5[%add3A_127, %dma_wait3A_144] : memref<1280x128xi32, #tpu.memory_space<hbm>> -> memref<8x128xi32, #tpu.memory_space<hbm>>
        %dma_wait3A_146 = arith.constant 0 : i32
        %dma_wait3A_147 = arith.constant 0 : i32
        %dma_wait3A_148 = tpu.memref_slice %arg16[%rem3A_120, %dma_wait3A_146, %dma_wait3A_147] : memref<2x8x128xi32, #tpu.memory_space<vmem>> -> memref<1x8x128xi32, #tpu.memory_space<vmem>>
        %dma_wait3A_149 = tpu.memref_squeeze %dma_wait3A_148 : memref<1x8x128xi32, #tpu.memory_space<vmem>> -> memref<8x128xi32, #tpu.memory_space<vmem>>
        %dma_wait3A_150 = arith.constant 0 : i32
        %dma_wait3A_151 = tpu.memref_slice %arg5[%add3A_127, %dma_wait3A_150] : memref<1280x128xi32, #tpu.memory_space<hbm>> -> memref<8x128xi32, #tpu.memory_space<hbm>>
        tpu.wait_dma2 semaphore(%arg24 : memref<!tpu.dma_semaphore, #tpu.memory_space<semaphore_mem>>) src(%dma_wait3A_151 : memref<8x128xi32, #tpu.memory_space<hbm>>) dst(%dma_wait3A_149 : memref<8x128xi32, #tpu.memory_space<vmem>>)
        %gt3A = arith.constant 0 : i32
        %gt3A_152 = arith.cmpi sgt, %add3A_119, %gt3A : i32
        %convert_element_type3A_153 = arith.extui %gt3A_152 : i1 to i32
        %cond3A_154 = arith.constant 0 : i32
        %cond3A_155 = arith.cmpi ne, %convert_element_type3A_153, %cond3A_154 : i32
        scf.if %cond3A_155 {
          %dma_wait3A_493 = arith.constant 6 : i32
          %dma_wait3A_494 = arith.constant 0 : i32
          %dma_wait3A_495 = arith.constant 0 : i32
          %dma_wait3A_496 = tpu.memref_slice %arg16[%sub3A_121, %dma_wait3A_494, %dma_wait3A_495] : memref<2x8x128xi32, #tpu.memory_space<vmem>> -> memref<1x8x128xi32, #tpu.memory_space<vmem>>
          %dma_wait3A_497 = tpu.memref_squeeze %dma_wait3A_496 : memref<1x8x128xi32, #tpu.memory_space<vmem>> -> memref<8x128xi32, #tpu.memory_space<vmem>>
          %dma_wait3A_498 = arith.constant 0 : i32
          %dma_wait3A_499 = tpu.memref_slice %dma_wait3A_497[%dma_wait3A_493, %dma_wait3A_498] : memref<8x128xi32, #tpu.memory_space<vmem>> -> memref<1x128xi32, #tpu.memory_space<vmem>>
          %dma_wait3A_500 = tpu.memref_squeeze %dma_wait3A_499 : memref<1x128xi32, #tpu.memory_space<vmem>> -> memref<128xi32, #tpu.memory_space<vmem>>
          %dma_wait3A_501 = arith.constant 0 : i32
          %dma_wait3A_502 = arith.constant 0 : i32
          %dma_wait3A_503 = tpu.memref_slice %arg19[%dma_wait3A_501, %dma_wait3A_502] : memref<10008x128xf32, #tpu.memory_space<vmem_shared>> -> memref<10008x128xf32, #tpu.memory_space<vmem_shared>>
          tpu.wait_indirect_dma semaphore(%arg22 : memref<!tpu.dma_semaphore, #tpu.memory_space<semaphore_mem>>) src(%arg17 : memref<128x128xf32, #tpu.memory_space<vmem>>) dst(%dma_wait3A_503 : memref<10008x128xf32, #tpu.memory_space<vmem_shared>>)
          %dma_wait3A_504 = arith.constant 7 : i32
          %dma_wait3A_505 = arith.constant 0 : i32
          %dma_wait3A_506 = arith.constant 0 : i32
          %dma_wait3A_507 = tpu.memref_slice %arg16[%sub3A_121, %dma_wait3A_505, %dma_wait3A_506] : memref<2x8x128xi32, #tpu.memory_space<vmem>> -> memref<1x8x128xi32, #tpu.memory_space<vmem>>
          %dma_wait3A_508 = tpu.memref_squeeze %dma_wait3A_507 : memref<1x8x128xi32, #tpu.memory_space<vmem>> -> memref<8x128xi32, #tpu.memory_space<vmem>>
          %dma_wait3A_509 = arith.constant 0 : i32
          %dma_wait3A_510 = tpu.memref_slice %dma_wait3A_508[%dma_wait3A_504, %dma_wait3A_509] : memref<8x128xi32, #tpu.memory_space<vmem>> -> memref<1x128xi32, #tpu.memory_space<vmem>>
          %dma_wait3A_511 = tpu.memref_squeeze %dma_wait3A_510 : memref<1x128xi32, #tpu.memory_space<vmem>> -> memref<128xi32, #tpu.memory_space<vmem>>
          %dma_wait3A_512 = arith.constant 0 : i32
          %dma_wait3A_513 = arith.constant 0 : i32
          %dma_wait3A_514 = tpu.memref_slice %arg19[%dma_wait3A_512, %dma_wait3A_513] : memref<10008x128xf32, #tpu.memory_space<vmem_shared>> -> memref<10008x128xf32, #tpu.memory_space<vmem_shared>>
          tpu.wait_indirect_dma semaphore(%arg23 : memref<!tpu.dma_semaphore, #tpu.memory_space<semaphore_mem>>) src(%arg18 : memref<128x128xf32, #tpu.memory_space<vmem>>) dst(%dma_wait3A_514 : memref<10008x128xf32, #tpu.memory_space<vmem_shared>>)
        } else {
        }
        %add3A_156 = arith.constant 1 : i32
        %add3A_157 = arith.addi %add3A_119, %add3A_156 : i32
        %lt3A_158 = arith.constant 10 : i32
        %lt3A_159 = arith.cmpi slt, %add3A_157, %lt3A_158 : i32
        %convert_element_type3A_160 = arith.extui %lt3A_159 : i1 to i32
        %cond3A_161 = arith.constant 0 : i32
        %cond3A_162 = arith.cmpi ne, %convert_element_type3A_160, %cond3A_161 : i32
        scf.if %cond3A_162 {
          %add3A_493 = arith.constant 1 : i32
          %add3A_494 = arith.addi %add3A_119, %add3A_493 : i32
          %mul3A_495 = arith.constant 8 : i32
          %mul3A_496 = arith.muli %add3A_494, %mul3A_495 : i32
          %add3A_497 = arith.addi %mul3A_0, %mul3A_496 : i32
          %mul3A_498 = arith.constant 8 : i32
          %mul3A_499 = arith.muli %add3A_494, %mul3A_498 : i32
          %add3A_500 = arith.addi %mul3A_0, %mul3A_499 : i32
          %dma_start3A_501 = arith.constant 0 : i32
          %dma_start3A_502 = arith.constant 0 : i32
          %dma_start3A_503 = tpu.memref_slice %arg15[%sub3A_121, %dma_start3A_501, %dma_start3A_502] : memref<2x8x128xi32, #tpu.memory_space<vmem>> -> memref<1x8x128xi32, #tpu.memory_space<vmem>>
          %dma_start3A_504 = tpu.memref_squeeze %dma_start3A_503 : memref<1x8x128xi32, #tpu.memory_space<vmem>> -> memref<8x128xi32, #tpu.memory_space<vmem>>
          %dma_start3A_505 = arith.constant 0 : i32
          %dma_start3A_506 = tpu.memref_slice %arg4[%add3A_497, %dma_start3A_505] : memref<1280x128xi32, #tpu.memory_space<hbm>> -> memref<8x128xi32, #tpu.memory_space<hbm>>
          %dma_start3A_507 = arith.constant 0 : i32
          %dma_start3A_508 = arith.constant 0 : i32
          %dma_start3A_509 = tpu.memref_slice %arg15[%sub3A_121, %dma_start3A_507, %dma_start3A_508] : memref<2x8x128xi32, #tpu.memory_space<vmem>> -> memref<1x8x128xi32, #tpu.memory_space<vmem>>
          %dma_start3A_510 = tpu.memref_squeeze %dma_start3A_509 : memref<1x8x128xi32, #tpu.memory_space<vmem>> -> memref<8x128xi32, #tpu.memory_space<vmem>>
          %dma_start3A_511 = arith.constant 0 : i32
          %dma_start3A_512 = tpu.memref_slice %arg4[%add3A_497, %dma_start3A_511] : memref<1280x128xi32, #tpu.memory_space<hbm>> -> memref<8x128xi32, #tpu.memory_space<hbm>>
          tpu.enqueue_dma source(%dma_start3A_512 : memref<8x128xi32, #tpu.memory_space<hbm>>) target(%dma_start3A_510 : memref<8x128xi32, #tpu.memory_space<vmem>>) target_semaphore(%arg24 : memref<!tpu.dma_semaphore, #tpu.memory_space<semaphore_mem>>)
          %dma_start3A_513 = arith.constant 0 : i32
          %dma_start3A_514 = arith.constant 0 : i32
          %dma_start3A_515 = tpu.memref_slice %arg16[%sub3A_121, %dma_start3A_513, %dma_start3A_514] : memref<2x8x128xi32, #tpu.memory_space<vmem>> -> memref<1x8x128xi32, #tpu.memory_space<vmem>>
          %dma_start3A_516 = tpu.memref_squeeze %dma_start3A_515 : memref<1x8x128xi32, #tpu.memory_space<vmem>> -> memref<8x128xi32, #tpu.memory_space<vmem>>
          %dma_start3A_517 = arith.constant 0 : i32
          %dma_start3A_518 = tpu.memref_slice %arg5[%add3A_500, %dma_start3A_517] : memref<1280x128xi32, #tpu.memory_space<hbm>> -> memref<8x128xi32, #tpu.memory_space<hbm>>
          %dma_start3A_519 = arith.constant 0 : i32
          %dma_start3A_520 = arith.constant 0 : i32
          %dma_start3A_521 = tpu.memref_slice %arg16[%sub3A_121, %dma_start3A_519, %dma_start3A_520] : memref<2x8x128xi32, #tpu.memory_space<vmem>> -> memref<1x8x128xi32, #tpu.memory_space<vmem>>
          %dma_start3A_522 = tpu.memref_squeeze %dma_start3A_521 : memref<1x8x128xi32, #tpu.memory_space<vmem>> -> memref<8x128xi32, #tpu.memory_space<vmem>>
          %dma_start3A_523 = arith.constant 0 : i32
          %dma_start3A_524 = tpu.memref_slice %arg5[%add3A_500, %dma_start3A_523] : memref<1280x128xi32, #tpu.memory_space<hbm>> -> memref<8x128xi32, #tpu.memory_space<hbm>>
          tpu.enqueue_dma source(%dma_start3A_524 : memref<8x128xi32, #tpu.memory_space<hbm>>) target(%dma_start3A_522 : memref<8x128xi32, #tpu.memory_space<vmem>>) target_semaphore(%arg24 : memref<!tpu.dma_semaphore, #tpu.memory_space<semaphore_mem>>)
        } else {
        }
        %dma_start3A_163 = arith.constant 0 : i32
        %dma_start3A_164 = arith.constant 0 : i32
        %dma_start3A_165 = arith.constant 0 : i32
        %dma_start3A_166 = tpu.memref_slice %arg15[%rem3A_120, %dma_start3A_164, %dma_start3A_165] : memref<2x8x128xi32, #tpu.memory_space<vmem>> -> memref<1x8x128xi32, #tpu.memory_space<vmem>>
        %dma_start3A_167 = tpu.memref_squeeze %dma_start3A_166 : memref<1x8x128xi32, #tpu.memory_space<vmem>> -> memref<8x128xi32, #tpu.memory_space<vmem>>
        %dma_start3A_168 = arith.constant 0 : i32
        %dma_start3A_169 = tpu.memref_slice %dma_start3A_167[%dma_start3A_163, %dma_start3A_168] : memref<8x128xi32, #tpu.memory_space<vmem>> -> memref<1x128xi32, #tpu.memory_space<vmem>>
        %dma_start3A_170 = tpu.memref_squeeze %dma_start3A_169 : memref<1x128xi32, #tpu.memory_space<vmem>> -> memref<128xi32, #tpu.memory_space<vmem>>
        %dma_start3A_171 = arith.constant 0 : i32
        %dma_start3A_172 = arith.constant 0 : i32
        %dma_start3A_173 = tpu.memref_slice %arg3[%dma_start3A_171, %dma_start3A_172] : memref<10000x128xf32, #tpu.memory_space<hbm>> -> memref<10000x128xf32, #tpu.memory_space<hbm>>
        tpu.enqueue_indirect_dma source(%dma_start3A_173 : memref<10000x128xf32, #tpu.memory_space<hbm>>) target(%arg17 : memref<128x128xf32, #tpu.memory_space<vmem>>) offsets(%dma_start3A_170 : memref<128xi32, #tpu.memory_space<vmem>>) semaphore(%arg20 : memref<!tpu.dma_semaphore, #tpu.memory_space<semaphore_mem>>)
        %dma_start3A_174 = arith.constant 1 : i32
        %dma_start3A_175 = arith.constant 0 : i32
        %dma_start3A_176 = arith.constant 0 : i32
        %dma_start3A_177 = tpu.memref_slice %arg15[%rem3A_120, %dma_start3A_175, %dma_start3A_176] : memref<2x8x128xi32, #tpu.memory_space<vmem>> -> memref<1x8x128xi32, #tpu.memory_space<vmem>>
        %dma_start3A_178 = tpu.memref_squeeze %dma_start3A_177 : memref<1x8x128xi32, #tpu.memory_space<vmem>> -> memref<8x128xi32, #tpu.memory_space<vmem>>
        %dma_start3A_179 = arith.constant 0 : i32
        %dma_start3A_180 = tpu.memref_slice %dma_start3A_178[%dma_start3A_174, %dma_start3A_179] : memref<8x128xi32, #tpu.memory_space<vmem>> -> memref<1x128xi32, #tpu.memory_space<vmem>>
        %dma_start3A_181 = tpu.memref_squeeze %dma_start3A_180 : memref<1x128xi32, #tpu.memory_space<vmem>> -> memref<128xi32, #tpu.memory_space<vmem>>
        %dma_start3A_182 = arith.constant 0 : i32
        %dma_start3A_183 = arith.constant 0 : i32
        %dma_start3A_184 = tpu.memref_slice %arg3[%dma_start3A_182, %dma_start3A_183] : memref<10000x128xf32, #tpu.memory_space<hbm>> -> memref<10000x128xf32, #tpu.memory_space<hbm>>
        tpu.enqueue_indirect_dma source(%dma_start3A_184 : memref<10000x128xf32, #tpu.memory_space<hbm>>) target(%arg18 : memref<128x128xf32, #tpu.memory_space<vmem>>) offsets(%dma_start3A_181 : memref<128xi32, #tpu.memory_space<vmem>>) semaphore(%arg21 : memref<!tpu.dma_semaphore, #tpu.memory_space<semaphore_mem>>)
        %dma_wait3A_185 = arith.constant 0 : i32
        %dma_wait3A_186 = arith.constant 0 : i32
        %dma_wait3A_187 = arith.constant 0 : i32
        %dma_wait3A_188 = tpu.memref_slice %arg15[%rem3A_120, %dma_wait3A_186, %dma_wait3A_187] : memref<2x8x128xi32, #tpu.memory_space<vmem>> -> memref<1x8x128xi32, #tpu.memory_space<vmem>>
        %dma_wait3A_189 = tpu.memref_squeeze %dma_wait3A_188 : memref<1x8x128xi32, #tpu.memory_space<vmem>> -> memref<8x128xi32, #tpu.memory_space<vmem>>
        %dma_wait3A_190 = arith.constant 0 : i32
        %dma_wait3A_191 = tpu.memref_slice %dma_wait3A_189[%dma_wait3A_185, %dma_wait3A_190] : memref<8x128xi32, #tpu.memory_space<vmem>> -> memref<1x128xi32, #tpu.memory_space<vmem>>
        %dma_wait3A_192 = tpu.memref_squeeze %dma_wait3A_191 : memref<1x128xi32, #tpu.memory_space<vmem>> -> memref<128xi32, #tpu.memory_space<vmem>>
        %dma_wait3A_193 = arith.constant 0 : i32
        %dma_wait3A_194 = arith.constant 0 : i32
        %dma_wait3A_195 = tpu.memref_slice %arg3[%dma_wait3A_193, %dma_wait3A_194] : memref<10000x128xf32, #tpu.memory_space<hbm>> -> memref<10000x128xf32, #tpu.memory_space<hbm>>
        tpu.wait_indirect_dma semaphore(%arg20 : memref<!tpu.dma_semaphore, #tpu.memory_space<semaphore_mem>>) src(%dma_wait3A_195 : memref<10000x128xf32, #tpu.memory_space<hbm>>) dst(%arg17 : memref<128x128xf32, #tpu.memory_space<vmem>>)
        %dma_start3A_196 = arith.constant 0 : i32
        %dma_start3A_197 = arith.constant 0 : i32
        %dma_start3A_198 = arith.constant 0 : i32
        %dma_start3A_199 = tpu.memref_slice %arg16[%rem3A_120, %dma_start3A_197, %dma_start3A_198] : memref<2x8x128xi32, #tpu.memory_space<vmem>> -> memref<1x8x128xi32, #tpu.memory_space<vmem>>
        %dma_start3A_200 = tpu.memref_squeeze %dma_start3A_199 : memref<1x8x128xi32, #tpu.memory_space<vmem>> -> memref<8x128xi32, #tpu.memory_space<vmem>>
        %dma_start3A_201 = arith.constant 0 : i32
        %dma_start3A_202 = tpu.memref_slice %dma_start3A_200[%dma_start3A_196, %dma_start3A_201] : memref<8x128xi32, #tpu.memory_space<vmem>> -> memref<1x128xi32, #tpu.memory_space<vmem>>
        %dma_start3A_203 = tpu.memref_squeeze %dma_start3A_202 : memref<1x128xi32, #tpu.memory_space<vmem>> -> memref<128xi32, #tpu.memory_space<vmem>>
        %dma_start3A_204 = arith.constant 0 : i32
        %dma_start3A_205 = arith.constant 0 : i32
        %dma_start3A_206 = tpu.memref_slice %arg19[%dma_start3A_204, %dma_start3A_205] : memref<10008x128xf32, #tpu.memory_space<vmem_shared>> -> memref<10008x128xf32, #tpu.memory_space<vmem_shared>>
        tpu.enqueue_indirect_dma source(%arg17 : memref<128x128xf32, #tpu.memory_space<vmem>>) target(%dma_start3A_206 : memref<10008x128xf32, #tpu.memory_space<vmem_shared>>) offsets(%dma_start3A_203 : memref<128xi32, #tpu.memory_space<vmem>>) semaphore(%arg22 : memref<!tpu.dma_semaphore, #tpu.memory_space<semaphore_mem>>) {add = true}
        %dma_wait3A_207 = arith.constant 0 : i32
        %dma_wait3A_208 = arith.constant 0 : i32
        %dma_wait3A_209 = arith.constant 0 : i32
        %dma_wait3A_210 = tpu.memref_slice %arg16[%rem3A_120, %dma_wait3A_208, %dma_wait3A_209] : memref<2x8x128xi32, #tpu.memory_space<vmem>> -> memref<1x8x128xi32, #tpu.memory_space<vmem>>
        %dma_wait3A_211 = tpu.memref_squeeze %dma_wait3A_210 : memref<1x8x128xi32, #tpu.memory_space<vmem>> -> memref<8x128xi32, #tpu.memory_space<vmem>>
        %dma_wait3A_212 = arith.constant 0 : i32
        %dma_wait3A_213 = tpu.memref_slice %dma_wait3A_211[%dma_wait3A_207, %dma_wait3A_212] : memref<8x128xi32, #tpu.memory_space<vmem>> -> memref<1x128xi32, #tpu.memory_space<vmem>>
        %dma_wait3A_214 = tpu.memref_squeeze %dma_wait3A_213 : memref<1x128xi32, #tpu.memory_space<vmem>> -> memref<128xi32, #tpu.memory_space<vmem>>
        %dma_wait3A_215 = arith.constant 0 : i32
        %dma_wait3A_216 = arith.constant 0 : i32
        %dma_wait3A_217 = tpu.memref_slice %arg19[%dma_wait3A_215, %dma_wait3A_216] : memref<10008x128xf32, #tpu.memory_space<vmem_shared>> -> memref<10008x128xf32, #tpu.memory_space<vmem_shared>>
        tpu.wait_indirect_dma semaphore(%arg22 : memref<!tpu.dma_semaphore, #tpu.memory_space<semaphore_mem>>) src(%arg17 : memref<128x128xf32, #tpu.memory_space<vmem>>) dst(%dma_wait3A_217 : memref<10008x128xf32, #tpu.memory_space<vmem_shared>>)
        %dma_start3A_218 = arith.constant 2 : i32
        %dma_start3A_219 = arith.constant 0 : i32
        %dma_start3A_220 = arith.constant 0 : i32
        %dma_start3A_221 = tpu.memref_slice %arg15[%rem3A_120, %dma_start3A_219, %dma_start3A_220] : memref<2x8x128xi32, #tpu.memory_space<vmem>> -> memref<1x8x128xi32, #tpu.memory_space<vmem>>
        %dma_start3A_222 = tpu.memref_squeeze %dma_start3A_221 : memref<1x8x128xi32, #tpu.memory_space<vmem>> -> memref<8x128xi32, #tpu.memory_space<vmem>>
        %dma_start3A_223 = arith.constant 0 : i32
        %dma_start3A_224 = tpu.memref_slice %dma_start3A_222[%dma_start3A_218, %dma_start3A_223] : memref<8x128xi32, #tpu.memory_space<vmem>> -> memref<1x128xi32, #tpu.memory_space<vmem>>
        %dma_start3A_225 = tpu.memref_squeeze %dma_start3A_224 : memref<1x128xi32, #tpu.memory_space<vmem>> -> memref<128xi32, #tpu.memory_space<vmem>>
        %dma_start3A_226 = arith.constant 0 : i32
        %dma_start3A_227 = arith.constant 0 : i32
        %dma_start3A_228 = tpu.memref_slice %arg3[%dma_start3A_226, %dma_start3A_227] : memref<10000x128xf32, #tpu.memory_space<hbm>> -> memref<10000x128xf32, #tpu.memory_space<hbm>>
        tpu.enqueue_indirect_dma source(%dma_start3A_228 : memref<10000x128xf32, #tpu.memory_space<hbm>>) target(%arg17 : memref<128x128xf32, #tpu.memory_space<vmem>>) offsets(%dma_start3A_225 : memref<128xi32, #tpu.memory_space<vmem>>) semaphore(%arg20 : memref<!tpu.dma_semaphore, #tpu.memory_space<semaphore_mem>>)
        %dma_wait3A_229 = arith.constant 1 : i32
        %dma_wait3A_230 = arith.constant 0 : i32
        %dma_wait3A_231 = arith.constant 0 : i32
        %dma_wait3A_232 = tpu.memref_slice %arg15[%rem3A_120, %dma_wait3A_230, %dma_wait3A_231] : memref<2x8x128xi32, #tpu.memory_space<vmem>> -> memref<1x8x128xi32, #tpu.memory_space<vmem>>
        %dma_wait3A_233 = tpu.memref_squeeze %dma_wait3A_232 : memref<1x8x128xi32, #tpu.memory_space<vmem>> -> memref<8x128xi32, #tpu.memory_space<vmem>>
        %dma_wait3A_234 = arith.constant 0 : i32
        %dma_wait3A_235 = tpu.memref_slice %dma_wait3A_233[%dma_wait3A_229, %dma_wait3A_234] : memref<8x128xi32, #tpu.memory_space<vmem>> -> memref<1x128xi32, #tpu.memory_space<vmem>>
        %dma_wait3A_236 = tpu.memref_squeeze %dma_wait3A_235 : memref<1x128xi32, #tpu.memory_space<vmem>> -> memref<128xi32, #tpu.memory_space<vmem>>
        %dma_wait3A_237 = arith.constant 0 : i32
        %dma_wait3A_238 = arith.constant 0 : i32
        %dma_wait3A_239 = tpu.memref_slice %arg3[%dma_wait3A_237, %dma_wait3A_238] : memref<10000x128xf32, #tpu.memory_space<hbm>> -> memref<10000x128xf32, #tpu.memory_space<hbm>>
        tpu.wait_indirect_dma semaphore(%arg21 : memref<!tpu.dma_semaphore, #tpu.memory_space<semaphore_mem>>) src(%dma_wait3A_239 : memref<10000x128xf32, #tpu.memory_space<hbm>>) dst(%arg18 : memref<128x128xf32, #tpu.memory_space<vmem>>)
        %dma_start3A_240 = arith.constant 1 : i32
        %dma_start3A_241 = arith.constant 0 : i32
        %dma_start3A_242 = arith.constant 0 : i32
        %dma_start3A_243 = tpu.memref_slice %arg16[%rem3A_120, %dma_start3A_241, %dma_start3A_242] : memref<2x8x128xi32, #tpu.memory_space<vmem>> -> memref<1x8x128xi32, #tpu.memory_space<vmem>>
        %dma_start3A_244 = tpu.memref_squeeze %dma_start3A_243 : memref<1x8x128xi32, #tpu.memory_space<vmem>> -> memref<8x128xi32, #tpu.memory_space<vmem>>
        %dma_start3A_245 = arith.constant 0 : i32
        %dma_start3A_246 = tpu.memref_slice %dma_start3A_244[%dma_start3A_240, %dma_start3A_245] : memref<8x128xi32, #tpu.memory_space<vmem>> -> memref<1x128xi32, #tpu.memory_space<vmem>>
        %dma_start3A_247 = tpu.memref_squeeze %dma_start3A_246 : memref<1x128xi32, #tpu.memory_space<vmem>> -> memref<128xi32, #tpu.memory_space<vmem>>
        %dma_start3A_248 = arith.constant 0 : i32
        %dma_start3A_249 = arith.constant 0 : i32
        %dma_start3A_250 = tpu.memref_slice %arg19[%dma_start3A_248, %dma_start3A_249] : memref<10008x128xf32, #tpu.memory_space<vmem_shared>> -> memref<10008x128xf32, #tpu.memory_space<vmem_shared>>
        tpu.enqueue_indirect_dma source(%arg18 : memref<128x128xf32, #tpu.memory_space<vmem>>) target(%dma_start3A_250 : memref<10008x128xf32, #tpu.memory_space<vmem_shared>>) offsets(%dma_start3A_247 : memref<128xi32, #tpu.memory_space<vmem>>) semaphore(%arg23 : memref<!tpu.dma_semaphore, #tpu.memory_space<semaphore_mem>>) {add = true}
        %dma_wait3A_251 = arith.constant 1 : i32
        %dma_wait3A_252 = arith.constant 0 : i32
        %dma_wait3A_253 = arith.constant 0 : i32
        %dma_wait3A_254 = tpu.memref_slice %arg16[%rem3A_120, %dma_wait3A_252, %dma_wait3A_253] : memref<2x8x128xi32, #tpu.memory_space<vmem>> -> memref<1x8x128xi32, #tpu.memory_space<vmem>>
        %dma_wait3A_255 = tpu.memref_squeeze %dma_wait3A_254 : memref<1x8x128xi32, #tpu.memory_space<vmem>> -> memref<8x128xi32, #tpu.memory_space<vmem>>
        %dma_wait3A_256 = arith.constant 0 : i32
        %dma_wait3A_257 = tpu.memref_slice %dma_wait3A_255[%dma_wait3A_251, %dma_wait3A_256] : memref<8x128xi32, #tpu.memory_space<vmem>> -> memref<1x128xi32, #tpu.memory_space<vmem>>
        %dma_wait3A_258 = tpu.memref_squeeze %dma_wait3A_257 : memref<1x128xi32, #tpu.memory_space<vmem>> -> memref<128xi32, #tpu.memory_space<vmem>>
        %dma_wait3A_259 = arith.constant 0 : i32
        %dma_wait3A_260 = arith.constant 0 : i32
        %dma_wait3A_261 = tpu.memref_slice %arg19[%dma_wait3A_259, %dma_wait3A_260] : memref<10008x128xf32, #tpu.memory_space<vmem_shared>> -> memref<10008x128xf32, #tpu.memory_space<vmem_shared>>
        tpu.wait_indirect_dma semaphore(%arg23 : memref<!tpu.dma_semaphore, #tpu.memory_space<semaphore_mem>>) src(%arg18 : memref<128x128xf32, #tpu.memory_space<vmem>>) dst(%dma_wait3A_261 : memref<10008x128xf32, #tpu.memory_space<vmem_shared>>)
        %dma_start3A_262 = arith.constant 3 : i32
        %dma_start3A_263 = arith.constant 0 : i32
        %dma_start3A_264 = arith.constant 0 : i32
        %dma_start3A_265 = tpu.memref_slice %arg15[%rem3A_120, %dma_start3A_263, %dma_start3A_264] : memref<2x8x128xi32, #tpu.memory_space<vmem>> -> memref<1x8x128xi32, #tpu.memory_space<vmem>>
        %dma_start3A_266 = tpu.memref_squeeze %dma_start3A_265 : memref<1x8x128xi32, #tpu.memory_space<vmem>> -> memref<8x128xi32, #tpu.memory_space<vmem>>
        %dma_start3A_267 = arith.constant 0 : i32
        %dma_start3A_268 = tpu.memref_slice %dma_start3A_266[%dma_start3A_262, %dma_start3A_267] : memref<8x128xi32, #tpu.memory_space<vmem>> -> memref<1x128xi32, #tpu.memory_space<vmem>>
        %dma_start3A_269 = tpu.memref_squeeze %dma_start3A_268 : memref<1x128xi32, #tpu.memory_space<vmem>> -> memref<128xi32, #tpu.memory_space<vmem>>
        %dma_start3A_270 = arith.constant 0 : i32
        %dma_start3A_271 = arith.constant 0 : i32
        %dma_start3A_272 = tpu.memref_slice %arg3[%dma_start3A_270, %dma_start3A_271] : memref<10000x128xf32, #tpu.memory_space<hbm>> -> memref<10000x128xf32, #tpu.memory_space<hbm>>
        tpu.enqueue_indirect_dma source(%dma_start3A_272 : memref<10000x128xf32, #tpu.memory_space<hbm>>) target(%arg18 : memref<128x128xf32, #tpu.memory_space<vmem>>) offsets(%dma_start3A_269 : memref<128xi32, #tpu.memory_space<vmem>>) semaphore(%arg21 : memref<!tpu.dma_semaphore, #tpu.memory_space<semaphore_mem>>)
        %dma_wait3A_273 = arith.constant 2 : i32
        %dma_wait3A_274 = arith.constant 0 : i32
        %dma_wait3A_275 = arith.constant 0 : i32
        %dma_wait3A_276 = tpu.memref_slice %arg15[%rem3A_120, %dma_wait3A_274, %dma_wait3A_275] : memref<2x8x128xi32, #tpu.memory_space<vmem>> -> memref<1x8x128xi32, #tpu.memory_space<vmem>>
        %dma_wait3A_277 = tpu.memref_squeeze %dma_wait3A_276 : memref<1x8x128xi32, #tpu.memory_space<vmem>> -> memref<8x128xi32, #tpu.memory_space<vmem>>
        %dma_wait3A_278 = arith.constant 0 : i32
        %dma_wait3A_279 = tpu.memref_slice %dma_wait3A_277[%dma_wait3A_273, %dma_wait3A_278] : memref<8x128xi32, #tpu.memory_space<vmem>> -> memref<1x128xi32, #tpu.memory_space<vmem>>
        %dma_wait3A_280 = tpu.memref_squeeze %dma_wait3A_279 : memref<1x128xi32, #tpu.memory_space<vmem>> -> memref<128xi32, #tpu.memory_space<vmem>>
        %dma_wait3A_281 = arith.constant 0 : i32
        %dma_wait3A_282 = arith.constant 0 : i32
        %dma_wait3A_283 = tpu.memref_slice %arg3[%dma_wait3A_281, %dma_wait3A_282] : memref<10000x128xf32, #tpu.memory_space<hbm>> -> memref<10000x128xf32, #tpu.memory_space<hbm>>
        tpu.wait_indirect_dma semaphore(%arg20 : memref<!tpu.dma_semaphore, #tpu.memory_space<semaphore_mem>>) src(%dma_wait3A_283 : memref<10000x128xf32, #tpu.memory_space<hbm>>) dst(%arg17 : memref<128x128xf32, #tpu.memory_space<vmem>>)
        %dma_start3A_284 = arith.constant 2 : i32
        %dma_start3A_285 = arith.constant 0 : i32
        %dma_start3A_286 = arith.constant 0 : i32
        %dma_start3A_287 = tpu.memref_slice %arg16[%rem3A_120, %dma_start3A_285, %dma_start3A_286] : memref<2x8x128xi32, #tpu.memory_space<vmem>> -> memref<1x8x128xi32, #tpu.memory_space<vmem>>
        %dma_start3A_288 = tpu.memref_squeeze %dma_start3A_287 : memref<1x8x128xi32, #tpu.memory_space<vmem>> -> memref<8x128xi32, #tpu.memory_space<vmem>>
        %dma_start3A_289 = arith.constant 0 : i32
        %dma_start3A_290 = tpu.memref_slice %dma_start3A_288[%dma_start3A_284, %dma_start3A_289] : memref<8x128xi32, #tpu.memory_space<vmem>> -> memref<1x128xi32, #tpu.memory_space<vmem>>
        %dma_start3A_291 = tpu.memref_squeeze %dma_start3A_290 : memref<1x128xi32, #tpu.memory_space<vmem>> -> memref<128xi32, #tpu.memory_space<vmem>>
        %dma_start3A_292 = arith.constant 0 : i32
        %dma_start3A_293 = arith.constant 0 : i32
        %dma_start3A_294 = tpu.memref_slice %arg19[%dma_start3A_292, %dma_start3A_293] : memref<10008x128xf32, #tpu.memory_space<vmem_shared>> -> memref<10008x128xf32, #tpu.memory_space<vmem_shared>>
        tpu.enqueue_indirect_dma source(%arg17 : memref<128x128xf32, #tpu.memory_space<vmem>>) target(%dma_start3A_294 : memref<10008x128xf32, #tpu.memory_space<vmem_shared>>) offsets(%dma_start3A_291 : memref<128xi32, #tpu.memory_space<vmem>>) semaphore(%arg22 : memref<!tpu.dma_semaphore, #tpu.memory_space<semaphore_mem>>) {add = true}
        %dma_wait3A_295 = arith.constant 2 : i32
        %dma_wait3A_296 = arith.constant 0 : i32
        %dma_wait3A_297 = arith.constant 0 : i32
        %dma_wait3A_298 = tpu.memref_slice %arg16[%rem3A_120, %dma_wait3A_296, %dma_wait3A_297] : memref<2x8x128xi32, #tpu.memory_space<vmem>> -> memref<1x8x128xi32, #tpu.memory_space<vmem>>
        %dma_wait3A_299 = tpu.memref_squeeze %dma_wait3A_298 : memref<1x8x128xi32, #tpu.memory_space<vmem>> -> memref<8x128xi32, #tpu.memory_space<vmem>>
        %dma_wait3A_300 = arith.constant 0 : i32
        %dma_wait3A_301 = tpu.memref_slice %dma_wait3A_299[%dma_wait3A_295, %dma_wait3A_300] : memref<8x128xi32, #tpu.memory_space<vmem>> -> memref<1x128xi32, #tpu.memory_space<vmem>>
        %dma_wait3A_302 = tpu.memref_squeeze %dma_wait3A_301 : memref<1x128xi32, #tpu.memory_space<vmem>> -> memref<128xi32, #tpu.memory_space<vmem>>
        %dma_wait3A_303 = arith.constant 0 : i32
        %dma_wait3A_304 = arith.constant 0 : i32
        %dma_wait3A_305 = tpu.memref_slice %arg19[%dma_wait3A_303, %dma_wait3A_304] : memref<10008x128xf32, #tpu.memory_space<vmem_shared>> -> memref<10008x128xf32, #tpu.memory_space<vmem_shared>>
        tpu.wait_indirect_dma semaphore(%arg22 : memref<!tpu.dma_semaphore, #tpu.memory_space<semaphore_mem>>) src(%arg17 : memref<128x128xf32, #tpu.memory_space<vmem>>) dst(%dma_wait3A_305 : memref<10008x128xf32, #tpu.memory_space<vmem_shared>>)
        %dma_start3A_306 = arith.constant 4 : i32
        %dma_start3A_307 = arith.constant 0 : i32
        %dma_start3A_308 = arith.constant 0 : i32
        %dma_start3A_309 = tpu.memref_slice %arg15[%rem3A_120, %dma_start3A_307, %dma_start3A_308] : memref<2x8x128xi32, #tpu.memory_space<vmem>> -> memref<1x8x128xi32, #tpu.memory_space<vmem>>
        %dma_start3A_310 = tpu.memref_squeeze %dma_start3A_309 : memref<1x8x128xi32, #tpu.memory_space<vmem>> -> memref<8x128xi32, #tpu.memory_space<vmem>>
        %dma_start3A_311 = arith.constant 0 : i32
        %dma_start3A_312 = tpu.memref_slice %dma_start3A_310[%dma_start3A_306, %dma_start3A_311] : memref<8x128xi32, #tpu.memory_space<vmem>> -> memref<1x128xi32, #tpu.memory_space<vmem>>
        %dma_start3A_313 = tpu.memref_squeeze %dma_start3A_312 : memref<1x128xi32, #tpu.memory_space<vmem>> -> memref<128xi32, #tpu.memory_space<vmem>>
        %dma_start3A_314 = arith.constant 0 : i32
        %dma_start3A_315 = arith.constant 0 : i32
        %dma_start3A_316 = tpu.memref_slice %arg3[%dma_start3A_314, %dma_start3A_315] : memref<10000x128xf32, #tpu.memory_space<hbm>> -> memref<10000x128xf32, #tpu.memory_space<hbm>>
        tpu.enqueue_indirect_dma source(%dma_start3A_316 : memref<10000x128xf32, #tpu.memory_space<hbm>>) target(%arg17 : memref<128x128xf32, #tpu.memory_space<vmem>>) offsets(%dma_start3A_313 : memref<128xi32, #tpu.memory_space<vmem>>) semaphore(%arg20 : memref<!tpu.dma_semaphore, #tpu.memory_space<semaphore_mem>>)
        %dma_wait3A_317 = arith.constant 3 : i32
        %dma_wait3A_318 = arith.constant 0 : i32
        %dma_wait3A_319 = arith.constant 0 : i32
        %dma_wait3A_320 = tpu.memref_slice %arg15[%rem3A_120, %dma_wait3A_318, %dma_wait3A_319] : memref<2x8x128xi32, #tpu.memory_space<vmem>> -> memref<1x8x128xi32, #tpu.memory_space<vmem>>
        %dma_wait3A_321 = tpu.memref_squeeze %dma_wait3A_320 : memref<1x8x128xi32, #tpu.memory_space<vmem>> -> memref<8x128xi32, #tpu.memory_space<vmem>>
        %dma_wait3A_322 = arith.constant 0 : i32
        %dma_wait3A_323 = tpu.memref_slice %dma_wait3A_321[%dma_wait3A_317, %dma_wait3A_322] : memref<8x128xi32, #tpu.memory_space<vmem>> -> memref<1x128xi32, #tpu.memory_space<vmem>>
        %dma_wait3A_324 = tpu.memref_squeeze %dma_wait3A_323 : memref<1x128xi32, #tpu.memory_space<vmem>> -> memref<128xi32, #tpu.memory_space<vmem>>
        %dma_wait3A_325 = arith.constant 0 : i32
        %dma_wait3A_326 = arith.constant 0 : i32
        %dma_wait3A_327 = tpu.memref_slice %arg3[%dma_wait3A_325, %dma_wait3A_326] : memref<10000x128xf32, #tpu.memory_space<hbm>> -> memref<10000x128xf32, #tpu.memory_space<hbm>>
        tpu.wait_indirect_dma semaphore(%arg21 : memref<!tpu.dma_semaphore, #tpu.memory_space<semaphore_mem>>) src(%dma_wait3A_327 : memref<10000x128xf32, #tpu.memory_space<hbm>>) dst(%arg18 : memref<128x128xf32, #tpu.memory_space<vmem>>)
        %dma_start3A_328 = arith.constant 3 : i32
        %dma_start3A_329 = arith.constant 0 : i32
        %dma_start3A_330 = arith.constant 0 : i32
        %dma_start3A_331 = tpu.memref_slice %arg16[%rem3A_120, %dma_start3A_329, %dma_start3A_330] : memref<2x8x128xi32, #tpu.memory_space<vmem>> -> memref<1x8x128xi32, #tpu.memory_space<vmem>>
        %dma_start3A_332 = tpu.memref_squeeze %dma_start3A_331 : memref<1x8x128xi32, #tpu.memory_space<vmem>> -> memref<8x128xi32, #tpu.memory_space<vmem>>
        %dma_start3A_333 = arith.constant 0 : i32
        %dma_start3A_334 = tpu.memref_slice %dma_start3A_332[%dma_start3A_328, %dma_start3A_333] : memref<8x128xi32, #tpu.memory_space<vmem>> -> memref<1x128xi32, #tpu.memory_space<vmem>>
        %dma_start3A_335 = tpu.memref_squeeze %dma_start3A_334 : memref<1x128xi32, #tpu.memory_space<vmem>> -> memref<128xi32, #tpu.memory_space<vmem>>
        %dma_start3A_336 = arith.constant 0 : i32
        %dma_start3A_337 = arith.constant 0 : i32
        %dma_start3A_338 = tpu.memref_slice %arg19[%dma_start3A_336, %dma_start3A_337] : memref<10008x128xf32, #tpu.memory_space<vmem_shared>> -> memref<10008x128xf32, #tpu.memory_space<vmem_shared>>
        tpu.enqueue_indirect_dma source(%arg18 : memref<128x128xf32, #tpu.memory_space<vmem>>) target(%dma_start3A_338 : memref<10008x128xf32, #tpu.memory_space<vmem_shared>>) offsets(%dma_start3A_335 : memref<128xi32, #tpu.memory_space<vmem>>) semaphore(%arg23 : memref<!tpu.dma_semaphore, #tpu.memory_space<semaphore_mem>>) {add = true}
        %dma_wait3A_339 = arith.constant 3 : i32
        %dma_wait3A_340 = arith.constant 0 : i32
        %dma_wait3A_341 = arith.constant 0 : i32
        %dma_wait3A_342 = tpu.memref_slice %arg16[%rem3A_120, %dma_wait3A_340, %dma_wait3A_341] : memref<2x8x128xi32, #tpu.memory_space<vmem>> -> memref<1x8x128xi32, #tpu.memory_space<vmem>>
        %dma_wait3A_343 = tpu.memref_squeeze %dma_wait3A_342 : memref<1x8x128xi32, #tpu.memory_space<vmem>> -> memref<8x128xi32, #tpu.memory_space<vmem>>
        %dma_wait3A_344 = arith.constant 0 : i32
        %dma_wait3A_345 = tpu.memref_slice %dma_wait3A_343[%dma_wait3A_339, %dma_wait3A_344] : memref<8x128xi32, #tpu.memory_space<vmem>> -> memref<1x128xi32, #tpu.memory_space<vmem>>
        %dma_wait3A_346 = tpu.memref_squeeze %dma_wait3A_345 : memref<1x128xi32, #tpu.memory_space<vmem>> -> memref<128xi32, #tpu.memory_space<vmem>>
        %dma_wait3A_347 = arith.constant 0 : i32
        %dma_wait3A_348 = arith.constant 0 : i32
        %dma_wait3A_349 = tpu.memref_slice %arg19[%dma_wait3A_347, %dma_wait3A_348] : memref<10008x128xf32, #tpu.memory_space<vmem_shared>> -> memref<10008x128xf32, #tpu.memory_space<vmem_shared>>
        tpu.wait_indirect_dma semaphore(%arg23 : memref<!tpu.dma_semaphore, #tpu.memory_space<semaphore_mem>>) src(%arg18 : memref<128x128xf32, #tpu.memory_space<vmem>>) dst(%dma_wait3A_349 : memref<10008x128xf32, #tpu.memory_space<vmem_shared>>)
        %dma_start3A_350 = arith.constant 5 : i32
        %dma_start3A_351 = arith.constant 0 : i32
        %dma_start3A_352 = arith.constant 0 : i32
        %dma_start3A_353 = tpu.memref_slice %arg15[%rem3A_120, %dma_start3A_351, %dma_start3A_352] : memref<2x8x128xi32, #tpu.memory_space<vmem>> -> memref<1x8x128xi32, #tpu.memory_space<vmem>>
        %dma_start3A_354 = tpu.memref_squeeze %dma_start3A_353 : memref<1x8x128xi32, #tpu.memory_space<vmem>> -> memref<8x128xi32, #tpu.memory_space<vmem>>
        %dma_start3A_355 = arith.constant 0 : i32
        %dma_start3A_356 = tpu.memref_slice %dma_start3A_354[%dma_start3A_350, %dma_start3A_355] : memref<8x128xi32, #tpu.memory_space<vmem>> -> memref<1x128xi32, #tpu.memory_space<vmem>>
        %dma_start3A_357 = tpu.memref_squeeze %dma_start3A_356 : memref<1x128xi32, #tpu.memory_space<vmem>> -> memref<128xi32, #tpu.memory_space<vmem>>
        %dma_start3A_358 = arith.constant 0 : i32
        %dma_start3A_359 = arith.constant 0 : i32
        %dma_start3A_360 = tpu.memref_slice %arg3[%dma_start3A_358, %dma_start3A_359] : memref<10000x128xf32, #tpu.memory_space<hbm>> -> memref<10000x128xf32, #tpu.memory_space<hbm>>
        tpu.enqueue_indirect_dma source(%dma_start3A_360 : memref<10000x128xf32, #tpu.memory_space<hbm>>) target(%arg18 : memref<128x128xf32, #tpu.memory_space<vmem>>) offsets(%dma_start3A_357 : memref<128xi32, #tpu.memory_space<vmem>>) semaphore(%arg21 : memref<!tpu.dma_semaphore, #tpu.memory_space<semaphore_mem>>)
        %dma_wait3A_361 = arith.constant 4 : i32
        %dma_wait3A_362 = arith.constant 0 : i32
        %dma_wait3A_363 = arith.constant 0 : i32
        %dma_wait3A_364 = tpu.memref_slice %arg15[%rem3A_120, %dma_wait3A_362, %dma_wait3A_363] : memref<2x8x128xi32, #tpu.memory_space<vmem>> -> memref<1x8x128xi32, #tpu.memory_space<vmem>>
        %dma_wait3A_365 = tpu.memref_squeeze %dma_wait3A_364 : memref<1x8x128xi32, #tpu.memory_space<vmem>> -> memref<8x128xi32, #tpu.memory_space<vmem>>
        %dma_wait3A_366 = arith.constant 0 : i32
        %dma_wait3A_367 = tpu.memref_slice %dma_wait3A_365[%dma_wait3A_361, %dma_wait3A_366] : memref<8x128xi32, #tpu.memory_space<vmem>> -> memref<1x128xi32, #tpu.memory_space<vmem>>
        %dma_wait3A_368 = tpu.memref_squeeze %dma_wait3A_367 : memref<1x128xi32, #tpu.memory_space<vmem>> -> memref<128xi32, #tpu.memory_space<vmem>>
        %dma_wait3A_369 = arith.constant 0 : i32
        %dma_wait3A_370 = arith.constant 0 : i32
        %dma_wait3A_371 = tpu.memref_slice %arg3[%dma_wait3A_369, %dma_wait3A_370] : memref<10000x128xf32, #tpu.memory_space<hbm>> -> memref<10000x128xf32, #tpu.memory_space<hbm>>
        tpu.wait_indirect_dma semaphore(%arg20 : memref<!tpu.dma_semaphore, #tpu.memory_space<semaphore_mem>>) src(%dma_wait3A_371 : memref<10000x128xf32, #tpu.memory_space<hbm>>) dst(%arg17 : memref<128x128xf32, #tpu.memory_space<vmem>>)
        %dma_start3A_372 = arith.constant 4 : i32
        %dma_start3A_373 = arith.constant 0 : i32
        %dma_start3A_374 = arith.constant 0 : i32
        %dma_start3A_375 = tpu.memref_slice %arg16[%rem3A_120, %dma_start3A_373, %dma_start3A_374] : memref<2x8x128xi32, #tpu.memory_space<vmem>> -> memref<1x8x128xi32, #tpu.memory_space<vmem>>
        %dma_start3A_376 = tpu.memref_squeeze %dma_start3A_375 : memref<1x8x128xi32, #tpu.memory_space<vmem>> -> memref<8x128xi32, #tpu.memory_space<vmem>>
        %dma_start3A_377 = arith.constant 0 : i32
        %dma_start3A_378 = tpu.memref_slice %dma_start3A_376[%dma_start3A_372, %dma_start3A_377] : memref<8x128xi32, #tpu.memory_space<vmem>> -> memref<1x128xi32, #tpu.memory_space<vmem>>
        %dma_start3A_379 = tpu.memref_squeeze %dma_start3A_378 : memref<1x128xi32, #tpu.memory_space<vmem>> -> memref<128xi32, #tpu.memory_space<vmem>>
        %dma_start3A_380 = arith.constant 0 : i32
        %dma_start3A_381 = arith.constant 0 : i32
        %dma_start3A_382 = tpu.memref_slice %arg19[%dma_start3A_380, %dma_start3A_381] : memref<10008x128xf32, #tpu.memory_space<vmem_shared>> -> memref<10008x128xf32, #tpu.memory_space<vmem_shared>>
        tpu.enqueue_indirect_dma source(%arg17 : memref<128x128xf32, #tpu.memory_space<vmem>>) target(%dma_start3A_382 : memref<10008x128xf32, #tpu.memory_space<vmem_shared>>) offsets(%dma_start3A_379 : memref<128xi32, #tpu.memory_space<vmem>>) semaphore(%arg22 : memref<!tpu.dma_semaphore, #tpu.memory_space<semaphore_mem>>) {add = true}
        %dma_wait3A_383 = arith.constant 4 : i32
        %dma_wait3A_384 = arith.constant 0 : i32
        %dma_wait3A_385 = arith.constant 0 : i32
        %dma_wait3A_386 = tpu.memref_slice %arg16[%rem3A_120, %dma_wait3A_384, %dma_wait3A_385] : memref<2x8x128xi32, #tpu.memory_space<vmem>> -> memref<1x8x128xi32, #tpu.memory_space<vmem>>
        %dma_wait3A_387 = tpu.memref_squeeze %dma_wait3A_386 : memref<1x8x128xi32, #tpu.memory_space<vmem>> -> memref<8x128xi32, #tpu.memory_space<vmem>>
        %dma_wait3A_388 = arith.constant 0 : i32
        %dma_wait3A_389 = tpu.memref_slice %dma_wait3A_387[%dma_wait3A_383, %dma_wait3A_388] : memref<8x128xi32, #tpu.memory_space<vmem>> -> memref<1x128xi32, #tpu.memory_space<vmem>>
        %dma_wait3A_390 = tpu.memref_squeeze %dma_wait3A_389 : memref<1x128xi32, #tpu.memory_space<vmem>> -> memref<128xi32, #tpu.memory_space<vmem>>
        %dma_wait3A_391 = arith.constant 0 : i32
        %dma_wait3A_392 = arith.constant 0 : i32
        %dma_wait3A_393 = tpu.memref_slice %arg19[%dma_wait3A_391, %dma_wait3A_392] : memref<10008x128xf32, #tpu.memory_space<vmem_shared>> -> memref<10008x128xf32, #tpu.memory_space<vmem_shared>>
        tpu.wait_indirect_dma semaphore(%arg22 : memref<!tpu.dma_semaphore, #tpu.memory_space<semaphore_mem>>) src(%arg17 : memref<128x128xf32, #tpu.memory_space<vmem>>) dst(%dma_wait3A_393 : memref<10008x128xf32, #tpu.memory_space<vmem_shared>>)
        %dma_start3A_394 = arith.constant 6 : i32
        %dma_start3A_395 = arith.constant 0 : i32
        %dma_start3A_396 = arith.constant 0 : i32
        %dma_start3A_397 = tpu.memref_slice %arg15[%rem3A_120, %dma_start3A_395, %dma_start3A_396] : memref<2x8x128xi32, #tpu.memory_space<vmem>> -> memref<1x8x128xi32, #tpu.memory_space<vmem>>
        %dma_start3A_398 = tpu.memref_squeeze %dma_start3A_397 : memref<1x8x128xi32, #tpu.memory_space<vmem>> -> memref<8x128xi32, #tpu.memory_space<vmem>>
        %dma_start3A_399 = arith.constant 0 : i32
        %dma_start3A_400 = tpu.memref_slice %dma_start3A_398[%dma_start3A_394, %dma_start3A_399] : memref<8x128xi32, #tpu.memory_space<vmem>> -> memref<1x128xi32, #tpu.memory_space<vmem>>
        %dma_start3A_401 = tpu.memref_squeeze %dma_start3A_400 : memref<1x128xi32, #tpu.memory_space<vmem>> -> memref<128xi32, #tpu.memory_space<vmem>>
        %dma_start3A_402 = arith.constant 0 : i32
        %dma_start3A_403 = arith.constant 0 : i32
        %dma_start3A_404 = tpu.memref_slice %arg3[%dma_start3A_402, %dma_start3A_403] : memref<10000x128xf32, #tpu.memory_space<hbm>> -> memref<10000x128xf32, #tpu.memory_space<hbm>>
        tpu.enqueue_indirect_dma source(%dma_start3A_404 : memref<10000x128xf32, #tpu.memory_space<hbm>>) target(%arg17 : memref<128x128xf32, #tpu.memory_space<vmem>>) offsets(%dma_start3A_401 : memref<128xi32, #tpu.memory_space<vmem>>) semaphore(%arg20 : memref<!tpu.dma_semaphore, #tpu.memory_space<semaphore_mem>>)
        %dma_wait3A_405 = arith.constant 5 : i32
        %dma_wait3A_406 = arith.constant 0 : i32
        %dma_wait3A_407 = arith.constant 0 : i32
        %dma_wait3A_408 = tpu.memref_slice %arg15[%rem3A_120, %dma_wait3A_406, %dma_wait3A_407] : memref<2x8x128xi32, #tpu.memory_space<vmem>> -> memref<1x8x128xi32, #tpu.memory_space<vmem>>
        %dma_wait3A_409 = tpu.memref_squeeze %dma_wait3A_408 : memref<1x8x128xi32, #tpu.memory_space<vmem>> -> memref<8x128xi32, #tpu.memory_space<vmem>>
        %dma_wait3A_410 = arith.constant 0 : i32
        %dma_wait3A_411 = tpu.memref_slice %dma_wait3A_409[%dma_wait3A_405, %dma_wait3A_410] : memref<8x128xi32, #tpu.memory_space<vmem>> -> memref<1x128xi32, #tpu.memory_space<vmem>>
        %dma_wait3A_412 = tpu.memref_squeeze %dma_wait3A_411 : memref<1x128xi32, #tpu.memory_space<vmem>> -> memref<128xi32, #tpu.memory_space<vmem>>
        %dma_wait3A_413 = arith.constant 0 : i32
        %dma_wait3A_414 = arith.constant 0 : i32
        %dma_wait3A_415 = tpu.memref_slice %arg3[%dma_wait3A_413, %dma_wait3A_414] : memref<10000x128xf32, #tpu.memory_space<hbm>> -> memref<10000x128xf32, #tpu.memory_space<hbm>>
        tpu.wait_indirect_dma semaphore(%arg21 : memref<!tpu.dma_semaphore, #tpu.memory_space<semaphore_mem>>) src(%dma_wait3A_415 : memref<10000x128xf32, #tpu.memory_space<hbm>>) dst(%arg18 : memref<128x128xf32, #tpu.memory_space<vmem>>)
        %dma_start3A_416 = arith.constant 5 : i32
        %dma_start3A_417 = arith.constant 0 : i32
        %dma_start3A_418 = arith.constant 0 : i32
        %dma_start3A_419 = tpu.memref_slice %arg16[%rem3A_120, %dma_start3A_417, %dma_start3A_418] : memref<2x8x128xi32, #tpu.memory_space<vmem>> -> memref<1x8x128xi32, #tpu.memory_space<vmem>>
        %dma_start3A_420 = tpu.memref_squeeze %dma_start3A_419 : memref<1x8x128xi32, #tpu.memory_space<vmem>> -> memref<8x128xi32, #tpu.memory_space<vmem>>
        %dma_start3A_421 = arith.constant 0 : i32
        %dma_start3A_422 = tpu.memref_slice %dma_start3A_420[%dma_start3A_416, %dma_start3A_421] : memref<8x128xi32, #tpu.memory_space<vmem>> -> memref<1x128xi32, #tpu.memory_space<vmem>>
        %dma_start3A_423 = tpu.memref_squeeze %dma_start3A_422 : memref<1x128xi32, #tpu.memory_space<vmem>> -> memref<128xi32, #tpu.memory_space<vmem>>
        %dma_start3A_424 = arith.constant 0 : i32
        %dma_start3A_425 = arith.constant 0 : i32
        %dma_start3A_426 = tpu.memref_slice %arg19[%dma_start3A_424, %dma_start3A_425] : memref<10008x128xf32, #tpu.memory_space<vmem_shared>> -> memref<10008x128xf32, #tpu.memory_space<vmem_shared>>
        tpu.enqueue_indirect_dma source(%arg18 : memref<128x128xf32, #tpu.memory_space<vmem>>) target(%dma_start3A_426 : memref<10008x128xf32, #tpu.memory_space<vmem_shared>>) offsets(%dma_start3A_423 : memref<128xi32, #tpu.memory_space<vmem>>) semaphore(%arg23 : memref<!tpu.dma_semaphore, #tpu.memory_space<semaphore_mem>>) {add = true}
        %dma_wait3A_427 = arith.constant 5 : i32
        %dma_wait3A_428 = arith.constant 0 : i32
        %dma_wait3A_429 = arith.constant 0 : i32
        %dma_wait3A_430 = tpu.memref_slice %arg16[%rem3A_120, %dma_wait3A_428, %dma_wait3A_429] : memref<2x8x128xi32, #tpu.memory_space<vmem>> -> memref<1x8x128xi32, #tpu.memory_space<vmem>>
        %dma_wait3A_431 = tpu.memref_squeeze %dma_wait3A_430 : memref<1x8x128xi32, #tpu.memory_space<vmem>> -> memref<8x128xi32, #tpu.memory_space<vmem>>
        %dma_wait3A_432 = arith.constant 0 : i32
        %dma_wait3A_433 = tpu.memref_slice %dma_wait3A_431[%dma_wait3A_427, %dma_wait3A_432] : memref<8x128xi32, #tpu.memory_space<vmem>> -> memref<1x128xi32, #tpu.memory_space<vmem>>
        %dma_wait3A_434 = tpu.memref_squeeze %dma_wait3A_433 : memref<1x128xi32, #tpu.memory_space<vmem>> -> memref<128xi32, #tpu.memory_space<vmem>>
        %dma_wait3A_435 = arith.constant 0 : i32
        %dma_wait3A_436 = arith.constant 0 : i32
        %dma_wait3A_437 = tpu.memref_slice %arg19[%dma_wait3A_435, %dma_wait3A_436] : memref<10008x128xf32, #tpu.memory_space<vmem_shared>> -> memref<10008x128xf32, #tpu.memory_space<vmem_shared>>
        tpu.wait_indirect_dma semaphore(%arg23 : memref<!tpu.dma_semaphore, #tpu.memory_space<semaphore_mem>>) src(%arg18 : memref<128x128xf32, #tpu.memory_space<vmem>>) dst(%dma_wait3A_437 : memref<10008x128xf32, #tpu.memory_space<vmem_shared>>)
        %dma_start3A_438 = arith.constant 7 : i32
        %dma_start3A_439 = arith.constant 0 : i32
        %dma_start3A_440 = arith.constant 0 : i32
        %dma_start3A_441 = tpu.memref_slice %arg15[%rem3A_120, %dma_start3A_439, %dma_start3A_440] : memref<2x8x128xi32, #tpu.memory_space<vmem>> -> memref<1x8x128xi32, #tpu.memory_space<vmem>>
        %dma_start3A_442 = tpu.memref_squeeze %dma_start3A_441 : memref<1x8x128xi32, #tpu.memory_space<vmem>> -> memref<8x128xi32, #tpu.memory_space<vmem>>
        %dma_start3A_443 = arith.constant 0 : i32
        %dma_start3A_444 = tpu.memref_slice %dma_start3A_442[%dma_start3A_438, %dma_start3A_443] : memref<8x128xi32, #tpu.memory_space<vmem>> -> memref<1x128xi32, #tpu.memory_space<vmem>>
        %dma_start3A_445 = tpu.memref_squeeze %dma_start3A_444 : memref<1x128xi32, #tpu.memory_space<vmem>> -> memref<128xi32, #tpu.memory_space<vmem>>
        %dma_start3A_446 = arith.constant 0 : i32
        %dma_start3A_447 = arith.constant 0 : i32
        %dma_start3A_448 = tpu.memref_slice %arg3[%dma_start3A_446, %dma_start3A_447] : memref<10000x128xf32, #tpu.memory_space<hbm>> -> memref<10000x128xf32, #tpu.memory_space<hbm>>
        tpu.enqueue_indirect_dma source(%dma_start3A_448 : memref<10000x128xf32, #tpu.memory_space<hbm>>) target(%arg18 : memref<128x128xf32, #tpu.memory_space<vmem>>) offsets(%dma_start3A_445 : memref<128xi32, #tpu.memory_space<vmem>>) semaphore(%arg21 : memref<!tpu.dma_semaphore, #tpu.memory_space<semaphore_mem>>)
        %dma_wait3A_449 = arith.constant 6 : i32
        %dma_wait3A_450 = arith.constant 0 : i32
        %dma_wait3A_451 = arith.constant 0 : i32
        %dma_wait3A_452 = tpu.memref_slice %arg15[%rem3A_120, %dma_wait3A_450, %dma_wait3A_451] : memref<2x8x128xi32, #tpu.memory_space<vmem>> -> memref<1x8x128xi32, #tpu.memory_space<vmem>>
        %dma_wait3A_453 = tpu.memref_squeeze %dma_wait3A_452 : memref<1x8x128xi32, #tpu.memory_space<vmem>> -> memref<8x128xi32, #tpu.memory_space<vmem>>
        %dma_wait3A_454 = arith.constant 0 : i32
        %dma_wait3A_455 = tpu.memref_slice %dma_wait3A_453[%dma_wait3A_449, %dma_wait3A_454] : memref<8x128xi32, #tpu.memory_space<vmem>> -> memref<1x128xi32, #tpu.memory_space<vmem>>
        %dma_wait3A_456 = tpu.memref_squeeze %dma_wait3A_455 : memref<1x128xi32, #tpu.memory_space<vmem>> -> memref<128xi32, #tpu.memory_space<vmem>>
        %dma_wait3A_457 = arith.constant 0 : i32
        %dma_wait3A_458 = arith.constant 0 : i32
        %dma_wait3A_459 = tpu.memref_slice %arg3[%dma_wait3A_457, %dma_wait3A_458] : memref<10000x128xf32, #tpu.memory_space<hbm>> -> memref<10000x128xf32, #tpu.memory_space<hbm>>
        tpu.wait_indirect_dma semaphore(%arg20 : memref<!tpu.dma_semaphore, #tpu.memory_space<semaphore_mem>>) src(%dma_wait3A_459 : memref<10000x128xf32, #tpu.memory_space<hbm>>) dst(%arg17 : memref<128x128xf32, #tpu.memory_space<vmem>>)
        %dma_start3A_460 = arith.constant 6 : i32
        %dma_start3A_461 = arith.constant 0 : i32
        %dma_start3A_462 = arith.constant 0 : i32
        %dma_start3A_463 = tpu.memref_slice %arg16[%rem3A_120, %dma_start3A_461, %dma_start3A_462] : memref<2x8x128xi32, #tpu.memory_space<vmem>> -> memref<1x8x128xi32, #tpu.memory_space<vmem>>
        %dma_start3A_464 = tpu.memref_squeeze %dma_start3A_463 : memref<1x8x128xi32, #tpu.memory_space<vmem>> -> memref<8x128xi32, #tpu.memory_space<vmem>>
        %dma_start3A_465 = arith.constant 0 : i32
        %dma_start3A_466 = tpu.memref_slice %dma_start3A_464[%dma_start3A_460, %dma_start3A_465] : memref<8x128xi32, #tpu.memory_space<vmem>> -> memref<1x128xi32, #tpu.memory_space<vmem>>
        %dma_start3A_467 = tpu.memref_squeeze %dma_start3A_466 : memref<1x128xi32, #tpu.memory_space<vmem>> -> memref<128xi32, #tpu.memory_space<vmem>>
        %dma_start3A_468 = arith.constant 0 : i32
        %dma_start3A_469 = arith.constant 0 : i32
        %dma_start3A_470 = tpu.memref_slice %arg19[%dma_start3A_468, %dma_start3A_469] : memref<10008x128xf32, #tpu.memory_space<vmem_shared>> -> memref<10008x128xf32, #tpu.memory_space<vmem_shared>>
        tpu.enqueue_indirect_dma source(%arg17 : memref<128x128xf32, #tpu.memory_space<vmem>>) target(%dma_start3A_470 : memref<10008x128xf32, #tpu.memory_space<vmem_shared>>) offsets(%dma_start3A_467 : memref<128xi32, #tpu.memory_space<vmem>>) semaphore(%arg22 : memref<!tpu.dma_semaphore, #tpu.memory_space<semaphore_mem>>) {add = true}
        %dma_wait3A_471 = arith.constant 7 : i32
        %dma_wait3A_472 = arith.constant 0 : i32
        %dma_wait3A_473 = arith.constant 0 : i32
        %dma_wait3A_474 = tpu.memref_slice %arg15[%rem3A_120, %dma_wait3A_472, %dma_wait3A_473] : memref<2x8x128xi32, #tpu.memory_space<vmem>> -> memref<1x8x128xi32, #tpu.memory_space<vmem>>
        %dma_wait3A_475 = tpu.memref_squeeze %dma_wait3A_474 : memref<1x8x128xi32, #tpu.memory_space<vmem>> -> memref<8x128xi32, #tpu.memory_space<vmem>>
        %dma_wait3A_476 = arith.constant 0 : i32
        %dma_wait3A_477 = tpu.memref_slice %dma_wait3A_475[%dma_wait3A_471, %dma_wait3A_476] : memref<8x128xi32, #tpu.memory_space<vmem>> -> memref<1x128xi32, #tpu.memory_space<vmem>>
        %dma_wait3A_478 = tpu.memref_squeeze %dma_wait3A_477 : memref<1x128xi32, #tpu.memory_space<vmem>> -> memref<128xi32, #tpu.memory_space<vmem>>
        %dma_wait3A_479 = arith.constant 0 : i32
        %dma_wait3A_480 = arith.constant 0 : i32
        %dma_wait3A_481 = tpu.memref_slice %arg3[%dma_wait3A_479, %dma_wait3A_480] : memref<10000x128xf32, #tpu.memory_space<hbm>> -> memref<10000x128xf32, #tpu.memory_space<hbm>>
        tpu.wait_indirect_dma semaphore(%arg21 : memref<!tpu.dma_semaphore, #tpu.memory_space<semaphore_mem>>) src(%dma_wait3A_481 : memref<10000x128xf32, #tpu.memory_space<hbm>>) dst(%arg18 : memref<128x128xf32, #tpu.memory_space<vmem>>)
        %dma_start3A_482 = arith.constant 7 : i32
        %dma_start3A_483 = arith.constant 0 : i32
        %dma_start3A_484 = arith.constant 0 : i32
        %dma_start3A_485 = tpu.memref_slice %arg16[%rem3A_120, %dma_start3A_483, %dma_start3A_484] : memref<2x8x128xi32, #tpu.memory_space<vmem>> -> memref<1x8x128xi32, #tpu.memory_space<vmem>>
        %dma_start3A_486 = tpu.memref_squeeze %dma_start3A_485 : memref<1x8x128xi32, #tpu.memory_space<vmem>> -> memref<8x128xi32, #tpu.memory_space<vmem>>
        %dma_start3A_487 = arith.constant 0 : i32
        %dma_start3A_488 = tpu.memref_slice %dma_start3A_486[%dma_start3A_482, %dma_start3A_487] : memref<8x128xi32, #tpu.memory_space<vmem>> -> memref<1x128xi32, #tpu.memory_space<vmem>>
        %dma_start3A_489 = tpu.memref_squeeze %dma_start3A_488 : memref<1x128xi32, #tpu.memory_space<vmem>> -> memref<128xi32, #tpu.memory_space<vmem>>
        %dma_start3A_490 = arith.constant 0 : i32
        %dma_start3A_491 = arith.constant 0 : i32
        %dma_start3A_492 = tpu.memref_slice %arg19[%dma_start3A_490, %dma_start3A_491] : memref<10008x128xf32, #tpu.memory_space<vmem_shared>> -> memref<10008x128xf32, #tpu.memory_space<vmem_shared>>
        tpu.enqueue_indirect_dma source(%arg18 : memref<128x128xf32, #tpu.memory_space<vmem>>) target(%dma_start3A_492 : memref<10008x128xf32, #tpu.memory_space<vmem_shared>>) offsets(%dma_start3A_489 : memref<128xi32, #tpu.memory_space<vmem>>) semaphore(%arg23 : memref<!tpu.dma_semaphore, #tpu.memory_space<semaphore_mem>>) {add = true}
      }
      %scan3A_91 = arith.constant 10 : i32
      %dma_wait3A = arith.constant 1 : i32
      %dma_wait3A_92 = arith.constant 6 : i32
      %dma_wait3A_93 = arith.constant 0 : i32
      %dma_wait3A_94 = arith.constant 0 : i32
      %dma_wait3A_95 = tpu.memref_slice %arg16[%dma_wait3A, %dma_wait3A_93, %dma_wait3A_94] : memref<2x8x128xi32, #tpu.memory_space<vmem>> -> memref<1x8x128xi32, #tpu.memory_space<vmem>>
      %dma_wait3A_96 = tpu.memref_squeeze %dma_wait3A_95 : memref<1x8x128xi32, #tpu.memory_space<vmem>> -> memref<8x128xi32, #tpu.memory_space<vmem>>
      %dma_wait3A_97 = arith.constant 0 : i32
      %dma_wait3A_98 = tpu.memref_slice %dma_wait3A_96[%dma_wait3A_92, %dma_wait3A_97] : memref<8x128xi32, #tpu.memory_space<vmem>> -> memref<1x128xi32, #tpu.memory_space<vmem>>
      %dma_wait3A_99 = tpu.memref_squeeze %dma_wait3A_98 : memref<1x128xi32, #tpu.memory_space<vmem>> -> memref<128xi32, #tpu.memory_space<vmem>>
      %dma_wait3A_100 = arith.constant 0 : i32
      %dma_wait3A_101 = arith.constant 0 : i32
      %dma_wait3A_102 = tpu.memref_slice %arg19[%dma_wait3A_100, %dma_wait3A_101] : memref<10008x128xf32, #tpu.memory_space<vmem_shared>> -> memref<10008x128xf32, #tpu.memory_space<vmem_shared>>
      tpu.wait_indirect_dma semaphore(%arg22 : memref<!tpu.dma_semaphore, #tpu.memory_space<semaphore_mem>>) src(%arg17 : memref<128x128xf32, #tpu.memory_space<vmem>>) dst(%dma_wait3A_102 : memref<10008x128xf32, #tpu.memory_space<vmem_shared>>)
      %dma_wait3A_103 = arith.constant 1 : i32
      %dma_wait3A_104 = arith.constant 7 : i32
      %dma_wait3A_105 = arith.constant 0 : i32
      %dma_wait3A_106 = arith.constant 0 : i32
      %dma_wait3A_107 = tpu.memref_slice %arg16[%dma_wait3A_103, %dma_wait3A_105, %dma_wait3A_106] : memref<2x8x128xi32, #tpu.memory_space<vmem>> -> memref<1x8x128xi32, #tpu.memory_space<vmem>>
      %dma_wait3A_108 = tpu.memref_squeeze %dma_wait3A_107 : memref<1x8x128xi32, #tpu.memory_space<vmem>> -> memref<8x128xi32, #tpu.memory_space<vmem>>
      %dma_wait3A_109 = arith.constant 0 : i32
      %dma_wait3A_110 = tpu.memref_slice %dma_wait3A_108[%dma_wait3A_104, %dma_wait3A_109] : memref<8x128xi32, #tpu.memory_space<vmem>> -> memref<1x128xi32, #tpu.memory_space<vmem>>
      %dma_wait3A_111 = tpu.memref_squeeze %dma_wait3A_110 : memref<1x128xi32, #tpu.memory_space<vmem>> -> memref<128xi32, #tpu.memory_space<vmem>>
      %dma_wait3A_112 = arith.constant 0 : i32
      %dma_wait3A_113 = arith.constant 0 : i32
      %dma_wait3A_114 = tpu.memref_slice %arg19[%dma_wait3A_112, %dma_wait3A_113] : memref<10008x128xf32, #tpu.memory_space<vmem_shared>> -> memref<10008x128xf32, #tpu.memory_space<vmem_shared>>
      tpu.wait_indirect_dma semaphore(%arg23 : memref<!tpu.dma_semaphore, #tpu.memory_space<semaphore_mem>>) src(%arg18 : memref<128x128xf32, #tpu.memory_space<vmem>>) dst(%dma_wait3A_114 : memref<10008x128xf32, #tpu.memory_space<vmem_shared>>)
    } else {
    }
    %barrier3A_17 = arith.constant 0 : index
    tpu.barrier barrier_id(%barrier3A_17)
    %eq3A_18 = arith.constant 0 : i32
    %eq3A_19 = arith.cmpi eq, %arg0, %eq3A_18 : i32
    %convert_element_type3A_20 = arith.extui %eq3A_19 : i1 to i32
    %cond3A_21 = arith.constant 0 : i32
    %cond3A_22 = arith.cmpi ne, %convert_element_type3A_20, %cond3A_21 : i32
    scf.if %cond3A_22 {
      %lt3A_60 = arith.constant 15 : i32
      %lt3A_61 = arith.cmpi slt, %arg1, %lt3A_60 : i32
      %convert_element_type3A_62 = arith.extui %lt3A_61 : i1 to i32
      %cond3A_63 = arith.constant 0 : i32
      %cond3A_64 = arith.cmpi ne, %convert_element_type3A_62, %cond3A_63 : i32
      scf.if %cond3A_64 {
        %mul3A_70 = arith.constant 632 : i32
        %mul3A_71 = arith.muli %arg1, %mul3A_70 : i32
        "tpu.region"() ({
          %run_scoped3A = tpu.sem_alloc : memref<!tpu.dma_semaphore, #tpu.memory_space<semaphore_mem>>
          %dma_start3A = arith.constant 0 : i32
          %dma_start3A_72 = tpu.memref_slice %arg11[%mul3A_71, %dma_start3A] : memref<10000x128xf32, #tpu.memory_space<hbm>> -> memref<632x128xf32, #tpu.memory_space<hbm>>
          %dma_start3A_73 = arith.constant 0 : i32
          %dma_start3A_74 = tpu.memref_slice %arg19[%mul3A_71, %dma_start3A_73] : memref<10008x128xf32, #tpu.memory_space<vmem_shared>> -> memref<632x128xf32, #tpu.memory_space<vmem_shared>>
          tpu.enqueue_dma source(%dma_start3A_74 : memref<632x128xf32, #tpu.memory_space<vmem_shared>>) target(%dma_start3A_72 : memref<632x128xf32, #tpu.memory_space<hbm>>) target_semaphore(%run_scoped3A : memref<!tpu.dma_semaphore, #tpu.memory_space<semaphore_mem>>)
          %dma_wait3A = arith.constant 0 : i32
          %dma_wait3A_75 = tpu.memref_slice %arg11[%mul3A_71, %dma_wait3A] : memref<10000x128xf32, #tpu.memory_space<hbm>> -> memref<632x128xf32, #tpu.memory_space<hbm>>
          %dma_wait3A_76 = arith.constant 0 : i32
          %dma_wait3A_77 = tpu.memref_slice %arg19[%mul3A_71, %dma_wait3A_76] : memref<10008x128xf32, #tpu.memory_space<vmem_shared>> -> memref<632x128xf32, #tpu.memory_space<vmem_shared>>
          tpu.wait_dma2 semaphore(%run_scoped3A : memref<!tpu.dma_semaphore, #tpu.memory_space<semaphore_mem>>) src(%dma_wait3A_77 : memref<632x128xf32, #tpu.memory_space<vmem_shared>>) dst(%dma_wait3A_75 : memref<632x128xf32, #tpu.memory_space<hbm>>)
          tpu.yield
        }) : () -> ()
      } else {
      }
      %eq3A_65 = arith.constant 15 : i32
      %eq3A_66 = arith.cmpi eq, %arg1, %eq3A_65 : i32
      %convert_element_type3A_67 = arith.extui %eq3A_66 : i1 to i32
      %cond3A_68 = arith.constant 0 : i32
      %cond3A_69 = arith.cmpi ne, %convert_element_type3A_67, %cond3A_68 : i32
      scf.if %cond3A_69 {
        "tpu.region"() ({
          %run_scoped3A = tpu.sem_alloc : memref<!tpu.dma_semaphore, #tpu.memory_space<semaphore_mem>>
          %dma_start3A = arith.constant 9480 : i32
          %dma_start3A_70 = arith.constant 0 : i32
          %dma_start3A_71 = tpu.memref_slice %arg11[%dma_start3A, %dma_start3A_70] : memref<10000x128xf32, #tpu.memory_space<hbm>> -> memref<520x128xf32, #tpu.memory_space<hbm>>
          %dma_start3A_72 = arith.constant 9480 : i32
          %dma_start3A_73 = arith.constant 0 : i32
          %dma_start3A_74 = tpu.memref_slice %arg19[%dma_start3A_72, %dma_start3A_73] : memref<10008x128xf32, #tpu.memory_space<vmem_shared>> -> memref<520x128xf32, #tpu.memory_space<vmem_shared>>
          tpu.enqueue_dma source(%dma_start3A_74 : memref<520x128xf32, #tpu.memory_space<vmem_shared>>) target(%dma_start3A_71 : memref<520x128xf32, #tpu.memory_space<hbm>>) target_semaphore(%run_scoped3A : memref<!tpu.dma_semaphore, #tpu.memory_space<semaphore_mem>>)
          %dma_wait3A = arith.constant 9480 : i32
          %dma_wait3A_75 = arith.constant 0 : i32
          %dma_wait3A_76 = tpu.memref_slice %arg11[%dma_wait3A, %dma_wait3A_75] : memref<10000x128xf32, #tpu.memory_space<hbm>> -> memref<520x128xf32, #tpu.memory_space<hbm>>
          %dma_wait3A_77 = arith.constant 9480 : i32
          %dma_wait3A_78 = arith.constant 0 : i32
          %dma_wait3A_79 = tpu.memref_slice %arg19[%dma_wait3A_77, %dma_wait3A_78] : memref<10008x128xf32, #tpu.memory_space<vmem_shared>> -> memref<520x128xf32, #tpu.memory_space<vmem_shared>>
          tpu.wait_dma2 semaphore(%run_scoped3A : memref<!tpu.dma_semaphore, #tpu.memory_space<semaphore_mem>>) src(%dma_wait3A_79 : memref<520x128xf32, #tpu.memory_space<vmem_shared>>) dst(%dma_wait3A_76 : memref<520x128xf32, #tpu.memory_space<hbm>>)
          tpu.yield
        }) : () -> ()
      } else {
      }
    } else {
    }
    %eq3A_23 = arith.constant 1 : i32
    %eq3A_24 = arith.cmpi eq, %arg0, %eq3A_23 : i32
    %convert_element_type3A_25 = arith.extui %eq3A_24 : i1 to i32
    %cond3A_26 = arith.constant 0 : i32
    %cond3A_27 = arith.cmpi ne, %convert_element_type3A_25, %cond3A_26 : i32
    scf.if %cond3A_27 {
      %lt3A_60 = arith.constant 15 : i32
      %lt3A_61 = arith.cmpi slt, %arg1, %lt3A_60 : i32
      %convert_element_type3A_62 = arith.extui %lt3A_61 : i1 to i32
      %cond3A_63 = arith.constant 0 : i32
      %cond3A_64 = arith.cmpi ne, %convert_element_type3A_62, %cond3A_63 : i32
      scf.if %cond3A_64 {
        %mul3A_70 = arith.constant 632 : i32
        %mul3A_71 = arith.muli %arg1, %mul3A_70 : i32
        "tpu.region"() ({
          %run_scoped3A = tpu.sem_alloc : memref<!tpu.dma_semaphore, #tpu.memory_space<semaphore_mem>>
          %dma_start3A = arith.constant 0 : i32
          %dma_start3A_72 = tpu.memref_slice %arg12[%mul3A_71, %dma_start3A] : memref<10000x128xf32, #tpu.memory_space<hbm>> -> memref<632x128xf32, #tpu.memory_space<hbm>>
          %dma_start3A_73 = arith.constant 0 : i32
          %dma_start3A_74 = tpu.memref_slice %arg19[%mul3A_71, %dma_start3A_73] : memref<10008x128xf32, #tpu.memory_space<vmem_shared>> -> memref<632x128xf32, #tpu.memory_space<vmem_shared>>
          tpu.enqueue_dma source(%dma_start3A_74 : memref<632x128xf32, #tpu.memory_space<vmem_shared>>) target(%dma_start3A_72 : memref<632x128xf32, #tpu.memory_space<hbm>>) target_semaphore(%run_scoped3A : memref<!tpu.dma_semaphore, #tpu.memory_space<semaphore_mem>>)
          %dma_wait3A = arith.constant 0 : i32
          %dma_wait3A_75 = tpu.memref_slice %arg12[%mul3A_71, %dma_wait3A] : memref<10000x128xf32, #tpu.memory_space<hbm>> -> memref<632x128xf32, #tpu.memory_space<hbm>>
          %dma_wait3A_76 = arith.constant 0 : i32
          %dma_wait3A_77 = tpu.memref_slice %arg19[%mul3A_71, %dma_wait3A_76] : memref<10008x128xf32, #tpu.memory_space<vmem_shared>> -> memref<632x128xf32, #tpu.memory_space<vmem_shared>>
          tpu.wait_dma2 semaphore(%run_scoped3A : memref<!tpu.dma_semaphore, #tpu.memory_space<semaphore_mem>>) src(%dma_wait3A_77 : memref<632x128xf32, #tpu.memory_space<vmem_shared>>) dst(%dma_wait3A_75 : memref<632x128xf32, #tpu.memory_space<hbm>>)
          tpu.yield
        }) : () -> ()
      } else {
      }
      %eq3A_65 = arith.constant 15 : i32
      %eq3A_66 = arith.cmpi eq, %arg1, %eq3A_65 : i32
      %convert_element_type3A_67 = arith.extui %eq3A_66 : i1 to i32
      %cond3A_68 = arith.constant 0 : i32
      %cond3A_69 = arith.cmpi ne, %convert_element_type3A_67, %cond3A_68 : i32
      scf.if %cond3A_69 {
        "tpu.region"() ({
          %run_scoped3A = tpu.sem_alloc : memref<!tpu.dma_semaphore, #tpu.memory_space<semaphore_mem>>
          %dma_start3A = arith.constant 9480 : i32
          %dma_start3A_70 = arith.constant 0 : i32
          %dma_start3A_71 = tpu.memref_slice %arg12[%dma_start3A, %dma_start3A_70] : memref<10000x128xf32, #tpu.memory_space<hbm>> -> memref<520x128xf32, #tpu.memory_space<hbm>>
          %dma_start3A_72 = arith.constant 9480 : i32
          %dma_start3A_73 = arith.constant 0 : i32
          %dma_start3A_74 = tpu.memref_slice %arg19[%dma_start3A_72, %dma_start3A_73] : memref<10008x128xf32, #tpu.memory_space<vmem_shared>> -> memref<520x128xf32, #tpu.memory_space<vmem_shared>>
          tpu.enqueue_dma source(%dma_start3A_74 : memref<520x128xf32, #tpu.memory_space<vmem_shared>>) target(%dma_start3A_71 : memref<520x128xf32, #tpu.memory_space<hbm>>) target_semaphore(%run_scoped3A : memref<!tpu.dma_semaphore, #tpu.memory_space<semaphore_mem>>)
          %dma_wait3A = arith.constant 9480 : i32
          %dma_wait3A_75 = arith.constant 0 : i32
          %dma_wait3A_76 = tpu.memref_slice %arg12[%dma_wait3A, %dma_wait3A_75] : memref<10000x128xf32, #tpu.memory_space<hbm>> -> memref<520x128xf32, #tpu.memory_space<hbm>>
          %dma_wait3A_77 = arith.constant 9480 : i32
          %dma_wait3A_78 = arith.constant 0 : i32
          %dma_wait3A_79 = tpu.memref_slice %arg19[%dma_wait3A_77, %dma_wait3A_78] : memref<10008x128xf32, #tpu.memory_space<vmem_shared>> -> memref<520x128xf32, #tpu.memory_space<vmem_shared>>
          tpu.wait_dma2 semaphore(%run_scoped3A : memref<!tpu.dma_semaphore, #tpu.memory_space<semaphore_mem>>) src(%dma_wait3A_79 : memref<520x128xf32, #tpu.memory_space<vmem_shared>>) dst(%dma_wait3A_76 : memref<520x128xf32, #tpu.memory_space<hbm>>)
          tpu.yield
        }) : () -> ()
      } else {
      }
    } else {
    }
    %lt3A_28 = arith.constant 15 : i32
    %lt3A_29 = arith.cmpi slt, %arg1, %lt3A_28 : i32
    %convert_element_type3A_30 = arith.extui %lt3A_29 : i1 to i32
    %cond3A_31 = arith.constant 0 : i32
    %cond3A_32 = arith.cmpi ne, %convert_element_type3A_30, %cond3A_31 : i32
    scf.if %cond3A_32 {
      %mul3A_60 = arith.constant 632 : i32
      %mul3A_61 = arith.muli %arg1, %mul3A_60 : i32
      "tpu.region"() ({
        %run_scoped3A = tpu.sem_alloc : memref<!tpu.dma_semaphore, #tpu.memory_space<semaphore_mem>>
        %dma_start3A = arith.constant 0 : i32
        %dma_start3A_62 = tpu.memref_slice %arg19[%mul3A_61, %dma_start3A] : memref<10008x128xf32, #tpu.memory_space<vmem_shared>> -> memref<632x128xf32, #tpu.memory_space<vmem_shared>>
        %dma_start3A_63 = arith.constant 0 : i32
        %dma_start3A_64 = tpu.memref_slice %arg10[%mul3A_61, %dma_start3A_63] : memref<10000x128xf32, #tpu.memory_space<hbm>> -> memref<632x128xf32, #tpu.memory_space<hbm>>
        tpu.enqueue_dma source(%dma_start3A_64 : memref<632x128xf32, #tpu.memory_space<hbm>>) target(%dma_start3A_62 : memref<632x128xf32, #tpu.memory_space<vmem_shared>>) target_semaphore(%run_scoped3A : memref<!tpu.dma_semaphore, #tpu.memory_space<semaphore_mem>>)
        %dma_wait3A = arith.constant 0 : i32
        %dma_wait3A_65 = tpu.memref_slice %arg19[%mul3A_61, %dma_wait3A] : memref<10008x128xf32, #tpu.memory_space<vmem_shared>> -> memref<632x128xf32, #tpu.memory_space<vmem_shared>>
        %dma_wait3A_66 = arith.constant 0 : i32
        %dma_wait3A_67 = tpu.memref_slice %arg10[%mul3A_61, %dma_wait3A_66] : memref<10000x128xf32, #tpu.memory_space<hbm>> -> memref<632x128xf32, #tpu.memory_space<hbm>>
        tpu.wait_dma2 semaphore(%run_scoped3A : memref<!tpu.dma_semaphore, #tpu.memory_space<semaphore_mem>>) src(%dma_wait3A_67 : memref<632x128xf32, #tpu.memory_space<hbm>>) dst(%dma_wait3A_65 : memref<632x128xf32, #tpu.memory_space<vmem_shared>>)
        tpu.yield
      }) : () -> ()
    } else {
    }
    %eq3A_33 = arith.constant 15 : i32
    %eq3A_34 = arith.cmpi eq, %arg1, %eq3A_33 : i32
    %convert_element_type3A_35 = arith.extui %eq3A_34 : i1 to i32
    %cond3A_36 = arith.constant 0 : i32
    %cond3A_37 = arith.cmpi ne, %convert_element_type3A_35, %cond3A_36 : i32
    scf.if %cond3A_37 {
      "tpu.region"() ({
        %run_scoped3A = tpu.sem_alloc : memref<!tpu.dma_semaphore, #tpu.memory_space<semaphore_mem>>
        %dma_start3A = arith.constant 9480 : i32
        %dma_start3A_60 = arith.constant 0 : i32
        %dma_start3A_61 = tpu.memref_slice %arg19[%dma_start3A, %dma_start3A_60] : memref<10008x128xf32, #tpu.memory_space<vmem_shared>> -> memref<520x128xf32, #tpu.memory_space<vmem_shared>>
        %dma_start3A_62 = arith.constant 9480 : i32
        %dma_start3A_63 = arith.constant 0 : i32
        %dma_start3A_64 = tpu.memref_slice %arg10[%dma_start3A_62, %dma_start3A_63] : memref<10000x128xf32, #tpu.memory_space<hbm>> -> memref<520x128xf32, #tpu.memory_space<hbm>>
        tpu.enqueue_dma source(%dma_start3A_64 : memref<520x128xf32, #tpu.memory_space<hbm>>) target(%dma_start3A_61 : memref<520x128xf32, #tpu.memory_space<vmem_shared>>) target_semaphore(%run_scoped3A : memref<!tpu.dma_semaphore, #tpu.memory_space<semaphore_mem>>)
        %dma_wait3A = arith.constant 9480 : i32
        %dma_wait3A_65 = arith.constant 0 : i32
        %dma_wait3A_66 = tpu.memref_slice %arg19[%dma_wait3A, %dma_wait3A_65] : memref<10008x128xf32, #tpu.memory_space<vmem_shared>> -> memref<520x128xf32, #tpu.memory_space<vmem_shared>>
        %dma_wait3A_67 = arith.constant 9480 : i32
        %dma_wait3A_68 = arith.constant 0 : i32
        %dma_wait3A_69 = tpu.memref_slice %arg10[%dma_wait3A_67, %dma_wait3A_68] : memref<10000x128xf32, #tpu.memory_space<hbm>> -> memref<520x128xf32, #tpu.memory_space<hbm>>
        tpu.wait_dma2 semaphore(%run_scoped3A : memref<!tpu.dma_semaphore, #tpu.memory_space<semaphore_mem>>) src(%dma_wait3A_69 : memref<520x128xf32, #tpu.memory_space<hbm>>) dst(%dma_wait3A_66 : memref<520x128xf32, #tpu.memory_space<vmem_shared>>)
        tpu.yield
      }) : () -> ()
    } else {
    }
    %barrier3A_38 = arith.constant 0 : index
    tpu.barrier barrier_id(%barrier3A_38)
    %eq3A_39 = arith.constant 0 : i32
    %eq3A_40 = arith.cmpi eq, %arg0, %eq3A_39 : i32
    %convert_element_type3A_41 = arith.extui %eq3A_40 : i1 to i32
    %cond3A_42 = arith.constant 0 : i32
    %cond3A_43 = arith.cmpi ne, %convert_element_type3A_41, %cond3A_42 : i32
    scf.if %cond3A_43 {
      %add3A = arith.constant 0 : i32
      %add3A_60 = arith.addi %mul3A_0, %add3A : i32
      %add3A_61 = arith.constant 0 : i32
      %add3A_62 = arith.addi %mul3A_0, %add3A_61 : i32
      %dma_start3A = arith.constant 0 : i32
      %dma_start3A_63 = arith.constant 0 : i32
      %dma_start3A_64 = arith.constant 0 : i32
      %dma_start3A_65 = tpu.memref_slice %arg15[%dma_start3A, %dma_start3A_63, %dma_start3A_64] : memref<2x8x128xi32, #tpu.memory_space<vmem>> -> memref<1x8x128xi32, #tpu.memory_space<vmem>>
      %dma_start3A_66 = tpu.memref_squeeze %dma_start3A_65 : memref<1x8x128xi32, #tpu.memory_space<vmem>> -> memref<8x128xi32, #tpu.memory_space<vmem>>
      %dma_start3A_67 = arith.constant 0 : i32
      %dma_start3A_68 = tpu.memref_slice %arg8[%add3A_60, %dma_start3A_67] : memref<1280x128xi32, #tpu.memory_space<hbm>> -> memref<8x128xi32, #tpu.memory_space<hbm>>
      %dma_start3A_69 = arith.constant 0 : i32
      %dma_start3A_70 = arith.constant 0 : i32
      %dma_start3A_71 = tpu.memref_slice %arg15[%dma_start3A, %dma_start3A_69, %dma_start3A_70] : memref<2x8x128xi32, #tpu.memory_space<vmem>> -> memref<1x8x128xi32, #tpu.memory_space<vmem>>
      %dma_start3A_72 = tpu.memref_squeeze %dma_start3A_71 : memref<1x8x128xi32, #tpu.memory_space<vmem>> -> memref<8x128xi32, #tpu.memory_space<vmem>>
      %dma_start3A_73 = arith.constant 0 : i32
      %dma_start3A_74 = tpu.memref_slice %arg8[%add3A_60, %dma_start3A_73] : memref<1280x128xi32, #tpu.memory_space<hbm>> -> memref<8x128xi32, #tpu.memory_space<hbm>>
      tpu.enqueue_dma source(%dma_start3A_74 : memref<8x128xi32, #tpu.memory_space<hbm>>) target(%dma_start3A_72 : memref<8x128xi32, #tpu.memory_space<vmem>>) target_semaphore(%arg24 : memref<!tpu.dma_semaphore, #tpu.memory_space<semaphore_mem>>)
      %dma_start3A_75 = arith.constant 0 : i32
      %dma_start3A_76 = arith.constant 0 : i32
      %dma_start3A_77 = arith.constant 0 : i32
      %dma_start3A_78 = tpu.memref_slice %arg16[%dma_start3A_75, %dma_start3A_76, %dma_start3A_77] : memref<2x8x128xi32, #tpu.memory_space<vmem>> -> memref<1x8x128xi32, #tpu.memory_space<vmem>>
      %dma_start3A_79 = tpu.memref_squeeze %dma_start3A_78 : memref<1x8x128xi32, #tpu.memory_space<vmem>> -> memref<8x128xi32, #tpu.memory_space<vmem>>
      %dma_start3A_80 = arith.constant 0 : i32
      %dma_start3A_81 = tpu.memref_slice %arg9[%add3A_62, %dma_start3A_80] : memref<1280x128xi32, #tpu.memory_space<hbm>> -> memref<8x128xi32, #tpu.memory_space<hbm>>
      %dma_start3A_82 = arith.constant 0 : i32
      %dma_start3A_83 = arith.constant 0 : i32
      %dma_start3A_84 = tpu.memref_slice %arg16[%dma_start3A_75, %dma_start3A_82, %dma_start3A_83] : memref<2x8x128xi32, #tpu.memory_space<vmem>> -> memref<1x8x128xi32, #tpu.memory_space<vmem>>
      %dma_start3A_85 = tpu.memref_squeeze %dma_start3A_84 : memref<1x8x128xi32, #tpu.memory_space<vmem>> -> memref<8x128xi32, #tpu.memory_space<vmem>>
      %dma_start3A_86 = arith.constant 0 : i32
      %dma_start3A_87 = tpu.memref_slice %arg9[%add3A_62, %dma_start3A_86] : memref<1280x128xi32, #tpu.memory_space<hbm>> -> memref<8x128xi32, #tpu.memory_space<hbm>>
      tpu.enqueue_dma source(%dma_start3A_87 : memref<8x128xi32, #tpu.memory_space<hbm>>) target(%dma_start3A_85 : memref<8x128xi32, #tpu.memory_space<vmem>>) target_semaphore(%arg24 : memref<!tpu.dma_semaphore, #tpu.memory_space<semaphore_mem>>)
      %scan3A = arith.constant 0 : i32
      %scan3A_88 = arith.constant 10 : i32
      %scan3A_89 = arith.addi %scan3A, %scan3A_88 : i32
      %scan3A_90 = arith.constant 1 : i32
      scf.for %scan3A_115 = %scan3A to %scan3A_89 step %scan3A_90  : i32 {
        %mul3A_116 = arith.constant 1 : i32
        %mul3A_117 = arith.muli %scan3A_115, %mul3A_116 : i32
        %add3A_118 = arith.constant 0 : i32
        %add3A_119 = arith.addi %add3A_118, %mul3A_117 : i32
        %rem3A = arith.constant 2 : i32
        %rem3A_120 = arith.remsi %add3A_119, %rem3A : i32
        %sub3A = arith.constant 1 : i32
        %sub3A_121 = arith.subi %sub3A, %rem3A_120 : i32
        %mul3A_122 = arith.constant 8 : i32
        %mul3A_123 = arith.muli %add3A_119, %mul3A_122 : i32
        %add3A_124 = arith.addi %mul3A_0, %mul3A_123 : i32
        %mul3A_125 = arith.constant 8 : i32
        %mul3A_126 = arith.muli %add3A_119, %mul3A_125 : i32
        %add3A_127 = arith.addi %mul3A_0, %mul3A_126 : i32
        %dma_wait3A_128 = arith.constant 0 : i32
        %dma_wait3A_129 = arith.constant 0 : i32
        %dma_wait3A_130 = tpu.memref_slice %arg15[%rem3A_120, %dma_wait3A_128, %dma_wait3A_129] : memref<2x8x128xi32, #tpu.memory_space<vmem>> -> memref<1x8x128xi32, #tpu.memory_space<vmem>>
        %dma_wait3A_131 = tpu.memref_squeeze %dma_wait3A_130 : memref<1x8x128xi32, #tpu.memory_space<vmem>> -> memref<8x128xi32, #tpu.memory_space<vmem>>
        %dma_wait3A_132 = arith.constant 0 : i32
        %dma_wait3A_133 = tpu.memref_slice %arg8[%add3A_124, %dma_wait3A_132] : memref<1280x128xi32, #tpu.memory_space<hbm>> -> memref<8x128xi32, #tpu.memory_space<hbm>>
        %dma_wait3A_134 = arith.constant 0 : i32
        %dma_wait3A_135 = arith.constant 0 : i32
        %dma_wait3A_136 = tpu.memref_slice %arg15[%rem3A_120, %dma_wait3A_134, %dma_wait3A_135] : memref<2x8x128xi32, #tpu.memory_space<vmem>> -> memref<1x8x128xi32, #tpu.memory_space<vmem>>
        %dma_wait3A_137 = tpu.memref_squeeze %dma_wait3A_136 : memref<1x8x128xi32, #tpu.memory_space<vmem>> -> memref<8x128xi32, #tpu.memory_space<vmem>>
        %dma_wait3A_138 = arith.constant 0 : i32
        %dma_wait3A_139 = tpu.memref_slice %arg8[%add3A_124, %dma_wait3A_138] : memref<1280x128xi32, #tpu.memory_space<hbm>> -> memref<8x128xi32, #tpu.memory_space<hbm>>
        tpu.wait_dma2 semaphore(%arg24 : memref<!tpu.dma_semaphore, #tpu.memory_space<semaphore_mem>>) src(%dma_wait3A_139 : memref<8x128xi32, #tpu.memory_space<hbm>>) dst(%dma_wait3A_137 : memref<8x128xi32, #tpu.memory_space<vmem>>)
        %dma_wait3A_140 = arith.constant 0 : i32
        %dma_wait3A_141 = arith.constant 0 : i32
        %dma_wait3A_142 = tpu.memref_slice %arg16[%rem3A_120, %dma_wait3A_140, %dma_wait3A_141] : memref<2x8x128xi32, #tpu.memory_space<vmem>> -> memref<1x8x128xi32, #tpu.memory_space<vmem>>
        %dma_wait3A_143 = tpu.memref_squeeze %dma_wait3A_142 : memref<1x8x128xi32, #tpu.memory_space<vmem>> -> memref<8x128xi32, #tpu.memory_space<vmem>>
        %dma_wait3A_144 = arith.constant 0 : i32
        %dma_wait3A_145 = tpu.memref_slice %arg9[%add3A_127, %dma_wait3A_144] : memref<1280x128xi32, #tpu.memory_space<hbm>> -> memref<8x128xi32, #tpu.memory_space<hbm>>
        %dma_wait3A_146 = arith.constant 0 : i32
        %dma_wait3A_147 = arith.constant 0 : i32
        %dma_wait3A_148 = tpu.memref_slice %arg16[%rem3A_120, %dma_wait3A_146, %dma_wait3A_147] : memref<2x8x128xi32, #tpu.memory_space<vmem>> -> memref<1x8x128xi32, #tpu.memory_space<vmem>>
        %dma_wait3A_149 = tpu.memref_squeeze %dma_wait3A_148 : memref<1x8x128xi32, #tpu.memory_space<vmem>> -> memref<8x128xi32, #tpu.memory_space<vmem>>
        %dma_wait3A_150 = arith.constant 0 : i32
        %dma_wait3A_151 = tpu.memref_slice %arg9[%add3A_127, %dma_wait3A_150] : memref<1280x128xi32, #tpu.memory_space<hbm>> -> memref<8x128xi32, #tpu.memory_space<hbm>>
        tpu.wait_dma2 semaphore(%arg24 : memref<!tpu.dma_semaphore, #tpu.memory_space<semaphore_mem>>) src(%dma_wait3A_151 : memref<8x128xi32, #tpu.memory_space<hbm>>) dst(%dma_wait3A_149 : memref<8x128xi32, #tpu.memory_space<vmem>>)
        %gt3A = arith.constant 0 : i32
        %gt3A_152 = arith.cmpi sgt, %add3A_119, %gt3A : i32
        %convert_element_type3A_153 = arith.extui %gt3A_152 : i1 to i32
        %cond3A_154 = arith.constant 0 : i32
        %cond3A_155 = arith.cmpi ne, %convert_element_type3A_153, %cond3A_154 : i32
        scf.if %cond3A_155 {
          %dma_wait3A_493 = arith.constant 6 : i32
          %dma_wait3A_494 = arith.constant 0 : i32
          %dma_wait3A_495 = arith.constant 0 : i32
          %dma_wait3A_496 = tpu.memref_slice %arg16[%sub3A_121, %dma_wait3A_494, %dma_wait3A_495] : memref<2x8x128xi32, #tpu.memory_space<vmem>> -> memref<1x8x128xi32, #tpu.memory_space<vmem>>
          %dma_wait3A_497 = tpu.memref_squeeze %dma_wait3A_496 : memref<1x8x128xi32, #tpu.memory_space<vmem>> -> memref<8x128xi32, #tpu.memory_space<vmem>>
          %dma_wait3A_498 = arith.constant 0 : i32
          %dma_wait3A_499 = tpu.memref_slice %dma_wait3A_497[%dma_wait3A_493, %dma_wait3A_498] : memref<8x128xi32, #tpu.memory_space<vmem>> -> memref<1x128xi32, #tpu.memory_space<vmem>>
          %dma_wait3A_500 = tpu.memref_squeeze %dma_wait3A_499 : memref<1x128xi32, #tpu.memory_space<vmem>> -> memref<128xi32, #tpu.memory_space<vmem>>
          %dma_wait3A_501 = arith.constant 0 : i32
          %dma_wait3A_502 = arith.constant 0 : i32
          %dma_wait3A_503 = tpu.memref_slice %arg19[%dma_wait3A_501, %dma_wait3A_502] : memref<10008x128xf32, #tpu.memory_space<vmem_shared>> -> memref<10008x128xf32, #tpu.memory_space<vmem_shared>>
          tpu.wait_indirect_dma semaphore(%arg22 : memref<!tpu.dma_semaphore, #tpu.memory_space<semaphore_mem>>) src(%arg17 : memref<128x128xf32, #tpu.memory_space<vmem>>) dst(%dma_wait3A_503 : memref<10008x128xf32, #tpu.memory_space<vmem_shared>>)
          %dma_wait3A_504 = arith.constant 7 : i32
          %dma_wait3A_505 = arith.constant 0 : i32
          %dma_wait3A_506 = arith.constant 0 : i32
          %dma_wait3A_507 = tpu.memref_slice %arg16[%sub3A_121, %dma_wait3A_505, %dma_wait3A_506] : memref<2x8x128xi32, #tpu.memory_space<vmem>> -> memref<1x8x128xi32, #tpu.memory_space<vmem>>
          %dma_wait3A_508 = tpu.memref_squeeze %dma_wait3A_507 : memref<1x8x128xi32, #tpu.memory_space<vmem>> -> memref<8x128xi32, #tpu.memory_space<vmem>>
          %dma_wait3A_509 = arith.constant 0 : i32
          %dma_wait3A_510 = tpu.memref_slice %dma_wait3A_508[%dma_wait3A_504, %dma_wait3A_509] : memref<8x128xi32, #tpu.memory_space<vmem>> -> memref<1x128xi32, #tpu.memory_space<vmem>>
          %dma_wait3A_511 = tpu.memref_squeeze %dma_wait3A_510 : memref<1x128xi32, #tpu.memory_space<vmem>> -> memref<128xi32, #tpu.memory_space<vmem>>
          %dma_wait3A_512 = arith.constant 0 : i32
          %dma_wait3A_513 = arith.constant 0 : i32
          %dma_wait3A_514 = tpu.memref_slice %arg19[%dma_wait3A_512, %dma_wait3A_513] : memref<10008x128xf32, #tpu.memory_space<vmem_shared>> -> memref<10008x128xf32, #tpu.memory_space<vmem_shared>>
          tpu.wait_indirect_dma semaphore(%arg23 : memref<!tpu.dma_semaphore, #tpu.memory_space<semaphore_mem>>) src(%arg18 : memref<128x128xf32, #tpu.memory_space<vmem>>) dst(%dma_wait3A_514 : memref<10008x128xf32, #tpu.memory_space<vmem_shared>>)
        } else {
        }
        %add3A_156 = arith.constant 1 : i32
        %add3A_157 = arith.addi %add3A_119, %add3A_156 : i32
        %lt3A_158 = arith.constant 10 : i32
        %lt3A_159 = arith.cmpi slt, %add3A_157, %lt3A_158 : i32
        %convert_element_type3A_160 = arith.extui %lt3A_159 : i1 to i32
        %cond3A_161 = arith.constant 0 : i32
        %cond3A_162 = arith.cmpi ne, %convert_element_type3A_160, %cond3A_161 : i32
        scf.if %cond3A_162 {
          %add3A_493 = arith.constant 1 : i32
          %add3A_494 = arith.addi %add3A_119, %add3A_493 : i32
          %mul3A_495 = arith.constant 8 : i32
          %mul3A_496 = arith.muli %add3A_494, %mul3A_495 : i32
          %add3A_497 = arith.addi %mul3A_0, %mul3A_496 : i32
          %mul3A_498 = arith.constant 8 : i32
          %mul3A_499 = arith.muli %add3A_494, %mul3A_498 : i32
          %add3A_500 = arith.addi %mul3A_0, %mul3A_499 : i32
          %dma_start3A_501 = arith.constant 0 : i32
          %dma_start3A_502 = arith.constant 0 : i32
          %dma_start3A_503 = tpu.memref_slice %arg15[%sub3A_121, %dma_start3A_501, %dma_start3A_502] : memref<2x8x128xi32, #tpu.memory_space<vmem>> -> memref<1x8x128xi32, #tpu.memory_space<vmem>>
          %dma_start3A_504 = tpu.memref_squeeze %dma_start3A_503 : memref<1x8x128xi32, #tpu.memory_space<vmem>> -> memref<8x128xi32, #tpu.memory_space<vmem>>
          %dma_start3A_505 = arith.constant 0 : i32
          %dma_start3A_506 = tpu.memref_slice %arg8[%add3A_497, %dma_start3A_505] : memref<1280x128xi32, #tpu.memory_space<hbm>> -> memref<8x128xi32, #tpu.memory_space<hbm>>
          %dma_start3A_507 = arith.constant 0 : i32
          %dma_start3A_508 = arith.constant 0 : i32
          %dma_start3A_509 = tpu.memref_slice %arg15[%sub3A_121, %dma_start3A_507, %dma_start3A_508] : memref<2x8x128xi32, #tpu.memory_space<vmem>> -> memref<1x8x128xi32, #tpu.memory_space<vmem>>
          %dma_start3A_510 = tpu.memref_squeeze %dma_start3A_509 : memref<1x8x128xi32, #tpu.memory_space<vmem>> -> memref<8x128xi32, #tpu.memory_space<vmem>>
          %dma_start3A_511 = arith.constant 0 : i32
          %dma_start3A_512 = tpu.memref_slice %arg8[%add3A_497, %dma_start3A_511] : memref<1280x128xi32, #tpu.memory_space<hbm>> -> memref<8x128xi32, #tpu.memory_space<hbm>>
          tpu.enqueue_dma source(%dma_start3A_512 : memref<8x128xi32, #tpu.memory_space<hbm>>) target(%dma_start3A_510 : memref<8x128xi32, #tpu.memory_space<vmem>>) target_semaphore(%arg24 : memref<!tpu.dma_semaphore, #tpu.memory_space<semaphore_mem>>)
          %dma_start3A_513 = arith.constant 0 : i32
          %dma_start3A_514 = arith.constant 0 : i32
          %dma_start3A_515 = tpu.memref_slice %arg16[%sub3A_121, %dma_start3A_513, %dma_start3A_514] : memref<2x8x128xi32, #tpu.memory_space<vmem>> -> memref<1x8x128xi32, #tpu.memory_space<vmem>>
          %dma_start3A_516 = tpu.memref_squeeze %dma_start3A_515 : memref<1x8x128xi32, #tpu.memory_space<vmem>> -> memref<8x128xi32, #tpu.memory_space<vmem>>
          %dma_start3A_517 = arith.constant 0 : i32
          %dma_start3A_518 = tpu.memref_slice %arg9[%add3A_500, %dma_start3A_517] : memref<1280x128xi32, #tpu.memory_space<hbm>> -> memref<8x128xi32, #tpu.memory_space<hbm>>
          %dma_start3A_519 = arith.constant 0 : i32
          %dma_start3A_520 = arith.constant 0 : i32
          %dma_start3A_521 = tpu.memref_slice %arg16[%sub3A_121, %dma_start3A_519, %dma_start3A_520] : memref<2x8x128xi32, #tpu.memory_space<vmem>> -> memref<1x8x128xi32, #tpu.memory_space<vmem>>
          %dma_start3A_522 = tpu.memref_squeeze %dma_start3A_521 : memref<1x8x128xi32, #tpu.memory_space<vmem>> -> memref<8x128xi32, #tpu.memory_space<vmem>>
          %dma_start3A_523 = arith.constant 0 : i32
          %dma_start3A_524 = tpu.memref_slice %arg9[%add3A_500, %dma_start3A_523] : memref<1280x128xi32, #tpu.memory_space<hbm>> -> memref<8x128xi32, #tpu.memory_space<hbm>>
          tpu.enqueue_dma source(%dma_start3A_524 : memref<8x128xi32, #tpu.memory_space<hbm>>) target(%dma_start3A_522 : memref<8x128xi32, #tpu.memory_space<vmem>>) target_semaphore(%arg24 : memref<!tpu.dma_semaphore, #tpu.memory_space<semaphore_mem>>)
        } else {
        }
        %dma_start3A_163 = arith.constant 0 : i32
        %dma_start3A_164 = arith.constant 0 : i32
        %dma_start3A_165 = arith.constant 0 : i32
        %dma_start3A_166 = tpu.memref_slice %arg15[%rem3A_120, %dma_start3A_164, %dma_start3A_165] : memref<2x8x128xi32, #tpu.memory_space<vmem>> -> memref<1x8x128xi32, #tpu.memory_space<vmem>>
        %dma_start3A_167 = tpu.memref_squeeze %dma_start3A_166 : memref<1x8x128xi32, #tpu.memory_space<vmem>> -> memref<8x128xi32, #tpu.memory_space<vmem>>
        %dma_start3A_168 = arith.constant 0 : i32
        %dma_start3A_169 = tpu.memref_slice %dma_start3A_167[%dma_start3A_163, %dma_start3A_168] : memref<8x128xi32, #tpu.memory_space<vmem>> -> memref<1x128xi32, #tpu.memory_space<vmem>>
        %dma_start3A_170 = tpu.memref_squeeze %dma_start3A_169 : memref<1x128xi32, #tpu.memory_space<vmem>> -> memref<128xi32, #tpu.memory_space<vmem>>
        %dma_start3A_171 = arith.constant 0 : i32
        %dma_start3A_172 = arith.constant 0 : i32
        %dma_start3A_173 = tpu.memref_slice %arg6[%dma_start3A_171, %dma_start3A_172] : memref<10000x128xf32, #tpu.memory_space<hbm>> -> memref<10000x128xf32, #tpu.memory_space<hbm>>
        tpu.enqueue_indirect_dma source(%dma_start3A_173 : memref<10000x128xf32, #tpu.memory_space<hbm>>) target(%arg17 : memref<128x128xf32, #tpu.memory_space<vmem>>) offsets(%dma_start3A_170 : memref<128xi32, #tpu.memory_space<vmem>>) semaphore(%arg20 : memref<!tpu.dma_semaphore, #tpu.memory_space<semaphore_mem>>)
        %dma_start3A_174 = arith.constant 1 : i32
        %dma_start3A_175 = arith.constant 0 : i32
        %dma_start3A_176 = arith.constant 0 : i32
        %dma_start3A_177 = tpu.memref_slice %arg15[%rem3A_120, %dma_start3A_175, %dma_start3A_176] : memref<2x8x128xi32, #tpu.memory_space<vmem>> -> memref<1x8x128xi32, #tpu.memory_space<vmem>>
        %dma_start3A_178 = tpu.memref_squeeze %dma_start3A_177 : memref<1x8x128xi32, #tpu.memory_space<vmem>> -> memref<8x128xi32, #tpu.memory_space<vmem>>
        %dma_start3A_179 = arith.constant 0 : i32
        %dma_start3A_180 = tpu.memref_slice %dma_start3A_178[%dma_start3A_174, %dma_start3A_179] : memref<8x128xi32, #tpu.memory_space<vmem>> -> memref<1x128xi32, #tpu.memory_space<vmem>>
        %dma_start3A_181 = tpu.memref_squeeze %dma_start3A_180 : memref<1x128xi32, #tpu.memory_space<vmem>> -> memref<128xi32, #tpu.memory_space<vmem>>
        %dma_start3A_182 = arith.constant 0 : i32
        %dma_start3A_183 = arith.constant 0 : i32
        %dma_start3A_184 = tpu.memref_slice %arg6[%dma_start3A_182, %dma_start3A_183] : memref<10000x128xf32, #tpu.memory_space<hbm>> -> memref<10000x128xf32, #tpu.memory_space<hbm>>
        tpu.enqueue_indirect_dma source(%dma_start3A_184 : memref<10000x128xf32, #tpu.memory_space<hbm>>) target(%arg18 : memref<128x128xf32, #tpu.memory_space<vmem>>) offsets(%dma_start3A_181 : memref<128xi32, #tpu.memory_space<vmem>>) semaphore(%arg21 : memref<!tpu.dma_semaphore, #tpu.memory_space<semaphore_mem>>)
        %dma_wait3A_185 = arith.constant 0 : i32
        %dma_wait3A_186 = arith.constant 0 : i32
        %dma_wait3A_187 = arith.constant 0 : i32
        %dma_wait3A_188 = tpu.memref_slice %arg15[%rem3A_120, %dma_wait3A_186, %dma_wait3A_187] : memref<2x8x128xi32, #tpu.memory_space<vmem>> -> memref<1x8x128xi32, #tpu.memory_space<vmem>>
        %dma_wait3A_189 = tpu.memref_squeeze %dma_wait3A_188 : memref<1x8x128xi32, #tpu.memory_space<vmem>> -> memref<8x128xi32, #tpu.memory_space<vmem>>
        %dma_wait3A_190 = arith.constant 0 : i32
        %dma_wait3A_191 = tpu.memref_slice %dma_wait3A_189[%dma_wait3A_185, %dma_wait3A_190] : memref<8x128xi32, #tpu.memory_space<vmem>> -> memref<1x128xi32, #tpu.memory_space<vmem>>
        %dma_wait3A_192 = tpu.memref_squeeze %dma_wait3A_191 : memref<1x128xi32, #tpu.memory_space<vmem>> -> memref<128xi32, #tpu.memory_space<vmem>>
        %dma_wait3A_193 = arith.constant 0 : i32
        %dma_wait3A_194 = arith.constant 0 : i32
        %dma_wait3A_195 = tpu.memref_slice %arg6[%dma_wait3A_193, %dma_wait3A_194] : memref<10000x128xf32, #tpu.memory_space<hbm>> -> memref<10000x128xf32, #tpu.memory_space<hbm>>
        tpu.wait_indirect_dma semaphore(%arg20 : memref<!tpu.dma_semaphore, #tpu.memory_space<semaphore_mem>>) src(%dma_wait3A_195 : memref<10000x128xf32, #tpu.memory_space<hbm>>) dst(%arg17 : memref<128x128xf32, #tpu.memory_space<vmem>>)
        %dma_start3A_196 = arith.constant 0 : i32
        %dma_start3A_197 = arith.constant 0 : i32
        %dma_start3A_198 = arith.constant 0 : i32
        %dma_start3A_199 = tpu.memref_slice %arg16[%rem3A_120, %dma_start3A_197, %dma_start3A_198] : memref<2x8x128xi32, #tpu.memory_space<vmem>> -> memref<1x8x128xi32, #tpu.memory_space<vmem>>
        %dma_start3A_200 = tpu.memref_squeeze %dma_start3A_199 : memref<1x8x128xi32, #tpu.memory_space<vmem>> -> memref<8x128xi32, #tpu.memory_space<vmem>>
        %dma_start3A_201 = arith.constant 0 : i32
        %dma_start3A_202 = tpu.memref_slice %dma_start3A_200[%dma_start3A_196, %dma_start3A_201] : memref<8x128xi32, #tpu.memory_space<vmem>> -> memref<1x128xi32, #tpu.memory_space<vmem>>
        %dma_start3A_203 = tpu.memref_squeeze %dma_start3A_202 : memref<1x128xi32, #tpu.memory_space<vmem>> -> memref<128xi32, #tpu.memory_space<vmem>>
        %dma_start3A_204 = arith.constant 0 : i32
        %dma_start3A_205 = arith.constant 0 : i32
        %dma_start3A_206 = tpu.memref_slice %arg19[%dma_start3A_204, %dma_start3A_205] : memref<10008x128xf32, #tpu.memory_space<vmem_shared>> -> memref<10008x128xf32, #tpu.memory_space<vmem_shared>>
        tpu.enqueue_indirect_dma source(%arg17 : memref<128x128xf32, #tpu.memory_space<vmem>>) target(%dma_start3A_206 : memref<10008x128xf32, #tpu.memory_space<vmem_shared>>) offsets(%dma_start3A_203 : memref<128xi32, #tpu.memory_space<vmem>>) semaphore(%arg22 : memref<!tpu.dma_semaphore, #tpu.memory_space<semaphore_mem>>) {add = true}
        %dma_wait3A_207 = arith.constant 0 : i32
        %dma_wait3A_208 = arith.constant 0 : i32
        %dma_wait3A_209 = arith.constant 0 : i32
        %dma_wait3A_210 = tpu.memref_slice %arg16[%rem3A_120, %dma_wait3A_208, %dma_wait3A_209] : memref<2x8x128xi32, #tpu.memory_space<vmem>> -> memref<1x8x128xi32, #tpu.memory_space<vmem>>
        %dma_wait3A_211 = tpu.memref_squeeze %dma_wait3A_210 : memref<1x8x128xi32, #tpu.memory_space<vmem>> -> memref<8x128xi32, #tpu.memory_space<vmem>>
        %dma_wait3A_212 = arith.constant 0 : i32
        %dma_wait3A_213 = tpu.memref_slice %dma_wait3A_211[%dma_wait3A_207, %dma_wait3A_212] : memref<8x128xi32, #tpu.memory_space<vmem>> -> memref<1x128xi32, #tpu.memory_space<vmem>>
        %dma_wait3A_214 = tpu.memref_squeeze %dma_wait3A_213 : memref<1x128xi32, #tpu.memory_space<vmem>> -> memref<128xi32, #tpu.memory_space<vmem>>
        %dma_wait3A_215 = arith.constant 0 : i32
        %dma_wait3A_216 = arith.constant 0 : i32
        %dma_wait3A_217 = tpu.memref_slice %arg19[%dma_wait3A_215, %dma_wait3A_216] : memref<10008x128xf32, #tpu.memory_space<vmem_shared>> -> memref<10008x128xf32, #tpu.memory_space<vmem_shared>>
        tpu.wait_indirect_dma semaphore(%arg22 : memref<!tpu.dma_semaphore, #tpu.memory_space<semaphore_mem>>) src(%arg17 : memref<128x128xf32, #tpu.memory_space<vmem>>) dst(%dma_wait3A_217 : memref<10008x128xf32, #tpu.memory_space<vmem_shared>>)
        %dma_start3A_218 = arith.constant 2 : i32
        %dma_start3A_219 = arith.constant 0 : i32
        %dma_start3A_220 = arith.constant 0 : i32
        %dma_start3A_221 = tpu.memref_slice %arg15[%rem3A_120, %dma_start3A_219, %dma_start3A_220] : memref<2x8x128xi32, #tpu.memory_space<vmem>> -> memref<1x8x128xi32, #tpu.memory_space<vmem>>
        %dma_start3A_222 = tpu.memref_squeeze %dma_start3A_221 : memref<1x8x128xi32, #tpu.memory_space<vmem>> -> memref<8x128xi32, #tpu.memory_space<vmem>>
        %dma_start3A_223 = arith.constant 0 : i32
        %dma_start3A_224 = tpu.memref_slice %dma_start3A_222[%dma_start3A_218, %dma_start3A_223] : memref<8x128xi32, #tpu.memory_space<vmem>> -> memref<1x128xi32, #tpu.memory_space<vmem>>
        %dma_start3A_225 = tpu.memref_squeeze %dma_start3A_224 : memref<1x128xi32, #tpu.memory_space<vmem>> -> memref<128xi32, #tpu.memory_space<vmem>>
        %dma_start3A_226 = arith.constant 0 : i32
        %dma_start3A_227 = arith.constant 0 : i32
        %dma_start3A_228 = tpu.memref_slice %arg6[%dma_start3A_226, %dma_start3A_227] : memref<10000x128xf32, #tpu.memory_space<hbm>> -> memref<10000x128xf32, #tpu.memory_space<hbm>>
        tpu.enqueue_indirect_dma source(%dma_start3A_228 : memref<10000x128xf32, #tpu.memory_space<hbm>>) target(%arg17 : memref<128x128xf32, #tpu.memory_space<vmem>>) offsets(%dma_start3A_225 : memref<128xi32, #tpu.memory_space<vmem>>) semaphore(%arg20 : memref<!tpu.dma_semaphore, #tpu.memory_space<semaphore_mem>>)
        %dma_wait3A_229 = arith.constant 1 : i32
        %dma_wait3A_230 = arith.constant 0 : i32
        %dma_wait3A_231 = arith.constant 0 : i32
        %dma_wait3A_232 = tpu.memref_slice %arg15[%rem3A_120, %dma_wait3A_230, %dma_wait3A_231] : memref<2x8x128xi32, #tpu.memory_space<vmem>> -> memref<1x8x128xi32, #tpu.memory_space<vmem>>
        %dma_wait3A_233 = tpu.memref_squeeze %dma_wait3A_232 : memref<1x8x128xi32, #tpu.memory_space<vmem>> -> memref<8x128xi32, #tpu.memory_space<vmem>>
        %dma_wait3A_234 = arith.constant 0 : i32
        %dma_wait3A_235 = tpu.memref_slice %dma_wait3A_233[%dma_wait3A_229, %dma_wait3A_234] : memref<8x128xi32, #tpu.memory_space<vmem>> -> memref<1x128xi32, #tpu.memory_space<vmem>>
        %dma_wait3A_236 = tpu.memref_squeeze %dma_wait3A_235 : memref<1x128xi32, #tpu.memory_space<vmem>> -> memref<128xi32, #tpu.memory_space<vmem>>
        %dma_wait3A_237 = arith.constant 0 : i32
        %dma_wait3A_238 = arith.constant 0 : i32
        %dma_wait3A_239 = tpu.memref_slice %arg6[%dma_wait3A_237, %dma_wait3A_238] : memref<10000x128xf32, #tpu.memory_space<hbm>> -> memref<10000x128xf32, #tpu.memory_space<hbm>>
        tpu.wait_indirect_dma semaphore(%arg21 : memref<!tpu.dma_semaphore, #tpu.memory_space<semaphore_mem>>) src(%dma_wait3A_239 : memref<10000x128xf32, #tpu.memory_space<hbm>>) dst(%arg18 : memref<128x128xf32, #tpu.memory_space<vmem>>)
        %dma_start3A_240 = arith.constant 1 : i32
        %dma_start3A_241 = arith.constant 0 : i32
        %dma_start3A_242 = arith.constant 0 : i32
        %dma_start3A_243 = tpu.memref_slice %arg16[%rem3A_120, %dma_start3A_241, %dma_start3A_242] : memref<2x8x128xi32, #tpu.memory_space<vmem>> -> memref<1x8x128xi32, #tpu.memory_space<vmem>>
        %dma_start3A_244 = tpu.memref_squeeze %dma_start3A_243 : memref<1x8x128xi32, #tpu.memory_space<vmem>> -> memref<8x128xi32, #tpu.memory_space<vmem>>
        %dma_start3A_245 = arith.constant 0 : i32
        %dma_start3A_246 = tpu.memref_slice %dma_start3A_244[%dma_start3A_240, %dma_start3A_245] : memref<8x128xi32, #tpu.memory_space<vmem>> -> memref<1x128xi32, #tpu.memory_space<vmem>>
        %dma_start3A_247 = tpu.memref_squeeze %dma_start3A_246 : memref<1x128xi32, #tpu.memory_space<vmem>> -> memref<128xi32, #tpu.memory_space<vmem>>
        %dma_start3A_248 = arith.constant 0 : i32
        %dma_start3A_249 = arith.constant 0 : i32
        %dma_start3A_250 = tpu.memref_slice %arg19[%dma_start3A_248, %dma_start3A_249] : memref<10008x128xf32, #tpu.memory_space<vmem_shared>> -> memref<10008x128xf32, #tpu.memory_space<vmem_shared>>
        tpu.enqueue_indirect_dma source(%arg18 : memref<128x128xf32, #tpu.memory_space<vmem>>) target(%dma_start3A_250 : memref<10008x128xf32, #tpu.memory_space<vmem_shared>>) offsets(%dma_start3A_247 : memref<128xi32, #tpu.memory_space<vmem>>) semaphore(%arg23 : memref<!tpu.dma_semaphore, #tpu.memory_space<semaphore_mem>>) {add = true}
        %dma_wait3A_251 = arith.constant 1 : i32
        %dma_wait3A_252 = arith.constant 0 : i32
        %dma_wait3A_253 = arith.constant 0 : i32
        %dma_wait3A_254 = tpu.memref_slice %arg16[%rem3A_120, %dma_wait3A_252, %dma_wait3A_253] : memref<2x8x128xi32, #tpu.memory_space<vmem>> -> memref<1x8x128xi32, #tpu.memory_space<vmem>>
        %dma_wait3A_255 = tpu.memref_squeeze %dma_wait3A_254 : memref<1x8x128xi32, #tpu.memory_space<vmem>> -> memref<8x128xi32, #tpu.memory_space<vmem>>
        %dma_wait3A_256 = arith.constant 0 : i32
        %dma_wait3A_257 = tpu.memref_slice %dma_wait3A_255[%dma_wait3A_251, %dma_wait3A_256] : memref<8x128xi32, #tpu.memory_space<vmem>> -> memref<1x128xi32, #tpu.memory_space<vmem>>
        %dma_wait3A_258 = tpu.memref_squeeze %dma_wait3A_257 : memref<1x128xi32, #tpu.memory_space<vmem>> -> memref<128xi32, #tpu.memory_space<vmem>>
        %dma_wait3A_259 = arith.constant 0 : i32
        %dma_wait3A_260 = arith.constant 0 : i32
        %dma_wait3A_261 = tpu.memref_slice %arg19[%dma_wait3A_259, %dma_wait3A_260] : memref<10008x128xf32, #tpu.memory_space<vmem_shared>> -> memref<10008x128xf32, #tpu.memory_space<vmem_shared>>
        tpu.wait_indirect_dma semaphore(%arg23 : memref<!tpu.dma_semaphore, #tpu.memory_space<semaphore_mem>>) src(%arg18 : memref<128x128xf32, #tpu.memory_space<vmem>>) dst(%dma_wait3A_261 : memref<10008x128xf32, #tpu.memory_space<vmem_shared>>)
        %dma_start3A_262 = arith.constant 3 : i32
        %dma_start3A_263 = arith.constant 0 : i32
        %dma_start3A_264 = arith.constant 0 : i32
        %dma_start3A_265 = tpu.memref_slice %arg15[%rem3A_120, %dma_start3A_263, %dma_start3A_264] : memref<2x8x128xi32, #tpu.memory_space<vmem>> -> memref<1x8x128xi32, #tpu.memory_space<vmem>>
        %dma_start3A_266 = tpu.memref_squeeze %dma_start3A_265 : memref<1x8x128xi32, #tpu.memory_space<vmem>> -> memref<8x128xi32, #tpu.memory_space<vmem>>
        %dma_start3A_267 = arith.constant 0 : i32
        %dma_start3A_268 = tpu.memref_slice %dma_start3A_266[%dma_start3A_262, %dma_start3A_267] : memref<8x128xi32, #tpu.memory_space<vmem>> -> memref<1x128xi32, #tpu.memory_space<vmem>>
        %dma_start3A_269 = tpu.memref_squeeze %dma_start3A_268 : memref<1x128xi32, #tpu.memory_space<vmem>> -> memref<128xi32, #tpu.memory_space<vmem>>
        %dma_start3A_270 = arith.constant 0 : i32
        %dma_start3A_271 = arith.constant 0 : i32
        %dma_start3A_272 = tpu.memref_slice %arg6[%dma_start3A_270, %dma_start3A_271] : memref<10000x128xf32, #tpu.memory_space<hbm>> -> memref<10000x128xf32, #tpu.memory_space<hbm>>
        tpu.enqueue_indirect_dma source(%dma_start3A_272 : memref<10000x128xf32, #tpu.memory_space<hbm>>) target(%arg18 : memref<128x128xf32, #tpu.memory_space<vmem>>) offsets(%dma_start3A_269 : memref<128xi32, #tpu.memory_space<vmem>>) semaphore(%arg21 : memref<!tpu.dma_semaphore, #tpu.memory_space<semaphore_mem>>)
        %dma_wait3A_273 = arith.constant 2 : i32
        %dma_wait3A_274 = arith.constant 0 : i32
        %dma_wait3A_275 = arith.constant 0 : i32
        %dma_wait3A_276 = tpu.memref_slice %arg15[%rem3A_120, %dma_wait3A_274, %dma_wait3A_275] : memref<2x8x128xi32, #tpu.memory_space<vmem>> -> memref<1x8x128xi32, #tpu.memory_space<vmem>>
        %dma_wait3A_277 = tpu.memref_squeeze %dma_wait3A_276 : memref<1x8x128xi32, #tpu.memory_space<vmem>> -> memref<8x128xi32, #tpu.memory_space<vmem>>
        %dma_wait3A_278 = arith.constant 0 : i32
        %dma_wait3A_279 = tpu.memref_slice %dma_wait3A_277[%dma_wait3A_273, %dma_wait3A_278] : memref<8x128xi32, #tpu.memory_space<vmem>> -> memref<1x128xi32, #tpu.memory_space<vmem>>
        %dma_wait3A_280 = tpu.memref_squeeze %dma_wait3A_279 : memref<1x128xi32, #tpu.memory_space<vmem>> -> memref<128xi32, #tpu.memory_space<vmem>>
        %dma_wait3A_281 = arith.constant 0 : i32
        %dma_wait3A_282 = arith.constant 0 : i32
        %dma_wait3A_283 = tpu.memref_slice %arg6[%dma_wait3A_281, %dma_wait3A_282] : memref<10000x128xf32, #tpu.memory_space<hbm>> -> memref<10000x128xf32, #tpu.memory_space<hbm>>
        tpu.wait_indirect_dma semaphore(%arg20 : memref<!tpu.dma_semaphore, #tpu.memory_space<semaphore_mem>>) src(%dma_wait3A_283 : memref<10000x128xf32, #tpu.memory_space<hbm>>) dst(%arg17 : memref<128x128xf32, #tpu.memory_space<vmem>>)
        %dma_start3A_284 = arith.constant 2 : i32
        %dma_start3A_285 = arith.constant 0 : i32
        %dma_start3A_286 = arith.constant 0 : i32
        %dma_start3A_287 = tpu.memref_slice %arg16[%rem3A_120, %dma_start3A_285, %dma_start3A_286] : memref<2x8x128xi32, #tpu.memory_space<vmem>> -> memref<1x8x128xi32, #tpu.memory_space<vmem>>
        %dma_start3A_288 = tpu.memref_squeeze %dma_start3A_287 : memref<1x8x128xi32, #tpu.memory_space<vmem>> -> memref<8x128xi32, #tpu.memory_space<vmem>>
        %dma_start3A_289 = arith.constant 0 : i32
        %dma_start3A_290 = tpu.memref_slice %dma_start3A_288[%dma_start3A_284, %dma_start3A_289] : memref<8x128xi32, #tpu.memory_space<vmem>> -> memref<1x128xi32, #tpu.memory_space<vmem>>
        %dma_start3A_291 = tpu.memref_squeeze %dma_start3A_290 : memref<1x128xi32, #tpu.memory_space<vmem>> -> memref<128xi32, #tpu.memory_space<vmem>>
        %dma_start3A_292 = arith.constant 0 : i32
        %dma_start3A_293 = arith.constant 0 : i32
        %dma_start3A_294 = tpu.memref_slice %arg19[%dma_start3A_292, %dma_start3A_293] : memref<10008x128xf32, #tpu.memory_space<vmem_shared>> -> memref<10008x128xf32, #tpu.memory_space<vmem_shared>>
        tpu.enqueue_indirect_dma source(%arg17 : memref<128x128xf32, #tpu.memory_space<vmem>>) target(%dma_start3A_294 : memref<10008x128xf32, #tpu.memory_space<vmem_shared>>) offsets(%dma_start3A_291 : memref<128xi32, #tpu.memory_space<vmem>>) semaphore(%arg22 : memref<!tpu.dma_semaphore, #tpu.memory_space<semaphore_mem>>) {add = true}
        %dma_wait3A_295 = arith.constant 2 : i32
        %dma_wait3A_296 = arith.constant 0 : i32
        %dma_wait3A_297 = arith.constant 0 : i32
        %dma_wait3A_298 = tpu.memref_slice %arg16[%rem3A_120, %dma_wait3A_296, %dma_wait3A_297] : memref<2x8x128xi32, #tpu.memory_space<vmem>> -> memref<1x8x128xi32, #tpu.memory_space<vmem>>
        %dma_wait3A_299 = tpu.memref_squeeze %dma_wait3A_298 : memref<1x8x128xi32, #tpu.memory_space<vmem>> -> memref<8x128xi32, #tpu.memory_space<vmem>>
        %dma_wait3A_300 = arith.constant 0 : i32
        %dma_wait3A_301 = tpu.memref_slice %dma_wait3A_299[%dma_wait3A_295, %dma_wait3A_300] : memref<8x128xi32, #tpu.memory_space<vmem>> -> memref<1x128xi32, #tpu.memory_space<vmem>>
        %dma_wait3A_302 = tpu.memref_squeeze %dma_wait3A_301 : memref<1x128xi32, #tpu.memory_space<vmem>> -> memref<128xi32, #tpu.memory_space<vmem>>
        %dma_wait3A_303 = arith.constant 0 : i32
        %dma_wait3A_304 = arith.constant 0 : i32
        %dma_wait3A_305 = tpu.memref_slice %arg19[%dma_wait3A_303, %dma_wait3A_304] : memref<10008x128xf32, #tpu.memory_space<vmem_shared>> -> memref<10008x128xf32, #tpu.memory_space<vmem_shared>>
        tpu.wait_indirect_dma semaphore(%arg22 : memref<!tpu.dma_semaphore, #tpu.memory_space<semaphore_mem>>) src(%arg17 : memref<128x128xf32, #tpu.memory_space<vmem>>) dst(%dma_wait3A_305 : memref<10008x128xf32, #tpu.memory_space<vmem_shared>>)
        %dma_start3A_306 = arith.constant 4 : i32
        %dma_start3A_307 = arith.constant 0 : i32
        %dma_start3A_308 = arith.constant 0 : i32
        %dma_start3A_309 = tpu.memref_slice %arg15[%rem3A_120, %dma_start3A_307, %dma_start3A_308] : memref<2x8x128xi32, #tpu.memory_space<vmem>> -> memref<1x8x128xi32, #tpu.memory_space<vmem>>
        %dma_start3A_310 = tpu.memref_squeeze %dma_start3A_309 : memref<1x8x128xi32, #tpu.memory_space<vmem>> -> memref<8x128xi32, #tpu.memory_space<vmem>>
        %dma_start3A_311 = arith.constant 0 : i32
        %dma_start3A_312 = tpu.memref_slice %dma_start3A_310[%dma_start3A_306, %dma_start3A_311] : memref<8x128xi32, #tpu.memory_space<vmem>> -> memref<1x128xi32, #tpu.memory_space<vmem>>
        %dma_start3A_313 = tpu.memref_squeeze %dma_start3A_312 : memref<1x128xi32, #tpu.memory_space<vmem>> -> memref<128xi32, #tpu.memory_space<vmem>>
        %dma_start3A_314 = arith.constant 0 : i32
        %dma_start3A_315 = arith.constant 0 : i32
        %dma_start3A_316 = tpu.memref_slice %arg6[%dma_start3A_314, %dma_start3A_315] : memref<10000x128xf32, #tpu.memory_space<hbm>> -> memref<10000x128xf32, #tpu.memory_space<hbm>>
        tpu.enqueue_indirect_dma source(%dma_start3A_316 : memref<10000x128xf32, #tpu.memory_space<hbm>>) target(%arg17 : memref<128x128xf32, #tpu.memory_space<vmem>>) offsets(%dma_start3A_313 : memref<128xi32, #tpu.memory_space<vmem>>) semaphore(%arg20 : memref<!tpu.dma_semaphore, #tpu.memory_space<semaphore_mem>>)
        %dma_wait3A_317 = arith.constant 3 : i32
        %dma_wait3A_318 = arith.constant 0 : i32
        %dma_wait3A_319 = arith.constant 0 : i32
        %dma_wait3A_320 = tpu.memref_slice %arg15[%rem3A_120, %dma_wait3A_318, %dma_wait3A_319] : memref<2x8x128xi32, #tpu.memory_space<vmem>> -> memref<1x8x128xi32, #tpu.memory_space<vmem>>
        %dma_wait3A_321 = tpu.memref_squeeze %dma_wait3A_320 : memref<1x8x128xi32, #tpu.memory_space<vmem>> -> memref<8x128xi32, #tpu.memory_space<vmem>>
        %dma_wait3A_322 = arith.constant 0 : i32
        %dma_wait3A_323 = tpu.memref_slice %dma_wait3A_321[%dma_wait3A_317, %dma_wait3A_322] : memref<8x128xi32, #tpu.memory_space<vmem>> -> memref<1x128xi32, #tpu.memory_space<vmem>>
        %dma_wait3A_324 = tpu.memref_squeeze %dma_wait3A_323 : memref<1x128xi32, #tpu.memory_space<vmem>> -> memref<128xi32, #tpu.memory_space<vmem>>
        %dma_wait3A_325 = arith.constant 0 : i32
        %dma_wait3A_326 = arith.constant 0 : i32
        %dma_wait3A_327 = tpu.memref_slice %arg6[%dma_wait3A_325, %dma_wait3A_326] : memref<10000x128xf32, #tpu.memory_space<hbm>> -> memref<10000x128xf32, #tpu.memory_space<hbm>>
        tpu.wait_indirect_dma semaphore(%arg21 : memref<!tpu.dma_semaphore, #tpu.memory_space<semaphore_mem>>) src(%dma_wait3A_327 : memref<10000x128xf32, #tpu.memory_space<hbm>>) dst(%arg18 : memref<128x128xf32, #tpu.memory_space<vmem>>)
        %dma_start3A_328 = arith.constant 3 : i32
        %dma_start3A_329 = arith.constant 0 : i32
        %dma_start3A_330 = arith.constant 0 : i32
        %dma_start3A_331 = tpu.memref_slice %arg16[%rem3A_120, %dma_start3A_329, %dma_start3A_330] : memref<2x8x128xi32, #tpu.memory_space<vmem>> -> memref<1x8x128xi32, #tpu.memory_space<vmem>>
        %dma_start3A_332 = tpu.memref_squeeze %dma_start3A_331 : memref<1x8x128xi32, #tpu.memory_space<vmem>> -> memref<8x128xi32, #tpu.memory_space<vmem>>
        %dma_start3A_333 = arith.constant 0 : i32
        %dma_start3A_334 = tpu.memref_slice %dma_start3A_332[%dma_start3A_328, %dma_start3A_333] : memref<8x128xi32, #tpu.memory_space<vmem>> -> memref<1x128xi32, #tpu.memory_space<vmem>>
        %dma_start3A_335 = tpu.memref_squeeze %dma_start3A_334 : memref<1x128xi32, #tpu.memory_space<vmem>> -> memref<128xi32, #tpu.memory_space<vmem>>
        %dma_start3A_336 = arith.constant 0 : i32
        %dma_start3A_337 = arith.constant 0 : i32
        %dma_start3A_338 = tpu.memref_slice %arg19[%dma_start3A_336, %dma_start3A_337] : memref<10008x128xf32, #tpu.memory_space<vmem_shared>> -> memref<10008x128xf32, #tpu.memory_space<vmem_shared>>
        tpu.enqueue_indirect_dma source(%arg18 : memref<128x128xf32, #tpu.memory_space<vmem>>) target(%dma_start3A_338 : memref<10008x128xf32, #tpu.memory_space<vmem_shared>>) offsets(%dma_start3A_335 : memref<128xi32, #tpu.memory_space<vmem>>) semaphore(%arg23 : memref<!tpu.dma_semaphore, #tpu.memory_space<semaphore_mem>>) {add = true}
        %dma_wait3A_339 = arith.constant 3 : i32
        %dma_wait3A_340 = arith.constant 0 : i32
        %dma_wait3A_341 = arith.constant 0 : i32
        %dma_wait3A_342 = tpu.memref_slice %arg16[%rem3A_120, %dma_wait3A_340, %dma_wait3A_341] : memref<2x8x128xi32, #tpu.memory_space<vmem>> -> memref<1x8x128xi32, #tpu.memory_space<vmem>>
        %dma_wait3A_343 = tpu.memref_squeeze %dma_wait3A_342 : memref<1x8x128xi32, #tpu.memory_space<vmem>> -> memref<8x128xi32, #tpu.memory_space<vmem>>
        %dma_wait3A_344 = arith.constant 0 : i32
        %dma_wait3A_345 = tpu.memref_slice %dma_wait3A_343[%dma_wait3A_339, %dma_wait3A_344] : memref<8x128xi32, #tpu.memory_space<vmem>> -> memref<1x128xi32, #tpu.memory_space<vmem>>
        %dma_wait3A_346 = tpu.memref_squeeze %dma_wait3A_345 : memref<1x128xi32, #tpu.memory_space<vmem>> -> memref<128xi32, #tpu.memory_space<vmem>>
        %dma_wait3A_347 = arith.constant 0 : i32
        %dma_wait3A_348 = arith.constant 0 : i32
        %dma_wait3A_349 = tpu.memref_slice %arg19[%dma_wait3A_347, %dma_wait3A_348] : memref<10008x128xf32, #tpu.memory_space<vmem_shared>> -> memref<10008x128xf32, #tpu.memory_space<vmem_shared>>
        tpu.wait_indirect_dma semaphore(%arg23 : memref<!tpu.dma_semaphore, #tpu.memory_space<semaphore_mem>>) src(%arg18 : memref<128x128xf32, #tpu.memory_space<vmem>>) dst(%dma_wait3A_349 : memref<10008x128xf32, #tpu.memory_space<vmem_shared>>)
        %dma_start3A_350 = arith.constant 5 : i32
        %dma_start3A_351 = arith.constant 0 : i32
        %dma_start3A_352 = arith.constant 0 : i32
        %dma_start3A_353 = tpu.memref_slice %arg15[%rem3A_120, %dma_start3A_351, %dma_start3A_352] : memref<2x8x128xi32, #tpu.memory_space<vmem>> -> memref<1x8x128xi32, #tpu.memory_space<vmem>>
        %dma_start3A_354 = tpu.memref_squeeze %dma_start3A_353 : memref<1x8x128xi32, #tpu.memory_space<vmem>> -> memref<8x128xi32, #tpu.memory_space<vmem>>
        %dma_start3A_355 = arith.constant 0 : i32
        %dma_start3A_356 = tpu.memref_slice %dma_start3A_354[%dma_start3A_350, %dma_start3A_355] : memref<8x128xi32, #tpu.memory_space<vmem>> -> memref<1x128xi32, #tpu.memory_space<vmem>>
        %dma_start3A_357 = tpu.memref_squeeze %dma_start3A_356 : memref<1x128xi32, #tpu.memory_space<vmem>> -> memref<128xi32, #tpu.memory_space<vmem>>
        %dma_start3A_358 = arith.constant 0 : i32
        %dma_start3A_359 = arith.constant 0 : i32
        %dma_start3A_360 = tpu.memref_slice %arg6[%dma_start3A_358, %dma_start3A_359] : memref<10000x128xf32, #tpu.memory_space<hbm>> -> memref<10000x128xf32, #tpu.memory_space<hbm>>
        tpu.enqueue_indirect_dma source(%dma_start3A_360 : memref<10000x128xf32, #tpu.memory_space<hbm>>) target(%arg18 : memref<128x128xf32, #tpu.memory_space<vmem>>) offsets(%dma_start3A_357 : memref<128xi32, #tpu.memory_space<vmem>>) semaphore(%arg21 : memref<!tpu.dma_semaphore, #tpu.memory_space<semaphore_mem>>)
        %dma_wait3A_361 = arith.constant 4 : i32
        %dma_wait3A_362 = arith.constant 0 : i32
        %dma_wait3A_363 = arith.constant 0 : i32
        %dma_wait3A_364 = tpu.memref_slice %arg15[%rem3A_120, %dma_wait3A_362, %dma_wait3A_363] : memref<2x8x128xi32, #tpu.memory_space<vmem>> -> memref<1x8x128xi32, #tpu.memory_space<vmem>>
        %dma_wait3A_365 = tpu.memref_squeeze %dma_wait3A_364 : memref<1x8x128xi32, #tpu.memory_space<vmem>> -> memref<8x128xi32, #tpu.memory_space<vmem>>
        %dma_wait3A_366 = arith.constant 0 : i32
        %dma_wait3A_367 = tpu.memref_slice %dma_wait3A_365[%dma_wait3A_361, %dma_wait3A_366] : memref<8x128xi32, #tpu.memory_space<vmem>> -> memref<1x128xi32, #tpu.memory_space<vmem>>
        %dma_wait3A_368 = tpu.memref_squeeze %dma_wait3A_367 : memref<1x128xi32, #tpu.memory_space<vmem>> -> memref<128xi32, #tpu.memory_space<vmem>>
        %dma_wait3A_369 = arith.constant 0 : i32
        %dma_wait3A_370 = arith.constant 0 : i32
        %dma_wait3A_371 = tpu.memref_slice %arg6[%dma_wait3A_369, %dma_wait3A_370] : memref<10000x128xf32, #tpu.memory_space<hbm>> -> memref<10000x128xf32, #tpu.memory_space<hbm>>
        tpu.wait_indirect_dma semaphore(%arg20 : memref<!tpu.dma_semaphore, #tpu.memory_space<semaphore_mem>>) src(%dma_wait3A_371 : memref<10000x128xf32, #tpu.memory_space<hbm>>) dst(%arg17 : memref<128x128xf32, #tpu.memory_space<vmem>>)
        %dma_start3A_372 = arith.constant 4 : i32
        %dma_start3A_373 = arith.constant 0 : i32
        %dma_start3A_374 = arith.constant 0 : i32
        %dma_start3A_375 = tpu.memref_slice %arg16[%rem3A_120, %dma_start3A_373, %dma_start3A_374] : memref<2x8x128xi32, #tpu.memory_space<vmem>> -> memref<1x8x128xi32, #tpu.memory_space<vmem>>
        %dma_start3A_376 = tpu.memref_squeeze %dma_start3A_375 : memref<1x8x128xi32, #tpu.memory_space<vmem>> -> memref<8x128xi32, #tpu.memory_space<vmem>>
        %dma_start3A_377 = arith.constant 0 : i32
        %dma_start3A_378 = tpu.memref_slice %dma_start3A_376[%dma_start3A_372, %dma_start3A_377] : memref<8x128xi32, #tpu.memory_space<vmem>> -> memref<1x128xi32, #tpu.memory_space<vmem>>
        %dma_start3A_379 = tpu.memref_squeeze %dma_start3A_378 : memref<1x128xi32, #tpu.memory_space<vmem>> -> memref<128xi32, #tpu.memory_space<vmem>>
        %dma_start3A_380 = arith.constant 0 : i32
        %dma_start3A_381 = arith.constant 0 : i32
        %dma_start3A_382 = tpu.memref_slice %arg19[%dma_start3A_380, %dma_start3A_381] : memref<10008x128xf32, #tpu.memory_space<vmem_shared>> -> memref<10008x128xf32, #tpu.memory_space<vmem_shared>>
        tpu.enqueue_indirect_dma source(%arg17 : memref<128x128xf32, #tpu.memory_space<vmem>>) target(%dma_start3A_382 : memref<10008x128xf32, #tpu.memory_space<vmem_shared>>) offsets(%dma_start3A_379 : memref<128xi32, #tpu.memory_space<vmem>>) semaphore(%arg22 : memref<!tpu.dma_semaphore, #tpu.memory_space<semaphore_mem>>) {add = true}
        %dma_wait3A_383 = arith.constant 4 : i32
        %dma_wait3A_384 = arith.constant 0 : i32
        %dma_wait3A_385 = arith.constant 0 : i32
        %dma_wait3A_386 = tpu.memref_slice %arg16[%rem3A_120, %dma_wait3A_384, %dma_wait3A_385] : memref<2x8x128xi32, #tpu.memory_space<vmem>> -> memref<1x8x128xi32, #tpu.memory_space<vmem>>
        %dma_wait3A_387 = tpu.memref_squeeze %dma_wait3A_386 : memref<1x8x128xi32, #tpu.memory_space<vmem>> -> memref<8x128xi32, #tpu.memory_space<vmem>>
        %dma_wait3A_388 = arith.constant 0 : i32
        %dma_wait3A_389 = tpu.memref_slice %dma_wait3A_387[%dma_wait3A_383, %dma_wait3A_388] : memref<8x128xi32, #tpu.memory_space<vmem>> -> memref<1x128xi32, #tpu.memory_space<vmem>>
        %dma_wait3A_390 = tpu.memref_squeeze %dma_wait3A_389 : memref<1x128xi32, #tpu.memory_space<vmem>> -> memref<128xi32, #tpu.memory_space<vmem>>
        %dma_wait3A_391 = arith.constant 0 : i32
        %dma_wait3A_392 = arith.constant 0 : i32
        %dma_wait3A_393 = tpu.memref_slice %arg19[%dma_wait3A_391, %dma_wait3A_392] : memref<10008x128xf32, #tpu.memory_space<vmem_shared>> -> memref<10008x128xf32, #tpu.memory_space<vmem_shared>>
        tpu.wait_indirect_dma semaphore(%arg22 : memref<!tpu.dma_semaphore, #tpu.memory_space<semaphore_mem>>) src(%arg17 : memref<128x128xf32, #tpu.memory_space<vmem>>) dst(%dma_wait3A_393 : memref<10008x128xf32, #tpu.memory_space<vmem_shared>>)
        %dma_start3A_394 = arith.constant 6 : i32
        %dma_start3A_395 = arith.constant 0 : i32
        %dma_start3A_396 = arith.constant 0 : i32
        %dma_start3A_397 = tpu.memref_slice %arg15[%rem3A_120, %dma_start3A_395, %dma_start3A_396] : memref<2x8x128xi32, #tpu.memory_space<vmem>> -> memref<1x8x128xi32, #tpu.memory_space<vmem>>
        %dma_start3A_398 = tpu.memref_squeeze %dma_start3A_397 : memref<1x8x128xi32, #tpu.memory_space<vmem>> -> memref<8x128xi32, #tpu.memory_space<vmem>>
        %dma_start3A_399 = arith.constant 0 : i32
        %dma_start3A_400 = tpu.memref_slice %dma_start3A_398[%dma_start3A_394, %dma_start3A_399] : memref<8x128xi32, #tpu.memory_space<vmem>> -> memref<1x128xi32, #tpu.memory_space<vmem>>
        %dma_start3A_401 = tpu.memref_squeeze %dma_start3A_400 : memref<1x128xi32, #tpu.memory_space<vmem>> -> memref<128xi32, #tpu.memory_space<vmem>>
        %dma_start3A_402 = arith.constant 0 : i32
        %dma_start3A_403 = arith.constant 0 : i32
        %dma_start3A_404 = tpu.memref_slice %arg6[%dma_start3A_402, %dma_start3A_403] : memref<10000x128xf32, #tpu.memory_space<hbm>> -> memref<10000x128xf32, #tpu.memory_space<hbm>>
        tpu.enqueue_indirect_dma source(%dma_start3A_404 : memref<10000x128xf32, #tpu.memory_space<hbm>>) target(%arg17 : memref<128x128xf32, #tpu.memory_space<vmem>>) offsets(%dma_start3A_401 : memref<128xi32, #tpu.memory_space<vmem>>) semaphore(%arg20 : memref<!tpu.dma_semaphore, #tpu.memory_space<semaphore_mem>>)
        %dma_wait3A_405 = arith.constant 5 : i32
        %dma_wait3A_406 = arith.constant 0 : i32
        %dma_wait3A_407 = arith.constant 0 : i32
        %dma_wait3A_408 = tpu.memref_slice %arg15[%rem3A_120, %dma_wait3A_406, %dma_wait3A_407] : memref<2x8x128xi32, #tpu.memory_space<vmem>> -> memref<1x8x128xi32, #tpu.memory_space<vmem>>
        %dma_wait3A_409 = tpu.memref_squeeze %dma_wait3A_408 : memref<1x8x128xi32, #tpu.memory_space<vmem>> -> memref<8x128xi32, #tpu.memory_space<vmem>>
        %dma_wait3A_410 = arith.constant 0 : i32
        %dma_wait3A_411 = tpu.memref_slice %dma_wait3A_409[%dma_wait3A_405, %dma_wait3A_410] : memref<8x128xi32, #tpu.memory_space<vmem>> -> memref<1x128xi32, #tpu.memory_space<vmem>>
        %dma_wait3A_412 = tpu.memref_squeeze %dma_wait3A_411 : memref<1x128xi32, #tpu.memory_space<vmem>> -> memref<128xi32, #tpu.memory_space<vmem>>
        %dma_wait3A_413 = arith.constant 0 : i32
        %dma_wait3A_414 = arith.constant 0 : i32
        %dma_wait3A_415 = tpu.memref_slice %arg6[%dma_wait3A_413, %dma_wait3A_414] : memref<10000x128xf32, #tpu.memory_space<hbm>> -> memref<10000x128xf32, #tpu.memory_space<hbm>>
        tpu.wait_indirect_dma semaphore(%arg21 : memref<!tpu.dma_semaphore, #tpu.memory_space<semaphore_mem>>) src(%dma_wait3A_415 : memref<10000x128xf32, #tpu.memory_space<hbm>>) dst(%arg18 : memref<128x128xf32, #tpu.memory_space<vmem>>)
        %dma_start3A_416 = arith.constant 5 : i32
        %dma_start3A_417 = arith.constant 0 : i32
        %dma_start3A_418 = arith.constant 0 : i32
        %dma_start3A_419 = tpu.memref_slice %arg16[%rem3A_120, %dma_start3A_417, %dma_start3A_418] : memref<2x8x128xi32, #tpu.memory_space<vmem>> -> memref<1x8x128xi32, #tpu.memory_space<vmem>>
        %dma_start3A_420 = tpu.memref_squeeze %dma_start3A_419 : memref<1x8x128xi32, #tpu.memory_space<vmem>> -> memref<8x128xi32, #tpu.memory_space<vmem>>
        %dma_start3A_421 = arith.constant 0 : i32
        %dma_start3A_422 = tpu.memref_slice %dma_start3A_420[%dma_start3A_416, %dma_start3A_421] : memref<8x128xi32, #tpu.memory_space<vmem>> -> memref<1x128xi32, #tpu.memory_space<vmem>>
        %dma_start3A_423 = tpu.memref_squeeze %dma_start3A_422 : memref<1x128xi32, #tpu.memory_space<vmem>> -> memref<128xi32, #tpu.memory_space<vmem>>
        %dma_start3A_424 = arith.constant 0 : i32
        %dma_start3A_425 = arith.constant 0 : i32
        %dma_start3A_426 = tpu.memref_slice %arg19[%dma_start3A_424, %dma_start3A_425] : memref<10008x128xf32, #tpu.memory_space<vmem_shared>> -> memref<10008x128xf32, #tpu.memory_space<vmem_shared>>
        tpu.enqueue_indirect_dma source(%arg18 : memref<128x128xf32, #tpu.memory_space<vmem>>) target(%dma_start3A_426 : memref<10008x128xf32, #tpu.memory_space<vmem_shared>>) offsets(%dma_start3A_423 : memref<128xi32, #tpu.memory_space<vmem>>) semaphore(%arg23 : memref<!tpu.dma_semaphore, #tpu.memory_space<semaphore_mem>>) {add = true}
        %dma_wait3A_427 = arith.constant 5 : i32
        %dma_wait3A_428 = arith.constant 0 : i32
        %dma_wait3A_429 = arith.constant 0 : i32
        %dma_wait3A_430 = tpu.memref_slice %arg16[%rem3A_120, %dma_wait3A_428, %dma_wait3A_429] : memref<2x8x128xi32, #tpu.memory_space<vmem>> -> memref<1x8x128xi32, #tpu.memory_space<vmem>>
        %dma_wait3A_431 = tpu.memref_squeeze %dma_wait3A_430 : memref<1x8x128xi32, #tpu.memory_space<vmem>> -> memref<8x128xi32, #tpu.memory_space<vmem>>
        %dma_wait3A_432 = arith.constant 0 : i32
        %dma_wait3A_433 = tpu.memref_slice %dma_wait3A_431[%dma_wait3A_427, %dma_wait3A_432] : memref<8x128xi32, #tpu.memory_space<vmem>> -> memref<1x128xi32, #tpu.memory_space<vmem>>
        %dma_wait3A_434 = tpu.memref_squeeze %dma_wait3A_433 : memref<1x128xi32, #tpu.memory_space<vmem>> -> memref<128xi32, #tpu.memory_space<vmem>>
        %dma_wait3A_435 = arith.constant 0 : i32
        %dma_wait3A_436 = arith.constant 0 : i32
        %dma_wait3A_437 = tpu.memref_slice %arg19[%dma_wait3A_435, %dma_wait3A_436] : memref<10008x128xf32, #tpu.memory_space<vmem_shared>> -> memref<10008x128xf32, #tpu.memory_space<vmem_shared>>
        tpu.wait_indirect_dma semaphore(%arg23 : memref<!tpu.dma_semaphore, #tpu.memory_space<semaphore_mem>>) src(%arg18 : memref<128x128xf32, #tpu.memory_space<vmem>>) dst(%dma_wait3A_437 : memref<10008x128xf32, #tpu.memory_space<vmem_shared>>)
        %dma_start3A_438 = arith.constant 7 : i32
        %dma_start3A_439 = arith.constant 0 : i32
        %dma_start3A_440 = arith.constant 0 : i32
        %dma_start3A_441 = tpu.memref_slice %arg15[%rem3A_120, %dma_start3A_439, %dma_start3A_440] : memref<2x8x128xi32, #tpu.memory_space<vmem>> -> memref<1x8x128xi32, #tpu.memory_space<vmem>>
        %dma_start3A_442 = tpu.memref_squeeze %dma_start3A_441 : memref<1x8x128xi32, #tpu.memory_space<vmem>> -> memref<8x128xi32, #tpu.memory_space<vmem>>
        %dma_start3A_443 = arith.constant 0 : i32
        %dma_start3A_444 = tpu.memref_slice %dma_start3A_442[%dma_start3A_438, %dma_start3A_443] : memref<8x128xi32, #tpu.memory_space<vmem>> -> memref<1x128xi32, #tpu.memory_space<vmem>>
        %dma_start3A_445 = tpu.memref_squeeze %dma_start3A_444 : memref<1x128xi32, #tpu.memory_space<vmem>> -> memref<128xi32, #tpu.memory_space<vmem>>
        %dma_start3A_446 = arith.constant 0 : i32
        %dma_start3A_447 = arith.constant 0 : i32
        %dma_start3A_448 = tpu.memref_slice %arg6[%dma_start3A_446, %dma_start3A_447] : memref<10000x128xf32, #tpu.memory_space<hbm>> -> memref<10000x128xf32, #tpu.memory_space<hbm>>
        tpu.enqueue_indirect_dma source(%dma_start3A_448 : memref<10000x128xf32, #tpu.memory_space<hbm>>) target(%arg18 : memref<128x128xf32, #tpu.memory_space<vmem>>) offsets(%dma_start3A_445 : memref<128xi32, #tpu.memory_space<vmem>>) semaphore(%arg21 : memref<!tpu.dma_semaphore, #tpu.memory_space<semaphore_mem>>)
        %dma_wait3A_449 = arith.constant 6 : i32
        %dma_wait3A_450 = arith.constant 0 : i32
        %dma_wait3A_451 = arith.constant 0 : i32
        %dma_wait3A_452 = tpu.memref_slice %arg15[%rem3A_120, %dma_wait3A_450, %dma_wait3A_451] : memref<2x8x128xi32, #tpu.memory_space<vmem>> -> memref<1x8x128xi32, #tpu.memory_space<vmem>>
        %dma_wait3A_453 = tpu.memref_squeeze %dma_wait3A_452 : memref<1x8x128xi32, #tpu.memory_space<vmem>> -> memref<8x128xi32, #tpu.memory_space<vmem>>
        %dma_wait3A_454 = arith.constant 0 : i32
        %dma_wait3A_455 = tpu.memref_slice %dma_wait3A_453[%dma_wait3A_449, %dma_wait3A_454] : memref<8x128xi32, #tpu.memory_space<vmem>> -> memref<1x128xi32, #tpu.memory_space<vmem>>
        %dma_wait3A_456 = tpu.memref_squeeze %dma_wait3A_455 : memref<1x128xi32, #tpu.memory_space<vmem>> -> memref<128xi32, #tpu.memory_space<vmem>>
        %dma_wait3A_457 = arith.constant 0 : i32
        %dma_wait3A_458 = arith.constant 0 : i32
        %dma_wait3A_459 = tpu.memref_slice %arg6[%dma_wait3A_457, %dma_wait3A_458] : memref<10000x128xf32, #tpu.memory_space<hbm>> -> memref<10000x128xf32, #tpu.memory_space<hbm>>
        tpu.wait_indirect_dma semaphore(%arg20 : memref<!tpu.dma_semaphore, #tpu.memory_space<semaphore_mem>>) src(%dma_wait3A_459 : memref<10000x128xf32, #tpu.memory_space<hbm>>) dst(%arg17 : memref<128x128xf32, #tpu.memory_space<vmem>>)
        %dma_start3A_460 = arith.constant 6 : i32
        %dma_start3A_461 = arith.constant 0 : i32
        %dma_start3A_462 = arith.constant 0 : i32
        %dma_start3A_463 = tpu.memref_slice %arg16[%rem3A_120, %dma_start3A_461, %dma_start3A_462] : memref<2x8x128xi32, #tpu.memory_space<vmem>> -> memref<1x8x128xi32, #tpu.memory_space<vmem>>
        %dma_start3A_464 = tpu.memref_squeeze %dma_start3A_463 : memref<1x8x128xi32, #tpu.memory_space<vmem>> -> memref<8x128xi32, #tpu.memory_space<vmem>>
        %dma_start3A_465 = arith.constant 0 : i32
        %dma_start3A_466 = tpu.memref_slice %dma_start3A_464[%dma_start3A_460, %dma_start3A_465] : memref<8x128xi32, #tpu.memory_space<vmem>> -> memref<1x128xi32, #tpu.memory_space<vmem>>
        %dma_start3A_467 = tpu.memref_squeeze %dma_start3A_466 : memref<1x128xi32, #tpu.memory_space<vmem>> -> memref<128xi32, #tpu.memory_space<vmem>>
        %dma_start3A_468 = arith.constant 0 : i32
        %dma_start3A_469 = arith.constant 0 : i32
        %dma_start3A_470 = tpu.memref_slice %arg19[%dma_start3A_468, %dma_start3A_469] : memref<10008x128xf32, #tpu.memory_space<vmem_shared>> -> memref<10008x128xf32, #tpu.memory_space<vmem_shared>>
        tpu.enqueue_indirect_dma source(%arg17 : memref<128x128xf32, #tpu.memory_space<vmem>>) target(%dma_start3A_470 : memref<10008x128xf32, #tpu.memory_space<vmem_shared>>) offsets(%dma_start3A_467 : memref<128xi32, #tpu.memory_space<vmem>>) semaphore(%arg22 : memref<!tpu.dma_semaphore, #tpu.memory_space<semaphore_mem>>) {add = true}
        %dma_wait3A_471 = arith.constant 7 : i32
        %dma_wait3A_472 = arith.constant 0 : i32
        %dma_wait3A_473 = arith.constant 0 : i32
        %dma_wait3A_474 = tpu.memref_slice %arg15[%rem3A_120, %dma_wait3A_472, %dma_wait3A_473] : memref<2x8x128xi32, #tpu.memory_space<vmem>> -> memref<1x8x128xi32, #tpu.memory_space<vmem>>
        %dma_wait3A_475 = tpu.memref_squeeze %dma_wait3A_474 : memref<1x8x128xi32, #tpu.memory_space<vmem>> -> memref<8x128xi32, #tpu.memory_space<vmem>>
        %dma_wait3A_476 = arith.constant 0 : i32
        %dma_wait3A_477 = tpu.memref_slice %dma_wait3A_475[%dma_wait3A_471, %dma_wait3A_476] : memref<8x128xi32, #tpu.memory_space<vmem>> -> memref<1x128xi32, #tpu.memory_space<vmem>>
        %dma_wait3A_478 = tpu.memref_squeeze %dma_wait3A_477 : memref<1x128xi32, #tpu.memory_space<vmem>> -> memref<128xi32, #tpu.memory_space<vmem>>
        %dma_wait3A_479 = arith.constant 0 : i32
        %dma_wait3A_480 = arith.constant 0 : i32
        %dma_wait3A_481 = tpu.memref_slice %arg6[%dma_wait3A_479, %dma_wait3A_480] : memref<10000x128xf32, #tpu.memory_space<hbm>> -> memref<10000x128xf32, #tpu.memory_space<hbm>>
        tpu.wait_indirect_dma semaphore(%arg21 : memref<!tpu.dma_semaphore, #tpu.memory_space<semaphore_mem>>) src(%dma_wait3A_481 : memref<10000x128xf32, #tpu.memory_space<hbm>>) dst(%arg18 : memref<128x128xf32, #tpu.memory_space<vmem>>)
        %dma_start3A_482 = arith.constant 7 : i32
        %dma_start3A_483 = arith.constant 0 : i32
        %dma_start3A_484 = arith.constant 0 : i32
        %dma_start3A_485 = tpu.memref_slice %arg16[%rem3A_120, %dma_start3A_483, %dma_start3A_484] : memref<2x8x128xi32, #tpu.memory_space<vmem>> -> memref<1x8x128xi32, #tpu.memory_space<vmem>>
        %dma_start3A_486 = tpu.memref_squeeze %dma_start3A_485 : memref<1x8x128xi32, #tpu.memory_space<vmem>> -> memref<8x128xi32, #tpu.memory_space<vmem>>
        %dma_start3A_487 = arith.constant 0 : i32
        %dma_start3A_488 = tpu.memref_slice %dma_start3A_486[%dma_start3A_482, %dma_start3A_487] : memref<8x128xi32, #tpu.memory_space<vmem>> -> memref<1x128xi32, #tpu.memory_space<vmem>>
        %dma_start3A_489 = tpu.memref_squeeze %dma_start3A_488 : memref<1x128xi32, #tpu.memory_space<vmem>> -> memref<128xi32, #tpu.memory_space<vmem>>
        %dma_start3A_490 = arith.constant 0 : i32
        %dma_start3A_491 = arith.constant 0 : i32
        %dma_start3A_492 = tpu.memref_slice %arg19[%dma_start3A_490, %dma_start3A_491] : memref<10008x128xf32, #tpu.memory_space<vmem_shared>> -> memref<10008x128xf32, #tpu.memory_space<vmem_shared>>
        tpu.enqueue_indirect_dma source(%arg18 : memref<128x128xf32, #tpu.memory_space<vmem>>) target(%dma_start3A_492 : memref<10008x128xf32, #tpu.memory_space<vmem_shared>>) offsets(%dma_start3A_489 : memref<128xi32, #tpu.memory_space<vmem>>) semaphore(%arg23 : memref<!tpu.dma_semaphore, #tpu.memory_space<semaphore_mem>>) {add = true}
      }
      %scan3A_91 = arith.constant 10 : i32
      %dma_wait3A = arith.constant 1 : i32
      %dma_wait3A_92 = arith.constant 6 : i32
      %dma_wait3A_93 = arith.constant 0 : i32
      %dma_wait3A_94 = arith.constant 0 : i32
      %dma_wait3A_95 = tpu.memref_slice %arg16[%dma_wait3A, %dma_wait3A_93, %dma_wait3A_94] : memref<2x8x128xi32, #tpu.memory_space<vmem>> -> memref<1x8x128xi32, #tpu.memory_space<vmem>>
      %dma_wait3A_96 = tpu.memref_squeeze %dma_wait3A_95 : memref<1x8x128xi32, #tpu.memory_space<vmem>> -> memref<8x128xi32, #tpu.memory_space<vmem>>
      %dma_wait3A_97 = arith.constant 0 : i32
      %dma_wait3A_98 = tpu.memref_slice %dma_wait3A_96[%dma_wait3A_92, %dma_wait3A_97] : memref<8x128xi32, #tpu.memory_space<vmem>> -> memref<1x128xi32, #tpu.memory_space<vmem>>
      %dma_wait3A_99 = tpu.memref_squeeze %dma_wait3A_98 : memref<1x128xi32, #tpu.memory_space<vmem>> -> memref<128xi32, #tpu.memory_space<vmem>>
      %dma_wait3A_100 = arith.constant 0 : i32
      %dma_wait3A_101 = arith.constant 0 : i32
      %dma_wait3A_102 = tpu.memref_slice %arg19[%dma_wait3A_100, %dma_wait3A_101] : memref<10008x128xf32, #tpu.memory_space<vmem_shared>> -> memref<10008x128xf32, #tpu.memory_space<vmem_shared>>
      tpu.wait_indirect_dma semaphore(%arg22 : memref<!tpu.dma_semaphore, #tpu.memory_space<semaphore_mem>>) src(%arg17 : memref<128x128xf32, #tpu.memory_space<vmem>>) dst(%dma_wait3A_102 : memref<10008x128xf32, #tpu.memory_space<vmem_shared>>)
      %dma_wait3A_103 = arith.constant 1 : i32
      %dma_wait3A_104 = arith.constant 7 : i32
      %dma_wait3A_105 = arith.constant 0 : i32
      %dma_wait3A_106 = arith.constant 0 : i32
      %dma_wait3A_107 = tpu.memref_slice %arg16[%dma_wait3A_103, %dma_wait3A_105, %dma_wait3A_106] : memref<2x8x128xi32, #tpu.memory_space<vmem>> -> memref<1x8x128xi32, #tpu.memory_space<vmem>>
      %dma_wait3A_108 = tpu.memref_squeeze %dma_wait3A_107 : memref<1x8x128xi32, #tpu.memory_space<vmem>> -> memref<8x128xi32, #tpu.memory_space<vmem>>
      %dma_wait3A_109 = arith.constant 0 : i32
      %dma_wait3A_110 = tpu.memref_slice %dma_wait3A_108[%dma_wait3A_104, %dma_wait3A_109] : memref<8x128xi32, #tpu.memory_space<vmem>> -> memref<1x128xi32, #tpu.memory_space<vmem>>
      %dma_wait3A_111 = tpu.memref_squeeze %dma_wait3A_110 : memref<1x128xi32, #tpu.memory_space<vmem>> -> memref<128xi32, #tpu.memory_space<vmem>>
      %dma_wait3A_112 = arith.constant 0 : i32
      %dma_wait3A_113 = arith.constant 0 : i32
      %dma_wait3A_114 = tpu.memref_slice %arg19[%dma_wait3A_112, %dma_wait3A_113] : memref<10008x128xf32, #tpu.memory_space<vmem_shared>> -> memref<10008x128xf32, #tpu.memory_space<vmem_shared>>
      tpu.wait_indirect_dma semaphore(%arg23 : memref<!tpu.dma_semaphore, #tpu.memory_space<semaphore_mem>>) src(%arg18 : memref<128x128xf32, #tpu.memory_space<vmem>>) dst(%dma_wait3A_114 : memref<10008x128xf32, #tpu.memory_space<vmem_shared>>)
    } else {
    }
    %eq3A_44 = arith.constant 1 : i32
    %eq3A_45 = arith.cmpi eq, %arg0, %eq3A_44 : i32
    %convert_element_type3A_46 = arith.extui %eq3A_45 : i1 to i32
    %cond3A_47 = arith.constant 0 : i32
    %cond3A_48 = arith.cmpi ne, %convert_element_type3A_46, %cond3A_47 : i32
    scf.if %cond3A_48 {
      %add3A = arith.constant 0 : i32
      %add3A_60 = arith.addi %mul3A_0, %add3A : i32
      %add3A_61 = arith.constant 0 : i32
      %add3A_62 = arith.addi %mul3A_0, %add3A_61 : i32
      %dma_start3A = arith.constant 0 : i32
      %dma_start3A_63 = arith.constant 0 : i32
      %dma_start3A_64 = arith.constant 0 : i32
      %dma_start3A_65 = tpu.memref_slice %arg15[%dma_start3A, %dma_start3A_63, %dma_start3A_64] : memref<2x8x128xi32, #tpu.memory_space<vmem>> -> memref<1x8x128xi32, #tpu.memory_space<vmem>>
      %dma_start3A_66 = tpu.memref_squeeze %dma_start3A_65 : memref<1x8x128xi32, #tpu.memory_space<vmem>> -> memref<8x128xi32, #tpu.memory_space<vmem>>
      %dma_start3A_67 = arith.constant 0 : i32
      %dma_start3A_68 = tpu.memref_slice %arg8[%add3A_60, %dma_start3A_67] : memref<1280x128xi32, #tpu.memory_space<hbm>> -> memref<8x128xi32, #tpu.memory_space<hbm>>
      %dma_start3A_69 = arith.constant 0 : i32
      %dma_start3A_70 = arith.constant 0 : i32
      %dma_start3A_71 = tpu.memref_slice %arg15[%dma_start3A, %dma_start3A_69, %dma_start3A_70] : memref<2x8x128xi32, #tpu.memory_space<vmem>> -> memref<1x8x128xi32, #tpu.memory_space<vmem>>
      %dma_start3A_72 = tpu.memref_squeeze %dma_start3A_71 : memref<1x8x128xi32, #tpu.memory_space<vmem>> -> memref<8x128xi32, #tpu.memory_space<vmem>>
      %dma_start3A_73 = arith.constant 0 : i32
      %dma_start3A_74 = tpu.memref_slice %arg8[%add3A_60, %dma_start3A_73] : memref<1280x128xi32, #tpu.memory_space<hbm>> -> memref<8x128xi32, #tpu.memory_space<hbm>>
      tpu.enqueue_dma source(%dma_start3A_74 : memref<8x128xi32, #tpu.memory_space<hbm>>) target(%dma_start3A_72 : memref<8x128xi32, #tpu.memory_space<vmem>>) target_semaphore(%arg24 : memref<!tpu.dma_semaphore, #tpu.memory_space<semaphore_mem>>)
      %dma_start3A_75 = arith.constant 0 : i32
      %dma_start3A_76 = arith.constant 0 : i32
      %dma_start3A_77 = arith.constant 0 : i32
      %dma_start3A_78 = tpu.memref_slice %arg16[%dma_start3A_75, %dma_start3A_76, %dma_start3A_77] : memref<2x8x128xi32, #tpu.memory_space<vmem>> -> memref<1x8x128xi32, #tpu.memory_space<vmem>>
      %dma_start3A_79 = tpu.memref_squeeze %dma_start3A_78 : memref<1x8x128xi32, #tpu.memory_space<vmem>> -> memref<8x128xi32, #tpu.memory_space<vmem>>
      %dma_start3A_80 = arith.constant 0 : i32
      %dma_start3A_81 = tpu.memref_slice %arg9[%add3A_62, %dma_start3A_80] : memref<1280x128xi32, #tpu.memory_space<hbm>> -> memref<8x128xi32, #tpu.memory_space<hbm>>
      %dma_start3A_82 = arith.constant 0 : i32
      %dma_start3A_83 = arith.constant 0 : i32
      %dma_start3A_84 = tpu.memref_slice %arg16[%dma_start3A_75, %dma_start3A_82, %dma_start3A_83] : memref<2x8x128xi32, #tpu.memory_space<vmem>> -> memref<1x8x128xi32, #tpu.memory_space<vmem>>
      %dma_start3A_85 = tpu.memref_squeeze %dma_start3A_84 : memref<1x8x128xi32, #tpu.memory_space<vmem>> -> memref<8x128xi32, #tpu.memory_space<vmem>>
      %dma_start3A_86 = arith.constant 0 : i32
      %dma_start3A_87 = tpu.memref_slice %arg9[%add3A_62, %dma_start3A_86] : memref<1280x128xi32, #tpu.memory_space<hbm>> -> memref<8x128xi32, #tpu.memory_space<hbm>>
      tpu.enqueue_dma source(%dma_start3A_87 : memref<8x128xi32, #tpu.memory_space<hbm>>) target(%dma_start3A_85 : memref<8x128xi32, #tpu.memory_space<vmem>>) target_semaphore(%arg24 : memref<!tpu.dma_semaphore, #tpu.memory_space<semaphore_mem>>)
      %scan3A = arith.constant 0 : i32
      %scan3A_88 = arith.constant 10 : i32
      %scan3A_89 = arith.addi %scan3A, %scan3A_88 : i32
      %scan3A_90 = arith.constant 1 : i32
      scf.for %scan3A_115 = %scan3A to %scan3A_89 step %scan3A_90  : i32 {
        %mul3A_116 = arith.constant 1 : i32
        %mul3A_117 = arith.muli %scan3A_115, %mul3A_116 : i32
        %add3A_118 = arith.constant 0 : i32
        %add3A_119 = arith.addi %add3A_118, %mul3A_117 : i32
        %rem3A = arith.constant 2 : i32
        %rem3A_120 = arith.remsi %add3A_119, %rem3A : i32
        %sub3A = arith.constant 1 : i32
        %sub3A_121 = arith.subi %sub3A, %rem3A_120 : i32
        %mul3A_122 = arith.constant 8 : i32
        %mul3A_123 = arith.muli %add3A_119, %mul3A_122 : i32
        %add3A_124 = arith.addi %mul3A_0, %mul3A_123 : i32
        %mul3A_125 = arith.constant 8 : i32
        %mul3A_126 = arith.muli %add3A_119, %mul3A_125 : i32
        %add3A_127 = arith.addi %mul3A_0, %mul3A_126 : i32
        %dma_wait3A_128 = arith.constant 0 : i32
        %dma_wait3A_129 = arith.constant 0 : i32
        %dma_wait3A_130 = tpu.memref_slice %arg15[%rem3A_120, %dma_wait3A_128, %dma_wait3A_129] : memref<2x8x128xi32, #tpu.memory_space<vmem>> -> memref<1x8x128xi32, #tpu.memory_space<vmem>>
        %dma_wait3A_131 = tpu.memref_squeeze %dma_wait3A_130 : memref<1x8x128xi32, #tpu.memory_space<vmem>> -> memref<8x128xi32, #tpu.memory_space<vmem>>
        %dma_wait3A_132 = arith.constant 0 : i32
        %dma_wait3A_133 = tpu.memref_slice %arg8[%add3A_124, %dma_wait3A_132] : memref<1280x128xi32, #tpu.memory_space<hbm>> -> memref<8x128xi32, #tpu.memory_space<hbm>>
        %dma_wait3A_134 = arith.constant 0 : i32
        %dma_wait3A_135 = arith.constant 0 : i32
        %dma_wait3A_136 = tpu.memref_slice %arg15[%rem3A_120, %dma_wait3A_134, %dma_wait3A_135] : memref<2x8x128xi32, #tpu.memory_space<vmem>> -> memref<1x8x128xi32, #tpu.memory_space<vmem>>
        %dma_wait3A_137 = tpu.memref_squeeze %dma_wait3A_136 : memref<1x8x128xi32, #tpu.memory_space<vmem>> -> memref<8x128xi32, #tpu.memory_space<vmem>>
        %dma_wait3A_138 = arith.constant 0 : i32
        %dma_wait3A_139 = tpu.memref_slice %arg8[%add3A_124, %dma_wait3A_138] : memref<1280x128xi32, #tpu.memory_space<hbm>> -> memref<8x128xi32, #tpu.memory_space<hbm>>
        tpu.wait_dma2 semaphore(%arg24 : memref<!tpu.dma_semaphore, #tpu.memory_space<semaphore_mem>>) src(%dma_wait3A_139 : memref<8x128xi32, #tpu.memory_space<hbm>>) dst(%dma_wait3A_137 : memref<8x128xi32, #tpu.memory_space<vmem>>)
        %dma_wait3A_140 = arith.constant 0 : i32
        %dma_wait3A_141 = arith.constant 0 : i32
        %dma_wait3A_142 = tpu.memref_slice %arg16[%rem3A_120, %dma_wait3A_140, %dma_wait3A_141] : memref<2x8x128xi32, #tpu.memory_space<vmem>> -> memref<1x8x128xi32, #tpu.memory_space<vmem>>
        %dma_wait3A_143 = tpu.memref_squeeze %dma_wait3A_142 : memref<1x8x128xi32, #tpu.memory_space<vmem>> -> memref<8x128xi32, #tpu.memory_space<vmem>>
        %dma_wait3A_144 = arith.constant 0 : i32
        %dma_wait3A_145 = tpu.memref_slice %arg9[%add3A_127, %dma_wait3A_144] : memref<1280x128xi32, #tpu.memory_space<hbm>> -> memref<8x128xi32, #tpu.memory_space<hbm>>
        %dma_wait3A_146 = arith.constant 0 : i32
        %dma_wait3A_147 = arith.constant 0 : i32
        %dma_wait3A_148 = tpu.memref_slice %arg16[%rem3A_120, %dma_wait3A_146, %dma_wait3A_147] : memref<2x8x128xi32, #tpu.memory_space<vmem>> -> memref<1x8x128xi32, #tpu.memory_space<vmem>>
        %dma_wait3A_149 = tpu.memref_squeeze %dma_wait3A_148 : memref<1x8x128xi32, #tpu.memory_space<vmem>> -> memref<8x128xi32, #tpu.memory_space<vmem>>
        %dma_wait3A_150 = arith.constant 0 : i32
        %dma_wait3A_151 = tpu.memref_slice %arg9[%add3A_127, %dma_wait3A_150] : memref<1280x128xi32, #tpu.memory_space<hbm>> -> memref<8x128xi32, #tpu.memory_space<hbm>>
        tpu.wait_dma2 semaphore(%arg24 : memref<!tpu.dma_semaphore, #tpu.memory_space<semaphore_mem>>) src(%dma_wait3A_151 : memref<8x128xi32, #tpu.memory_space<hbm>>) dst(%dma_wait3A_149 : memref<8x128xi32, #tpu.memory_space<vmem>>)
        %gt3A = arith.constant 0 : i32
        %gt3A_152 = arith.cmpi sgt, %add3A_119, %gt3A : i32
        %convert_element_type3A_153 = arith.extui %gt3A_152 : i1 to i32
        %cond3A_154 = arith.constant 0 : i32
        %cond3A_155 = arith.cmpi ne, %convert_element_type3A_153, %cond3A_154 : i32
        scf.if %cond3A_155 {
          %dma_wait3A_493 = arith.constant 6 : i32
          %dma_wait3A_494 = arith.constant 0 : i32
          %dma_wait3A_495 = arith.constant 0 : i32
          %dma_wait3A_496 = tpu.memref_slice %arg16[%sub3A_121, %dma_wait3A_494, %dma_wait3A_495] : memref<2x8x128xi32, #tpu.memory_space<vmem>> -> memref<1x8x128xi32, #tpu.memory_space<vmem>>
          %dma_wait3A_497 = tpu.memref_squeeze %dma_wait3A_496 : memref<1x8x128xi32, #tpu.memory_space<vmem>> -> memref<8x128xi32, #tpu.memory_space<vmem>>
          %dma_wait3A_498 = arith.constant 0 : i32
          %dma_wait3A_499 = tpu.memref_slice %dma_wait3A_497[%dma_wait3A_493, %dma_wait3A_498] : memref<8x128xi32, #tpu.memory_space<vmem>> -> memref<1x128xi32, #tpu.memory_space<vmem>>
          %dma_wait3A_500 = tpu.memref_squeeze %dma_wait3A_499 : memref<1x128xi32, #tpu.memory_space<vmem>> -> memref<128xi32, #tpu.memory_space<vmem>>
          %dma_wait3A_501 = arith.constant 0 : i32
          %dma_wait3A_502 = arith.constant 0 : i32
          %dma_wait3A_503 = tpu.memref_slice %arg19[%dma_wait3A_501, %dma_wait3A_502] : memref<10008x128xf32, #tpu.memory_space<vmem_shared>> -> memref<10008x128xf32, #tpu.memory_space<vmem_shared>>
          tpu.wait_indirect_dma semaphore(%arg22 : memref<!tpu.dma_semaphore, #tpu.memory_space<semaphore_mem>>) src(%arg17 : memref<128x128xf32, #tpu.memory_space<vmem>>) dst(%dma_wait3A_503 : memref<10008x128xf32, #tpu.memory_space<vmem_shared>>)
          %dma_wait3A_504 = arith.constant 7 : i32
          %dma_wait3A_505 = arith.constant 0 : i32
          %dma_wait3A_506 = arith.constant 0 : i32
          %dma_wait3A_507 = tpu.memref_slice %arg16[%sub3A_121, %dma_wait3A_505, %dma_wait3A_506] : memref<2x8x128xi32, #tpu.memory_space<vmem>> -> memref<1x8x128xi32, #tpu.memory_space<vmem>>
          %dma_wait3A_508 = tpu.memref_squeeze %dma_wait3A_507 : memref<1x8x128xi32, #tpu.memory_space<vmem>> -> memref<8x128xi32, #tpu.memory_space<vmem>>
          %dma_wait3A_509 = arith.constant 0 : i32
          %dma_wait3A_510 = tpu.memref_slice %dma_wait3A_508[%dma_wait3A_504, %dma_wait3A_509] : memref<8x128xi32, #tpu.memory_space<vmem>> -> memref<1x128xi32, #tpu.memory_space<vmem>>
          %dma_wait3A_511 = tpu.memref_squeeze %dma_wait3A_510 : memref<1x128xi32, #tpu.memory_space<vmem>> -> memref<128xi32, #tpu.memory_space<vmem>>
          %dma_wait3A_512 = arith.constant 0 : i32
          %dma_wait3A_513 = arith.constant 0 : i32
          %dma_wait3A_514 = tpu.memref_slice %arg19[%dma_wait3A_512, %dma_wait3A_513] : memref<10008x128xf32, #tpu.memory_space<vmem_shared>> -> memref<10008x128xf32, #tpu.memory_space<vmem_shared>>
          tpu.wait_indirect_dma semaphore(%arg23 : memref<!tpu.dma_semaphore, #tpu.memory_space<semaphore_mem>>) src(%arg18 : memref<128x128xf32, #tpu.memory_space<vmem>>) dst(%dma_wait3A_514 : memref<10008x128xf32, #tpu.memory_space<vmem_shared>>)
        } else {
        }
        %add3A_156 = arith.constant 1 : i32
        %add3A_157 = arith.addi %add3A_119, %add3A_156 : i32
        %lt3A_158 = arith.constant 10 : i32
        %lt3A_159 = arith.cmpi slt, %add3A_157, %lt3A_158 : i32
        %convert_element_type3A_160 = arith.extui %lt3A_159 : i1 to i32
        %cond3A_161 = arith.constant 0 : i32
        %cond3A_162 = arith.cmpi ne, %convert_element_type3A_160, %cond3A_161 : i32
        scf.if %cond3A_162 {
          %add3A_493 = arith.constant 1 : i32
          %add3A_494 = arith.addi %add3A_119, %add3A_493 : i32
          %mul3A_495 = arith.constant 8 : i32
          %mul3A_496 = arith.muli %add3A_494, %mul3A_495 : i32
          %add3A_497 = arith.addi %mul3A_0, %mul3A_496 : i32
          %mul3A_498 = arith.constant 8 : i32
          %mul3A_499 = arith.muli %add3A_494, %mul3A_498 : i32
          %add3A_500 = arith.addi %mul3A_0, %mul3A_499 : i32
          %dma_start3A_501 = arith.constant 0 : i32
          %dma_start3A_502 = arith.constant 0 : i32
          %dma_start3A_503 = tpu.memref_slice %arg15[%sub3A_121, %dma_start3A_501, %dma_start3A_502] : memref<2x8x128xi32, #tpu.memory_space<vmem>> -> memref<1x8x128xi32, #tpu.memory_space<vmem>>
          %dma_start3A_504 = tpu.memref_squeeze %dma_start3A_503 : memref<1x8x128xi32, #tpu.memory_space<vmem>> -> memref<8x128xi32, #tpu.memory_space<vmem>>
          %dma_start3A_505 = arith.constant 0 : i32
          %dma_start3A_506 = tpu.memref_slice %arg8[%add3A_497, %dma_start3A_505] : memref<1280x128xi32, #tpu.memory_space<hbm>> -> memref<8x128xi32, #tpu.memory_space<hbm>>
          %dma_start3A_507 = arith.constant 0 : i32
          %dma_start3A_508 = arith.constant 0 : i32
          %dma_start3A_509 = tpu.memref_slice %arg15[%sub3A_121, %dma_start3A_507, %dma_start3A_508] : memref<2x8x128xi32, #tpu.memory_space<vmem>> -> memref<1x8x128xi32, #tpu.memory_space<vmem>>
          %dma_start3A_510 = tpu.memref_squeeze %dma_start3A_509 : memref<1x8x128xi32, #tpu.memory_space<vmem>> -> memref<8x128xi32, #tpu.memory_space<vmem>>
          %dma_start3A_511 = arith.constant 0 : i32
          %dma_start3A_512 = tpu.memref_slice %arg8[%add3A_497, %dma_start3A_511] : memref<1280x128xi32, #tpu.memory_space<hbm>> -> memref<8x128xi32, #tpu.memory_space<hbm>>
          tpu.enqueue_dma source(%dma_start3A_512 : memref<8x128xi32, #tpu.memory_space<hbm>>) target(%dma_start3A_510 : memref<8x128xi32, #tpu.memory_space<vmem>>) target_semaphore(%arg24 : memref<!tpu.dma_semaphore, #tpu.memory_space<semaphore_mem>>)
          %dma_start3A_513 = arith.constant 0 : i32
          %dma_start3A_514 = arith.constant 0 : i32
          %dma_start3A_515 = tpu.memref_slice %arg16[%sub3A_121, %dma_start3A_513, %dma_start3A_514] : memref<2x8x128xi32, #tpu.memory_space<vmem>> -> memref<1x8x128xi32, #tpu.memory_space<vmem>>
          %dma_start3A_516 = tpu.memref_squeeze %dma_start3A_515 : memref<1x8x128xi32, #tpu.memory_space<vmem>> -> memref<8x128xi32, #tpu.memory_space<vmem>>
          %dma_start3A_517 = arith.constant 0 : i32
          %dma_start3A_518 = tpu.memref_slice %arg9[%add3A_500, %dma_start3A_517] : memref<1280x128xi32, #tpu.memory_space<hbm>> -> memref<8x128xi32, #tpu.memory_space<hbm>>
          %dma_start3A_519 = arith.constant 0 : i32
          %dma_start3A_520 = arith.constant 0 : i32
          %dma_start3A_521 = tpu.memref_slice %arg16[%sub3A_121, %dma_start3A_519, %dma_start3A_520] : memref<2x8x128xi32, #tpu.memory_space<vmem>> -> memref<1x8x128xi32, #tpu.memory_space<vmem>>
          %dma_start3A_522 = tpu.memref_squeeze %dma_start3A_521 : memref<1x8x128xi32, #tpu.memory_space<vmem>> -> memref<8x128xi32, #tpu.memory_space<vmem>>
          %dma_start3A_523 = arith.constant 0 : i32
          %dma_start3A_524 = tpu.memref_slice %arg9[%add3A_500, %dma_start3A_523] : memref<1280x128xi32, #tpu.memory_space<hbm>> -> memref<8x128xi32, #tpu.memory_space<hbm>>
          tpu.enqueue_dma source(%dma_start3A_524 : memref<8x128xi32, #tpu.memory_space<hbm>>) target(%dma_start3A_522 : memref<8x128xi32, #tpu.memory_space<vmem>>) target_semaphore(%arg24 : memref<!tpu.dma_semaphore, #tpu.memory_space<semaphore_mem>>)
        } else {
        }
        %dma_start3A_163 = arith.constant 0 : i32
        %dma_start3A_164 = arith.constant 0 : i32
        %dma_start3A_165 = arith.constant 0 : i32
        %dma_start3A_166 = tpu.memref_slice %arg15[%rem3A_120, %dma_start3A_164, %dma_start3A_165] : memref<2x8x128xi32, #tpu.memory_space<vmem>> -> memref<1x8x128xi32, #tpu.memory_space<vmem>>
        %dma_start3A_167 = tpu.memref_squeeze %dma_start3A_166 : memref<1x8x128xi32, #tpu.memory_space<vmem>> -> memref<8x128xi32, #tpu.memory_space<vmem>>
        %dma_start3A_168 = arith.constant 0 : i32
        %dma_start3A_169 = tpu.memref_slice %dma_start3A_167[%dma_start3A_163, %dma_start3A_168] : memref<8x128xi32, #tpu.memory_space<vmem>> -> memref<1x128xi32, #tpu.memory_space<vmem>>
        %dma_start3A_170 = tpu.memref_squeeze %dma_start3A_169 : memref<1x128xi32, #tpu.memory_space<vmem>> -> memref<128xi32, #tpu.memory_space<vmem>>
        %dma_start3A_171 = arith.constant 0 : i32
        %dma_start3A_172 = arith.constant 0 : i32
        %dma_start3A_173 = tpu.memref_slice %arg7[%dma_start3A_171, %dma_start3A_172] : memref<10000x128xf32, #tpu.memory_space<hbm>> -> memref<10000x128xf32, #tpu.memory_space<hbm>>
        tpu.enqueue_indirect_dma source(%dma_start3A_173 : memref<10000x128xf32, #tpu.memory_space<hbm>>) target(%arg17 : memref<128x128xf32, #tpu.memory_space<vmem>>) offsets(%dma_start3A_170 : memref<128xi32, #tpu.memory_space<vmem>>) semaphore(%arg20 : memref<!tpu.dma_semaphore, #tpu.memory_space<semaphore_mem>>)
        %dma_start3A_174 = arith.constant 1 : i32
        %dma_start3A_175 = arith.constant 0 : i32
        %dma_start3A_176 = arith.constant 0 : i32
        %dma_start3A_177 = tpu.memref_slice %arg15[%rem3A_120, %dma_start3A_175, %dma_start3A_176] : memref<2x8x128xi32, #tpu.memory_space<vmem>> -> memref<1x8x128xi32, #tpu.memory_space<vmem>>
        %dma_start3A_178 = tpu.memref_squeeze %dma_start3A_177 : memref<1x8x128xi32, #tpu.memory_space<vmem>> -> memref<8x128xi32, #tpu.memory_space<vmem>>
        %dma_start3A_179 = arith.constant 0 : i32
        %dma_start3A_180 = tpu.memref_slice %dma_start3A_178[%dma_start3A_174, %dma_start3A_179] : memref<8x128xi32, #tpu.memory_space<vmem>> -> memref<1x128xi32, #tpu.memory_space<vmem>>
        %dma_start3A_181 = tpu.memref_squeeze %dma_start3A_180 : memref<1x128xi32, #tpu.memory_space<vmem>> -> memref<128xi32, #tpu.memory_space<vmem>>
        %dma_start3A_182 = arith.constant 0 : i32
        %dma_start3A_183 = arith.constant 0 : i32
        %dma_start3A_184 = tpu.memref_slice %arg7[%dma_start3A_182, %dma_start3A_183] : memref<10000x128xf32, #tpu.memory_space<hbm>> -> memref<10000x128xf32, #tpu.memory_space<hbm>>
        tpu.enqueue_indirect_dma source(%dma_start3A_184 : memref<10000x128xf32, #tpu.memory_space<hbm>>) target(%arg18 : memref<128x128xf32, #tpu.memory_space<vmem>>) offsets(%dma_start3A_181 : memref<128xi32, #tpu.memory_space<vmem>>) semaphore(%arg21 : memref<!tpu.dma_semaphore, #tpu.memory_space<semaphore_mem>>)
        %dma_wait3A_185 = arith.constant 0 : i32
        %dma_wait3A_186 = arith.constant 0 : i32
        %dma_wait3A_187 = arith.constant 0 : i32
        %dma_wait3A_188 = tpu.memref_slice %arg15[%rem3A_120, %dma_wait3A_186, %dma_wait3A_187] : memref<2x8x128xi32, #tpu.memory_space<vmem>> -> memref<1x8x128xi32, #tpu.memory_space<vmem>>
        %dma_wait3A_189 = tpu.memref_squeeze %dma_wait3A_188 : memref<1x8x128xi32, #tpu.memory_space<vmem>> -> memref<8x128xi32, #tpu.memory_space<vmem>>
        %dma_wait3A_190 = arith.constant 0 : i32
        %dma_wait3A_191 = tpu.memref_slice %dma_wait3A_189[%dma_wait3A_185, %dma_wait3A_190] : memref<8x128xi32, #tpu.memory_space<vmem>> -> memref<1x128xi32, #tpu.memory_space<vmem>>
        %dma_wait3A_192 = tpu.memref_squeeze %dma_wait3A_191 : memref<1x128xi32, #tpu.memory_space<vmem>> -> memref<128xi32, #tpu.memory_space<vmem>>
        %dma_wait3A_193 = arith.constant 0 : i32
        %dma_wait3A_194 = arith.constant 0 : i32
        %dma_wait3A_195 = tpu.memref_slice %arg7[%dma_wait3A_193, %dma_wait3A_194] : memref<10000x128xf32, #tpu.memory_space<hbm>> -> memref<10000x128xf32, #tpu.memory_space<hbm>>
        tpu.wait_indirect_dma semaphore(%arg20 : memref<!tpu.dma_semaphore, #tpu.memory_space<semaphore_mem>>) src(%dma_wait3A_195 : memref<10000x128xf32, #tpu.memory_space<hbm>>) dst(%arg17 : memref<128x128xf32, #tpu.memory_space<vmem>>)
        %dma_start3A_196 = arith.constant 0 : i32
        %dma_start3A_197 = arith.constant 0 : i32
        %dma_start3A_198 = arith.constant 0 : i32
        %dma_start3A_199 = tpu.memref_slice %arg16[%rem3A_120, %dma_start3A_197, %dma_start3A_198] : memref<2x8x128xi32, #tpu.memory_space<vmem>> -> memref<1x8x128xi32, #tpu.memory_space<vmem>>
        %dma_start3A_200 = tpu.memref_squeeze %dma_start3A_199 : memref<1x8x128xi32, #tpu.memory_space<vmem>> -> memref<8x128xi32, #tpu.memory_space<vmem>>
        %dma_start3A_201 = arith.constant 0 : i32
        %dma_start3A_202 = tpu.memref_slice %dma_start3A_200[%dma_start3A_196, %dma_start3A_201] : memref<8x128xi32, #tpu.memory_space<vmem>> -> memref<1x128xi32, #tpu.memory_space<vmem>>
        %dma_start3A_203 = tpu.memref_squeeze %dma_start3A_202 : memref<1x128xi32, #tpu.memory_space<vmem>> -> memref<128xi32, #tpu.memory_space<vmem>>
        %dma_start3A_204 = arith.constant 0 : i32
        %dma_start3A_205 = arith.constant 0 : i32
        %dma_start3A_206 = tpu.memref_slice %arg19[%dma_start3A_204, %dma_start3A_205] : memref<10008x128xf32, #tpu.memory_space<vmem_shared>> -> memref<10008x128xf32, #tpu.memory_space<vmem_shared>>
        tpu.enqueue_indirect_dma source(%arg17 : memref<128x128xf32, #tpu.memory_space<vmem>>) target(%dma_start3A_206 : memref<10008x128xf32, #tpu.memory_space<vmem_shared>>) offsets(%dma_start3A_203 : memref<128xi32, #tpu.memory_space<vmem>>) semaphore(%arg22 : memref<!tpu.dma_semaphore, #tpu.memory_space<semaphore_mem>>) {add = true}
        %dma_wait3A_207 = arith.constant 0 : i32
        %dma_wait3A_208 = arith.constant 0 : i32
        %dma_wait3A_209 = arith.constant 0 : i32
        %dma_wait3A_210 = tpu.memref_slice %arg16[%rem3A_120, %dma_wait3A_208, %dma_wait3A_209] : memref<2x8x128xi32, #tpu.memory_space<vmem>> -> memref<1x8x128xi32, #tpu.memory_space<vmem>>
        %dma_wait3A_211 = tpu.memref_squeeze %dma_wait3A_210 : memref<1x8x128xi32, #tpu.memory_space<vmem>> -> memref<8x128xi32, #tpu.memory_space<vmem>>
        %dma_wait3A_212 = arith.constant 0 : i32
        %dma_wait3A_213 = tpu.memref_slice %dma_wait3A_211[%dma_wait3A_207, %dma_wait3A_212] : memref<8x128xi32, #tpu.memory_space<vmem>> -> memref<1x128xi32, #tpu.memory_space<vmem>>
        %dma_wait3A_214 = tpu.memref_squeeze %dma_wait3A_213 : memref<1x128xi32, #tpu.memory_space<vmem>> -> memref<128xi32, #tpu.memory_space<vmem>>
        %dma_wait3A_215 = arith.constant 0 : i32
        %dma_wait3A_216 = arith.constant 0 : i32
        %dma_wait3A_217 = tpu.memref_slice %arg19[%dma_wait3A_215, %dma_wait3A_216] : memref<10008x128xf32, #tpu.memory_space<vmem_shared>> -> memref<10008x128xf32, #tpu.memory_space<vmem_shared>>
        tpu.wait_indirect_dma semaphore(%arg22 : memref<!tpu.dma_semaphore, #tpu.memory_space<semaphore_mem>>) src(%arg17 : memref<128x128xf32, #tpu.memory_space<vmem>>) dst(%dma_wait3A_217 : memref<10008x128xf32, #tpu.memory_space<vmem_shared>>)
        %dma_start3A_218 = arith.constant 2 : i32
        %dma_start3A_219 = arith.constant 0 : i32
        %dma_start3A_220 = arith.constant 0 : i32
        %dma_start3A_221 = tpu.memref_slice %arg15[%rem3A_120, %dma_start3A_219, %dma_start3A_220] : memref<2x8x128xi32, #tpu.memory_space<vmem>> -> memref<1x8x128xi32, #tpu.memory_space<vmem>>
        %dma_start3A_222 = tpu.memref_squeeze %dma_start3A_221 : memref<1x8x128xi32, #tpu.memory_space<vmem>> -> memref<8x128xi32, #tpu.memory_space<vmem>>
        %dma_start3A_223 = arith.constant 0 : i32
        %dma_start3A_224 = tpu.memref_slice %dma_start3A_222[%dma_start3A_218, %dma_start3A_223] : memref<8x128xi32, #tpu.memory_space<vmem>> -> memref<1x128xi32, #tpu.memory_space<vmem>>
        %dma_start3A_225 = tpu.memref_squeeze %dma_start3A_224 : memref<1x128xi32, #tpu.memory_space<vmem>> -> memref<128xi32, #tpu.memory_space<vmem>>
        %dma_start3A_226 = arith.constant 0 : i32
        %dma_start3A_227 = arith.constant 0 : i32
        %dma_start3A_228 = tpu.memref_slice %arg7[%dma_start3A_226, %dma_start3A_227] : memref<10000x128xf32, #tpu.memory_space<hbm>> -> memref<10000x128xf32, #tpu.memory_space<hbm>>
        tpu.enqueue_indirect_dma source(%dma_start3A_228 : memref<10000x128xf32, #tpu.memory_space<hbm>>) target(%arg17 : memref<128x128xf32, #tpu.memory_space<vmem>>) offsets(%dma_start3A_225 : memref<128xi32, #tpu.memory_space<vmem>>) semaphore(%arg20 : memref<!tpu.dma_semaphore, #tpu.memory_space<semaphore_mem>>)
        %dma_wait3A_229 = arith.constant 1 : i32
        %dma_wait3A_230 = arith.constant 0 : i32
        %dma_wait3A_231 = arith.constant 0 : i32
        %dma_wait3A_232 = tpu.memref_slice %arg15[%rem3A_120, %dma_wait3A_230, %dma_wait3A_231] : memref<2x8x128xi32, #tpu.memory_space<vmem>> -> memref<1x8x128xi32, #tpu.memory_space<vmem>>
        %dma_wait3A_233 = tpu.memref_squeeze %dma_wait3A_232 : memref<1x8x128xi32, #tpu.memory_space<vmem>> -> memref<8x128xi32, #tpu.memory_space<vmem>>
        %dma_wait3A_234 = arith.constant 0 : i32
        %dma_wait3A_235 = tpu.memref_slice %dma_wait3A_233[%dma_wait3A_229, %dma_wait3A_234] : memref<8x128xi32, #tpu.memory_space<vmem>> -> memref<1x128xi32, #tpu.memory_space<vmem>>
        %dma_wait3A_236 = tpu.memref_squeeze %dma_wait3A_235 : memref<1x128xi32, #tpu.memory_space<vmem>> -> memref<128xi32, #tpu.memory_space<vmem>>
        %dma_wait3A_237 = arith.constant 0 : i32
        %dma_wait3A_238 = arith.constant 0 : i32
        %dma_wait3A_239 = tpu.memref_slice %arg7[%dma_wait3A_237, %dma_wait3A_238] : memref<10000x128xf32, #tpu.memory_space<hbm>> -> memref<10000x128xf32, #tpu.memory_space<hbm>>
        tpu.wait_indirect_dma semaphore(%arg21 : memref<!tpu.dma_semaphore, #tpu.memory_space<semaphore_mem>>) src(%dma_wait3A_239 : memref<10000x128xf32, #tpu.memory_space<hbm>>) dst(%arg18 : memref<128x128xf32, #tpu.memory_space<vmem>>)
        %dma_start3A_240 = arith.constant 1 : i32
        %dma_start3A_241 = arith.constant 0 : i32
        %dma_start3A_242 = arith.constant 0 : i32
        %dma_start3A_243 = tpu.memref_slice %arg16[%rem3A_120, %dma_start3A_241, %dma_start3A_242] : memref<2x8x128xi32, #tpu.memory_space<vmem>> -> memref<1x8x128xi32, #tpu.memory_space<vmem>>
        %dma_start3A_244 = tpu.memref_squeeze %dma_start3A_243 : memref<1x8x128xi32, #tpu.memory_space<vmem>> -> memref<8x128xi32, #tpu.memory_space<vmem>>
        %dma_start3A_245 = arith.constant 0 : i32
        %dma_start3A_246 = tpu.memref_slice %dma_start3A_244[%dma_start3A_240, %dma_start3A_245] : memref<8x128xi32, #tpu.memory_space<vmem>> -> memref<1x128xi32, #tpu.memory_space<vmem>>
        %dma_start3A_247 = tpu.memref_squeeze %dma_start3A_246 : memref<1x128xi32, #tpu.memory_space<vmem>> -> memref<128xi32, #tpu.memory_space<vmem>>
        %dma_start3A_248 = arith.constant 0 : i32
        %dma_start3A_249 = arith.constant 0 : i32
        %dma_start3A_250 = tpu.memref_slice %arg19[%dma_start3A_248, %dma_start3A_249] : memref<10008x128xf32, #tpu.memory_space<vmem_shared>> -> memref<10008x128xf32, #tpu.memory_space<vmem_shared>>
        tpu.enqueue_indirect_dma source(%arg18 : memref<128x128xf32, #tpu.memory_space<vmem>>) target(%dma_start3A_250 : memref<10008x128xf32, #tpu.memory_space<vmem_shared>>) offsets(%dma_start3A_247 : memref<128xi32, #tpu.memory_space<vmem>>) semaphore(%arg23 : memref<!tpu.dma_semaphore, #tpu.memory_space<semaphore_mem>>) {add = true}
        %dma_wait3A_251 = arith.constant 1 : i32
        %dma_wait3A_252 = arith.constant 0 : i32
        %dma_wait3A_253 = arith.constant 0 : i32
        %dma_wait3A_254 = tpu.memref_slice %arg16[%rem3A_120, %dma_wait3A_252, %dma_wait3A_253] : memref<2x8x128xi32, #tpu.memory_space<vmem>> -> memref<1x8x128xi32, #tpu.memory_space<vmem>>
        %dma_wait3A_255 = tpu.memref_squeeze %dma_wait3A_254 : memref<1x8x128xi32, #tpu.memory_space<vmem>> -> memref<8x128xi32, #tpu.memory_space<vmem>>
        %dma_wait3A_256 = arith.constant 0 : i32
        %dma_wait3A_257 = tpu.memref_slice %dma_wait3A_255[%dma_wait3A_251, %dma_wait3A_256] : memref<8x128xi32, #tpu.memory_space<vmem>> -> memref<1x128xi32, #tpu.memory_space<vmem>>
        %dma_wait3A_258 = tpu.memref_squeeze %dma_wait3A_257 : memref<1x128xi32, #tpu.memory_space<vmem>> -> memref<128xi32, #tpu.memory_space<vmem>>
        %dma_wait3A_259 = arith.constant 0 : i32
        %dma_wait3A_260 = arith.constant 0 : i32
        %dma_wait3A_261 = tpu.memref_slice %arg19[%dma_wait3A_259, %dma_wait3A_260] : memref<10008x128xf32, #tpu.memory_space<vmem_shared>> -> memref<10008x128xf32, #tpu.memory_space<vmem_shared>>
        tpu.wait_indirect_dma semaphore(%arg23 : memref<!tpu.dma_semaphore, #tpu.memory_space<semaphore_mem>>) src(%arg18 : memref<128x128xf32, #tpu.memory_space<vmem>>) dst(%dma_wait3A_261 : memref<10008x128xf32, #tpu.memory_space<vmem_shared>>)
        %dma_start3A_262 = arith.constant 3 : i32
        %dma_start3A_263 = arith.constant 0 : i32
        %dma_start3A_264 = arith.constant 0 : i32
        %dma_start3A_265 = tpu.memref_slice %arg15[%rem3A_120, %dma_start3A_263, %dma_start3A_264] : memref<2x8x128xi32, #tpu.memory_space<vmem>> -> memref<1x8x128xi32, #tpu.memory_space<vmem>>
        %dma_start3A_266 = tpu.memref_squeeze %dma_start3A_265 : memref<1x8x128xi32, #tpu.memory_space<vmem>> -> memref<8x128xi32, #tpu.memory_space<vmem>>
        %dma_start3A_267 = arith.constant 0 : i32
        %dma_start3A_268 = tpu.memref_slice %dma_start3A_266[%dma_start3A_262, %dma_start3A_267] : memref<8x128xi32, #tpu.memory_space<vmem>> -> memref<1x128xi32, #tpu.memory_space<vmem>>
        %dma_start3A_269 = tpu.memref_squeeze %dma_start3A_268 : memref<1x128xi32, #tpu.memory_space<vmem>> -> memref<128xi32, #tpu.memory_space<vmem>>
        %dma_start3A_270 = arith.constant 0 : i32
        %dma_start3A_271 = arith.constant 0 : i32
        %dma_start3A_272 = tpu.memref_slice %arg7[%dma_start3A_270, %dma_start3A_271] : memref<10000x128xf32, #tpu.memory_space<hbm>> -> memref<10000x128xf32, #tpu.memory_space<hbm>>
        tpu.enqueue_indirect_dma source(%dma_start3A_272 : memref<10000x128xf32, #tpu.memory_space<hbm>>) target(%arg18 : memref<128x128xf32, #tpu.memory_space<vmem>>) offsets(%dma_start3A_269 : memref<128xi32, #tpu.memory_space<vmem>>) semaphore(%arg21 : memref<!tpu.dma_semaphore, #tpu.memory_space<semaphore_mem>>)
        %dma_wait3A_273 = arith.constant 2 : i32
        %dma_wait3A_274 = arith.constant 0 : i32
        %dma_wait3A_275 = arith.constant 0 : i32
        %dma_wait3A_276 = tpu.memref_slice %arg15[%rem3A_120, %dma_wait3A_274, %dma_wait3A_275] : memref<2x8x128xi32, #tpu.memory_space<vmem>> -> memref<1x8x128xi32, #tpu.memory_space<vmem>>
        %dma_wait3A_277 = tpu.memref_squeeze %dma_wait3A_276 : memref<1x8x128xi32, #tpu.memory_space<vmem>> -> memref<8x128xi32, #tpu.memory_space<vmem>>
        %dma_wait3A_278 = arith.constant 0 : i32
        %dma_wait3A_279 = tpu.memref_slice %dma_wait3A_277[%dma_wait3A_273, %dma_wait3A_278] : memref<8x128xi32, #tpu.memory_space<vmem>> -> memref<1x128xi32, #tpu.memory_space<vmem>>
        %dma_wait3A_280 = tpu.memref_squeeze %dma_wait3A_279 : memref<1x128xi32, #tpu.memory_space<vmem>> -> memref<128xi32, #tpu.memory_space<vmem>>
        %dma_wait3A_281 = arith.constant 0 : i32
        %dma_wait3A_282 = arith.constant 0 : i32
        %dma_wait3A_283 = tpu.memref_slice %arg7[%dma_wait3A_281, %dma_wait3A_282] : memref<10000x128xf32, #tpu.memory_space<hbm>> -> memref<10000x128xf32, #tpu.memory_space<hbm>>
        tpu.wait_indirect_dma semaphore(%arg20 : memref<!tpu.dma_semaphore, #tpu.memory_space<semaphore_mem>>) src(%dma_wait3A_283 : memref<10000x128xf32, #tpu.memory_space<hbm>>) dst(%arg17 : memref<128x128xf32, #tpu.memory_space<vmem>>)
        %dma_start3A_284 = arith.constant 2 : i32
        %dma_start3A_285 = arith.constant 0 : i32
        %dma_start3A_286 = arith.constant 0 : i32
        %dma_start3A_287 = tpu.memref_slice %arg16[%rem3A_120, %dma_start3A_285, %dma_start3A_286] : memref<2x8x128xi32, #tpu.memory_space<vmem>> -> memref<1x8x128xi32, #tpu.memory_space<vmem>>
        %dma_start3A_288 = tpu.memref_squeeze %dma_start3A_287 : memref<1x8x128xi32, #tpu.memory_space<vmem>> -> memref<8x128xi32, #tpu.memory_space<vmem>>
        %dma_start3A_289 = arith.constant 0 : i32
        %dma_start3A_290 = tpu.memref_slice %dma_start3A_288[%dma_start3A_284, %dma_start3A_289] : memref<8x128xi32, #tpu.memory_space<vmem>> -> memref<1x128xi32, #tpu.memory_space<vmem>>
        %dma_start3A_291 = tpu.memref_squeeze %dma_start3A_290 : memref<1x128xi32, #tpu.memory_space<vmem>> -> memref<128xi32, #tpu.memory_space<vmem>>
        %dma_start3A_292 = arith.constant 0 : i32
        %dma_start3A_293 = arith.constant 0 : i32
        %dma_start3A_294 = tpu.memref_slice %arg19[%dma_start3A_292, %dma_start3A_293] : memref<10008x128xf32, #tpu.memory_space<vmem_shared>> -> memref<10008x128xf32, #tpu.memory_space<vmem_shared>>
        tpu.enqueue_indirect_dma source(%arg17 : memref<128x128xf32, #tpu.memory_space<vmem>>) target(%dma_start3A_294 : memref<10008x128xf32, #tpu.memory_space<vmem_shared>>) offsets(%dma_start3A_291 : memref<128xi32, #tpu.memory_space<vmem>>) semaphore(%arg22 : memref<!tpu.dma_semaphore, #tpu.memory_space<semaphore_mem>>) {add = true}
        %dma_wait3A_295 = arith.constant 2 : i32
        %dma_wait3A_296 = arith.constant 0 : i32
        %dma_wait3A_297 = arith.constant 0 : i32
        %dma_wait3A_298 = tpu.memref_slice %arg16[%rem3A_120, %dma_wait3A_296, %dma_wait3A_297] : memref<2x8x128xi32, #tpu.memory_space<vmem>> -> memref<1x8x128xi32, #tpu.memory_space<vmem>>
        %dma_wait3A_299 = tpu.memref_squeeze %dma_wait3A_298 : memref<1x8x128xi32, #tpu.memory_space<vmem>> -> memref<8x128xi32, #tpu.memory_space<vmem>>
        %dma_wait3A_300 = arith.constant 0 : i32
        %dma_wait3A_301 = tpu.memref_slice %dma_wait3A_299[%dma_wait3A_295, %dma_wait3A_300] : memref<8x128xi32, #tpu.memory_space<vmem>> -> memref<1x128xi32, #tpu.memory_space<vmem>>
        %dma_wait3A_302 = tpu.memref_squeeze %dma_wait3A_301 : memref<1x128xi32, #tpu.memory_space<vmem>> -> memref<128xi32, #tpu.memory_space<vmem>>
        %dma_wait3A_303 = arith.constant 0 : i32
        %dma_wait3A_304 = arith.constant 0 : i32
        %dma_wait3A_305 = tpu.memref_slice %arg19[%dma_wait3A_303, %dma_wait3A_304] : memref<10008x128xf32, #tpu.memory_space<vmem_shared>> -> memref<10008x128xf32, #tpu.memory_space<vmem_shared>>
        tpu.wait_indirect_dma semaphore(%arg22 : memref<!tpu.dma_semaphore, #tpu.memory_space<semaphore_mem>>) src(%arg17 : memref<128x128xf32, #tpu.memory_space<vmem>>) dst(%dma_wait3A_305 : memref<10008x128xf32, #tpu.memory_space<vmem_shared>>)
        %dma_start3A_306 = arith.constant 4 : i32
        %dma_start3A_307 = arith.constant 0 : i32
        %dma_start3A_308 = arith.constant 0 : i32
        %dma_start3A_309 = tpu.memref_slice %arg15[%rem3A_120, %dma_start3A_307, %dma_start3A_308] : memref<2x8x128xi32, #tpu.memory_space<vmem>> -> memref<1x8x128xi32, #tpu.memory_space<vmem>>
        %dma_start3A_310 = tpu.memref_squeeze %dma_start3A_309 : memref<1x8x128xi32, #tpu.memory_space<vmem>> -> memref<8x128xi32, #tpu.memory_space<vmem>>
        %dma_start3A_311 = arith.constant 0 : i32
        %dma_start3A_312 = tpu.memref_slice %dma_start3A_310[%dma_start3A_306, %dma_start3A_311] : memref<8x128xi32, #tpu.memory_space<vmem>> -> memref<1x128xi32, #tpu.memory_space<vmem>>
        %dma_start3A_313 = tpu.memref_squeeze %dma_start3A_312 : memref<1x128xi32, #tpu.memory_space<vmem>> -> memref<128xi32, #tpu.memory_space<vmem>>
        %dma_start3A_314 = arith.constant 0 : i32
        %dma_start3A_315 = arith.constant 0 : i32
        %dma_start3A_316 = tpu.memref_slice %arg7[%dma_start3A_314, %dma_start3A_315] : memref<10000x128xf32, #tpu.memory_space<hbm>> -> memref<10000x128xf32, #tpu.memory_space<hbm>>
        tpu.enqueue_indirect_dma source(%dma_start3A_316 : memref<10000x128xf32, #tpu.memory_space<hbm>>) target(%arg17 : memref<128x128xf32, #tpu.memory_space<vmem>>) offsets(%dma_start3A_313 : memref<128xi32, #tpu.memory_space<vmem>>) semaphore(%arg20 : memref<!tpu.dma_semaphore, #tpu.memory_space<semaphore_mem>>)
        %dma_wait3A_317 = arith.constant 3 : i32
        %dma_wait3A_318 = arith.constant 0 : i32
        %dma_wait3A_319 = arith.constant 0 : i32
        %dma_wait3A_320 = tpu.memref_slice %arg15[%rem3A_120, %dma_wait3A_318, %dma_wait3A_319] : memref<2x8x128xi32, #tpu.memory_space<vmem>> -> memref<1x8x128xi32, #tpu.memory_space<vmem>>
        %dma_wait3A_321 = tpu.memref_squeeze %dma_wait3A_320 : memref<1x8x128xi32, #tpu.memory_space<vmem>> -> memref<8x128xi32, #tpu.memory_space<vmem>>
        %dma_wait3A_322 = arith.constant 0 : i32
        %dma_wait3A_323 = tpu.memref_slice %dma_wait3A_321[%dma_wait3A_317, %dma_wait3A_322] : memref<8x128xi32, #tpu.memory_space<vmem>> -> memref<1x128xi32, #tpu.memory_space<vmem>>
        %dma_wait3A_324 = tpu.memref_squeeze %dma_wait3A_323 : memref<1x128xi32, #tpu.memory_space<vmem>> -> memref<128xi32, #tpu.memory_space<vmem>>
        %dma_wait3A_325 = arith.constant 0 : i32
        %dma_wait3A_326 = arith.constant 0 : i32
        %dma_wait3A_327 = tpu.memref_slice %arg7[%dma_wait3A_325, %dma_wait3A_326] : memref<10000x128xf32, #tpu.memory_space<hbm>> -> memref<10000x128xf32, #tpu.memory_space<hbm>>
        tpu.wait_indirect_dma semaphore(%arg21 : memref<!tpu.dma_semaphore, #tpu.memory_space<semaphore_mem>>) src(%dma_wait3A_327 : memref<10000x128xf32, #tpu.memory_space<hbm>>) dst(%arg18 : memref<128x128xf32, #tpu.memory_space<vmem>>)
        %dma_start3A_328 = arith.constant 3 : i32
        %dma_start3A_329 = arith.constant 0 : i32
        %dma_start3A_330 = arith.constant 0 : i32
        %dma_start3A_331 = tpu.memref_slice %arg16[%rem3A_120, %dma_start3A_329, %dma_start3A_330] : memref<2x8x128xi32, #tpu.memory_space<vmem>> -> memref<1x8x128xi32, #tpu.memory_space<vmem>>
        %dma_start3A_332 = tpu.memref_squeeze %dma_start3A_331 : memref<1x8x128xi32, #tpu.memory_space<vmem>> -> memref<8x128xi32, #tpu.memory_space<vmem>>
        %dma_start3A_333 = arith.constant 0 : i32
        %dma_start3A_334 = tpu.memref_slice %dma_start3A_332[%dma_start3A_328, %dma_start3A_333] : memref<8x128xi32, #tpu.memory_space<vmem>> -> memref<1x128xi32, #tpu.memory_space<vmem>>
        %dma_start3A_335 = tpu.memref_squeeze %dma_start3A_334 : memref<1x128xi32, #tpu.memory_space<vmem>> -> memref<128xi32, #tpu.memory_space<vmem>>
        %dma_start3A_336 = arith.constant 0 : i32
        %dma_start3A_337 = arith.constant 0 : i32
        %dma_start3A_338 = tpu.memref_slice %arg19[%dma_start3A_336, %dma_start3A_337] : memref<10008x128xf32, #tpu.memory_space<vmem_shared>> -> memref<10008x128xf32, #tpu.memory_space<vmem_shared>>
        tpu.enqueue_indirect_dma source(%arg18 : memref<128x128xf32, #tpu.memory_space<vmem>>) target(%dma_start3A_338 : memref<10008x128xf32, #tpu.memory_space<vmem_shared>>) offsets(%dma_start3A_335 : memref<128xi32, #tpu.memory_space<vmem>>) semaphore(%arg23 : memref<!tpu.dma_semaphore, #tpu.memory_space<semaphore_mem>>) {add = true}
        %dma_wait3A_339 = arith.constant 3 : i32
        %dma_wait3A_340 = arith.constant 0 : i32
        %dma_wait3A_341 = arith.constant 0 : i32
        %dma_wait3A_342 = tpu.memref_slice %arg16[%rem3A_120, %dma_wait3A_340, %dma_wait3A_341] : memref<2x8x128xi32, #tpu.memory_space<vmem>> -> memref<1x8x128xi32, #tpu.memory_space<vmem>>
        %dma_wait3A_343 = tpu.memref_squeeze %dma_wait3A_342 : memref<1x8x128xi32, #tpu.memory_space<vmem>> -> memref<8x128xi32, #tpu.memory_space<vmem>>
        %dma_wait3A_344 = arith.constant 0 : i32
        %dma_wait3A_345 = tpu.memref_slice %dma_wait3A_343[%dma_wait3A_339, %dma_wait3A_344] : memref<8x128xi32, #tpu.memory_space<vmem>> -> memref<1x128xi32, #tpu.memory_space<vmem>>
        %dma_wait3A_346 = tpu.memref_squeeze %dma_wait3A_345 : memref<1x128xi32, #tpu.memory_space<vmem>> -> memref<128xi32, #tpu.memory_space<vmem>>
        %dma_wait3A_347 = arith.constant 0 : i32
        %dma_wait3A_348 = arith.constant 0 : i32
        %dma_wait3A_349 = tpu.memref_slice %arg19[%dma_wait3A_347, %dma_wait3A_348] : memref<10008x128xf32, #tpu.memory_space<vmem_shared>> -> memref<10008x128xf32, #tpu.memory_space<vmem_shared>>
        tpu.wait_indirect_dma semaphore(%arg23 : memref<!tpu.dma_semaphore, #tpu.memory_space<semaphore_mem>>) src(%arg18 : memref<128x128xf32, #tpu.memory_space<vmem>>) dst(%dma_wait3A_349 : memref<10008x128xf32, #tpu.memory_space<vmem_shared>>)
        %dma_start3A_350 = arith.constant 5 : i32
        %dma_start3A_351 = arith.constant 0 : i32
        %dma_start3A_352 = arith.constant 0 : i32
        %dma_start3A_353 = tpu.memref_slice %arg15[%rem3A_120, %dma_start3A_351, %dma_start3A_352] : memref<2x8x128xi32, #tpu.memory_space<vmem>> -> memref<1x8x128xi32, #tpu.memory_space<vmem>>
        %dma_start3A_354 = tpu.memref_squeeze %dma_start3A_353 : memref<1x8x128xi32, #tpu.memory_space<vmem>> -> memref<8x128xi32, #tpu.memory_space<vmem>>
        %dma_start3A_355 = arith.constant 0 : i32
        %dma_start3A_356 = tpu.memref_slice %dma_start3A_354[%dma_start3A_350, %dma_start3A_355] : memref<8x128xi32, #tpu.memory_space<vmem>> -> memref<1x128xi32, #tpu.memory_space<vmem>>
        %dma_start3A_357 = tpu.memref_squeeze %dma_start3A_356 : memref<1x128xi32, #tpu.memory_space<vmem>> -> memref<128xi32, #tpu.memory_space<vmem>>
        %dma_start3A_358 = arith.constant 0 : i32
        %dma_start3A_359 = arith.constant 0 : i32
        %dma_start3A_360 = tpu.memref_slice %arg7[%dma_start3A_358, %dma_start3A_359] : memref<10000x128xf32, #tpu.memory_space<hbm>> -> memref<10000x128xf32, #tpu.memory_space<hbm>>
        tpu.enqueue_indirect_dma source(%dma_start3A_360 : memref<10000x128xf32, #tpu.memory_space<hbm>>) target(%arg18 : memref<128x128xf32, #tpu.memory_space<vmem>>) offsets(%dma_start3A_357 : memref<128xi32, #tpu.memory_space<vmem>>) semaphore(%arg21 : memref<!tpu.dma_semaphore, #tpu.memory_space<semaphore_mem>>)
        %dma_wait3A_361 = arith.constant 4 : i32
        %dma_wait3A_362 = arith.constant 0 : i32
        %dma_wait3A_363 = arith.constant 0 : i32
        %dma_wait3A_364 = tpu.memref_slice %arg15[%rem3A_120, %dma_wait3A_362, %dma_wait3A_363] : memref<2x8x128xi32, #tpu.memory_space<vmem>> -> memref<1x8x128xi32, #tpu.memory_space<vmem>>
        %dma_wait3A_365 = tpu.memref_squeeze %dma_wait3A_364 : memref<1x8x128xi32, #tpu.memory_space<vmem>> -> memref<8x128xi32, #tpu.memory_space<vmem>>
        %dma_wait3A_366 = arith.constant 0 : i32
        %dma_wait3A_367 = tpu.memref_slice %dma_wait3A_365[%dma_wait3A_361, %dma_wait3A_366] : memref<8x128xi32, #tpu.memory_space<vmem>> -> memref<1x128xi32, #tpu.memory_space<vmem>>
        %dma_wait3A_368 = tpu.memref_squeeze %dma_wait3A_367 : memref<1x128xi32, #tpu.memory_space<vmem>> -> memref<128xi32, #tpu.memory_space<vmem>>
        %dma_wait3A_369 = arith.constant 0 : i32
        %dma_wait3A_370 = arith.constant 0 : i32
        %dma_wait3A_371 = tpu.memref_slice %arg7[%dma_wait3A_369, %dma_wait3A_370] : memref<10000x128xf32, #tpu.memory_space<hbm>> -> memref<10000x128xf32, #tpu.memory_space<hbm>>
        tpu.wait_indirect_dma semaphore(%arg20 : memref<!tpu.dma_semaphore, #tpu.memory_space<semaphore_mem>>) src(%dma_wait3A_371 : memref<10000x128xf32, #tpu.memory_space<hbm>>) dst(%arg17 : memref<128x128xf32, #tpu.memory_space<vmem>>)
        %dma_start3A_372 = arith.constant 4 : i32
        %dma_start3A_373 = arith.constant 0 : i32
        %dma_start3A_374 = arith.constant 0 : i32
        %dma_start3A_375 = tpu.memref_slice %arg16[%rem3A_120, %dma_start3A_373, %dma_start3A_374] : memref<2x8x128xi32, #tpu.memory_space<vmem>> -> memref<1x8x128xi32, #tpu.memory_space<vmem>>
        %dma_start3A_376 = tpu.memref_squeeze %dma_start3A_375 : memref<1x8x128xi32, #tpu.memory_space<vmem>> -> memref<8x128xi32, #tpu.memory_space<vmem>>
        %dma_start3A_377 = arith.constant 0 : i32
        %dma_start3A_378 = tpu.memref_slice %dma_start3A_376[%dma_start3A_372, %dma_start3A_377] : memref<8x128xi32, #tpu.memory_space<vmem>> -> memref<1x128xi32, #tpu.memory_space<vmem>>
        %dma_start3A_379 = tpu.memref_squeeze %dma_start3A_378 : memref<1x128xi32, #tpu.memory_space<vmem>> -> memref<128xi32, #tpu.memory_space<vmem>>
        %dma_start3A_380 = arith.constant 0 : i32
        %dma_start3A_381 = arith.constant 0 : i32
        %dma_start3A_382 = tpu.memref_slice %arg19[%dma_start3A_380, %dma_start3A_381] : memref<10008x128xf32, #tpu.memory_space<vmem_shared>> -> memref<10008x128xf32, #tpu.memory_space<vmem_shared>>
        tpu.enqueue_indirect_dma source(%arg17 : memref<128x128xf32, #tpu.memory_space<vmem>>) target(%dma_start3A_382 : memref<10008x128xf32, #tpu.memory_space<vmem_shared>>) offsets(%dma_start3A_379 : memref<128xi32, #tpu.memory_space<vmem>>) semaphore(%arg22 : memref<!tpu.dma_semaphore, #tpu.memory_space<semaphore_mem>>) {add = true}
        %dma_wait3A_383 = arith.constant 4 : i32
        %dma_wait3A_384 = arith.constant 0 : i32
        %dma_wait3A_385 = arith.constant 0 : i32
        %dma_wait3A_386 = tpu.memref_slice %arg16[%rem3A_120, %dma_wait3A_384, %dma_wait3A_385] : memref<2x8x128xi32, #tpu.memory_space<vmem>> -> memref<1x8x128xi32, #tpu.memory_space<vmem>>
        %dma_wait3A_387 = tpu.memref_squeeze %dma_wait3A_386 : memref<1x8x128xi32, #tpu.memory_space<vmem>> -> memref<8x128xi32, #tpu.memory_space<vmem>>
        %dma_wait3A_388 = arith.constant 0 : i32
        %dma_wait3A_389 = tpu.memref_slice %dma_wait3A_387[%dma_wait3A_383, %dma_wait3A_388] : memref<8x128xi32, #tpu.memory_space<vmem>> -> memref<1x128xi32, #tpu.memory_space<vmem>>
        %dma_wait3A_390 = tpu.memref_squeeze %dma_wait3A_389 : memref<1x128xi32, #tpu.memory_space<vmem>> -> memref<128xi32, #tpu.memory_space<vmem>>
        %dma_wait3A_391 = arith.constant 0 : i32
        %dma_wait3A_392 = arith.constant 0 : i32
        %dma_wait3A_393 = tpu.memref_slice %arg19[%dma_wait3A_391, %dma_wait3A_392] : memref<10008x128xf32, #tpu.memory_space<vmem_shared>> -> memref<10008x128xf32, #tpu.memory_space<vmem_shared>>
        tpu.wait_indirect_dma semaphore(%arg22 : memref<!tpu.dma_semaphore, #tpu.memory_space<semaphore_mem>>) src(%arg17 : memref<128x128xf32, #tpu.memory_space<vmem>>) dst(%dma_wait3A_393 : memref<10008x128xf32, #tpu.memory_space<vmem_shared>>)
        %dma_start3A_394 = arith.constant 6 : i32
        %dma_start3A_395 = arith.constant 0 : i32
        %dma_start3A_396 = arith.constant 0 : i32
        %dma_start3A_397 = tpu.memref_slice %arg15[%rem3A_120, %dma_start3A_395, %dma_start3A_396] : memref<2x8x128xi32, #tpu.memory_space<vmem>> -> memref<1x8x128xi32, #tpu.memory_space<vmem>>
        %dma_start3A_398 = tpu.memref_squeeze %dma_start3A_397 : memref<1x8x128xi32, #tpu.memory_space<vmem>> -> memref<8x128xi32, #tpu.memory_space<vmem>>
        %dma_start3A_399 = arith.constant 0 : i32
        %dma_start3A_400 = tpu.memref_slice %dma_start3A_398[%dma_start3A_394, %dma_start3A_399] : memref<8x128xi32, #tpu.memory_space<vmem>> -> memref<1x128xi32, #tpu.memory_space<vmem>>
        %dma_start3A_401 = tpu.memref_squeeze %dma_start3A_400 : memref<1x128xi32, #tpu.memory_space<vmem>> -> memref<128xi32, #tpu.memory_space<vmem>>
        %dma_start3A_402 = arith.constant 0 : i32
        %dma_start3A_403 = arith.constant 0 : i32
        %dma_start3A_404 = tpu.memref_slice %arg7[%dma_start3A_402, %dma_start3A_403] : memref<10000x128xf32, #tpu.memory_space<hbm>> -> memref<10000x128xf32, #tpu.memory_space<hbm>>
        tpu.enqueue_indirect_dma source(%dma_start3A_404 : memref<10000x128xf32, #tpu.memory_space<hbm>>) target(%arg17 : memref<128x128xf32, #tpu.memory_space<vmem>>) offsets(%dma_start3A_401 : memref<128xi32, #tpu.memory_space<vmem>>) semaphore(%arg20 : memref<!tpu.dma_semaphore, #tpu.memory_space<semaphore_mem>>)
        %dma_wait3A_405 = arith.constant 5 : i32
        %dma_wait3A_406 = arith.constant 0 : i32
        %dma_wait3A_407 = arith.constant 0 : i32
        %dma_wait3A_408 = tpu.memref_slice %arg15[%rem3A_120, %dma_wait3A_406, %dma_wait3A_407] : memref<2x8x128xi32, #tpu.memory_space<vmem>> -> memref<1x8x128xi32, #tpu.memory_space<vmem>>
        %dma_wait3A_409 = tpu.memref_squeeze %dma_wait3A_408 : memref<1x8x128xi32, #tpu.memory_space<vmem>> -> memref<8x128xi32, #tpu.memory_space<vmem>>
        %dma_wait3A_410 = arith.constant 0 : i32
        %dma_wait3A_411 = tpu.memref_slice %dma_wait3A_409[%dma_wait3A_405, %dma_wait3A_410] : memref<8x128xi32, #tpu.memory_space<vmem>> -> memref<1x128xi32, #tpu.memory_space<vmem>>
        %dma_wait3A_412 = tpu.memref_squeeze %dma_wait3A_411 : memref<1x128xi32, #tpu.memory_space<vmem>> -> memref<128xi32, #tpu.memory_space<vmem>>
        %dma_wait3A_413 = arith.constant 0 : i32
        %dma_wait3A_414 = arith.constant 0 : i32
        %dma_wait3A_415 = tpu.memref_slice %arg7[%dma_wait3A_413, %dma_wait3A_414] : memref<10000x128xf32, #tpu.memory_space<hbm>> -> memref<10000x128xf32, #tpu.memory_space<hbm>>
        tpu.wait_indirect_dma semaphore(%arg21 : memref<!tpu.dma_semaphore, #tpu.memory_space<semaphore_mem>>) src(%dma_wait3A_415 : memref<10000x128xf32, #tpu.memory_space<hbm>>) dst(%arg18 : memref<128x128xf32, #tpu.memory_space<vmem>>)
        %dma_start3A_416 = arith.constant 5 : i32
        %dma_start3A_417 = arith.constant 0 : i32
        %dma_start3A_418 = arith.constant 0 : i32
        %dma_start3A_419 = tpu.memref_slice %arg16[%rem3A_120, %dma_start3A_417, %dma_start3A_418] : memref<2x8x128xi32, #tpu.memory_space<vmem>> -> memref<1x8x128xi32, #tpu.memory_space<vmem>>
        %dma_start3A_420 = tpu.memref_squeeze %dma_start3A_419 : memref<1x8x128xi32, #tpu.memory_space<vmem>> -> memref<8x128xi32, #tpu.memory_space<vmem>>
        %dma_start3A_421 = arith.constant 0 : i32
        %dma_start3A_422 = tpu.memref_slice %dma_start3A_420[%dma_start3A_416, %dma_start3A_421] : memref<8x128xi32, #tpu.memory_space<vmem>> -> memref<1x128xi32, #tpu.memory_space<vmem>>
        %dma_start3A_423 = tpu.memref_squeeze %dma_start3A_422 : memref<1x128xi32, #tpu.memory_space<vmem>> -> memref<128xi32, #tpu.memory_space<vmem>>
        %dma_start3A_424 = arith.constant 0 : i32
        %dma_start3A_425 = arith.constant 0 : i32
        %dma_start3A_426 = tpu.memref_slice %arg19[%dma_start3A_424, %dma_start3A_425] : memref<10008x128xf32, #tpu.memory_space<vmem_shared>> -> memref<10008x128xf32, #tpu.memory_space<vmem_shared>>
        tpu.enqueue_indirect_dma source(%arg18 : memref<128x128xf32, #tpu.memory_space<vmem>>) target(%dma_start3A_426 : memref<10008x128xf32, #tpu.memory_space<vmem_shared>>) offsets(%dma_start3A_423 : memref<128xi32, #tpu.memory_space<vmem>>) semaphore(%arg23 : memref<!tpu.dma_semaphore, #tpu.memory_space<semaphore_mem>>) {add = true}
        %dma_wait3A_427 = arith.constant 5 : i32
        %dma_wait3A_428 = arith.constant 0 : i32
        %dma_wait3A_429 = arith.constant 0 : i32
        %dma_wait3A_430 = tpu.memref_slice %arg16[%rem3A_120, %dma_wait3A_428, %dma_wait3A_429] : memref<2x8x128xi32, #tpu.memory_space<vmem>> -> memref<1x8x128xi32, #tpu.memory_space<vmem>>
        %dma_wait3A_431 = tpu.memref_squeeze %dma_wait3A_430 : memref<1x8x128xi32, #tpu.memory_space<vmem>> -> memref<8x128xi32, #tpu.memory_space<vmem>>
        %dma_wait3A_432 = arith.constant 0 : i32
        %dma_wait3A_433 = tpu.memref_slice %dma_wait3A_431[%dma_wait3A_427, %dma_wait3A_432] : memref<8x128xi32, #tpu.memory_space<vmem>> -> memref<1x128xi32, #tpu.memory_space<vmem>>
        %dma_wait3A_434 = tpu.memref_squeeze %dma_wait3A_433 : memref<1x128xi32, #tpu.memory_space<vmem>> -> memref<128xi32, #tpu.memory_space<vmem>>
        %dma_wait3A_435 = arith.constant 0 : i32
        %dma_wait3A_436 = arith.constant 0 : i32
        %dma_wait3A_437 = tpu.memref_slice %arg19[%dma_wait3A_435, %dma_wait3A_436] : memref<10008x128xf32, #tpu.memory_space<vmem_shared>> -> memref<10008x128xf32, #tpu.memory_space<vmem_shared>>
        tpu.wait_indirect_dma semaphore(%arg23 : memref<!tpu.dma_semaphore, #tpu.memory_space<semaphore_mem>>) src(%arg18 : memref<128x128xf32, #tpu.memory_space<vmem>>) dst(%dma_wait3A_437 : memref<10008x128xf32, #tpu.memory_space<vmem_shared>>)
        %dma_start3A_438 = arith.constant 7 : i32
        %dma_start3A_439 = arith.constant 0 : i32
        %dma_start3A_440 = arith.constant 0 : i32
        %dma_start3A_441 = tpu.memref_slice %arg15[%rem3A_120, %dma_start3A_439, %dma_start3A_440] : memref<2x8x128xi32, #tpu.memory_space<vmem>> -> memref<1x8x128xi32, #tpu.memory_space<vmem>>
        %dma_start3A_442 = tpu.memref_squeeze %dma_start3A_441 : memref<1x8x128xi32, #tpu.memory_space<vmem>> -> memref<8x128xi32, #tpu.memory_space<vmem>>
        %dma_start3A_443 = arith.constant 0 : i32
        %dma_start3A_444 = tpu.memref_slice %dma_start3A_442[%dma_start3A_438, %dma_start3A_443] : memref<8x128xi32, #tpu.memory_space<vmem>> -> memref<1x128xi32, #tpu.memory_space<vmem>>
        %dma_start3A_445 = tpu.memref_squeeze %dma_start3A_444 : memref<1x128xi32, #tpu.memory_space<vmem>> -> memref<128xi32, #tpu.memory_space<vmem>>
        %dma_start3A_446 = arith.constant 0 : i32
        %dma_start3A_447 = arith.constant 0 : i32
        %dma_start3A_448 = tpu.memref_slice %arg7[%dma_start3A_446, %dma_start3A_447] : memref<10000x128xf32, #tpu.memory_space<hbm>> -> memref<10000x128xf32, #tpu.memory_space<hbm>>
        tpu.enqueue_indirect_dma source(%dma_start3A_448 : memref<10000x128xf32, #tpu.memory_space<hbm>>) target(%arg18 : memref<128x128xf32, #tpu.memory_space<vmem>>) offsets(%dma_start3A_445 : memref<128xi32, #tpu.memory_space<vmem>>) semaphore(%arg21 : memref<!tpu.dma_semaphore, #tpu.memory_space<semaphore_mem>>)
        %dma_wait3A_449 = arith.constant 6 : i32
        %dma_wait3A_450 = arith.constant 0 : i32
        %dma_wait3A_451 = arith.constant 0 : i32
        %dma_wait3A_452 = tpu.memref_slice %arg15[%rem3A_120, %dma_wait3A_450, %dma_wait3A_451] : memref<2x8x128xi32, #tpu.memory_space<vmem>> -> memref<1x8x128xi32, #tpu.memory_space<vmem>>
        %dma_wait3A_453 = tpu.memref_squeeze %dma_wait3A_452 : memref<1x8x128xi32, #tpu.memory_space<vmem>> -> memref<8x128xi32, #tpu.memory_space<vmem>>
        %dma_wait3A_454 = arith.constant 0 : i32
        %dma_wait3A_455 = tpu.memref_slice %dma_wait3A_453[%dma_wait3A_449, %dma_wait3A_454] : memref<8x128xi32, #tpu.memory_space<vmem>> -> memref<1x128xi32, #tpu.memory_space<vmem>>
        %dma_wait3A_456 = tpu.memref_squeeze %dma_wait3A_455 : memref<1x128xi32, #tpu.memory_space<vmem>> -> memref<128xi32, #tpu.memory_space<vmem>>
        %dma_wait3A_457 = arith.constant 0 : i32
        %dma_wait3A_458 = arith.constant 0 : i32
        %dma_wait3A_459 = tpu.memref_slice %arg7[%dma_wait3A_457, %dma_wait3A_458] : memref<10000x128xf32, #tpu.memory_space<hbm>> -> memref<10000x128xf32, #tpu.memory_space<hbm>>
        tpu.wait_indirect_dma semaphore(%arg20 : memref<!tpu.dma_semaphore, #tpu.memory_space<semaphore_mem>>) src(%dma_wait3A_459 : memref<10000x128xf32, #tpu.memory_space<hbm>>) dst(%arg17 : memref<128x128xf32, #tpu.memory_space<vmem>>)
        %dma_start3A_460 = arith.constant 6 : i32
        %dma_start3A_461 = arith.constant 0 : i32
        %dma_start3A_462 = arith.constant 0 : i32
        %dma_start3A_463 = tpu.memref_slice %arg16[%rem3A_120, %dma_start3A_461, %dma_start3A_462] : memref<2x8x128xi32, #tpu.memory_space<vmem>> -> memref<1x8x128xi32, #tpu.memory_space<vmem>>
        %dma_start3A_464 = tpu.memref_squeeze %dma_start3A_463 : memref<1x8x128xi32, #tpu.memory_space<vmem>> -> memref<8x128xi32, #tpu.memory_space<vmem>>
        %dma_start3A_465 = arith.constant 0 : i32
        %dma_start3A_466 = tpu.memref_slice %dma_start3A_464[%dma_start3A_460, %dma_start3A_465] : memref<8x128xi32, #tpu.memory_space<vmem>> -> memref<1x128xi32, #tpu.memory_space<vmem>>
        %dma_start3A_467 = tpu.memref_squeeze %dma_start3A_466 : memref<1x128xi32, #tpu.memory_space<vmem>> -> memref<128xi32, #tpu.memory_space<vmem>>
        %dma_start3A_468 = arith.constant 0 : i32
        %dma_start3A_469 = arith.constant 0 : i32
        %dma_start3A_470 = tpu.memref_slice %arg19[%dma_start3A_468, %dma_start3A_469] : memref<10008x128xf32, #tpu.memory_space<vmem_shared>> -> memref<10008x128xf32, #tpu.memory_space<vmem_shared>>
        tpu.enqueue_indirect_dma source(%arg17 : memref<128x128xf32, #tpu.memory_space<vmem>>) target(%dma_start3A_470 : memref<10008x128xf32, #tpu.memory_space<vmem_shared>>) offsets(%dma_start3A_467 : memref<128xi32, #tpu.memory_space<vmem>>) semaphore(%arg22 : memref<!tpu.dma_semaphore, #tpu.memory_space<semaphore_mem>>) {add = true}
        %dma_wait3A_471 = arith.constant 7 : i32
        %dma_wait3A_472 = arith.constant 0 : i32
        %dma_wait3A_473 = arith.constant 0 : i32
        %dma_wait3A_474 = tpu.memref_slice %arg15[%rem3A_120, %dma_wait3A_472, %dma_wait3A_473] : memref<2x8x128xi32, #tpu.memory_space<vmem>> -> memref<1x8x128xi32, #tpu.memory_space<vmem>>
        %dma_wait3A_475 = tpu.memref_squeeze %dma_wait3A_474 : memref<1x8x128xi32, #tpu.memory_space<vmem>> -> memref<8x128xi32, #tpu.memory_space<vmem>>
        %dma_wait3A_476 = arith.constant 0 : i32
        %dma_wait3A_477 = tpu.memref_slice %dma_wait3A_475[%dma_wait3A_471, %dma_wait3A_476] : memref<8x128xi32, #tpu.memory_space<vmem>> -> memref<1x128xi32, #tpu.memory_space<vmem>>
        %dma_wait3A_478 = tpu.memref_squeeze %dma_wait3A_477 : memref<1x128xi32, #tpu.memory_space<vmem>> -> memref<128xi32, #tpu.memory_space<vmem>>
        %dma_wait3A_479 = arith.constant 0 : i32
        %dma_wait3A_480 = arith.constant 0 : i32
        %dma_wait3A_481 = tpu.memref_slice %arg7[%dma_wait3A_479, %dma_wait3A_480] : memref<10000x128xf32, #tpu.memory_space<hbm>> -> memref<10000x128xf32, #tpu.memory_space<hbm>>
        tpu.wait_indirect_dma semaphore(%arg21 : memref<!tpu.dma_semaphore, #tpu.memory_space<semaphore_mem>>) src(%dma_wait3A_481 : memref<10000x128xf32, #tpu.memory_space<hbm>>) dst(%arg18 : memref<128x128xf32, #tpu.memory_space<vmem>>)
        %dma_start3A_482 = arith.constant 7 : i32
        %dma_start3A_483 = arith.constant 0 : i32
        %dma_start3A_484 = arith.constant 0 : i32
        %dma_start3A_485 = tpu.memref_slice %arg16[%rem3A_120, %dma_start3A_483, %dma_start3A_484] : memref<2x8x128xi32, #tpu.memory_space<vmem>> -> memref<1x8x128xi32, #tpu.memory_space<vmem>>
        %dma_start3A_486 = tpu.memref_squeeze %dma_start3A_485 : memref<1x8x128xi32, #tpu.memory_space<vmem>> -> memref<8x128xi32, #tpu.memory_space<vmem>>
        %dma_start3A_487 = arith.constant 0 : i32
        %dma_start3A_488 = tpu.memref_slice %dma_start3A_486[%dma_start3A_482, %dma_start3A_487] : memref<8x128xi32, #tpu.memory_space<vmem>> -> memref<1x128xi32, #tpu.memory_space<vmem>>
        %dma_start3A_489 = tpu.memref_squeeze %dma_start3A_488 : memref<1x128xi32, #tpu.memory_space<vmem>> -> memref<128xi32, #tpu.memory_space<vmem>>
        %dma_start3A_490 = arith.constant 0 : i32
        %dma_start3A_491 = arith.constant 0 : i32
        %dma_start3A_492 = tpu.memref_slice %arg19[%dma_start3A_490, %dma_start3A_491] : memref<10008x128xf32, #tpu.memory_space<vmem_shared>> -> memref<10008x128xf32, #tpu.memory_space<vmem_shared>>
        tpu.enqueue_indirect_dma source(%arg18 : memref<128x128xf32, #tpu.memory_space<vmem>>) target(%dma_start3A_492 : memref<10008x128xf32, #tpu.memory_space<vmem_shared>>) offsets(%dma_start3A_489 : memref<128xi32, #tpu.memory_space<vmem>>) semaphore(%arg23 : memref<!tpu.dma_semaphore, #tpu.memory_space<semaphore_mem>>) {add = true}
      }
      %scan3A_91 = arith.constant 10 : i32
      %dma_wait3A = arith.constant 1 : i32
      %dma_wait3A_92 = arith.constant 6 : i32
      %dma_wait3A_93 = arith.constant 0 : i32
      %dma_wait3A_94 = arith.constant 0 : i32
      %dma_wait3A_95 = tpu.memref_slice %arg16[%dma_wait3A, %dma_wait3A_93, %dma_wait3A_94] : memref<2x8x128xi32, #tpu.memory_space<vmem>> -> memref<1x8x128xi32, #tpu.memory_space<vmem>>
      %dma_wait3A_96 = tpu.memref_squeeze %dma_wait3A_95 : memref<1x8x128xi32, #tpu.memory_space<vmem>> -> memref<8x128xi32, #tpu.memory_space<vmem>>
      %dma_wait3A_97 = arith.constant 0 : i32
      %dma_wait3A_98 = tpu.memref_slice %dma_wait3A_96[%dma_wait3A_92, %dma_wait3A_97] : memref<8x128xi32, #tpu.memory_space<vmem>> -> memref<1x128xi32, #tpu.memory_space<vmem>>
      %dma_wait3A_99 = tpu.memref_squeeze %dma_wait3A_98 : memref<1x128xi32, #tpu.memory_space<vmem>> -> memref<128xi32, #tpu.memory_space<vmem>>
      %dma_wait3A_100 = arith.constant 0 : i32
      %dma_wait3A_101 = arith.constant 0 : i32
      %dma_wait3A_102 = tpu.memref_slice %arg19[%dma_wait3A_100, %dma_wait3A_101] : memref<10008x128xf32, #tpu.memory_space<vmem_shared>> -> memref<10008x128xf32, #tpu.memory_space<vmem_shared>>
      tpu.wait_indirect_dma semaphore(%arg22 : memref<!tpu.dma_semaphore, #tpu.memory_space<semaphore_mem>>) src(%arg17 : memref<128x128xf32, #tpu.memory_space<vmem>>) dst(%dma_wait3A_102 : memref<10008x128xf32, #tpu.memory_space<vmem_shared>>)
      %dma_wait3A_103 = arith.constant 1 : i32
      %dma_wait3A_104 = arith.constant 7 : i32
      %dma_wait3A_105 = arith.constant 0 : i32
      %dma_wait3A_106 = arith.constant 0 : i32
      %dma_wait3A_107 = tpu.memref_slice %arg16[%dma_wait3A_103, %dma_wait3A_105, %dma_wait3A_106] : memref<2x8x128xi32, #tpu.memory_space<vmem>> -> memref<1x8x128xi32, #tpu.memory_space<vmem>>
      %dma_wait3A_108 = tpu.memref_squeeze %dma_wait3A_107 : memref<1x8x128xi32, #tpu.memory_space<vmem>> -> memref<8x128xi32, #tpu.memory_space<vmem>>
      %dma_wait3A_109 = arith.constant 0 : i32
      %dma_wait3A_110 = tpu.memref_slice %dma_wait3A_108[%dma_wait3A_104, %dma_wait3A_109] : memref<8x128xi32, #tpu.memory_space<vmem>> -> memref<1x128xi32, #tpu.memory_space<vmem>>
      %dma_wait3A_111 = tpu.memref_squeeze %dma_wait3A_110 : memref<1x128xi32, #tpu.memory_space<vmem>> -> memref<128xi32, #tpu.memory_space<vmem>>
      %dma_wait3A_112 = arith.constant 0 : i32
      %dma_wait3A_113 = arith.constant 0 : i32
      %dma_wait3A_114 = tpu.memref_slice %arg19[%dma_wait3A_112, %dma_wait3A_113] : memref<10008x128xf32, #tpu.memory_space<vmem_shared>> -> memref<10008x128xf32, #tpu.memory_space<vmem_shared>>
      tpu.wait_indirect_dma semaphore(%arg23 : memref<!tpu.dma_semaphore, #tpu.memory_space<semaphore_mem>>) src(%arg18 : memref<128x128xf32, #tpu.memory_space<vmem>>) dst(%dma_wait3A_114 : memref<10008x128xf32, #tpu.memory_space<vmem_shared>>)
    } else {
    }
    %barrier3A_49 = arith.constant 0 : index
    tpu.barrier barrier_id(%barrier3A_49)
    %eq3A_50 = arith.constant 0 : i32
    %eq3A_51 = arith.cmpi eq, %arg0, %eq3A_50 : i32
    %convert_element_type3A_52 = arith.extui %eq3A_51 : i1 to i32
    %cond3A_53 = arith.constant 0 : i32
    %cond3A_54 = arith.cmpi ne, %convert_element_type3A_52, %cond3A_53 : i32
    scf.if %cond3A_54 {
      %lt3A_60 = arith.constant 15 : i32
      %lt3A_61 = arith.cmpi slt, %arg1, %lt3A_60 : i32
      %convert_element_type3A_62 = arith.extui %lt3A_61 : i1 to i32
      %cond3A_63 = arith.constant 0 : i32
      %cond3A_64 = arith.cmpi ne, %convert_element_type3A_62, %cond3A_63 : i32
      scf.if %cond3A_64 {
        %mul3A_70 = arith.constant 632 : i32
        %mul3A_71 = arith.muli %arg1, %mul3A_70 : i32
        "tpu.region"() ({
          %run_scoped3A = tpu.sem_alloc : memref<!tpu.dma_semaphore, #tpu.memory_space<semaphore_mem>>
          %dma_start3A = arith.constant 0 : i32
          %dma_start3A_72 = tpu.memref_slice %arg13[%mul3A_71, %dma_start3A] : memref<10000x128xf32, #tpu.memory_space<hbm>> -> memref<632x128xf32, #tpu.memory_space<hbm>>
          %dma_start3A_73 = arith.constant 0 : i32
          %dma_start3A_74 = tpu.memref_slice %arg19[%mul3A_71, %dma_start3A_73] : memref<10008x128xf32, #tpu.memory_space<vmem_shared>> -> memref<632x128xf32, #tpu.memory_space<vmem_shared>>
          tpu.enqueue_dma source(%dma_start3A_74 : memref<632x128xf32, #tpu.memory_space<vmem_shared>>) target(%dma_start3A_72 : memref<632x128xf32, #tpu.memory_space<hbm>>) target_semaphore(%run_scoped3A : memref<!tpu.dma_semaphore, #tpu.memory_space<semaphore_mem>>)
          %dma_wait3A = arith.constant 0 : i32
          %dma_wait3A_75 = tpu.memref_slice %arg13[%mul3A_71, %dma_wait3A] : memref<10000x128xf32, #tpu.memory_space<hbm>> -> memref<632x128xf32, #tpu.memory_space<hbm>>
          %dma_wait3A_76 = arith.constant 0 : i32
          %dma_wait3A_77 = tpu.memref_slice %arg19[%mul3A_71, %dma_wait3A_76] : memref<10008x128xf32, #tpu.memory_space<vmem_shared>> -> memref<632x128xf32, #tpu.memory_space<vmem_shared>>
          tpu.wait_dma2 semaphore(%run_scoped3A : memref<!tpu.dma_semaphore, #tpu.memory_space<semaphore_mem>>) src(%dma_wait3A_77 : memref<632x128xf32, #tpu.memory_space<vmem_shared>>) dst(%dma_wait3A_75 : memref<632x128xf32, #tpu.memory_space<hbm>>)
          tpu.yield
        }) : () -> ()
      } else {
      }
      %eq3A_65 = arith.constant 15 : i32
      %eq3A_66 = arith.cmpi eq, %arg1, %eq3A_65 : i32
      %convert_element_type3A_67 = arith.extui %eq3A_66 : i1 to i32
      %cond3A_68 = arith.constant 0 : i32
      %cond3A_69 = arith.cmpi ne, %convert_element_type3A_67, %cond3A_68 : i32
      scf.if %cond3A_69 {
        "tpu.region"() ({
          %run_scoped3A = tpu.sem_alloc : memref<!tpu.dma_semaphore, #tpu.memory_space<semaphore_mem>>
          %dma_start3A = arith.constant 9480 : i32
          %dma_start3A_70 = arith.constant 0 : i32
          %dma_start3A_71 = tpu.memref_slice %arg13[%dma_start3A, %dma_start3A_70] : memref<10000x128xf32, #tpu.memory_space<hbm>> -> memref<520x128xf32, #tpu.memory_space<hbm>>
          %dma_start3A_72 = arith.constant 9480 : i32
          %dma_start3A_73 = arith.constant 0 : i32
          %dma_start3A_74 = tpu.memref_slice %arg19[%dma_start3A_72, %dma_start3A_73] : memref<10008x128xf32, #tpu.memory_space<vmem_shared>> -> memref<520x128xf32, #tpu.memory_space<vmem_shared>>
          tpu.enqueue_dma source(%dma_start3A_74 : memref<520x128xf32, #tpu.memory_space<vmem_shared>>) target(%dma_start3A_71 : memref<520x128xf32, #tpu.memory_space<hbm>>) target_semaphore(%run_scoped3A : memref<!tpu.dma_semaphore, #tpu.memory_space<semaphore_mem>>)
          %dma_wait3A = arith.constant 9480 : i32
          %dma_wait3A_75 = arith.constant 0 : i32
          %dma_wait3A_76 = tpu.memref_slice %arg13[%dma_wait3A, %dma_wait3A_75] : memref<10000x128xf32, #tpu.memory_space<hbm>> -> memref<520x128xf32, #tpu.memory_space<hbm>>
          %dma_wait3A_77 = arith.constant 9480 : i32
          %dma_wait3A_78 = arith.constant 0 : i32
          %dma_wait3A_79 = tpu.memref_slice %arg19[%dma_wait3A_77, %dma_wait3A_78] : memref<10008x128xf32, #tpu.memory_space<vmem_shared>> -> memref<520x128xf32, #tpu.memory_space<vmem_shared>>
          tpu.wait_dma2 semaphore(%run_scoped3A : memref<!tpu.dma_semaphore, #tpu.memory_space<semaphore_mem>>) src(%dma_wait3A_79 : memref<520x128xf32, #tpu.memory_space<vmem_shared>>) dst(%dma_wait3A_76 : memref<520x128xf32, #tpu.memory_space<hbm>>)
          tpu.yield
        }) : () -> ()
      } else {
      }
    } else {
    }
    %eq3A_55 = arith.constant 1 : i32
    %eq3A_56 = arith.cmpi eq, %arg0, %eq3A_55 : i32
    %convert_element_type3A_57 = arith.extui %eq3A_56 : i1 to i32
    %cond3A_58 = arith.constant 0 : i32
    %cond3A_59 = arith.cmpi ne, %convert_element_type3A_57, %cond3A_58 : i32
    scf.if %cond3A_59 {
      %lt3A_60 = arith.constant 15 : i32
      %lt3A_61 = arith.cmpi slt, %arg1, %lt3A_60 : i32
      %convert_element_type3A_62 = arith.extui %lt3A_61 : i1 to i32
      %cond3A_63 = arith.constant 0 : i32
      %cond3A_64 = arith.cmpi ne, %convert_element_type3A_62, %cond3A_63 : i32
      scf.if %cond3A_64 {
        %mul3A_70 = arith.constant 632 : i32
        %mul3A_71 = arith.muli %arg1, %mul3A_70 : i32
        "tpu.region"() ({
          %run_scoped3A = tpu.sem_alloc : memref<!tpu.dma_semaphore, #tpu.memory_space<semaphore_mem>>
          %dma_start3A = arith.constant 0 : i32
          %dma_start3A_72 = tpu.memref_slice %arg14[%mul3A_71, %dma_start3A] : memref<10000x128xf32, #tpu.memory_space<hbm>> -> memref<632x128xf32, #tpu.memory_space<hbm>>
          %dma_start3A_73 = arith.constant 0 : i32
          %dma_start3A_74 = tpu.memref_slice %arg19[%mul3A_71, %dma_start3A_73] : memref<10008x128xf32, #tpu.memory_space<vmem_shared>> -> memref<632x128xf32, #tpu.memory_space<vmem_shared>>
          tpu.enqueue_dma source(%dma_start3A_74 : memref<632x128xf32, #tpu.memory_space<vmem_shared>>) target(%dma_start3A_72 : memref<632x128xf32, #tpu.memory_space<hbm>>) target_semaphore(%run_scoped3A : memref<!tpu.dma_semaphore, #tpu.memory_space<semaphore_mem>>)
          %dma_wait3A = arith.constant 0 : i32
          %dma_wait3A_75 = tpu.memref_slice %arg14[%mul3A_71, %dma_wait3A] : memref<10000x128xf32, #tpu.memory_space<hbm>> -> memref<632x128xf32, #tpu.memory_space<hbm>>
          %dma_wait3A_76 = arith.constant 0 : i32
          %dma_wait3A_77 = tpu.memref_slice %arg19[%mul3A_71, %dma_wait3A_76] : memref<10008x128xf32, #tpu.memory_space<vmem_shared>> -> memref<632x128xf32, #tpu.memory_space<vmem_shared>>
          tpu.wait_dma2 semaphore(%run_scoped3A : memref<!tpu.dma_semaphore, #tpu.memory_space<semaphore_mem>>) src(%dma_wait3A_77 : memref<632x128xf32, #tpu.memory_space<vmem_shared>>) dst(%dma_wait3A_75 : memref<632x128xf32, #tpu.memory_space<hbm>>)
          tpu.yield
        }) : () -> ()
      } else {
      }
      %eq3A_65 = arith.constant 15 : i32
      %eq3A_66 = arith.cmpi eq, %arg1, %eq3A_65 : i32
      %convert_element_type3A_67 = arith.extui %eq3A_66 : i1 to i32
      %cond3A_68 = arith.constant 0 : i32
      %cond3A_69 = arith.cmpi ne, %convert_element_type3A_67, %cond3A_68 : i32
      scf.if %cond3A_69 {
        "tpu.region"() ({
          %run_scoped3A = tpu.sem_alloc : memref<!tpu.dma_semaphore, #tpu.memory_space<semaphore_mem>>
          %dma_start3A = arith.constant 9480 : i32
          %dma_start3A_70 = arith.constant 0 : i32
          %dma_start3A_71 = tpu.memref_slice %arg14[%dma_start3A, %dma_start3A_70] : memref<10000x128xf32, #tpu.memory_space<hbm>> -> memref<520x128xf32, #tpu.memory_space<hbm>>
          %dma_start3A_72 = arith.constant 9480 : i32
          %dma_start3A_73 = arith.constant 0 : i32
          %dma_start3A_74 = tpu.memref_slice %arg19[%dma_start3A_72, %dma_start3A_73] : memref<10008x128xf32, #tpu.memory_space<vmem_shared>> -> memref<520x128xf32, #tpu.memory_space<vmem_shared>>
          tpu.enqueue_dma source(%dma_start3A_74 : memref<520x128xf32, #tpu.memory_space<vmem_shared>>) target(%dma_start3A_71 : memref<520x128xf32, #tpu.memory_space<hbm>>) target_semaphore(%run_scoped3A : memref<!tpu.dma_semaphore, #tpu.memory_space<semaphore_mem>>)
          %dma_wait3A = arith.constant 9480 : i32
          %dma_wait3A_75 = arith.constant 0 : i32
          %dma_wait3A_76 = tpu.memref_slice %arg14[%dma_wait3A, %dma_wait3A_75] : memref<10000x128xf32, #tpu.memory_space<hbm>> -> memref<520x128xf32, #tpu.memory_space<hbm>>
          %dma_wait3A_77 = arith.constant 9480 : i32
          %dma_wait3A_78 = arith.constant 0 : i32
          %dma_wait3A_79 = tpu.memref_slice %arg19[%dma_wait3A_77, %dma_wait3A_78] : memref<10008x128xf32, #tpu.memory_space<vmem_shared>> -> memref<520x128xf32, #tpu.memory_space<vmem_shared>>
          tpu.wait_dma2 semaphore(%run_scoped3A : memref<!tpu.dma_semaphore, #tpu.memory_space<semaphore_mem>>) src(%dma_wait3A_79 : memref<520x128xf32, #tpu.memory_space<vmem_shared>>) dst(%dma_wait3A_76 : memref<520x128xf32, #tpu.memory_space<hbm>>)
          tpu.yield
        }) : () -> ()
      } else {
      }
    } else {
    }
    return
  }
}

#map = affine_map<(d0, d1) -> (0, 0)>
module attributes {stable_mosaic.version = 14 : i64} {
  func.func @k(%arg0: i32, %arg1: i32, %arg2: memref<1280x128xi32, #tpu.memory_space<hbm>>, %arg3: memref<1280x128xi32, #tpu.memory_space<hbm>>, %arg4: memref<10000x128xf32, #tpu.memory_space<hbm>>, %arg5: memref<128x128xf32, #tpu.memory_space<hbm>>, %arg6: memref<10000x128xf32, #tpu.memory_space<hbm>>, %arg7: memref<10000x128xf32, #tpu.memory_space<hbm>>, %arg8: memref<10000x128xf32, #tpu.memory_space<hbm>>, %arg9: memref<10000x128xf32, #tpu.memory_space<hbm>>, %arg10: memref<8x128xi32, #tpu.memory_space<vmem>>, %arg11: memref<128x128xf32, #tpu.memory_space<vmem>>, %arg12: memref<10008x128xf32, #tpu.memory_space<vmem_shared>>) attributes {dimension_semantics = [#tpu.dimension_semantics<core_parallel>, #tpu.dimension_semantics<subcore_parallel>], iteration_bounds = array<i64: 2, 16>, scalar_prefetch = 0 : i64, scratch_operands = 3 : i64, tpu.core_type = #tpu.core_type<sc_vector_subcore>, window_params = [{transform_indices = #map}, {transform_indices = #map}, {transform_indices = #map}, {transform_indices = #map}, {transform_indices = #map}, {transform_indices = #map}, {transform_indices = #map}, {transform_indices = #map}]} {
    %mul3A = arith.constant 16 : i32
    %mul3A_0 = arith.muli %arg0, %mul3A : i32
    %add3A = arith.addi %mul3A_0, %arg1 : i32
    %mul3A_1 = arith.constant 40 : i32
    %mul3A_2 = arith.muli %add3A, %mul3A_1 : i32
    "tpu.region"() ({
      %run_scoped3A = tpu.sem_alloc : memref<!tpu.dma_semaphore, #tpu.memory_space<semaphore_mem>>
      tpu.enqueue_dma source(%arg5 : memref<128x128xf32, #tpu.memory_space<hbm>>) target(%arg11 : memref<128x128xf32, #tpu.memory_space<vmem>>) target_semaphore(%run_scoped3A : memref<!tpu.dma_semaphore, #tpu.memory_space<semaphore_mem>>)
      tpu.wait_dma2 semaphore(%run_scoped3A : memref<!tpu.dma_semaphore, #tpu.memory_space<semaphore_mem>>) src(%arg5 : memref<128x128xf32, #tpu.memory_space<hbm>>) dst(%arg11 : memref<128x128xf32, #tpu.memory_space<vmem>>)
      tpu.yield
    }) : () -> ()
    %lt3A = arith.constant 15 : i32
    %lt3A_3 = arith.cmpi slt, %arg1, %lt3A : i32
    %convert_element_type3A = arith.extui %lt3A_3 : i1 to i32
    %cond3A = arith.constant 0 : i32
    %cond3A_4 = arith.cmpi ne, %convert_element_type3A, %cond3A : i32
    scf.if %cond3A_4 {
      %mul3A_51 = arith.constant 632 : i32
      %mul3A_52 = arith.muli %arg1, %mul3A_51 : i32
      "tpu.region"() ({
        %run_scoped3A = tpu.sem_alloc : memref<!tpu.dma_semaphore, #tpu.memory_space<semaphore_mem>>
        %dma_start3A = arith.constant 0 : i32
        %dma_start3A_53 = tpu.memref_slice %arg12[%mul3A_52, %dma_start3A] : memref<10008x128xf32, #tpu.memory_space<vmem_shared>> -> memref<632x128xf32, #tpu.memory_space<vmem_shared>>
        %dma_start3A_54 = arith.constant 0 : i32
        %dma_start3A_55 = tpu.memref_slice %arg4[%mul3A_52, %dma_start3A_54] : memref<10000x128xf32, #tpu.memory_space<hbm>> -> memref<632x128xf32, #tpu.memory_space<hbm>>
        tpu.enqueue_dma source(%dma_start3A_55 : memref<632x128xf32, #tpu.memory_space<hbm>>) target(%dma_start3A_53 : memref<632x128xf32, #tpu.memory_space<vmem_shared>>) target_semaphore(%run_scoped3A : memref<!tpu.dma_semaphore, #tpu.memory_space<semaphore_mem>>)
        %dma_wait3A = arith.constant 0 : i32
        %dma_wait3A_56 = tpu.memref_slice %arg12[%mul3A_52, %dma_wait3A] : memref<10008x128xf32, #tpu.memory_space<vmem_shared>> -> memref<632x128xf32, #tpu.memory_space<vmem_shared>>
        %dma_wait3A_57 = arith.constant 0 : i32
        %dma_wait3A_58 = tpu.memref_slice %arg4[%mul3A_52, %dma_wait3A_57] : memref<10000x128xf32, #tpu.memory_space<hbm>> -> memref<632x128xf32, #tpu.memory_space<hbm>>
        tpu.wait_dma2 semaphore(%run_scoped3A : memref<!tpu.dma_semaphore, #tpu.memory_space<semaphore_mem>>) src(%dma_wait3A_58 : memref<632x128xf32, #tpu.memory_space<hbm>>) dst(%dma_wait3A_56 : memref<632x128xf32, #tpu.memory_space<vmem_shared>>)
        tpu.yield
      }) : () -> ()
    } else {
    }
    %eq3A = arith.constant 15 : i32
    %eq3A_5 = arith.cmpi eq, %arg1, %eq3A : i32
    %convert_element_type3A_6 = arith.extui %eq3A_5 : i1 to i32
    %cond3A_7 = arith.constant 0 : i32
    %cond3A_8 = arith.cmpi ne, %convert_element_type3A_6, %cond3A_7 : i32
    scf.if %cond3A_8 {
      "tpu.region"() ({
        %run_scoped3A = tpu.sem_alloc : memref<!tpu.dma_semaphore, #tpu.memory_space<semaphore_mem>>
        %dma_start3A = arith.constant 9480 : i32
        %dma_start3A_51 = arith.constant 0 : i32
        %dma_start3A_52 = tpu.memref_slice %arg12[%dma_start3A, %dma_start3A_51] : memref<10008x128xf32, #tpu.memory_space<vmem_shared>> -> memref<520x128xf32, #tpu.memory_space<vmem_shared>>
        %dma_start3A_53 = arith.constant 9480 : i32
        %dma_start3A_54 = arith.constant 0 : i32
        %dma_start3A_55 = tpu.memref_slice %arg4[%dma_start3A_53, %dma_start3A_54] : memref<10000x128xf32, #tpu.memory_space<hbm>> -> memref<520x128xf32, #tpu.memory_space<hbm>>
        tpu.enqueue_dma source(%dma_start3A_55 : memref<520x128xf32, #tpu.memory_space<hbm>>) target(%dma_start3A_52 : memref<520x128xf32, #tpu.memory_space<vmem_shared>>) target_semaphore(%run_scoped3A : memref<!tpu.dma_semaphore, #tpu.memory_space<semaphore_mem>>)
        %dma_wait3A = arith.constant 9480 : i32
        %dma_wait3A_56 = arith.constant 0 : i32
        %dma_wait3A_57 = tpu.memref_slice %arg12[%dma_wait3A, %dma_wait3A_56] : memref<10008x128xf32, #tpu.memory_space<vmem_shared>> -> memref<520x128xf32, #tpu.memory_space<vmem_shared>>
        %dma_wait3A_58 = arith.constant 9480 : i32
        %dma_wait3A_59 = arith.constant 0 : i32
        %dma_wait3A_60 = tpu.memref_slice %arg4[%dma_wait3A_58, %dma_wait3A_59] : memref<10000x128xf32, #tpu.memory_space<hbm>> -> memref<520x128xf32, #tpu.memory_space<hbm>>
        tpu.wait_dma2 semaphore(%run_scoped3A : memref<!tpu.dma_semaphore, #tpu.memory_space<semaphore_mem>>) src(%dma_wait3A_60 : memref<520x128xf32, #tpu.memory_space<hbm>>) dst(%dma_wait3A_57 : memref<520x128xf32, #tpu.memory_space<vmem_shared>>)
        tpu.yield
      }) : () -> ()
    } else {
    }
    %barrier3A = arith.constant 0 : index
    tpu.barrier barrier_id(%barrier3A)
    %scan3A = arith.constant 0 : i32
    %scan3A_9 = arith.constant 5 : i32
    %scan3A_10 = arith.addi %scan3A, %scan3A_9 : i32
    %scan3A_11 = arith.constant 1 : i32
    scf.for %scan3A_51 = %scan3A to %scan3A_10 step %scan3A_11  : i32 {
      %mul3A_52 = arith.constant 1 : i32
      %mul3A_53 = arith.muli %scan3A_51, %mul3A_52 : i32
      %add3A_54 = arith.constant 0 : i32
      %add3A_55 = arith.addi %add3A_54, %mul3A_53 : i32
      %mul3A_56 = arith.constant 8 : i32
      %mul3A_57 = arith.muli %add3A_55, %mul3A_56 : i32
      %add3A_58 = arith.addi %mul3A_2, %mul3A_57 : i32
      "tpu.region"() ({
        %run_scoped3A_66 = tpu.sem_alloc : memref<!tpu.dma_semaphore, #tpu.memory_space<semaphore_mem>>
        %dma_start3A = arith.constant 0 : i32
        %dma_start3A_67 = tpu.memref_slice %arg2[%add3A_58, %dma_start3A] : memref<1280x128xi32, #tpu.memory_space<hbm>> -> memref<8x128xi32, #tpu.memory_space<hbm>>
        %dma_start3A_68 = arith.constant 0 : i32
        %dma_start3A_69 = tpu.memref_slice %arg2[%add3A_58, %dma_start3A_68] : memref<1280x128xi32, #tpu.memory_space<hbm>> -> memref<8x128xi32, #tpu.memory_space<hbm>>
        tpu.enqueue_dma source(%dma_start3A_69 : memref<8x128xi32, #tpu.memory_space<hbm>>) target(%arg10 : memref<8x128xi32, #tpu.memory_space<vmem>>) target_semaphore(%run_scoped3A_66 : memref<!tpu.dma_semaphore, #tpu.memory_space<semaphore_mem>>)
        %dma_wait3A = arith.constant 0 : i32
        %dma_wait3A_70 = tpu.memref_slice %arg2[%add3A_58, %dma_wait3A] : memref<1280x128xi32, #tpu.memory_space<hbm>> -> memref<8x128xi32, #tpu.memory_space<hbm>>
        %dma_wait3A_71 = arith.constant 0 : i32
        %dma_wait3A_72 = tpu.memref_slice %arg2[%add3A_58, %dma_wait3A_71] : memref<1280x128xi32, #tpu.memory_space<hbm>> -> memref<8x128xi32, #tpu.memory_space<hbm>>
        tpu.wait_dma2 semaphore(%run_scoped3A_66 : memref<!tpu.dma_semaphore, #tpu.memory_space<semaphore_mem>>) src(%dma_wait3A_72 : memref<8x128xi32, #tpu.memory_space<hbm>>) dst(%arg10 : memref<8x128xi32, #tpu.memory_space<vmem>>)
        tpu.yield
      }) : () -> ()
      %run_scoped3A = arith.constant 0 : i32
      "tpu.region"() ({
        %run_scoped3A_66 = tpu.sem_alloc : memref<!tpu.dma_semaphore, #tpu.memory_space<semaphore_mem>>
        %dma_start3A = arith.constant 0 : i32
        %dma_start3A_67 = tpu.memref_slice %arg10[%run_scoped3A, %dma_start3A] : memref<8x128xi32, #tpu.memory_space<vmem>> -> memref<1x128xi32, #tpu.memory_space<vmem>>
        %dma_start3A_68 = tpu.memref_squeeze %dma_start3A_67 : memref<1x128xi32, #tpu.memory_space<vmem>> -> memref<128xi32, #tpu.memory_space<vmem>>
        %dma_start3A_69 = arith.constant 0 : i32
        %dma_start3A_70 = arith.constant 0 : i32
        %dma_start3A_71 = tpu.memref_slice %arg12[%dma_start3A_69, %dma_start3A_70] : memref<10008x128xf32, #tpu.memory_space<vmem_shared>> -> memref<10008x128xf32, #tpu.memory_space<vmem_shared>>
        tpu.enqueue_indirect_dma source(%arg11 : memref<128x128xf32, #tpu.memory_space<vmem>>) target(%dma_start3A_71 : memref<10008x128xf32, #tpu.memory_space<vmem_shared>>) offsets(%dma_start3A_68 : memref<128xi32, #tpu.memory_space<vmem>>) semaphore(%run_scoped3A_66 : memref<!tpu.dma_semaphore, #tpu.memory_space<semaphore_mem>>) {add = true}
        %dma_wait3A = arith.constant 0 : i32
        %dma_wait3A_72 = tpu.memref_slice %arg10[%run_scoped3A, %dma_wait3A] : memref<8x128xi32, #tpu.memory_space<vmem>> -> memref<1x128xi32, #tpu.memory_space<vmem>>
        %dma_wait3A_73 = tpu.memref_squeeze %dma_wait3A_72 : memref<1x128xi32, #tpu.memory_space<vmem>> -> memref<128xi32, #tpu.memory_space<vmem>>
        %dma_wait3A_74 = arith.constant 0 : i32
        %dma_wait3A_75 = arith.constant 0 : i32
        %dma_wait3A_76 = tpu.memref_slice %arg12[%dma_wait3A_74, %dma_wait3A_75] : memref<10008x128xf32, #tpu.memory_space<vmem_shared>> -> memref<10008x128xf32, #tpu.memory_space<vmem_shared>>
        tpu.wait_indirect_dma semaphore(%run_scoped3A_66 : memref<!tpu.dma_semaphore, #tpu.memory_space<semaphore_mem>>) src(%arg11 : memref<128x128xf32, #tpu.memory_space<vmem>>) dst(%dma_wait3A_76 : memref<10008x128xf32, #tpu.memory_space<vmem_shared>>)
        tpu.yield
      }) : () -> ()
      %run_scoped3A_59 = arith.constant 1 : i32
      "tpu.region"() ({
        %run_scoped3A_66 = tpu.sem_alloc : memref<!tpu.dma_semaphore, #tpu.memory_space<semaphore_mem>>
        %dma_start3A = arith.constant 0 : i32
        %dma_start3A_67 = tpu.memref_slice %arg10[%run_scoped3A_59, %dma_start3A] : memref<8x128xi32, #tpu.memory_space<vmem>> -> memref<1x128xi32, #tpu.memory_space<vmem>>
        %dma_start3A_68 = tpu.memref_squeeze %dma_start3A_67 : memref<1x128xi32, #tpu.memory_space<vmem>> -> memref<128xi32, #tpu.memory_space<vmem>>
        %dma_start3A_69 = arith.constant 0 : i32
        %dma_start3A_70 = arith.constant 0 : i32
        %dma_start3A_71 = tpu.memref_slice %arg12[%dma_start3A_69, %dma_start3A_70] : memref<10008x128xf32, #tpu.memory_space<vmem_shared>> -> memref<10008x128xf32, #tpu.memory_space<vmem_shared>>
        tpu.enqueue_indirect_dma source(%arg11 : memref<128x128xf32, #tpu.memory_space<vmem>>) target(%dma_start3A_71 : memref<10008x128xf32, #tpu.memory_space<vmem_shared>>) offsets(%dma_start3A_68 : memref<128xi32, #tpu.memory_space<vmem>>) semaphore(%run_scoped3A_66 : memref<!tpu.dma_semaphore, #tpu.memory_space<semaphore_mem>>) {add = true}
        %dma_wait3A = arith.constant 0 : i32
        %dma_wait3A_72 = tpu.memref_slice %arg10[%run_scoped3A_59, %dma_wait3A] : memref<8x128xi32, #tpu.memory_space<vmem>> -> memref<1x128xi32, #tpu.memory_space<vmem>>
        %dma_wait3A_73 = tpu.memref_squeeze %dma_wait3A_72 : memref<1x128xi32, #tpu.memory_space<vmem>> -> memref<128xi32, #tpu.memory_space<vmem>>
        %dma_wait3A_74 = arith.constant 0 : i32
        %dma_wait3A_75 = arith.constant 0 : i32
        %dma_wait3A_76 = tpu.memref_slice %arg12[%dma_wait3A_74, %dma_wait3A_75] : memref<10008x128xf32, #tpu.memory_space<vmem_shared>> -> memref<10008x128xf32, #tpu.memory_space<vmem_shared>>
        tpu.wait_indirect_dma semaphore(%run_scoped3A_66 : memref<!tpu.dma_semaphore, #tpu.memory_space<semaphore_mem>>) src(%arg11 : memref<128x128xf32, #tpu.memory_space<vmem>>) dst(%dma_wait3A_76 : memref<10008x128xf32, #tpu.memory_space<vmem_shared>>)
        tpu.yield
      }) : () -> ()
      %run_scoped3A_60 = arith.constant 2 : i32
      "tpu.region"() ({
        %run_scoped3A_66 = tpu.sem_alloc : memref<!tpu.dma_semaphore, #tpu.memory_space<semaphore_mem>>
        %dma_start3A = arith.constant 0 : i32
        %dma_start3A_67 = tpu.memref_slice %arg10[%run_scoped3A_60, %dma_start3A] : memref<8x128xi32, #tpu.memory_space<vmem>> -> memref<1x128xi32, #tpu.memory_space<vmem>>
        %dma_start3A_68 = tpu.memref_squeeze %dma_start3A_67 : memref<1x128xi32, #tpu.memory_space<vmem>> -> memref<128xi32, #tpu.memory_space<vmem>>
        %dma_start3A_69 = arith.constant 0 : i32
        %dma_start3A_70 = arith.constant 0 : i32
        %dma_start3A_71 = tpu.memref_slice %arg12[%dma_start3A_69, %dma_start3A_70] : memref<10008x128xf32, #tpu.memory_space<vmem_shared>> -> memref<10008x128xf32, #tpu.memory_space<vmem_shared>>
        tpu.enqueue_indirect_dma source(%arg11 : memref<128x128xf32, #tpu.memory_space<vmem>>) target(%dma_start3A_71 : memref<10008x128xf32, #tpu.memory_space<vmem_shared>>) offsets(%dma_start3A_68 : memref<128xi32, #tpu.memory_space<vmem>>) semaphore(%run_scoped3A_66 : memref<!tpu.dma_semaphore, #tpu.memory_space<semaphore_mem>>) {add = true}
        %dma_wait3A = arith.constant 0 : i32
        %dma_wait3A_72 = tpu.memref_slice %arg10[%run_scoped3A_60, %dma_wait3A] : memref<8x128xi32, #tpu.memory_space<vmem>> -> memref<1x128xi32, #tpu.memory_space<vmem>>
        %dma_wait3A_73 = tpu.memref_squeeze %dma_wait3A_72 : memref<1x128xi32, #tpu.memory_space<vmem>> -> memref<128xi32, #tpu.memory_space<vmem>>
        %dma_wait3A_74 = arith.constant 0 : i32
        %dma_wait3A_75 = arith.constant 0 : i32
        %dma_wait3A_76 = tpu.memref_slice %arg12[%dma_wait3A_74, %dma_wait3A_75] : memref<10008x128xf32, #tpu.memory_space<vmem_shared>> -> memref<10008x128xf32, #tpu.memory_space<vmem_shared>>
        tpu.wait_indirect_dma semaphore(%run_scoped3A_66 : memref<!tpu.dma_semaphore, #tpu.memory_space<semaphore_mem>>) src(%arg11 : memref<128x128xf32, #tpu.memory_space<vmem>>) dst(%dma_wait3A_76 : memref<10008x128xf32, #tpu.memory_space<vmem_shared>>)
        tpu.yield
      }) : () -> ()
      %run_scoped3A_61 = arith.constant 3 : i32
      "tpu.region"() ({
        %run_scoped3A_66 = tpu.sem_alloc : memref<!tpu.dma_semaphore, #tpu.memory_space<semaphore_mem>>
        %dma_start3A = arith.constant 0 : i32
        %dma_start3A_67 = tpu.memref_slice %arg10[%run_scoped3A_61, %dma_start3A] : memref<8x128xi32, #tpu.memory_space<vmem>> -> memref<1x128xi32, #tpu.memory_space<vmem>>
        %dma_start3A_68 = tpu.memref_squeeze %dma_start3A_67 : memref<1x128xi32, #tpu.memory_space<vmem>> -> memref<128xi32, #tpu.memory_space<vmem>>
        %dma_start3A_69 = arith.constant 0 : i32
        %dma_start3A_70 = arith.constant 0 : i32
        %dma_start3A_71 = tpu.memref_slice %arg12[%dma_start3A_69, %dma_start3A_70] : memref<10008x128xf32, #tpu.memory_space<vmem_shared>> -> memref<10008x128xf32, #tpu.memory_space<vmem_shared>>
        tpu.enqueue_indirect_dma source(%arg11 : memref<128x128xf32, #tpu.memory_space<vmem>>) target(%dma_start3A_71 : memref<10008x128xf32, #tpu.memory_space<vmem_shared>>) offsets(%dma_start3A_68 : memref<128xi32, #tpu.memory_space<vmem>>) semaphore(%run_scoped3A_66 : memref<!tpu.dma_semaphore, #tpu.memory_space<semaphore_mem>>) {add = true}
        %dma_wait3A = arith.constant 0 : i32
        %dma_wait3A_72 = tpu.memref_slice %arg10[%run_scoped3A_61, %dma_wait3A] : memref<8x128xi32, #tpu.memory_space<vmem>> -> memref<1x128xi32, #tpu.memory_space<vmem>>
        %dma_wait3A_73 = tpu.memref_squeeze %dma_wait3A_72 : memref<1x128xi32, #tpu.memory_space<vmem>> -> memref<128xi32, #tpu.memory_space<vmem>>
        %dma_wait3A_74 = arith.constant 0 : i32
        %dma_wait3A_75 = arith.constant 0 : i32
        %dma_wait3A_76 = tpu.memref_slice %arg12[%dma_wait3A_74, %dma_wait3A_75] : memref<10008x128xf32, #tpu.memory_space<vmem_shared>> -> memref<10008x128xf32, #tpu.memory_space<vmem_shared>>
        tpu.wait_indirect_dma semaphore(%run_scoped3A_66 : memref<!tpu.dma_semaphore, #tpu.memory_space<semaphore_mem>>) src(%arg11 : memref<128x128xf32, #tpu.memory_space<vmem>>) dst(%dma_wait3A_76 : memref<10008x128xf32, #tpu.memory_space<vmem_shared>>)
        tpu.yield
      }) : () -> ()
      %run_scoped3A_62 = arith.constant 4 : i32
      "tpu.region"() ({
        %run_scoped3A_66 = tpu.sem_alloc : memref<!tpu.dma_semaphore, #tpu.memory_space<semaphore_mem>>
        %dma_start3A = arith.constant 0 : i32
        %dma_start3A_67 = tpu.memref_slice %arg10[%run_scoped3A_62, %dma_start3A] : memref<8x128xi32, #tpu.memory_space<vmem>> -> memref<1x128xi32, #tpu.memory_space<vmem>>
        %dma_start3A_68 = tpu.memref_squeeze %dma_start3A_67 : memref<1x128xi32, #tpu.memory_space<vmem>> -> memref<128xi32, #tpu.memory_space<vmem>>
        %dma_start3A_69 = arith.constant 0 : i32
        %dma_start3A_70 = arith.constant 0 : i32
        %dma_start3A_71 = tpu.memref_slice %arg12[%dma_start3A_69, %dma_start3A_70] : memref<10008x128xf32, #tpu.memory_space<vmem_shared>> -> memref<10008x128xf32, #tpu.memory_space<vmem_shared>>
        tpu.enqueue_indirect_dma source(%arg11 : memref<128x128xf32, #tpu.memory_space<vmem>>) target(%dma_start3A_71 : memref<10008x128xf32, #tpu.memory_space<vmem_shared>>) offsets(%dma_start3A_68 : memref<128xi32, #tpu.memory_space<vmem>>) semaphore(%run_scoped3A_66 : memref<!tpu.dma_semaphore, #tpu.memory_space<semaphore_mem>>) {add = true}
        %dma_wait3A = arith.constant 0 : i32
        %dma_wait3A_72 = tpu.memref_slice %arg10[%run_scoped3A_62, %dma_wait3A] : memref<8x128xi32, #tpu.memory_space<vmem>> -> memref<1x128xi32, #tpu.memory_space<vmem>>
        %dma_wait3A_73 = tpu.memref_squeeze %dma_wait3A_72 : memref<1x128xi32, #tpu.memory_space<vmem>> -> memref<128xi32, #tpu.memory_space<vmem>>
        %dma_wait3A_74 = arith.constant 0 : i32
        %dma_wait3A_75 = arith.constant 0 : i32
        %dma_wait3A_76 = tpu.memref_slice %arg12[%dma_wait3A_74, %dma_wait3A_75] : memref<10008x128xf32, #tpu.memory_space<vmem_shared>> -> memref<10008x128xf32, #tpu.memory_space<vmem_shared>>
        tpu.wait_indirect_dma semaphore(%run_scoped3A_66 : memref<!tpu.dma_semaphore, #tpu.memory_space<semaphore_mem>>) src(%arg11 : memref<128x128xf32, #tpu.memory_space<vmem>>) dst(%dma_wait3A_76 : memref<10008x128xf32, #tpu.memory_space<vmem_shared>>)
        tpu.yield
      }) : () -> ()
      %run_scoped3A_63 = arith.constant 5 : i32
      "tpu.region"() ({
        %run_scoped3A_66 = tpu.sem_alloc : memref<!tpu.dma_semaphore, #tpu.memory_space<semaphore_mem>>
        %dma_start3A = arith.constant 0 : i32
        %dma_start3A_67 = tpu.memref_slice %arg10[%run_scoped3A_63, %dma_start3A] : memref<8x128xi32, #tpu.memory_space<vmem>> -> memref<1x128xi32, #tpu.memory_space<vmem>>
        %dma_start3A_68 = tpu.memref_squeeze %dma_start3A_67 : memref<1x128xi32, #tpu.memory_space<vmem>> -> memref<128xi32, #tpu.memory_space<vmem>>
        %dma_start3A_69 = arith.constant 0 : i32
        %dma_start3A_70 = arith.constant 0 : i32
        %dma_start3A_71 = tpu.memref_slice %arg12[%dma_start3A_69, %dma_start3A_70] : memref<10008x128xf32, #tpu.memory_space<vmem_shared>> -> memref<10008x128xf32, #tpu.memory_space<vmem_shared>>
        tpu.enqueue_indirect_dma source(%arg11 : memref<128x128xf32, #tpu.memory_space<vmem>>) target(%dma_start3A_71 : memref<10008x128xf32, #tpu.memory_space<vmem_shared>>) offsets(%dma_start3A_68 : memref<128xi32, #tpu.memory_space<vmem>>) semaphore(%run_scoped3A_66 : memref<!tpu.dma_semaphore, #tpu.memory_space<semaphore_mem>>) {add = true}
        %dma_wait3A = arith.constant 0 : i32
        %dma_wait3A_72 = tpu.memref_slice %arg10[%run_scoped3A_63, %dma_wait3A] : memref<8x128xi32, #tpu.memory_space<vmem>> -> memref<1x128xi32, #tpu.memory_space<vmem>>
        %dma_wait3A_73 = tpu.memref_squeeze %dma_wait3A_72 : memref<1x128xi32, #tpu.memory_space<vmem>> -> memref<128xi32, #tpu.memory_space<vmem>>
        %dma_wait3A_74 = arith.constant 0 : i32
        %dma_wait3A_75 = arith.constant 0 : i32
        %dma_wait3A_76 = tpu.memref_slice %arg12[%dma_wait3A_74, %dma_wait3A_75] : memref<10008x128xf32, #tpu.memory_space<vmem_shared>> -> memref<10008x128xf32, #tpu.memory_space<vmem_shared>>
        tpu.wait_indirect_dma semaphore(%run_scoped3A_66 : memref<!tpu.dma_semaphore, #tpu.memory_space<semaphore_mem>>) src(%arg11 : memref<128x128xf32, #tpu.memory_space<vmem>>) dst(%dma_wait3A_76 : memref<10008x128xf32, #tpu.memory_space<vmem_shared>>)
        tpu.yield
      }) : () -> ()
      %run_scoped3A_64 = arith.constant 6 : i32
      "tpu.region"() ({
        %run_scoped3A_66 = tpu.sem_alloc : memref<!tpu.dma_semaphore, #tpu.memory_space<semaphore_mem>>
        %dma_start3A = arith.constant 0 : i32
        %dma_start3A_67 = tpu.memref_slice %arg10[%run_scoped3A_64, %dma_start3A] : memref<8x128xi32, #tpu.memory_space<vmem>> -> memref<1x128xi32, #tpu.memory_space<vmem>>
        %dma_start3A_68 = tpu.memref_squeeze %dma_start3A_67 : memref<1x128xi32, #tpu.memory_space<vmem>> -> memref<128xi32, #tpu.memory_space<vmem>>
        %dma_start3A_69 = arith.constant 0 : i32
        %dma_start3A_70 = arith.constant 0 : i32
        %dma_start3A_71 = tpu.memref_slice %arg12[%dma_start3A_69, %dma_start3A_70] : memref<10008x128xf32, #tpu.memory_space<vmem_shared>> -> memref<10008x128xf32, #tpu.memory_space<vmem_shared>>
        tpu.enqueue_indirect_dma source(%arg11 : memref<128x128xf32, #tpu.memory_space<vmem>>) target(%dma_start3A_71 : memref<10008x128xf32, #tpu.memory_space<vmem_shared>>) offsets(%dma_start3A_68 : memref<128xi32, #tpu.memory_space<vmem>>) semaphore(%run_scoped3A_66 : memref<!tpu.dma_semaphore, #tpu.memory_space<semaphore_mem>>) {add = true}
        %dma_wait3A = arith.constant 0 : i32
        %dma_wait3A_72 = tpu.memref_slice %arg10[%run_scoped3A_64, %dma_wait3A] : memref<8x128xi32, #tpu.memory_space<vmem>> -> memref<1x128xi32, #tpu.memory_space<vmem>>
        %dma_wait3A_73 = tpu.memref_squeeze %dma_wait3A_72 : memref<1x128xi32, #tpu.memory_space<vmem>> -> memref<128xi32, #tpu.memory_space<vmem>>
        %dma_wait3A_74 = arith.constant 0 : i32
        %dma_wait3A_75 = arith.constant 0 : i32
        %dma_wait3A_76 = tpu.memref_slice %arg12[%dma_wait3A_74, %dma_wait3A_75] : memref<10008x128xf32, #tpu.memory_space<vmem_shared>> -> memref<10008x128xf32, #tpu.memory_space<vmem_shared>>
        tpu.wait_indirect_dma semaphore(%run_scoped3A_66 : memref<!tpu.dma_semaphore, #tpu.memory_space<semaphore_mem>>) src(%arg11 : memref<128x128xf32, #tpu.memory_space<vmem>>) dst(%dma_wait3A_76 : memref<10008x128xf32, #tpu.memory_space<vmem_shared>>)
        tpu.yield
      }) : () -> ()
      %run_scoped3A_65 = arith.constant 7 : i32
      "tpu.region"() ({
        %run_scoped3A_66 = tpu.sem_alloc : memref<!tpu.dma_semaphore, #tpu.memory_space<semaphore_mem>>
        %dma_start3A = arith.constant 0 : i32
        %dma_start3A_67 = tpu.memref_slice %arg10[%run_scoped3A_65, %dma_start3A] : memref<8x128xi32, #tpu.memory_space<vmem>> -> memref<1x128xi32, #tpu.memory_space<vmem>>
        %dma_start3A_68 = tpu.memref_squeeze %dma_start3A_67 : memref<1x128xi32, #tpu.memory_space<vmem>> -> memref<128xi32, #tpu.memory_space<vmem>>
        %dma_start3A_69 = arith.constant 0 : i32
        %dma_start3A_70 = arith.constant 0 : i32
        %dma_start3A_71 = tpu.memref_slice %arg12[%dma_start3A_69, %dma_start3A_70] : memref<10008x128xf32, #tpu.memory_space<vmem_shared>> -> memref<10008x128xf32, #tpu.memory_space<vmem_shared>>
        tpu.enqueue_indirect_dma source(%arg11 : memref<128x128xf32, #tpu.memory_space<vmem>>) target(%dma_start3A_71 : memref<10008x128xf32, #tpu.memory_space<vmem_shared>>) offsets(%dma_start3A_68 : memref<128xi32, #tpu.memory_space<vmem>>) semaphore(%run_scoped3A_66 : memref<!tpu.dma_semaphore, #tpu.memory_space<semaphore_mem>>) {add = true}
        %dma_wait3A = arith.constant 0 : i32
        %dma_wait3A_72 = tpu.memref_slice %arg10[%run_scoped3A_65, %dma_wait3A] : memref<8x128xi32, #tpu.memory_space<vmem>> -> memref<1x128xi32, #tpu.memory_space<vmem>>
        %dma_wait3A_73 = tpu.memref_squeeze %dma_wait3A_72 : memref<1x128xi32, #tpu.memory_space<vmem>> -> memref<128xi32, #tpu.memory_space<vmem>>
        %dma_wait3A_74 = arith.constant 0 : i32
        %dma_wait3A_75 = arith.constant 0 : i32
        %dma_wait3A_76 = tpu.memref_slice %arg12[%dma_wait3A_74, %dma_wait3A_75] : memref<10008x128xf32, #tpu.memory_space<vmem_shared>> -> memref<10008x128xf32, #tpu.memory_space<vmem_shared>>
        tpu.wait_indirect_dma semaphore(%run_scoped3A_66 : memref<!tpu.dma_semaphore, #tpu.memory_space<semaphore_mem>>) src(%arg11 : memref<128x128xf32, #tpu.memory_space<vmem>>) dst(%dma_wait3A_76 : memref<10008x128xf32, #tpu.memory_space<vmem_shared>>)
        tpu.yield
      }) : () -> ()
    }
    %scan3A_12 = arith.constant 5 : i32
    %barrier3A_13 = arith.constant 0 : index
    tpu.barrier barrier_id(%barrier3A_13)
    %eq3A_14 = arith.constant 0 : i32
    %eq3A_15 = arith.cmpi eq, %arg0, %eq3A_14 : i32
    %convert_element_type3A_16 = arith.extui %eq3A_15 : i1 to i32
    %cond3A_17 = arith.constant 0 : i32
    %cond3A_18 = arith.cmpi ne, %convert_element_type3A_16, %cond3A_17 : i32
    scf.if %cond3A_18 {
      %lt3A_51 = arith.constant 15 : i32
      %lt3A_52 = arith.cmpi slt, %arg1, %lt3A_51 : i32
      %convert_element_type3A_53 = arith.extui %lt3A_52 : i1 to i32
      %cond3A_54 = arith.constant 0 : i32
      %cond3A_55 = arith.cmpi ne, %convert_element_type3A_53, %cond3A_54 : i32
      scf.if %cond3A_55 {
        %mul3A_61 = arith.constant 632 : i32
        %mul3A_62 = arith.muli %arg1, %mul3A_61 : i32
        "tpu.region"() ({
          %run_scoped3A = tpu.sem_alloc : memref<!tpu.dma_semaphore, #tpu.memory_space<semaphore_mem>>
          %dma_start3A = arith.constant 0 : i32
          %dma_start3A_63 = tpu.memref_slice %arg6[%mul3A_62, %dma_start3A] : memref<10000x128xf32, #tpu.memory_space<hbm>> -> memref<632x128xf32, #tpu.memory_space<hbm>>
          %dma_start3A_64 = arith.constant 0 : i32
          %dma_start3A_65 = tpu.memref_slice %arg12[%mul3A_62, %dma_start3A_64] : memref<10008x128xf32, #tpu.memory_space<vmem_shared>> -> memref<632x128xf32, #tpu.memory_space<vmem_shared>>
          tpu.enqueue_dma source(%dma_start3A_65 : memref<632x128xf32, #tpu.memory_space<vmem_shared>>) target(%dma_start3A_63 : memref<632x128xf32, #tpu.memory_space<hbm>>) target_semaphore(%run_scoped3A : memref<!tpu.dma_semaphore, #tpu.memory_space<semaphore_mem>>)
          %dma_wait3A = arith.constant 0 : i32
          %dma_wait3A_66 = tpu.memref_slice %arg6[%mul3A_62, %dma_wait3A] : memref<10000x128xf32, #tpu.memory_space<hbm>> -> memref<632x128xf32, #tpu.memory_space<hbm>>
          %dma_wait3A_67 = arith.constant 0 : i32
          %dma_wait3A_68 = tpu.memref_slice %arg12[%mul3A_62, %dma_wait3A_67] : memref<10008x128xf32, #tpu.memory_space<vmem_shared>> -> memref<632x128xf32, #tpu.memory_space<vmem_shared>>
          tpu.wait_dma2 semaphore(%run_scoped3A : memref<!tpu.dma_semaphore, #tpu.memory_space<semaphore_mem>>) src(%dma_wait3A_68 : memref<632x128xf32, #tpu.memory_space<vmem_shared>>) dst(%dma_wait3A_66 : memref<632x128xf32, #tpu.memory_space<hbm>>)
          tpu.yield
        }) : () -> ()
      } else {
      }
      %eq3A_56 = arith.constant 15 : i32
      %eq3A_57 = arith.cmpi eq, %arg1, %eq3A_56 : i32
      %convert_element_type3A_58 = arith.extui %eq3A_57 : i1 to i32
      %cond3A_59 = arith.constant 0 : i32
      %cond3A_60 = arith.cmpi ne, %convert_element_type3A_58, %cond3A_59 : i32
      scf.if %cond3A_60 {
        "tpu.region"() ({
          %run_scoped3A = tpu.sem_alloc : memref<!tpu.dma_semaphore, #tpu.memory_space<semaphore_mem>>
          %dma_start3A = arith.constant 9480 : i32
          %dma_start3A_61 = arith.constant 0 : i32
          %dma_start3A_62 = tpu.memref_slice %arg6[%dma_start3A, %dma_start3A_61] : memref<10000x128xf32, #tpu.memory_space<hbm>> -> memref<520x128xf32, #tpu.memory_space<hbm>>
          %dma_start3A_63 = arith.constant 9480 : i32
          %dma_start3A_64 = arith.constant 0 : i32
          %dma_start3A_65 = tpu.memref_slice %arg12[%dma_start3A_63, %dma_start3A_64] : memref<10008x128xf32, #tpu.memory_space<vmem_shared>> -> memref<520x128xf32, #tpu.memory_space<vmem_shared>>
          tpu.enqueue_dma source(%dma_start3A_65 : memref<520x128xf32, #tpu.memory_space<vmem_shared>>) target(%dma_start3A_62 : memref<520x128xf32, #tpu.memory_space<hbm>>) target_semaphore(%run_scoped3A : memref<!tpu.dma_semaphore, #tpu.memory_space<semaphore_mem>>)
          %dma_wait3A = arith.constant 9480 : i32
          %dma_wait3A_66 = arith.constant 0 : i32
          %dma_wait3A_67 = tpu.memref_slice %arg6[%dma_wait3A, %dma_wait3A_66] : memref<10000x128xf32, #tpu.memory_space<hbm>> -> memref<520x128xf32, #tpu.memory_space<hbm>>
          %dma_wait3A_68 = arith.constant 9480 : i32
          %dma_wait3A_69 = arith.constant 0 : i32
          %dma_wait3A_70 = tpu.memref_slice %arg12[%dma_wait3A_68, %dma_wait3A_69] : memref<10008x128xf32, #tpu.memory_space<vmem_shared>> -> memref<520x128xf32, #tpu.memory_space<vmem_shared>>
          tpu.wait_dma2 semaphore(%run_scoped3A : memref<!tpu.dma_semaphore, #tpu.memory_space<semaphore_mem>>) src(%dma_wait3A_70 : memref<520x128xf32, #tpu.memory_space<vmem_shared>>) dst(%dma_wait3A_67 : memref<520x128xf32, #tpu.memory_space<hbm>>)
          tpu.yield
        }) : () -> ()
      } else {
      }
    } else {
    }
    %eq3A_19 = arith.constant 1 : i32
    %eq3A_20 = arith.cmpi eq, %arg0, %eq3A_19 : i32
    %convert_element_type3A_21 = arith.extui %eq3A_20 : i1 to i32
    %cond3A_22 = arith.constant 0 : i32
    %cond3A_23 = arith.cmpi ne, %convert_element_type3A_21, %cond3A_22 : i32
    scf.if %cond3A_23 {
      %lt3A_51 = arith.constant 15 : i32
      %lt3A_52 = arith.cmpi slt, %arg1, %lt3A_51 : i32
      %convert_element_type3A_53 = arith.extui %lt3A_52 : i1 to i32
      %cond3A_54 = arith.constant 0 : i32
      %cond3A_55 = arith.cmpi ne, %convert_element_type3A_53, %cond3A_54 : i32
      scf.if %cond3A_55 {
        %mul3A_61 = arith.constant 632 : i32
        %mul3A_62 = arith.muli %arg1, %mul3A_61 : i32
        "tpu.region"() ({
          %run_scoped3A = tpu.sem_alloc : memref<!tpu.dma_semaphore, #tpu.memory_space<semaphore_mem>>
          %dma_start3A = arith.constant 0 : i32
          %dma_start3A_63 = tpu.memref_slice %arg7[%mul3A_62, %dma_start3A] : memref<10000x128xf32, #tpu.memory_space<hbm>> -> memref<632x128xf32, #tpu.memory_space<hbm>>
          %dma_start3A_64 = arith.constant 0 : i32
          %dma_start3A_65 = tpu.memref_slice %arg12[%mul3A_62, %dma_start3A_64] : memref<10008x128xf32, #tpu.memory_space<vmem_shared>> -> memref<632x128xf32, #tpu.memory_space<vmem_shared>>
          tpu.enqueue_dma source(%dma_start3A_65 : memref<632x128xf32, #tpu.memory_space<vmem_shared>>) target(%dma_start3A_63 : memref<632x128xf32, #tpu.memory_space<hbm>>) target_semaphore(%run_scoped3A : memref<!tpu.dma_semaphore, #tpu.memory_space<semaphore_mem>>)
          %dma_wait3A = arith.constant 0 : i32
          %dma_wait3A_66 = tpu.memref_slice %arg7[%mul3A_62, %dma_wait3A] : memref<10000x128xf32, #tpu.memory_space<hbm>> -> memref<632x128xf32, #tpu.memory_space<hbm>>
          %dma_wait3A_67 = arith.constant 0 : i32
          %dma_wait3A_68 = tpu.memref_slice %arg12[%mul3A_62, %dma_wait3A_67] : memref<10008x128xf32, #tpu.memory_space<vmem_shared>> -> memref<632x128xf32, #tpu.memory_space<vmem_shared>>
          tpu.wait_dma2 semaphore(%run_scoped3A : memref<!tpu.dma_semaphore, #tpu.memory_space<semaphore_mem>>) src(%dma_wait3A_68 : memref<632x128xf32, #tpu.memory_space<vmem_shared>>) dst(%dma_wait3A_66 : memref<632x128xf32, #tpu.memory_space<hbm>>)
          tpu.yield
        }) : () -> ()
      } else {
      }
      %eq3A_56 = arith.constant 15 : i32
      %eq3A_57 = arith.cmpi eq, %arg1, %eq3A_56 : i32
      %convert_element_type3A_58 = arith.extui %eq3A_57 : i1 to i32
      %cond3A_59 = arith.constant 0 : i32
      %cond3A_60 = arith.cmpi ne, %convert_element_type3A_58, %cond3A_59 : i32
      scf.if %cond3A_60 {
        "tpu.region"() ({
          %run_scoped3A = tpu.sem_alloc : memref<!tpu.dma_semaphore, #tpu.memory_space<semaphore_mem>>
          %dma_start3A = arith.constant 9480 : i32
          %dma_start3A_61 = arith.constant 0 : i32
          %dma_start3A_62 = tpu.memref_slice %arg7[%dma_start3A, %dma_start3A_61] : memref<10000x128xf32, #tpu.memory_space<hbm>> -> memref<520x128xf32, #tpu.memory_space<hbm>>
          %dma_start3A_63 = arith.constant 9480 : i32
          %dma_start3A_64 = arith.constant 0 : i32
          %dma_start3A_65 = tpu.memref_slice %arg12[%dma_start3A_63, %dma_start3A_64] : memref<10008x128xf32, #tpu.memory_space<vmem_shared>> -> memref<520x128xf32, #tpu.memory_space<vmem_shared>>
          tpu.enqueue_dma source(%dma_start3A_65 : memref<520x128xf32, #tpu.memory_space<vmem_shared>>) target(%dma_start3A_62 : memref<520x128xf32, #tpu.memory_space<hbm>>) target_semaphore(%run_scoped3A : memref<!tpu.dma_semaphore, #tpu.memory_space<semaphore_mem>>)
          %dma_wait3A = arith.constant 9480 : i32
          %dma_wait3A_66 = arith.constant 0 : i32
          %dma_wait3A_67 = tpu.memref_slice %arg7[%dma_wait3A, %dma_wait3A_66] : memref<10000x128xf32, #tpu.memory_space<hbm>> -> memref<520x128xf32, #tpu.memory_space<hbm>>
          %dma_wait3A_68 = arith.constant 9480 : i32
          %dma_wait3A_69 = arith.constant 0 : i32
          %dma_wait3A_70 = tpu.memref_slice %arg12[%dma_wait3A_68, %dma_wait3A_69] : memref<10008x128xf32, #tpu.memory_space<vmem_shared>> -> memref<520x128xf32, #tpu.memory_space<vmem_shared>>
          tpu.wait_dma2 semaphore(%run_scoped3A : memref<!tpu.dma_semaphore, #tpu.memory_space<semaphore_mem>>) src(%dma_wait3A_70 : memref<520x128xf32, #tpu.memory_space<vmem_shared>>) dst(%dma_wait3A_67 : memref<520x128xf32, #tpu.memory_space<hbm>>)
          tpu.yield
        }) : () -> ()
      } else {
      }
    } else {
    }
    %lt3A_24 = arith.constant 15 : i32
    %lt3A_25 = arith.cmpi slt, %arg1, %lt3A_24 : i32
    %convert_element_type3A_26 = arith.extui %lt3A_25 : i1 to i32
    %cond3A_27 = arith.constant 0 : i32
    %cond3A_28 = arith.cmpi ne, %convert_element_type3A_26, %cond3A_27 : i32
    scf.if %cond3A_28 {
      %mul3A_51 = arith.constant 632 : i32
      %mul3A_52 = arith.muli %arg1, %mul3A_51 : i32
      "tpu.region"() ({
        %run_scoped3A = tpu.sem_alloc : memref<!tpu.dma_semaphore, #tpu.memory_space<semaphore_mem>>
        %dma_start3A = arith.constant 0 : i32
        %dma_start3A_53 = tpu.memref_slice %arg12[%mul3A_52, %dma_start3A] : memref<10008x128xf32, #tpu.memory_space<vmem_shared>> -> memref<632x128xf32, #tpu.memory_space<vmem_shared>>
        %dma_start3A_54 = arith.constant 0 : i32
        %dma_start3A_55 = tpu.memref_slice %arg4[%mul3A_52, %dma_start3A_54] : memref<10000x128xf32, #tpu.memory_space<hbm>> -> memref<632x128xf32, #tpu.memory_space<hbm>>
        tpu.enqueue_dma source(%dma_start3A_55 : memref<632x128xf32, #tpu.memory_space<hbm>>) target(%dma_start3A_53 : memref<632x128xf32, #tpu.memory_space<vmem_shared>>) target_semaphore(%run_scoped3A : memref<!tpu.dma_semaphore, #tpu.memory_space<semaphore_mem>>)
        %dma_wait3A = arith.constant 0 : i32
        %dma_wait3A_56 = tpu.memref_slice %arg12[%mul3A_52, %dma_wait3A] : memref<10008x128xf32, #tpu.memory_space<vmem_shared>> -> memref<632x128xf32, #tpu.memory_space<vmem_shared>>
        %dma_wait3A_57 = arith.constant 0 : i32
        %dma_wait3A_58 = tpu.memref_slice %arg4[%mul3A_52, %dma_wait3A_57] : memref<10000x128xf32, #tpu.memory_space<hbm>> -> memref<632x128xf32, #tpu.memory_space<hbm>>
        tpu.wait_dma2 semaphore(%run_scoped3A : memref<!tpu.dma_semaphore, #tpu.memory_space<semaphore_mem>>) src(%dma_wait3A_58 : memref<632x128xf32, #tpu.memory_space<hbm>>) dst(%dma_wait3A_56 : memref<632x128xf32, #tpu.memory_space<vmem_shared>>)
        tpu.yield
      }) : () -> ()
    } else {
    }
    %eq3A_29 = arith.constant 15 : i32
    %eq3A_30 = arith.cmpi eq, %arg1, %eq3A_29 : i32
    %convert_element_type3A_31 = arith.extui %eq3A_30 : i1 to i32
    %cond3A_32 = arith.constant 0 : i32
    %cond3A_33 = arith.cmpi ne, %convert_element_type3A_31, %cond3A_32 : i32
    scf.if %cond3A_33 {
      "tpu.region"() ({
        %run_scoped3A = tpu.sem_alloc : memref<!tpu.dma_semaphore, #tpu.memory_space<semaphore_mem>>
        %dma_start3A = arith.constant 9480 : i32
        %dma_start3A_51 = arith.constant 0 : i32
        %dma_start3A_52 = tpu.memref_slice %arg12[%dma_start3A, %dma_start3A_51] : memref<10008x128xf32, #tpu.memory_space<vmem_shared>> -> memref<520x128xf32, #tpu.memory_space<vmem_shared>>
        %dma_start3A_53 = arith.constant 9480 : i32
        %dma_start3A_54 = arith.constant 0 : i32
        %dma_start3A_55 = tpu.memref_slice %arg4[%dma_start3A_53, %dma_start3A_54] : memref<10000x128xf32, #tpu.memory_space<hbm>> -> memref<520x128xf32, #tpu.memory_space<hbm>>
        tpu.enqueue_dma source(%dma_start3A_55 : memref<520x128xf32, #tpu.memory_space<hbm>>) target(%dma_start3A_52 : memref<520x128xf32, #tpu.memory_space<vmem_shared>>) target_semaphore(%run_scoped3A : memref<!tpu.dma_semaphore, #tpu.memory_space<semaphore_mem>>)
        %dma_wait3A = arith.constant 9480 : i32
        %dma_wait3A_56 = arith.constant 0 : i32
        %dma_wait3A_57 = tpu.memref_slice %arg12[%dma_wait3A, %dma_wait3A_56] : memref<10008x128xf32, #tpu.memory_space<vmem_shared>> -> memref<520x128xf32, #tpu.memory_space<vmem_shared>>
        %dma_wait3A_58 = arith.constant 9480 : i32
        %dma_wait3A_59 = arith.constant 0 : i32
        %dma_wait3A_60 = tpu.memref_slice %arg4[%dma_wait3A_58, %dma_wait3A_59] : memref<10000x128xf32, #tpu.memory_space<hbm>> -> memref<520x128xf32, #tpu.memory_space<hbm>>
        tpu.wait_dma2 semaphore(%run_scoped3A : memref<!tpu.dma_semaphore, #tpu.memory_space<semaphore_mem>>) src(%dma_wait3A_60 : memref<520x128xf32, #tpu.memory_space<hbm>>) dst(%dma_wait3A_57 : memref<520x128xf32, #tpu.memory_space<vmem_shared>>)
        tpu.yield
      }) : () -> ()
    } else {
    }
    %barrier3A_34 = arith.constant 0 : index
    tpu.barrier barrier_id(%barrier3A_34)
    %scan3A_35 = arith.constant 0 : i32
    %scan3A_36 = arith.constant 5 : i32
    %scan3A_37 = arith.addi %scan3A_35, %scan3A_36 : i32
    %scan3A_38 = arith.constant 1 : i32
    scf.for %scan3A_51 = %scan3A_35 to %scan3A_37 step %scan3A_38  : i32 {
      %mul3A_52 = arith.constant 1 : i32
      %mul3A_53 = arith.muli %scan3A_51, %mul3A_52 : i32
      %add3A_54 = arith.constant 0 : i32
      %add3A_55 = arith.addi %add3A_54, %mul3A_53 : i32
      %mul3A_56 = arith.constant 8 : i32
      %mul3A_57 = arith.muli %add3A_55, %mul3A_56 : i32
      %add3A_58 = arith.addi %mul3A_2, %mul3A_57 : i32
      "tpu.region"() ({
        %run_scoped3A_66 = tpu.sem_alloc : memref<!tpu.dma_semaphore, #tpu.memory_space<semaphore_mem>>
        %dma_start3A = arith.constant 0 : i32
        %dma_start3A_67 = tpu.memref_slice %arg3[%add3A_58, %dma_start3A] : memref<1280x128xi32, #tpu.memory_space<hbm>> -> memref<8x128xi32, #tpu.memory_space<hbm>>
        %dma_start3A_68 = arith.constant 0 : i32
        %dma_start3A_69 = tpu.memref_slice %arg3[%add3A_58, %dma_start3A_68] : memref<1280x128xi32, #tpu.memory_space<hbm>> -> memref<8x128xi32, #tpu.memory_space<hbm>>
        tpu.enqueue_dma source(%dma_start3A_69 : memref<8x128xi32, #tpu.memory_space<hbm>>) target(%arg10 : memref<8x128xi32, #tpu.memory_space<vmem>>) target_semaphore(%run_scoped3A_66 : memref<!tpu.dma_semaphore, #tpu.memory_space<semaphore_mem>>)
        %dma_wait3A = arith.constant 0 : i32
        %dma_wait3A_70 = tpu.memref_slice %arg3[%add3A_58, %dma_wait3A] : memref<1280x128xi32, #tpu.memory_space<hbm>> -> memref<8x128xi32, #tpu.memory_space<hbm>>
        %dma_wait3A_71 = arith.constant 0 : i32
        %dma_wait3A_72 = tpu.memref_slice %arg3[%add3A_58, %dma_wait3A_71] : memref<1280x128xi32, #tpu.memory_space<hbm>> -> memref<8x128xi32, #tpu.memory_space<hbm>>
        tpu.wait_dma2 semaphore(%run_scoped3A_66 : memref<!tpu.dma_semaphore, #tpu.memory_space<semaphore_mem>>) src(%dma_wait3A_72 : memref<8x128xi32, #tpu.memory_space<hbm>>) dst(%arg10 : memref<8x128xi32, #tpu.memory_space<vmem>>)
        tpu.yield
      }) : () -> ()
      %run_scoped3A = arith.constant 0 : i32
      "tpu.region"() ({
        %run_scoped3A_66 = tpu.sem_alloc : memref<!tpu.dma_semaphore, #tpu.memory_space<semaphore_mem>>
        %dma_start3A = arith.constant 0 : i32
        %dma_start3A_67 = tpu.memref_slice %arg10[%run_scoped3A, %dma_start3A] : memref<8x128xi32, #tpu.memory_space<vmem>> -> memref<1x128xi32, #tpu.memory_space<vmem>>
        %dma_start3A_68 = tpu.memref_squeeze %dma_start3A_67 : memref<1x128xi32, #tpu.memory_space<vmem>> -> memref<128xi32, #tpu.memory_space<vmem>>
        %dma_start3A_69 = arith.constant 0 : i32
        %dma_start3A_70 = arith.constant 0 : i32
        %dma_start3A_71 = tpu.memref_slice %arg12[%dma_start3A_69, %dma_start3A_70] : memref<10008x128xf32, #tpu.memory_space<vmem_shared>> -> memref<10008x128xf32, #tpu.memory_space<vmem_shared>>
        tpu.enqueue_indirect_dma source(%arg11 : memref<128x128xf32, #tpu.memory_space<vmem>>) target(%dma_start3A_71 : memref<10008x128xf32, #tpu.memory_space<vmem_shared>>) offsets(%dma_start3A_68 : memref<128xi32, #tpu.memory_space<vmem>>) semaphore(%run_scoped3A_66 : memref<!tpu.dma_semaphore, #tpu.memory_space<semaphore_mem>>) {add = true}
        %dma_wait3A = arith.constant 0 : i32
        %dma_wait3A_72 = tpu.memref_slice %arg10[%run_scoped3A, %dma_wait3A] : memref<8x128xi32, #tpu.memory_space<vmem>> -> memref<1x128xi32, #tpu.memory_space<vmem>>
        %dma_wait3A_73 = tpu.memref_squeeze %dma_wait3A_72 : memref<1x128xi32, #tpu.memory_space<vmem>> -> memref<128xi32, #tpu.memory_space<vmem>>
        %dma_wait3A_74 = arith.constant 0 : i32
        %dma_wait3A_75 = arith.constant 0 : i32
        %dma_wait3A_76 = tpu.memref_slice %arg12[%dma_wait3A_74, %dma_wait3A_75] : memref<10008x128xf32, #tpu.memory_space<vmem_shared>> -> memref<10008x128xf32, #tpu.memory_space<vmem_shared>>
        tpu.wait_indirect_dma semaphore(%run_scoped3A_66 : memref<!tpu.dma_semaphore, #tpu.memory_space<semaphore_mem>>) src(%arg11 : memref<128x128xf32, #tpu.memory_space<vmem>>) dst(%dma_wait3A_76 : memref<10008x128xf32, #tpu.memory_space<vmem_shared>>)
        tpu.yield
      }) : () -> ()
      %run_scoped3A_59 = arith.constant 1 : i32
      "tpu.region"() ({
        %run_scoped3A_66 = tpu.sem_alloc : memref<!tpu.dma_semaphore, #tpu.memory_space<semaphore_mem>>
        %dma_start3A = arith.constant 0 : i32
        %dma_start3A_67 = tpu.memref_slice %arg10[%run_scoped3A_59, %dma_start3A] : memref<8x128xi32, #tpu.memory_space<vmem>> -> memref<1x128xi32, #tpu.memory_space<vmem>>
        %dma_start3A_68 = tpu.memref_squeeze %dma_start3A_67 : memref<1x128xi32, #tpu.memory_space<vmem>> -> memref<128xi32, #tpu.memory_space<vmem>>
        %dma_start3A_69 = arith.constant 0 : i32
        %dma_start3A_70 = arith.constant 0 : i32
        %dma_start3A_71 = tpu.memref_slice %arg12[%dma_start3A_69, %dma_start3A_70] : memref<10008x128xf32, #tpu.memory_space<vmem_shared>> -> memref<10008x128xf32, #tpu.memory_space<vmem_shared>>
        tpu.enqueue_indirect_dma source(%arg11 : memref<128x128xf32, #tpu.memory_space<vmem>>) target(%dma_start3A_71 : memref<10008x128xf32, #tpu.memory_space<vmem_shared>>) offsets(%dma_start3A_68 : memref<128xi32, #tpu.memory_space<vmem>>) semaphore(%run_scoped3A_66 : memref<!tpu.dma_semaphore, #tpu.memory_space<semaphore_mem>>) {add = true}
        %dma_wait3A = arith.constant 0 : i32
        %dma_wait3A_72 = tpu.memref_slice %arg10[%run_scoped3A_59, %dma_wait3A] : memref<8x128xi32, #tpu.memory_space<vmem>> -> memref<1x128xi32, #tpu.memory_space<vmem>>
        %dma_wait3A_73 = tpu.memref_squeeze %dma_wait3A_72 : memref<1x128xi32, #tpu.memory_space<vmem>> -> memref<128xi32, #tpu.memory_space<vmem>>
        %dma_wait3A_74 = arith.constant 0 : i32
        %dma_wait3A_75 = arith.constant 0 : i32
        %dma_wait3A_76 = tpu.memref_slice %arg12[%dma_wait3A_74, %dma_wait3A_75] : memref<10008x128xf32, #tpu.memory_space<vmem_shared>> -> memref<10008x128xf32, #tpu.memory_space<vmem_shared>>
        tpu.wait_indirect_dma semaphore(%run_scoped3A_66 : memref<!tpu.dma_semaphore, #tpu.memory_space<semaphore_mem>>) src(%arg11 : memref<128x128xf32, #tpu.memory_space<vmem>>) dst(%dma_wait3A_76 : memref<10008x128xf32, #tpu.memory_space<vmem_shared>>)
        tpu.yield
      }) : () -> ()
      %run_scoped3A_60 = arith.constant 2 : i32
      "tpu.region"() ({
        %run_scoped3A_66 = tpu.sem_alloc : memref<!tpu.dma_semaphore, #tpu.memory_space<semaphore_mem>>
        %dma_start3A = arith.constant 0 : i32
        %dma_start3A_67 = tpu.memref_slice %arg10[%run_scoped3A_60, %dma_start3A] : memref<8x128xi32, #tpu.memory_space<vmem>> -> memref<1x128xi32, #tpu.memory_space<vmem>>
        %dma_start3A_68 = tpu.memref_squeeze %dma_start3A_67 : memref<1x128xi32, #tpu.memory_space<vmem>> -> memref<128xi32, #tpu.memory_space<vmem>>
        %dma_start3A_69 = arith.constant 0 : i32
        %dma_start3A_70 = arith.constant 0 : i32
        %dma_start3A_71 = tpu.memref_slice %arg12[%dma_start3A_69, %dma_start3A_70] : memref<10008x128xf32, #tpu.memory_space<vmem_shared>> -> memref<10008x128xf32, #tpu.memory_space<vmem_shared>>
        tpu.enqueue_indirect_dma source(%arg11 : memref<128x128xf32, #tpu.memory_space<vmem>>) target(%dma_start3A_71 : memref<10008x128xf32, #tpu.memory_space<vmem_shared>>) offsets(%dma_start3A_68 : memref<128xi32, #tpu.memory_space<vmem>>) semaphore(%run_scoped3A_66 : memref<!tpu.dma_semaphore, #tpu.memory_space<semaphore_mem>>) {add = true}
        %dma_wait3A = arith.constant 0 : i32
        %dma_wait3A_72 = tpu.memref_slice %arg10[%run_scoped3A_60, %dma_wait3A] : memref<8x128xi32, #tpu.memory_space<vmem>> -> memref<1x128xi32, #tpu.memory_space<vmem>>
        %dma_wait3A_73 = tpu.memref_squeeze %dma_wait3A_72 : memref<1x128xi32, #tpu.memory_space<vmem>> -> memref<128xi32, #tpu.memory_space<vmem>>
        %dma_wait3A_74 = arith.constant 0 : i32
        %dma_wait3A_75 = arith.constant 0 : i32
        %dma_wait3A_76 = tpu.memref_slice %arg12[%dma_wait3A_74, %dma_wait3A_75] : memref<10008x128xf32, #tpu.memory_space<vmem_shared>> -> memref<10008x128xf32, #tpu.memory_space<vmem_shared>>
        tpu.wait_indirect_dma semaphore(%run_scoped3A_66 : memref<!tpu.dma_semaphore, #tpu.memory_space<semaphore_mem>>) src(%arg11 : memref<128x128xf32, #tpu.memory_space<vmem>>) dst(%dma_wait3A_76 : memref<10008x128xf32, #tpu.memory_space<vmem_shared>>)
        tpu.yield
      }) : () -> ()
      %run_scoped3A_61 = arith.constant 3 : i32
      "tpu.region"() ({
        %run_scoped3A_66 = tpu.sem_alloc : memref<!tpu.dma_semaphore, #tpu.memory_space<semaphore_mem>>
        %dma_start3A = arith.constant 0 : i32
        %dma_start3A_67 = tpu.memref_slice %arg10[%run_scoped3A_61, %dma_start3A] : memref<8x128xi32, #tpu.memory_space<vmem>> -> memref<1x128xi32, #tpu.memory_space<vmem>>
        %dma_start3A_68 = tpu.memref_squeeze %dma_start3A_67 : memref<1x128xi32, #tpu.memory_space<vmem>> -> memref<128xi32, #tpu.memory_space<vmem>>
        %dma_start3A_69 = arith.constant 0 : i32
        %dma_start3A_70 = arith.constant 0 : i32
        %dma_start3A_71 = tpu.memref_slice %arg12[%dma_start3A_69, %dma_start3A_70] : memref<10008x128xf32, #tpu.memory_space<vmem_shared>> -> memref<10008x128xf32, #tpu.memory_space<vmem_shared>>
        tpu.enqueue_indirect_dma source(%arg11 : memref<128x128xf32, #tpu.memory_space<vmem>>) target(%dma_start3A_71 : memref<10008x128xf32, #tpu.memory_space<vmem_shared>>) offsets(%dma_start3A_68 : memref<128xi32, #tpu.memory_space<vmem>>) semaphore(%run_scoped3A_66 : memref<!tpu.dma_semaphore, #tpu.memory_space<semaphore_mem>>) {add = true}
        %dma_wait3A = arith.constant 0 : i32
        %dma_wait3A_72 = tpu.memref_slice %arg10[%run_scoped3A_61, %dma_wait3A] : memref<8x128xi32, #tpu.memory_space<vmem>> -> memref<1x128xi32, #tpu.memory_space<vmem>>
        %dma_wait3A_73 = tpu.memref_squeeze %dma_wait3A_72 : memref<1x128xi32, #tpu.memory_space<vmem>> -> memref<128xi32, #tpu.memory_space<vmem>>
        %dma_wait3A_74 = arith.constant 0 : i32
        %dma_wait3A_75 = arith.constant 0 : i32
        %dma_wait3A_76 = tpu.memref_slice %arg12[%dma_wait3A_74, %dma_wait3A_75] : memref<10008x128xf32, #tpu.memory_space<vmem_shared>> -> memref<10008x128xf32, #tpu.memory_space<vmem_shared>>
        tpu.wait_indirect_dma semaphore(%run_scoped3A_66 : memref<!tpu.dma_semaphore, #tpu.memory_space<semaphore_mem>>) src(%arg11 : memref<128x128xf32, #tpu.memory_space<vmem>>) dst(%dma_wait3A_76 : memref<10008x128xf32, #tpu.memory_space<vmem_shared>>)
        tpu.yield
      }) : () -> ()
      %run_scoped3A_62 = arith.constant 4 : i32
      "tpu.region"() ({
        %run_scoped3A_66 = tpu.sem_alloc : memref<!tpu.dma_semaphore, #tpu.memory_space<semaphore_mem>>
        %dma_start3A = arith.constant 0 : i32
        %dma_start3A_67 = tpu.memref_slice %arg10[%run_scoped3A_62, %dma_start3A] : memref<8x128xi32, #tpu.memory_space<vmem>> -> memref<1x128xi32, #tpu.memory_space<vmem>>
        %dma_start3A_68 = tpu.memref_squeeze %dma_start3A_67 : memref<1x128xi32, #tpu.memory_space<vmem>> -> memref<128xi32, #tpu.memory_space<vmem>>
        %dma_start3A_69 = arith.constant 0 : i32
        %dma_start3A_70 = arith.constant 0 : i32
        %dma_start3A_71 = tpu.memref_slice %arg12[%dma_start3A_69, %dma_start3A_70] : memref<10008x128xf32, #tpu.memory_space<vmem_shared>> -> memref<10008x128xf32, #tpu.memory_space<vmem_shared>>
        tpu.enqueue_indirect_dma source(%arg11 : memref<128x128xf32, #tpu.memory_space<vmem>>) target(%dma_start3A_71 : memref<10008x128xf32, #tpu.memory_space<vmem_shared>>) offsets(%dma_start3A_68 : memref<128xi32, #tpu.memory_space<vmem>>) semaphore(%run_scoped3A_66 : memref<!tpu.dma_semaphore, #tpu.memory_space<semaphore_mem>>) {add = true}
        %dma_wait3A = arith.constant 0 : i32
        %dma_wait3A_72 = tpu.memref_slice %arg10[%run_scoped3A_62, %dma_wait3A] : memref<8x128xi32, #tpu.memory_space<vmem>> -> memref<1x128xi32, #tpu.memory_space<vmem>>
        %dma_wait3A_73 = tpu.memref_squeeze %dma_wait3A_72 : memref<1x128xi32, #tpu.memory_space<vmem>> -> memref<128xi32, #tpu.memory_space<vmem>>
        %dma_wait3A_74 = arith.constant 0 : i32
        %dma_wait3A_75 = arith.constant 0 : i32
        %dma_wait3A_76 = tpu.memref_slice %arg12[%dma_wait3A_74, %dma_wait3A_75] : memref<10008x128xf32, #tpu.memory_space<vmem_shared>> -> memref<10008x128xf32, #tpu.memory_space<vmem_shared>>
        tpu.wait_indirect_dma semaphore(%run_scoped3A_66 : memref<!tpu.dma_semaphore, #tpu.memory_space<semaphore_mem>>) src(%arg11 : memref<128x128xf32, #tpu.memory_space<vmem>>) dst(%dma_wait3A_76 : memref<10008x128xf32, #tpu.memory_space<vmem_shared>>)
        tpu.yield
      }) : () -> ()
      %run_scoped3A_63 = arith.constant 5 : i32
      "tpu.region"() ({
        %run_scoped3A_66 = tpu.sem_alloc : memref<!tpu.dma_semaphore, #tpu.memory_space<semaphore_mem>>
        %dma_start3A = arith.constant 0 : i32
        %dma_start3A_67 = tpu.memref_slice %arg10[%run_scoped3A_63, %dma_start3A] : memref<8x128xi32, #tpu.memory_space<vmem>> -> memref<1x128xi32, #tpu.memory_space<vmem>>
        %dma_start3A_68 = tpu.memref_squeeze %dma_start3A_67 : memref<1x128xi32, #tpu.memory_space<vmem>> -> memref<128xi32, #tpu.memory_space<vmem>>
        %dma_start3A_69 = arith.constant 0 : i32
        %dma_start3A_70 = arith.constant 0 : i32
        %dma_start3A_71 = tpu.memref_slice %arg12[%dma_start3A_69, %dma_start3A_70] : memref<10008x128xf32, #tpu.memory_space<vmem_shared>> -> memref<10008x128xf32, #tpu.memory_space<vmem_shared>>
        tpu.enqueue_indirect_dma source(%arg11 : memref<128x128xf32, #tpu.memory_space<vmem>>) target(%dma_start3A_71 : memref<10008x128xf32, #tpu.memory_space<vmem_shared>>) offsets(%dma_start3A_68 : memref<128xi32, #tpu.memory_space<vmem>>) semaphore(%run_scoped3A_66 : memref<!tpu.dma_semaphore, #tpu.memory_space<semaphore_mem>>) {add = true}
        %dma_wait3A = arith.constant 0 : i32
        %dma_wait3A_72 = tpu.memref_slice %arg10[%run_scoped3A_63, %dma_wait3A] : memref<8x128xi32, #tpu.memory_space<vmem>> -> memref<1x128xi32, #tpu.memory_space<vmem>>
        %dma_wait3A_73 = tpu.memref_squeeze %dma_wait3A_72 : memref<1x128xi32, #tpu.memory_space<vmem>> -> memref<128xi32, #tpu.memory_space<vmem>>
        %dma_wait3A_74 = arith.constant 0 : i32
        %dma_wait3A_75 = arith.constant 0 : i32
        %dma_wait3A_76 = tpu.memref_slice %arg12[%dma_wait3A_74, %dma_wait3A_75] : memref<10008x128xf32, #tpu.memory_space<vmem_shared>> -> memref<10008x128xf32, #tpu.memory_space<vmem_shared>>
        tpu.wait_indirect_dma semaphore(%run_scoped3A_66 : memref<!tpu.dma_semaphore, #tpu.memory_space<semaphore_mem>>) src(%arg11 : memref<128x128xf32, #tpu.memory_space<vmem>>) dst(%dma_wait3A_76 : memref<10008x128xf32, #tpu.memory_space<vmem_shared>>)
        tpu.yield
      }) : () -> ()
      %run_scoped3A_64 = arith.constant 6 : i32
      "tpu.region"() ({
        %run_scoped3A_66 = tpu.sem_alloc : memref<!tpu.dma_semaphore, #tpu.memory_space<semaphore_mem>>
        %dma_start3A = arith.constant 0 : i32
        %dma_start3A_67 = tpu.memref_slice %arg10[%run_scoped3A_64, %dma_start3A] : memref<8x128xi32, #tpu.memory_space<vmem>> -> memref<1x128xi32, #tpu.memory_space<vmem>>
        %dma_start3A_68 = tpu.memref_squeeze %dma_start3A_67 : memref<1x128xi32, #tpu.memory_space<vmem>> -> memref<128xi32, #tpu.memory_space<vmem>>
        %dma_start3A_69 = arith.constant 0 : i32
        %dma_start3A_70 = arith.constant 0 : i32
        %dma_start3A_71 = tpu.memref_slice %arg12[%dma_start3A_69, %dma_start3A_70] : memref<10008x128xf32, #tpu.memory_space<vmem_shared>> -> memref<10008x128xf32, #tpu.memory_space<vmem_shared>>
        tpu.enqueue_indirect_dma source(%arg11 : memref<128x128xf32, #tpu.memory_space<vmem>>) target(%dma_start3A_71 : memref<10008x128xf32, #tpu.memory_space<vmem_shared>>) offsets(%dma_start3A_68 : memref<128xi32, #tpu.memory_space<vmem>>) semaphore(%run_scoped3A_66 : memref<!tpu.dma_semaphore, #tpu.memory_space<semaphore_mem>>) {add = true}
        %dma_wait3A = arith.constant 0 : i32
        %dma_wait3A_72 = tpu.memref_slice %arg10[%run_scoped3A_64, %dma_wait3A] : memref<8x128xi32, #tpu.memory_space<vmem>> -> memref<1x128xi32, #tpu.memory_space<vmem>>
        %dma_wait3A_73 = tpu.memref_squeeze %dma_wait3A_72 : memref<1x128xi32, #tpu.memory_space<vmem>> -> memref<128xi32, #tpu.memory_space<vmem>>
        %dma_wait3A_74 = arith.constant 0 : i32
        %dma_wait3A_75 = arith.constant 0 : i32
        %dma_wait3A_76 = tpu.memref_slice %arg12[%dma_wait3A_74, %dma_wait3A_75] : memref<10008x128xf32, #tpu.memory_space<vmem_shared>> -> memref<10008x128xf32, #tpu.memory_space<vmem_shared>>
        tpu.wait_indirect_dma semaphore(%run_scoped3A_66 : memref<!tpu.dma_semaphore, #tpu.memory_space<semaphore_mem>>) src(%arg11 : memref<128x128xf32, #tpu.memory_space<vmem>>) dst(%dma_wait3A_76 : memref<10008x128xf32, #tpu.memory_space<vmem_shared>>)
        tpu.yield
      }) : () -> ()
      %run_scoped3A_65 = arith.constant 7 : i32
      "tpu.region"() ({
        %run_scoped3A_66 = tpu.sem_alloc : memref<!tpu.dma_semaphore, #tpu.memory_space<semaphore_mem>>
        %dma_start3A = arith.constant 0 : i32
        %dma_start3A_67 = tpu.memref_slice %arg10[%run_scoped3A_65, %dma_start3A] : memref<8x128xi32, #tpu.memory_space<vmem>> -> memref<1x128xi32, #tpu.memory_space<vmem>>
        %dma_start3A_68 = tpu.memref_squeeze %dma_start3A_67 : memref<1x128xi32, #tpu.memory_space<vmem>> -> memref<128xi32, #tpu.memory_space<vmem>>
        %dma_start3A_69 = arith.constant 0 : i32
        %dma_start3A_70 = arith.constant 0 : i32
        %dma_start3A_71 = tpu.memref_slice %arg12[%dma_start3A_69, %dma_start3A_70] : memref<10008x128xf32, #tpu.memory_space<vmem_shared>> -> memref<10008x128xf32, #tpu.memory_space<vmem_shared>>
        tpu.enqueue_indirect_dma source(%arg11 : memref<128x128xf32, #tpu.memory_space<vmem>>) target(%dma_start3A_71 : memref<10008x128xf32, #tpu.memory_space<vmem_shared>>) offsets(%dma_start3A_68 : memref<128xi32, #tpu.memory_space<vmem>>) semaphore(%run_scoped3A_66 : memref<!tpu.dma_semaphore, #tpu.memory_space<semaphore_mem>>) {add = true}
        %dma_wait3A = arith.constant 0 : i32
        %dma_wait3A_72 = tpu.memref_slice %arg10[%run_scoped3A_65, %dma_wait3A] : memref<8x128xi32, #tpu.memory_space<vmem>> -> memref<1x128xi32, #tpu.memory_space<vmem>>
        %dma_wait3A_73 = tpu.memref_squeeze %dma_wait3A_72 : memref<1x128xi32, #tpu.memory_space<vmem>> -> memref<128xi32, #tpu.memory_space<vmem>>
        %dma_wait3A_74 = arith.constant 0 : i32
        %dma_wait3A_75 = arith.constant 0 : i32
        %dma_wait3A_76 = tpu.memref_slice %arg12[%dma_wait3A_74, %dma_wait3A_75] : memref<10008x128xf32, #tpu.memory_space<vmem_shared>> -> memref<10008x128xf32, #tpu.memory_space<vmem_shared>>
        tpu.wait_indirect_dma semaphore(%run_scoped3A_66 : memref<!tpu.dma_semaphore, #tpu.memory_space<semaphore_mem>>) src(%arg11 : memref<128x128xf32, #tpu.memory_space<vmem>>) dst(%dma_wait3A_76 : memref<10008x128xf32, #tpu.memory_space<vmem_shared>>)
        tpu.yield
      }) : () -> ()
    }
    %scan3A_39 = arith.constant 5 : i32
    %barrier3A_40 = arith.constant 0 : index
    tpu.barrier barrier_id(%barrier3A_40)
    %eq3A_41 = arith.constant 0 : i32
    %eq3A_42 = arith.cmpi eq, %arg0, %eq3A_41 : i32
    %convert_element_type3A_43 = arith.extui %eq3A_42 : i1 to i32
    %cond3A_44 = arith.constant 0 : i32
    %cond3A_45 = arith.cmpi ne, %convert_element_type3A_43, %cond3A_44 : i32
    scf.if %cond3A_45 {
      %lt3A_51 = arith.constant 15 : i32
      %lt3A_52 = arith.cmpi slt, %arg1, %lt3A_51 : i32
      %convert_element_type3A_53 = arith.extui %lt3A_52 : i1 to i32
      %cond3A_54 = arith.constant 0 : i32
      %cond3A_55 = arith.cmpi ne, %convert_element_type3A_53, %cond3A_54 : i32
      scf.if %cond3A_55 {
        %mul3A_61 = arith.constant 632 : i32
        %mul3A_62 = arith.muli %arg1, %mul3A_61 : i32
        "tpu.region"() ({
          %run_scoped3A = tpu.sem_alloc : memref<!tpu.dma_semaphore, #tpu.memory_space<semaphore_mem>>
          %dma_start3A = arith.constant 0 : i32
          %dma_start3A_63 = tpu.memref_slice %arg8[%mul3A_62, %dma_start3A] : memref<10000x128xf32, #tpu.memory_space<hbm>> -> memref<632x128xf32, #tpu.memory_space<hbm>>
          %dma_start3A_64 = arith.constant 0 : i32
          %dma_start3A_65 = tpu.memref_slice %arg12[%mul3A_62, %dma_start3A_64] : memref<10008x128xf32, #tpu.memory_space<vmem_shared>> -> memref<632x128xf32, #tpu.memory_space<vmem_shared>>
          tpu.enqueue_dma source(%dma_start3A_65 : memref<632x128xf32, #tpu.memory_space<vmem_shared>>) target(%dma_start3A_63 : memref<632x128xf32, #tpu.memory_space<hbm>>) target_semaphore(%run_scoped3A : memref<!tpu.dma_semaphore, #tpu.memory_space<semaphore_mem>>)
          %dma_wait3A = arith.constant 0 : i32
          %dma_wait3A_66 = tpu.memref_slice %arg8[%mul3A_62, %dma_wait3A] : memref<10000x128xf32, #tpu.memory_space<hbm>> -> memref<632x128xf32, #tpu.memory_space<hbm>>
          %dma_wait3A_67 = arith.constant 0 : i32
          %dma_wait3A_68 = tpu.memref_slice %arg12[%mul3A_62, %dma_wait3A_67] : memref<10008x128xf32, #tpu.memory_space<vmem_shared>> -> memref<632x128xf32, #tpu.memory_space<vmem_shared>>
          tpu.wait_dma2 semaphore(%run_scoped3A : memref<!tpu.dma_semaphore, #tpu.memory_space<semaphore_mem>>) src(%dma_wait3A_68 : memref<632x128xf32, #tpu.memory_space<vmem_shared>>) dst(%dma_wait3A_66 : memref<632x128xf32, #tpu.memory_space<hbm>>)
          tpu.yield
        }) : () -> ()
      } else {
      }
      %eq3A_56 = arith.constant 15 : i32
      %eq3A_57 = arith.cmpi eq, %arg1, %eq3A_56 : i32
      %convert_element_type3A_58 = arith.extui %eq3A_57 : i1 to i32
      %cond3A_59 = arith.constant 0 : i32
      %cond3A_60 = arith.cmpi ne, %convert_element_type3A_58, %cond3A_59 : i32
      scf.if %cond3A_60 {
        "tpu.region"() ({
          %run_scoped3A = tpu.sem_alloc : memref<!tpu.dma_semaphore, #tpu.memory_space<semaphore_mem>>
          %dma_start3A = arith.constant 9480 : i32
          %dma_start3A_61 = arith.constant 0 : i32
          %dma_start3A_62 = tpu.memref_slice %arg8[%dma_start3A, %dma_start3A_61] : memref<10000x128xf32, #tpu.memory_space<hbm>> -> memref<520x128xf32, #tpu.memory_space<hbm>>
          %dma_start3A_63 = arith.constant 9480 : i32
          %dma_start3A_64 = arith.constant 0 : i32
          %dma_start3A_65 = tpu.memref_slice %arg12[%dma_start3A_63, %dma_start3A_64] : memref<10008x128xf32, #tpu.memory_space<vmem_shared>> -> memref<520x128xf32, #tpu.memory_space<vmem_shared>>
          tpu.enqueue_dma source(%dma_start3A_65 : memref<520x128xf32, #tpu.memory_space<vmem_shared>>) target(%dma_start3A_62 : memref<520x128xf32, #tpu.memory_space<hbm>>) target_semaphore(%run_scoped3A : memref<!tpu.dma_semaphore, #tpu.memory_space<semaphore_mem>>)
          %dma_wait3A = arith.constant 9480 : i32
          %dma_wait3A_66 = arith.constant 0 : i32
          %dma_wait3A_67 = tpu.memref_slice %arg8[%dma_wait3A, %dma_wait3A_66] : memref<10000x128xf32, #tpu.memory_space<hbm>> -> memref<520x128xf32, #tpu.memory_space<hbm>>
          %dma_wait3A_68 = arith.constant 9480 : i32
          %dma_wait3A_69 = arith.constant 0 : i32
          %dma_wait3A_70 = tpu.memref_slice %arg12[%dma_wait3A_68, %dma_wait3A_69] : memref<10008x128xf32, #tpu.memory_space<vmem_shared>> -> memref<520x128xf32, #tpu.memory_space<vmem_shared>>
          tpu.wait_dma2 semaphore(%run_scoped3A : memref<!tpu.dma_semaphore, #tpu.memory_space<semaphore_mem>>) src(%dma_wait3A_70 : memref<520x128xf32, #tpu.memory_space<vmem_shared>>) dst(%dma_wait3A_67 : memref<520x128xf32, #tpu.memory_space<hbm>>)
          tpu.yield
        }) : () -> ()
      } else {
      }
    } else {
    }
    %eq3A_46 = arith.constant 1 : i32
    %eq3A_47 = arith.cmpi eq, %arg0, %eq3A_46 : i32
    %convert_element_type3A_48 = arith.extui %eq3A_47 : i1 to i32
    %cond3A_49 = arith.constant 0 : i32
    %cond3A_50 = arith.cmpi ne, %convert_element_type3A_48, %cond3A_49 : i32
    scf.if %cond3A_50 {
      %lt3A_51 = arith.constant 15 : i32
      %lt3A_52 = arith.cmpi slt, %arg1, %lt3A_51 : i32
      %convert_element_type3A_53 = arith.extui %lt3A_52 : i1 to i32
      %cond3A_54 = arith.constant 0 : i32
      %cond3A_55 = arith.cmpi ne, %convert_element_type3A_53, %cond3A_54 : i32
      scf.if %cond3A_55 {
        %mul3A_61 = arith.constant 632 : i32
        %mul3A_62 = arith.muli %arg1, %mul3A_61 : i32
        "tpu.region"() ({
          %run_scoped3A = tpu.sem_alloc : memref<!tpu.dma_semaphore, #tpu.memory_space<semaphore_mem>>
          %dma_start3A = arith.constant 0 : i32
          %dma_start3A_63 = tpu.memref_slice %arg9[%mul3A_62, %dma_start3A] : memref<10000x128xf32, #tpu.memory_space<hbm>> -> memref<632x128xf32, #tpu.memory_space<hbm>>
          %dma_start3A_64 = arith.constant 0 : i32
          %dma_start3A_65 = tpu.memref_slice %arg12[%mul3A_62, %dma_start3A_64] : memref<10008x128xf32, #tpu.memory_space<vmem_shared>> -> memref<632x128xf32, #tpu.memory_space<vmem_shared>>
          tpu.enqueue_dma source(%dma_start3A_65 : memref<632x128xf32, #tpu.memory_space<vmem_shared>>) target(%dma_start3A_63 : memref<632x128xf32, #tpu.memory_space<hbm>>) target_semaphore(%run_scoped3A : memref<!tpu.dma_semaphore, #tpu.memory_space<semaphore_mem>>)
          %dma_wait3A = arith.constant 0 : i32
          %dma_wait3A_66 = tpu.memref_slice %arg9[%mul3A_62, %dma_wait3A] : memref<10000x128xf32, #tpu.memory_space<hbm>> -> memref<632x128xf32, #tpu.memory_space<hbm>>
          %dma_wait3A_67 = arith.constant 0 : i32
          %dma_wait3A_68 = tpu.memref_slice %arg12[%mul3A_62, %dma_wait3A_67] : memref<10008x128xf32, #tpu.memory_space<vmem_shared>> -> memref<632x128xf32, #tpu.memory_space<vmem_shared>>
          tpu.wait_dma2 semaphore(%run_scoped3A : memref<!tpu.dma_semaphore, #tpu.memory_space<semaphore_mem>>) src(%dma_wait3A_68 : memref<632x128xf32, #tpu.memory_space<vmem_shared>>) dst(%dma_wait3A_66 : memref<632x128xf32, #tpu.memory_space<hbm>>)
          tpu.yield
        }) : () -> ()
      } else {
      }
      %eq3A_56 = arith.constant 15 : i32
      %eq3A_57 = arith.cmpi eq, %arg1, %eq3A_56 : i32
      %convert_element_type3A_58 = arith.extui %eq3A_57 : i1 to i32
      %cond3A_59 = arith.constant 0 : i32
      %cond3A_60 = arith.cmpi ne, %convert_element_type3A_58, %cond3A_59 : i32
      scf.if %cond3A_60 {
        "tpu.region"() ({
          %run_scoped3A = tpu.sem_alloc : memref<!tpu.dma_semaphore, #tpu.memory_space<semaphore_mem>>
          %dma_start3A = arith.constant 9480 : i32
          %dma_start3A_61 = arith.constant 0 : i32
          %dma_start3A_62 = tpu.memref_slice %arg9[%dma_start3A, %dma_start3A_61] : memref<10000x128xf32, #tpu.memory_space<hbm>> -> memref<520x128xf32, #tpu.memory_space<hbm>>
          %dma_start3A_63 = arith.constant 9480 : i32
          %dma_start3A_64 = arith.constant 0 : i32
          %dma_start3A_65 = tpu.memref_slice %arg12[%dma_start3A_63, %dma_start3A_64] : memref<10008x128xf32, #tpu.memory_space<vmem_shared>> -> memref<520x128xf32, #tpu.memory_space<vmem_shared>>
          tpu.enqueue_dma source(%dma_start3A_65 : memref<520x128xf32, #tpu.memory_space<vmem_shared>>) target(%dma_start3A_62 : memref<520x128xf32, #tpu.memory_space<hbm>>) target_semaphore(%run_scoped3A : memref<!tpu.dma_semaphore, #tpu.memory_space<semaphore_mem>>)
          %dma_wait3A = arith.constant 9480 : i32
          %dma_wait3A_66 = arith.constant 0 : i32
          %dma_wait3A_67 = tpu.memref_slice %arg9[%dma_wait3A, %dma_wait3A_66] : memref<10000x128xf32, #tpu.memory_space<hbm>> -> memref<520x128xf32, #tpu.memory_space<hbm>>
          %dma_wait3A_68 = arith.constant 9480 : i32
          %dma_wait3A_69 = arith.constant 0 : i32
          %dma_wait3A_70 = tpu.memref_slice %arg12[%dma_wait3A_68, %dma_wait3A_69] : memref<10008x128xf32, #tpu.memory_space<vmem_shared>> -> memref<520x128xf32, #tpu.memory_space<vmem_shared>>
          tpu.wait_dma2 semaphore(%run_scoped3A : memref<!tpu.dma_semaphore, #tpu.memory_space<semaphore_mem>>) src(%dma_wait3A_70 : memref<520x128xf32, #tpu.memory_space<vmem_shared>>) dst(%dma_wait3A_67 : memref<520x128xf32, #tpu.memory_space<hbm>>)
          tpu.yield
        }) : () -> ()
      } else {
      }
    } else {
    }
    return
  }
}

module attributes {stable_mosaic.version = 14 : i64} {
  func.func @body(%arg0: i32, %arg1: memref<1000x128xf32, #tpu.memory_space<vmem>>, %arg2: memref<1000x128xf32, #tpu.memory_space<vmem>>, %arg3: memref<1000x128xf32, #tpu.memory_space<vmem>>, %arg4: memref<1000x128xf32, #tpu.memory_space<vmem>>, %arg5: memref<1000x256xf32, #tpu.memory_space<vmem>>, %arg6: memref<128x256xf32, #tpu.memory_space<vmem>>, %arg7: memref<128x256xf32, #tpu.memory_space<vmem>>, %arg8: memref<256x256xf32, #tpu.memory_space<vmem>>, %arg9: memref<1000x256xf32, #tpu.memory_space<vmem>>) attributes {dimension_semantics = [#tpu.dimension_semantics<arbitrary>], iteration_bounds = array<i64: 10>, scalar_prefetch = 0 : i64, scratch_operands = 0 : i64, tpu.core_type = #tpu.core_type<tc>, window_params = [{transform_indices = @transform_0, window_bounds = array<i64: 1000, 128>}, {transform_indices = @transform_1, window_bounds = array<i64: 1000, 128>}, {transform_indices = @transform_2, window_bounds = array<i64: 1000, 128>}, {transform_indices = @transform_3, window_bounds = array<i64: 1000, 128>}, {transform_indices = @transform_4, window_bounds = array<i64: 1000, 256>}, {pipeline_mode = #tpu.pipeline_mode<synchronous>, transform_indices = @transform_5, window_bounds = array<i64: 128, 256>}, {pipeline_mode = #tpu.pipeline_mode<synchronous>, transform_indices = @transform_6, window_bounds = array<i64: 128, 256>}, {pipeline_mode = #tpu.pipeline_mode<synchronous>, transform_indices = @transform_7, window_bounds = array<i64: 256, 256>}, {transform_indices = @transform_8, window_bounds = array<i64: 1000, 256>}]} {
    %get3A = arith.constant 0 : index
    %get3A_0 = arith.constant 0 : index
    %get3A_1 = vector.load %arg3[%get3A, %get3A_0] : memref<1000x128xf32, #tpu.memory_space<vmem>>, vector<1000x1xf32>
    %get3A_2 = arith.constant 0 : index
    %get3A_3 = arith.constant 0 : index
    %get3A_4 = vector.load %arg4[%get3A_2, %get3A_3] : memref<1000x128xf32, #tpu.memory_space<vmem>>, vector<1000x1xf32>
    %add3A = arith.addf %get3A_1, %get3A_4 : vector<1000x1xf32>
    %max3A = arith.constant 1.000000e+00 : f32
    %max3A_5 = vector.broadcast %max3A : f32 to vector<1000x1xf32>
    %max3A_6 = arith.maximumf %add3A, %max3A_5 : vector<1000x1xf32>
    %div3A = arith.constant 1.000000e+00 : f32
    %div3A_7 = vector.broadcast %div3A : f32 to vector<1000x1xf32>
    %div3A_8 = arith.divf %div3A_7, %max3A_6 : vector<1000x1xf32>
    %get3A_9 = arith.constant 0 : index
    %get3A_10 = arith.constant 0 : index
    %get3A_11 = vector.load %arg1[%get3A_9, %get3A_10] : memref<1000x128xf32, #tpu.memory_space<vmem>>, vector<1000x128xf32>
    %mul3A = vector.broadcast %div3A_8 : vector<1000x1xf32> to vector<1000x128xf32>
    %mul3A_12 = arith.mulf %get3A_11, %mul3A : vector<1000x128xf32>
    %get3A_13 = arith.constant 0 : index
    %get3A_14 = arith.constant 0 : index
    %get3A_15 = vector.load %arg6[%get3A_13, %get3A_14] : memref<128x256xf32, #tpu.memory_space<vmem>>, vector<128x256xf32>
    %dot_general3A = arith.constant dense<0.000000e+00> : vector<1000x256xf32>
    %dot_general3A_16 = tpu.matmul %mul3A_12, %get3A_15, %dot_general3A {dimension_numbers = #tpu.dot_dimension_numbers<[1], [0], [0], [1], [0, 0, 1, 1], [], []>, transpose_lhs_hint = false} : vector<1000x128xf32>, vector<128x256xf32>, vector<1000x256xf32> -> vector<1000x256xf32>
    %get3A_17 = arith.constant 0 : index
    %get3A_18 = arith.constant 0 : index
    %get3A_19 = vector.load %arg2[%get3A_17, %get3A_18] : memref<1000x128xf32, #tpu.memory_space<vmem>>, vector<1000x128xf32>
    %mul3A_20 = vector.broadcast %div3A_8 : vector<1000x1xf32> to vector<1000x128xf32>
    %mul3A_21 = arith.mulf %get3A_19, %mul3A_20 : vector<1000x128xf32>
    %get3A_22 = arith.constant 0 : index
    %get3A_23 = arith.constant 0 : index
    %get3A_24 = vector.load %arg7[%get3A_22, %get3A_23] : memref<128x256xf32, #tpu.memory_space<vmem>>, vector<128x256xf32>
    %dot_general3A_25 = arith.constant dense<0.000000e+00> : vector<1000x256xf32>
    %dot_general3A_26 = tpu.matmul %mul3A_21, %get3A_24, %dot_general3A_25 {dimension_numbers = #tpu.dot_dimension_numbers<[1], [0], [0], [1], [0, 0, 1, 1], [], []>, transpose_lhs_hint = false} : vector<1000x128xf32>, vector<128x256xf32>, vector<1000x256xf32> -> vector<1000x256xf32>
    %add3A_27 = arith.addf %dot_general3A_16, %dot_general3A_26 : vector<1000x256xf32>
    %get3A_28 = arith.constant 0 : index
    %get3A_29 = arith.constant 0 : index
    %get3A_30 = vector.load %arg5[%get3A_28, %get3A_29] : memref<1000x256xf32, #tpu.memory_space<vmem>>, vector<1000x256xf32>
    %get3A_31 = arith.constant 0 : index
    %get3A_32 = arith.constant 0 : index
    %get3A_33 = vector.load %arg8[%get3A_31, %get3A_32] : memref<256x256xf32, #tpu.memory_space<vmem>>, vector<256x256xf32>
    %dot_general3A_34 = arith.constant dense<0.000000e+00> : vector<1000x256xf32>
    %dot_general3A_35 = tpu.matmul %get3A_30, %get3A_33, %dot_general3A_34 {dimension_numbers = #tpu.dot_dimension_numbers<[1], [0], [0], [1], [0, 0, 1, 1], [], []>, transpose_lhs_hint = false} : vector<1000x256xf32>, vector<256x256xf32>, vector<1000x256xf32> -> vector<1000x256xf32>
    %add3A_36 = arith.addf %add3A_27, %dot_general3A_35 : vector<1000x256xf32>
    %swap3A = arith.constant 0 : index
    %swap3A_37 = arith.constant 0 : index
    %swap3A_38 = vector.load %arg9[%swap3A, %swap3A_37] : memref<1000x256xf32, #tpu.memory_space<vmem>>, vector<1000x256xf32>
    tpu.vector_store %arg9[%swap3A, %swap3A_37], %add3A_36 {strides = array<i32>} : memref<1000x256xf32, #tpu.memory_space<vmem>>, vector<1000x256xf32>,
    return
  }
  func.func @transform_0(%arg0: i32) -> (i32, i32) {
    %c0_i32 = arith.constant 0 : i32
    %c0_i32_0 = arith.constant 0 : i32
    return %arg0, %c0_i32 : i32, i32
  }
  func.func @transform_1(%arg0: i32) -> (i32, i32) {
    %c0_i32 = arith.constant 0 : i32
    %c0_i32_0 = arith.constant 0 : i32
    return %arg0, %c0_i32 : i32, i32
  }
  func.func @transform_2(%arg0: i32) -> (i32, i32) {
    %c0_i32 = arith.constant 0 : i32
    %c0_i32_0 = arith.constant 0 : i32
    return %arg0, %c0_i32 : i32, i32
  }
  func.func @transform_3(%arg0: i32) -> (i32, i32) {
    %c0_i32 = arith.constant 0 : i32
    %c0_i32_0 = arith.constant 0 : i32
    return %arg0, %c0_i32 : i32, i32
  }
  func.func @transform_4(%arg0: i32) -> (i32, i32) {
    %c0_i32 = arith.constant 0 : i32
    %c0_i32_0 = arith.constant 0 : i32
    return %arg0, %c0_i32 : i32, i32
  }
  func.func @transform_5(%arg0: i32) -> (i32, i32) {
    %c0_i32 = arith.constant 0 : i32
    %c0_i32_0 = arith.constant 0 : i32
    %c0_i32_1 = arith.constant 0 : i32
    return %c0_i32, %c0_i32_0 : i32, i32
  }
  func.func @transform_6(%arg0: i32) -> (i32, i32) {
    %c0_i32 = arith.constant 0 : i32
    %c0_i32_0 = arith.constant 0 : i32
    %c0_i32_1 = arith.constant 0 : i32
    return %c0_i32, %c0_i32_0 : i32, i32
  }
  func.func @transform_7(%arg0: i32) -> (i32, i32) {
    %c0_i32 = arith.constant 0 : i32
    %c0_i32_0 = arith.constant 0 : i32
    %c0_i32_1 = arith.constant 0 : i32
    return %c0_i32, %c0_i32_0 : i32, i32
  }
  func.func @transform_8(%arg0: i32) -> (i32, i32) {
    %c0_i32 = arith.constant 0 : i32
    %c0_i32_0 = arith.constant 0 : i32
    return %arg0, %c0_i32 : i32, i32
  }
}

</mosaic_0001>

<sc_bundles>
// kernel: kernel.6.cloned.1.call-start
scs
__scs_entry_jumppad:
0x0: {  	(pc) =	sbr.rel $0x88, $3  }
0x1: {  	(tag) =	ssettag $0x0;
	lr =	simm.s32 $0x1  }
0x2: {  	[smem:$0x3F97] =	sst lr;
	_ =	strace $0xD0000000  }
0x3: {  	_ = 	snop  }
0x4: {  	_ = 	snop  }
0x5: {  	_ = 	snop  }
0x6: {  	_ = 	snop  }
0x7: {  	_ = 	snop  }
__scs_overlays_trampoline_lowered:
0x8: {  	[smem:$0x3FA6] =	sst s0  }
0x9: {  	[smem:$0x3FA7] =	sst s1  }
0xa: {  	[smem:$0x3FA8] =	sst s2  }
0xb: {  	[smem:$0x3FA9] =	sst s3  }
0xc: {  	[smem:$0x3FAA] =	sst s4  }
0xd: {  	[smem:$0x3FAB] =	sst s5  }
0xe: {  	[smem:$0x3FAC] =	sst s6  }
0xf: {  	[smem:$0x3FAD] =	sst s7  }
0x10: {  	[smem:$0x3FAE] =	sst s8  }
0x11: {  	[smem:$0x3FAF] =	sst s9;
	s0 =	simm.s32 @!p0 $0x0  }
0x12: {  	s1 =	sld [smem:$0x3F95];
	s0 =	simm.s32 @p0 $0x1  }
0x13: {  	[smem:$0x3FB0] =	sst s0;
	s0 =	simm.s32 @!p1 $0x0  }
0x14: {  	s2 =	sld [smem:$0x3F94];
	s0 =	simm.s32 @p1 $0x1  }
0x15: {  	[smem:$0x3FB1] =	sst s0;
	s0 =	simm.s32 @!p2 $0x0  }
0x16: {  	s3 =	sld [smem:$0x3FDB];
	s0 =	simm.s32 @p2 $0x1  }
0x17: {  	s4 =	simm.s32 $0x1BF5;
	[smem:$0x3FB3] =	sst s0  }
0x18: {  	s0 =	sld [smem:$0x3F96];
	_ =	swait.ge [sflag:s4], $0x0  }
0x19: {  	s7 =	sld [smem:$0x3F97]  }
0x1a: {  	s8 =	sadd.s32 $0xFFFFE003, lr  }
0x1b: {  	s9 =	sadd.s32 $0xFFFFFEF7, lr;
	s5 =	simm.s32 $0xFFFFFFFF;
	p2 =	slt.u32 s8, $0xFFFFF086  }
0x1c: {  	p1 =	slt.u32 s9, $0xF7A;
	s5 =	simm.s32 @!p2 $0x0  }
0x1d: {  	s5 =	simm.s32 @p1 $0x1;
	p0 =	seq.s32 s7, s2  }
0x1e: {  	s7 =	smul.u32 @!p0 $0xF7A, s2;
	p2 =	seq.s32 @!p0 s5, $0x0  }
0x1f: {  	s9 =	smul.u32 $0xF7A, s1;
	s8 =	simm.s32 @!p0 $0x1BF5;
	p2 =	por !p2, p0  }
0x20: {  	[sflag:s8] =	ssyncset.s32 @!p0 $0xFFFFF086;
	s6 =	sadd.s32 @!p0 s3, s7;
	s7 =	simm.s32 @!p0 $0x108  }
0x21: {  	s3 =	sadd.s32 s3, s9;
	s6 =	sadd.s32 @!p0 $0x88, s6;
	s7 =	simm.s32 @p2 $0x1082  }
0x22: {  	[simem:s7], [sflag:s8] =	dma.local @!p0 [hbm:s6], $0xF7A  }
0x23: {  	s9 =	sor.u32 $0xD0000000, s2;
	s6 =	simm.s32 $0x108;
	_ =	swait.ge @!p0 [sflag:s8], $0x0  }
0x24: {  	s3 =	sadd.s32 $0x88, s3;
	s6 =	simm.s32 @!p1 $0x1082;
	[sflag:s4] =	ssyncset.s32 $0xFFFFF086  }
0x25: {  	[simem:s6], [sflag:s4] =	dma.local [hbm:s3], $0xF7A  }
0x26: {  	[smem:$0x3F97] =	sst s1;
	(tag) =	ssettag s2;
	_ =	strace s9  }
0x27: {  	s1 =	sld [smem:$0x3FA7]  }
0x28: {  	s2 =	sld [smem:$0x3FA8]  }
0x29: {  	s4 =	sld [smem:$0x3FAA]  }
0x2a: {  	p0 =	seq.s32 s5, $0x0;
	s5 =	sld [smem:$0x3FAB]  }
0x2b: {  	s6 =	sld [smem:$0x3FAC]  }
0x2c: {  	s7 =	sld [smem:$0x3FAD]  }
0x2d: {  	s3 =	simm.s32 $0x108;
	s8 =	sld [smem:$0x3FAE]  }
0x2e: {  	s3 =	simm.s32 @!p0 $0x1082;
	s9 =	sld [smem:$0x3FAF]  }
0x2f: {  	lr =	sadd.s32 s0, s3;
	s0 =	sld [smem:$0x3FA6]  }
0x30: {  	s3 =	sld [smem:$0x3FA9]  }
0x31: {  	[smem:$0x3FB2] =	sst s10  }
0x32: {  	s10 =	sld [smem:$0x3FB0];
	_ =	sdelay $0x3  }
0x33: {  	p0 =	seq.s32 s10, $0x1;
	s10 =	sld [smem:$0x3FB2];
	_ =	sdelay $0x3  }
0x34: {  	[smem:$0x3FB2] =	sst s10  }
0x35: {  	s10 =	sld [smem:$0x3FB1];
	_ =	sdelay $0x3  }
0x36: {  	p1 =	seq.s32 s10, $0x1;
	s10 =	sld [smem:$0x3FB2];
	_ =	sdelay $0x3  }
0x37: {  	[smem:$0x3FB2] =	sst s10  }
0x38: {  	s10 =	sld [smem:$0x3FB3]  }
0x39: {  	_ = 	snop;
	(pc) =	sbr.ind lr, $3  }
0x3a: {  	_ = 	snop  }
0x3b: {  	_ = 	snop  }
0x3c: {  	p2 =	seq.s32 s10, $0x1;
	s10 =	sld [smem:$0x3FB2]  }
0x3d: {  	_ =	shalt  }
0x3e: {  	_ =	shalt  }
0x3f: {  	_ =	shalt  }
0x40: {  	_ =	shalt  }
0x41: {  	_ =	shalt  }
0x42: {  	_ =	shalt  }
0x43: {  	_ =	shalt  }
0x44: {  	_ =	shalt  }
0x45: {  	_ =	shalt  }
0x46: {  	_ =	shalt  }
0x47: {  	_ =	shalt  }
0x48: {  	_ =	shalt  }
0x49: {  	_ =	shalt  }
0x4a: {  	_ =	shalt  }
0x4b: {  	_ =	shalt  }
0x4c: {  	_ =	shalt  }
0x4d: {  	_ =	shalt  }
0x4e: {  	_ =	shalt  }
0x4f: {  	_ =	shalt  }
0x50: {  	_ =	shalt  }
0x51: {  	_ =	shalt  }
0x52: {  	_ =	shalt  }
0x53: {  	_ =	shalt  }
0x54: {  	_ =	shalt  }
0x55: {  	_ =	shalt  }
0x56: {  	_ =	shalt  }
0x57: {  	_ =	shalt  }
0x58: {  	_ =	shalt  }
0x59: {  	_ =	shalt  }
0x5a: {  	_ =	shalt  }
0x5b: {  	_ =	shalt  }
0x5c: {  	_ =	shalt  }
0x5d: {  	_ =	shalt  }
0x5e: {  	_ =	shalt  }
0x5f: {  	_ =	shalt  }
0x60: {  	_ =	shalt  }
0x61: {  	_ =	shalt  }
0x62: {  	_ =	shalt  }
0x63: {  	_ =	shalt  }
0x64: {  	_ =	shalt  }
0x65: {  	_ =	shalt  }
0x66: {  	_ =	shalt  }
0x67: {  	_ =	shalt  }
0x68: {  	_ =	shalt  }
0x69: {  	_ =	shalt  }
0x6a: {  	_ =	shalt  }
0x6b: {  	_ =	shalt  }
0x6c: {  	_ =	shalt  }
0x6d: {  	_ =	shalt  }
0x6e: {  	_ =	shalt  }
0x6f: {  	_ =	shalt  }
0x70: {  	_ =	shalt  }
0x71: {  	_ =	shalt  }
0x72: {  	_ =	shalt  }
0x73: {  	_ =	shalt  }
0x74: {  	_ =	shalt  }
0x75: {  	_ =	shalt  }
0x76: {  	_ =	shalt  }
0x77: {  	_ =	shalt  }
0x78: {  	_ =	shalt  }
0x79: {  	_ =	shalt  }
0x7a: {  	_ =	shalt  }
0x7b: {  	_ =	shalt  }
0x7c: {  	_ =	shalt  }
0x7d: {  	_ =	shalt  }
0x7e: {  	_ =	shalt  }
0x7f: {  	_ =	shalt  }
0x80: {  	_ =	shalt  }
0x81: {  	_ =	shalt  }
0x82: {  	_ =	shalt  }
0x83: {  	_ =	shalt  }
0x84: {  	_ =	shalt  }
0x85: {  	_ =	shalt  }
0x86: {  	_ =	shalt  }
0x87: {  	_ =	shalt  }
.Lfunc_end0:
.L_simem_size_0:
called_computation_lowered:
.L_overlay_start_0:
0x88: {  	s2 =	sld [smem:$0x3FD9]  }
0x89: {  	s3 =	sld [smem:$0x3FFE];
	_ =	sdelay $0x1  }
0x8a: {  	s1 =	srdreg.scid  }
0x8b: {  	s0 =	sand.u32 $0x1, s1  }
0x8c: {  	s14 =	sshll.u32 s0, $0xA;
	s2 =	sadd.s32 s3, s2  }
0x8d: {  	s2 =	sadd.s32 s2, s14  }
0x8e: {  	[smem:$0x3FBE] =	sst s2  }
0x8f: {  	_ = 	snop  }
0x90: {  	s2 =	sld [smem:$0x3FD0];
	_ =	sdelay $0x2  }
0x91: {  	s15 =	simm.s32 $0xB;
	s4 =	simm.s32 $0x10  }
0x92: {  	[smem:s4], [sflag:s15] =	dma.local [hbm:s2], $0x1  }
0x93: {  	_ =	swait.eq [sflag:s15], $0x1  }
0x94: {  	[sflag:s15] =	ssyncset.done $0x0  }
0x95: {  	s16 =	sld [smem:$0x10];
	[sflag:s15] =	ssyncadd.s32 $0xFFFFFFFF  }
0x96: {  	s17 =	sld [smem:$0x11];
	(tm) =	ssettm $0x1  }
0x97: {  	s18 =	sld [smem:$0x3FFB];
	_ =	sdelay $0x3  }
0x98: {  	_ =	strace s18  }
0x99: {  	s4 =	sld [smem:$0x3FFC];
	_ =	sdelay $0x3  }
0x9a: {  	_ =	strace s4  }
0x9b: {  	s4 =	sld [smem:$0x3FFD];
	_ =	sdelay $0x3  }
0x9c: {  	_ =	strace s4  }
0x9d: {  	_ =	strace $0x8FFFFFFF  }
0x9e: {  	s19 =	sld [smem:$0x3FDB];
	_ =	sdelay $0x1  }
0x9f: {  	s5 =	simm.s32 $_scs_section_size  }
0xa0: {  	s6 =	simm.s32 $_size__tile_overlayer_lowered;
	s7 =	simm.s32 $_tile_overlayer_lowered  }
0xa1: {  	s22 =	simm.s32 $0x1BFF;
	s21 =	sshll.u32 s7, $0x1;
	s4 =	sadd.s32 s5, s19  }
0xa2: {  	s8 =	simm.s32 $0x0;
	s20 =	sshll.u32 s6, $0x1;
	s6 =	sadd.s32 s21, s4  }
0xa3: {  	[timem:s8], [sflag:s22] =	dma.local [hbm:s6], s20  }
0xa4: {  	_ =	swait.ge [sflag:s22], s20  }
0xa5: {  	s5 =	ssub.s32 $0x0, s20;
	[sflag:s22] =	ssyncset.done $0x0  }
0xa6: {  	[sflag:s22] =	ssyncadd.s32 s5;
	_ =	sdelay $0x1  }
0xa7: {  	s23 =	simm.s32 $0x1B8B  }
0xa8: {  	_ =	swait.ge [sflag:s23], $0x1  }
0xa9: {  	[sflag:s23] =	ssyncset.done $0x0  }
0xaa: {  	s25 =	simm.s32 $0x1B8E;
	s24 =	sld [smem:$0x3FFE];
	[sflag:s23] =	ssyncadd.s32 $0xFFFFFFFF  }
0xab: {  	s26 =	simm.s32 $execute0_lowered;
	[smem:$0x3FD2] =	sst s25  }
0xac: {  	s6 =	sshll.u32 s26, $0x1;
	_ =	strace $0x80000046;
	[dreg:$0x1] =	wrdreg $0xFFFFFFFF  }
0xad: {  	s28 =	simm.s32 $_size_execute0_lowered;
	s4 =	sadd.s32 s4, s6;
	[dreg:$0x0] =	wrdreg $0x0  }
0xae: {  	s6 =	sshll.u32 s28, $0x1;
	[dreg:$0x2] =	wrdreg s4  }
0xaf: {  	[dreg:$0x3] =	wrdreg s6  }
0xb0: {  	[dreg:$0x4] =	wrdreg $0xC0  }
0xb1: {  	_ =	task [dreg:s8], $0x5FFFF  }
0xb2: {  	[dreg:$0x1] =	wrdreg $0xFFFFFFFF  }
0xb3: {  	[dreg:$0x0] =	wrdreg $0x60  }
0xb4: {  	[dreg:$0x2] =	wrdreg s24  }
0xb5: {  	[dreg:$0x3] =	wrdreg s16  }
0xb6: {  	[dreg:$0x4] =	wrdreg s17  }
0xb7: {  	[dreg:$0x5] =	wrdreg $0x90000  }
0xb8: {  	[dreg:$0x6] =	wrdreg $0x9  }
0xb9: {  	_ =	task.clear_ibuf [dreg:s8], $0x7FFFF;
	_ =	strace $0x90000046  }
0xba: {  	s29 =	simm.s32 $0x9;
	_ =	strace $0x80000048  }
0xbb: {  	_ =	swait.ge [sflag:s29], $0x1  }
0xbc: {  	[sflag:s29] =	ssyncadd.s32 $0xFFFFFFFF  }
0xbd: {  	_ =	strace $0x90000048  }
0xbe: {  	_ =	sfence  }
0xbf: {  	s30 =	sld [smem:$0x0];
	_ =	sdelay $0x2  }
0xc0: {  	s31 =	sshll.u32 s1, $0xD;
	s1 =	sshrl.u32 s1, $0x2  }
0xc1: {  	s3 =	sand.u32 $0x4000, s31;
	s1 =	sadd.s32 s1, s30  }
0xc2: {  	s0 =	sor.u32 s3, s0;
	s1 =	sshll.u32 s1, $0x11  }
0xc3: {  	s0 =	sor.u32 s1, s0  }
0xc4: {  	s0 =	sadd.s32 $0x8F2B, s0  }
0xc5: {  	[sflag:s0] =	ssyncadd.remote.s32 $0x1  }
0xc6: {  	_ =	sfence.sel $0xFFFF  }
0xc7: {  	[dreg:$0x0] =	wrdreg $0xFFFFFFFF;
	(pc) =	sbr.abs _section_cstart, $3  }
0xc8: {  	[dreg:$0x1] =	wrdreg $0xFFFFFFFF  }
0xc9: {  	_ =	task.clear_ibuf [dreg:s8], $0x2FFFF;
	_ =	strace $0x9FFFFFFF  }
0xca: {  	(tm) =	ssettm $0x7FFFFFFF  }
0xcb: {  	_ =	shalt  }
tec
execute0_lowered:
.L_overlay_start_1:
0x0: {  	(tag) =	ssettag $0x1  }
0x1: {  	s0 =	rddreg [dreg:$0x0]  }
0x2: {  	s1 =	rddreg [dreg:$0x1]  }
0x3: {  	s2 =	rddreg [dreg:$0x2]  }
0x4: {  	s3 =	rddreg [dreg:$0x3]  }
0x5: {  	s4 =	simm.s32 $0x0;
	s15 =	stileid.u32;
	s7 =	srdreg.scid  }
0x6: {  	s31 =	simm.s32 $0x5;
	[smem:$0x7FF] =	sst s4;
	s5 =	sadd.s32 $0x3A00, s0  }
0x7: {  	s6 =	sadd.s32 $0x2AC00, s0;
	s8 =	sadd.s32 $0x51E00, s0;
	s9 =	sadd.s32 $0x56E00, s0  }
0x8: {  	s10 =	sadd.s32 $0x5BE00, s0;
	s11 =	sadd.s32 $0x60E00, s0;
	s26 =	smul.u32 $0x4F000, s15  }
0x9: {  	s12 =	sadd.s32 $0x8D000, s0;
	s7 =	sand.u32 $0x1, s7;
	s16 =	smul.u32 $0x2780, s15  }
0xa: {  	s13 =	sadd.s32 $0xB4200, s0;
	s18 =	smul.u32 $0x500, s15;
	p1 =	seq.s32 s15, $0xF  }
0xb: {  	s28 =	sadd.s32 $0x128400, s3;
	_ =	strace $0x80000047;
	[dreg:$0x5] =	wrdreg s12  }
0xc: {  	s29 =	smul.u32 $0xA, s15;
	[dreg:$0x6] =	wrdreg s13;
	s30 =	ssub.s32 $0x2, s7  }
0xd: {  	p0 =	sne.s32 s7, $0x0;
	[dreg:$0x7] =	wrdreg s16;
	s20 =	sadd.s32 s8, s18  }
0xe: {  	s14 =	sshrl.u32 s30, $0x1;
	s21 =	sadd.s32 s9, s18;
	[dreg:$0xa] =	wrdreg s20  }
0xf: {  	s12 =	sshrl.u32 s26, $0x2;
	s22 =	sadd.s32 s10, s18;
	[dreg:$0xb] =	wrdreg s21  }
0x10: {  	s19 =	sadd.s32 s16, s0;
	s23 =	sadd.s32 s11, s18;
	[dreg:$0xc] =	wrdreg s22  }
0x11: {  	s26 =	sadd.s32 $0x127680, s0;
	s18 =	simm.s32 $0x0;
	[dreg:$0xd] =	wrdreg s23  }
0x12: {  	s13 =	ssub.s32 s30, s14;
	s12 =	sadd.s32 s12, s3;
	[dreg:$0x10] =	wrdreg s26  }
0x13: {  	s17 =	sadd.s32 $0x65E00, s19;
	s24 =	sadd.s32 $0x102600, s19;
	[dreg:$0x8] =	wrdreg s12  }
0x14: {  	s25 =	sadd.s32 $0xDB400, s19;
	s22 =	simm.s32 $0x5000;
	[dreg:$0x9] =	wrdreg s17  }
.Ltmp0:
0x15: {  	s23 =	simm.s32 $0x3;
	[dreg:$0xe] =	wrdreg s24;
	(pc) =	sbr.rel .LBB2_1-.Ltmp0, $4  }
0x16: {  	s14 =	simm.s32 $0x6;
	s17 =	sadd.s32 $0x8AE80, s0;
	[dreg:$0xf] =	wrdreg s25  }
0x17: {  	s0 =	sadd.s32 $0x100480, s0;
	s30 =	smax.u32 s13, $0x1;
	s12 =	simm.s32 $0x80  }
0x18: {  	s13 =	simm.s32 $0x1000;
	s24 =	simm.s32 $0x2;
	[dreg:$0x11] =	wrdreg s0  }
0x19: {  	s25 =	simm.s32 $0x4;
	[dreg:$0x12] =	wrdreg s30;
	s0 =	simm.s32 $0x1  }
.LBB2_20:
0x1a: {  	_ =	swait.ge [sflag:s23], $0x4000  }
0x1b: {  	[sflag:s23] =	ssyncset.done $0x0  }
0x1c: {  	[sflag:s23] =	ssyncadd.s32 $0xFFFFC000  }
0x1d: {  	_ =	swait.ge [sflag:s25], $0x4000  }
0x1e: {  	[sflag:s25] =	ssyncset.done $0x0  }
0x1f: {  	[sflag:s25] =	ssyncadd.s32 $0xFFFFC000  }
0x20: {  	[bflag:$0x0] =	sbarrier.arrive $0xFFFF  }
0x21: {  	s7 =	simm.s32 @p1 $0x1FC6;
	s15 =	rddreg [dreg:$0x10]  }
0x22: {  	[hbm:s15], [sflag:s7] =	dma.local @p1 [spmem:s21], $0x2080  }
0x23: {  	s7 =	simm.s32 @p1 $0x6  }
0x24: {  	_ =	swait.ge @p1 [sflag:s7], $0x2080  }
0x25: {  	[sflag:s7] =	ssyncset.done @p1 $0x0  }
0x26: {  	[sflag:s7] =	ssyncadd.s32 @p1 $0xFFFFDF80;
	s7 =	rddreg [dreg:$0xe]  }
0x27: {  	[hbm:s7], [sflag:s19] =	dma.local @!p1 [spmem:s20], $0x2780  }
0x28: {  	s7 =	simm.s32 @!p1 $0x6  }
0x29: {  	_ =	swait.ge @!p1 [sflag:s7], $0x2780  }
0x2a: {  	[sflag:s7] =	ssyncset.done @!p1 $0x0  }
0x2b: {  	[sflag:s7] =	ssyncadd.s32 @!p1 $0xFFFFD880  }
.LBB2_21:
0x2c: {  	s18 =	sadd.s32 $0x1, s18;
	s7 =	rddreg [dreg:$0x12]  }
0x2d: {  	p2 =	sne.s32 s18, s7  }
.Ltmp1:
0x2e: {  	_ = 	snop;
	(pc) =	sbr.rel @!p2 .LBB2_22-.Ltmp1, $1  }
0x2f: {  	_ =	sdelay $0x3  }
.LBB2_1:
0x30: {  	s21 =	sshrl.u32 @p1 s28, $0x3;
	s7 =	simm.s32 @p1 $0x1FC6  }
0x31: {  	[spmem:s21], [sflag:s7] =	dma.local @p1 [hbm:s17], $0x2080  }
0x32: {  	s7 =	simm.s32 @p1 $0x6  }
0x33: {  	_ =	swait.ge @p1 [sflag:s7], $0x2080  }
0x34: {  	s15 =	stileid.u32;
	[sflag:s7] =	ssyncset.done @p1 $0x0  }
0x35: {  	s19 =	sshll.u32 @!p1 s15, $0x6;
	[sflag:s7] =	ssyncadd.s32 @p1 $0xFFFFDF80;
	s7 =	rddreg [dreg:$0x8]  }
0x36: {  	s19 =	sor.u32 @!p1 $0x1C06, s19;
	s20 =	sshrl.u32 @!p1 s7, $0x3;
	s7 =	rddreg [dreg:$0x9]  }
0x37: {  	[spmem:s20], [sflag:s19] =	dma.local @!p1 [hbm:s7], $0x2780  }
0x38: {  	s7 =	simm.s32 @!p1 $0x6  }
0x39: {  	_ =	swait.ge @!p1 [sflag:s7], $0x2780  }
0x3a: {  	[sflag:s7] =	ssyncset.done @!p1 $0x0  }
0x3b: {  	[sflag:s7] =	ssyncadd.s32 @!p1 $0xFFFFD880  }
0x3c: {  	[bflag:$0x0] =	sbarrier.arrive $0xFFFF  }
0x3d: {  	s16 =	rddreg [dreg:$0xa]  }
0x3e: {  	[tilespmem:s4], [sflag:$0x5] =	stream.linear.gather [hbm4b:s16+s4], $0x400, $0x38;
	[tilespmem:$0x1C8C0] =	vst v63  }
.Ltmp2:
0x3f: {  	_ = 	snop;
	(pc) =	sbr.rel @p0 .LBB2_7-.Ltmp2, $4  }
.Ltmp3:
0x40: {  	_ = 	snop;
	(pc) =	sbr.rel @!p0 .LBB2_2-.Ltmp3, $4  }
0x41: {  	s30 =	simm.s32 $0x800;
	s26 =	rddreg [dreg:$0xb]  }
0x42: {  	[tilespmem:s30], [sflag:$0x5] =	stream.linear.gather [hbm4b:s26+s4], $0x400, $0x38;
	[tilespmem:$0x1C8C0] =	vst v63  }
0x43: {  	s7 =	simm.s32 $0x0;
	s26 =	simm.s32 $0x0  }
0x44: {  	_ = 	snop  }
.LBB2_4:
0x45: {  	[tilespmem:s13], [sflag:$0x1] =	stream.indirect.gather [hbm4b:s5+s12], $0x80, s30, s12, $0xb8;
	[tilespmem:$0x1C8C0] =	vst v63  }
0x46: {  	s7 =	sadd.s32 $0x80, s30  }
0x47: {  	[tilespmem:s22], [sflag:$0x2] =	stream.indirect.gather [hbm4b:s5+s12], $0x80, s7, s12, $0xb8;
	[tilespmem:$0x1C8C0] =	vst v63  }
0x48: {  	_ =	swait.ge [sflag:s0], $0x4000  }
0x49: {  	[sflag:s0] =	ssyncset.done $0x0  }
0x4a: {  	s16 =	sor.u32 $0x800, s30;
	[sflag:s0] =	ssyncadd.s32 $0xFFFFC000  }
0x4b: {  	[spmem:s3] =	stream.indirect.scatter.add.f32 [tilespmem:s13], [sflag:$0x3], $0x80, s16, s12, $0xb8;
	[tilespmem:$0x1C8C0] =	vst v63  }
0x4c: {  	_ =	swait.ge [sflag:s23], $0x4000  }
0x4d: {  	[sflag:s23] =	ssyncset.done $0x0  }
0x4e: {  	s15 =	sadd.s32 $0x100, s30;
	[sflag:s23] =	ssyncadd.s32 $0xFFFFC000  }
0x4f: {  	[tilespmem:s13], [sflag:$0x1] =	stream.indirect.gather [hbm4b:s5+s12], $0x80, s15, s12, $0xb8;
	[tilespmem:$0x1C8C0] =	vst v63  }
0x50: {  	_ =	swait.ge [sflag:s24], $0x4000  }
0x51: {  	[sflag:s24] =	ssyncset.done $0x0  }
0x52: {  	s16 =	sadd.s32 $0x880, s30;
	[sflag:s24] =	ssyncadd.s32 $0xFFFFC000  }
0x53: {  	[spmem:s3] =	stream.indirect.scatter.add.f32 [tilespmem:s22], [sflag:$0x4], $0x80, s16, s12, $0xb8;
	[tilespmem:$0x1C8C0] =	vst v63  }
0x54: {  	_ =	swait.ge [sflag:s25], $0x4000  }
0x55: {  	[sflag:s25] =	ssyncset.done $0x0  }
0x56: {  	s15 =	sadd.s32 $0x180, s30;
	[sflag:s25] =	ssyncadd.s32 $0xFFFFC000  }
0x57: {  	[tilespmem:s22], [sflag:$0x2] =	stream.indirect.gather [hbm4b:s5+s12], $0x80, s15, s12, $0xb8;
	[tilespmem:$0x1C8C0] =	vst v63  }
0x58: {  	_ =	swait.ge [sflag:s0], $0x4000  }
0x59: {  	[sflag:s0] =	ssyncset.done $0x0  }
0x5a: {  	s16 =	sadd.s32 $0x900, s30;
	[sflag:s0] =	ssyncadd.s32 $0xFFFFC000  }
0x5b: {  	[spmem:s3] =	stream.indirect.scatter.add.f32 [tilespmem:s13], [sflag:$0x3], $0x80, s16, s12, $0xb8;
	[tilespmem:$0x1C8C0] =	vst v63  }
0x5c: {  	_ =	swait.ge [sflag:s23], $0x4000  }
0x5d: {  	[sflag:s23] =	ssyncset.done $0x0  }
0x5e: {  	s15 =	sadd.s32 $0x200, s30;
	[sflag:s23] =	ssyncadd.s32 $0xFFFFC000  }
0x5f: {  	[tilespmem:s13], [sflag:$0x1] =	stream.indirect.gather [hbm4b:s5+s12], $0x80, s15, s12, $0xb8;
	[tilespmem:$0x1C8C0] =	vst v63  }
0x60: {  	_ =	swait.ge [sflag:s24], $0x4000  }
0x61: {  	[sflag:s24] =	ssyncset.done $0x0  }
0x62: {  	s16 =	sadd.s32 $0x980, s30;
	[sflag:s24] =	ssyncadd.s32 $0xFFFFC000  }
0x63: {  	[spmem:s3] =	stream.indirect.scatter.add.f32 [tilespmem:s22], [sflag:$0x4], $0x80, s16, s12, $0xb8;
	[tilespmem:$0x1C8C0] =	vst v63  }
0x64: {  	_ =	swait.ge [sflag:s25], $0x4000  }
0x65: {  	[sflag:s25] =	ssyncset.done $0x0  }
0x66: {  	s15 =	sadd.s32 $0x280, s30;
	[sflag:s25] =	ssyncadd.s32 $0xFFFFC000  }
0x67: {  	[tilespmem:s22], [sflag:$0x2] =	stream.indirect.gather [hbm4b:s5+s12], $0x80, s15, s12, $0xb8;
	[tilespmem:$0x1C8C0] =	vst v63  }
0x68: {  	_ =	swait.ge [sflag:s0], $0x4000  }
0x69: {  	[sflag:s0] =	ssyncset.done $0x0  }
0x6a: {  	s16 =	sadd.s32 $0xA00, s30;
	[sflag:s0] =	ssyncadd.s32 $0xFFFFC000  }
0x6b: {  	[spmem:s3] =	stream.indirect.scatter.add.f32 [tilespmem:s13], [sflag:$0x3], $0x80, s16, s12, $0xb8;
	[tilespmem:$0x1C8C0] =	vst v63  }
0x6c: {  	_ =	swait.ge [sflag:s23], $0x4000  }
0x6d: {  	[sflag:s23] =	ssyncset.done $0x0  }
0x6e: {  	s15 =	sadd.s32 $0x300, s30;
	[sflag:s23] =	ssyncadd.s32 $0xFFFFC000  }
0x6f: {  	[tilespmem:s13], [sflag:$0x1] =	stream.indirect.gather [hbm4b:s5+s12], $0x80, s15, s12, $0xb8;
	[tilespmem:$0x1C8C0] =	vst v63  }
0x70: {  	_ =	swait.ge [sflag:s24], $0x4000  }
0x71: {  	[sflag:s24] =	ssyncset.done $0x0  }
0x72: {  	s16 =	sadd.s32 $0xA80, s30;
	[sflag:s24] =	ssyncadd.s32 $0xFFFFC000  }
0x73: {  	[spmem:s3] =	stream.indirect.scatter.add.f32 [tilespmem:s22], [sflag:$0x4], $0x80, s16, s12, $0xb8;
	[tilespmem:$0x1C8C0] =	vst v63  }
0x74: {  	_ =	swait.ge [sflag:s25], $0x4000  }
0x75: {  	[sflag:s25] =	ssyncset.done $0x0  }
0x76: {  	s15 =	sadd.s32 $0x380, s30;
	[sflag:s25] =	ssyncadd.s32 $0xFFFFC000  }
0x77: {  	[tilespmem:s22], [sflag:$0x2] =	stream.indirect.gather [hbm4b:s5+s12], $0x80, s15, s12, $0xb8;
	[tilespmem:$0x1C8C0] =	vst v63  }
0x78: {  	_ =	swait.ge [sflag:s0], $0x4000  }
0x79: {  	[sflag:s0] =	ssyncset.done $0x0  }
0x7a: {  	p2 =	slt.u32 s26, $0xA;
	s16 =	sadd.s32 $0xB00, s30;
	[sflag:s0] =	ssyncadd.s32 $0xFFFFC000  }
0x7b: {  	[spmem:s3] =	stream.indirect.scatter.add.f32 [tilespmem:s13], [sflag:$0x3], $0x80, s16, s12, $0xb8;
	[tilespmem:$0x1C8C0] =	vst v63  }
.Ltmp4:
0x7c: {  	_ = 	snop;
	(pc) =	sbr.rel @!p2 .LBB2_5-.Ltmp4, $4  }
0x7d: {  	_ =	swait.ge [sflag:s24], $0x4000  }
0x7e: {  	[sflag:s24] =	ssyncset.done $0x0  }
0x7f: {  	s7 =	smov.u32 s26;
	s30 =	sadd.s32 $0xB80, s30;
	[sflag:s24] =	ssyncadd.s32 $0xFFFFC000  }
0x80: {  	[spmem:s3] =	stream.indirect.scatter.add.f32 [tilespmem:s22], [sflag:$0x4], $0x80, s30, s12, $0xb8;
	[tilespmem:$0x1C8C0] =	vst v63  }
.LBB2_2:
0x81: {  	_ =	swait.ge [sflag:s31], $0x400  }
0x82: {  	[sflag:s31] =	ssyncset.done $0x0  }
0x83: {  	[sflag:s31] =	ssyncadd.s32 $0xFFFFFC00  }
0x84: {  	_ =	swait.ge [sflag:s31], $0x400  }
0x85: {  	p2 =	seq.s32 s7, $0x0;
	[sflag:s31] =	ssyncset.done $0x0  }
0x86: {  	s26 =	simm.s32 @!p2 $0x3;
	p3 =	seq.s32 @!p2 s7, $0x9;
	[sflag:s31] =	ssyncadd.s32 $0xFFFFFC00  }
0x87: {  	p3 =	por p2, !p3;
	_ =	swait.ge @!p2 [sflag:s26], $0x4000  }
.Ltmp5:
0x88: {  	[sflag:s26] =	ssyncset.done @!p2 $0x0;
	(pc) =	sbr.rel @!p3 .LBB2_4-.Ltmp5, $4  }
0x89: {  	[sflag:s26] =	ssyncadd.s32 @!p2 $0xFFFFC000;
	s26 =	simm.s32 @!p2 $0x4  }
0x8a: {  	_ =	swait.ge @!p2 [sflag:s26], $0x4000  }
0x8b: {  	s30 =	sshll.u32 s7, $0xA;
	[sflag:s26] =	ssyncset.done @!p2 $0x0  }
0x8c: {  	s30 =	sand.u32 $0x400, s30;
	[sflag:s26] =	ssyncadd.s32 @!p2 $0xFFFFC000;
	s26 =	simm.s32 @!p2 $0xA  }
0x8d: {  	s26 =	sadd.s32 @!p2 $0x1, s7  }
0x8e: {  	s26 =	simm.s32 @p2 $0x1  }
0x8f: {  	s15 =	sadd.s32 s29, s26  }
.Ltmp6:
0x90: {  	s7 =	sshll.u32 s15, $0x7;
	(pc) =	sbr.rel .LBB2_4-.Ltmp6, $4  }
0x91: {  	s15 =	ssub.s32 $0x400, s30;
	s16 =	sadd.s32 s8, s7  }
0x92: {  	[tilespmem:s15], [sflag:$0x5] =	stream.linear.gather [hbm4b:s16+s4], $0x400, $0x38;
	[tilespmem:$0x1C8C0] =	vst v63  }
0x93: {  	s7 =	sadd.s32 s9, s7;
	s16 =	ssub.s32 $0xC00, s30  }
0x94: {  	[tilespmem:s16], [sflag:$0x5] =	stream.linear.gather [hbm4b:s7+s4], $0x400, $0x38;
	[tilespmem:$0x1C8C0] =	vst v63  }
.LBB2_9:
0x95: {  	[tilespmem:s13], [sflag:$0x1] =	stream.indirect.gather [hbm4b:s6+s12], $0x80, s30, s12, $0xb8;
	[tilespmem:$0x1C8C0] =	vst v63  }
0x96: {  	s15 =	sadd.s32 $0x80, s30  }
0x97: {  	[tilespmem:s22], [sflag:$0x2] =	stream.indirect.gather [hbm4b:s6+s12], $0x80, s15, s12, $0xb8;
	[tilespmem:$0x1C8C0] =	vst v63  }
0x98: {  	_ =	swait.ge [sflag:s0], $0x4000  }
0x99: {  	[sflag:s0] =	ssyncset.done $0x0  }
0x9a: {  	s26 =	sor.u32 $0x800, s30;
	[sflag:s0] =	ssyncadd.s32 $0xFFFFC000  }
0x9b: {  	[spmem:s3] =	stream.indirect.scatter.add.f32 [tilespmem:s13], [sflag:$0x3], $0x80, s26, s12, $0xb8;
	[tilespmem:$0x1C8C0] =	vst v63  }
0x9c: {  	_ =	swait.ge [sflag:s23], $0x4000  }
0x9d: {  	[sflag:s23] =	ssyncset.done $0x0  }
0x9e: {  	s16 =	sadd.s32 $0x100, s30;
	[sflag:s23] =	ssyncadd.s32 $0xFFFFC000  }
0x9f: {  	[tilespmem:s13], [sflag:$0x1] =	stream.indirect.gather [hbm4b:s6+s12], $0x80, s16, s12, $0xb8;
	[tilespmem:$0x1C8C0] =	vst v63  }
0xa0: {  	_ =	swait.ge [sflag:s24], $0x4000  }
0xa1: {  	[sflag:s24] =	ssyncset.done $0x0  }
0xa2: {  	s26 =	sadd.s32 $0x880, s30;
	[sflag:s24] =	ssyncadd.s32 $0xFFFFC000  }
0xa3: {  	[spmem:s3] =	stream.indirect.scatter.add.f32 [tilespmem:s22], [sflag:$0x4], $0x80, s26, s12, $0xb8;
	[tilespmem:$0x1C8C0] =	vst v63  }
0xa4: {  	_ =	swait.ge [sflag:s25], $0x4000  }
0xa5: {  	[sflag:s25] =	ssyncset.done $0x0  }
0xa6: {  	s16 =	sadd.s32 $0x180, s30;
	[sflag:s25] =	ssyncadd.s32 $0xFFFFC000  }
0xa7: {  	[tilespmem:s22], [sflag:$0x2] =	stream.indirect.gather [hbm4b:s6+s12], $0x80, s16, s12, $0xb8;
	[tilespmem:$0x1C8C0] =	vst v63  }
0xa8: {  	_ =	swait.ge [sflag:s0], $0x4000  }
0xa9: {  	[sflag:s0] =	ssyncset.done $0x0  }
0xaa: {  	s26 =	sadd.s32 $0x900, s30;
	[sflag:s0] =	ssyncadd.s32 $0xFFFFC000  }
0xab: {  	[spmem:s3] =	stream.indirect.scatter.add.f32 [tilespmem:s13], [sflag:$0x3], $0x80, s26, s12, $0xb8;
	[tilespmem:$0x1C8C0] =	vst v63  }
0xac: {  	_ =	swait.ge [sflag:s23], $0x4000  }
0xad: {  	[sflag:s23] =	ssyncset.done $0x0  }
0xae: {  	s16 =	sadd.s32 $0x200, s30;
	[sflag:s23] =	ssyncadd.s32 $0xFFFFC000  }
0xaf: {  	[tilespmem:s13], [sflag:$0x1] =	stream.indirect.gather [hbm4b:s6+s12], $0x80, s16, s12, $0xb8;
	[tilespmem:$0x1C8C0] =	vst v63  }
0xb0: {  	_ =	swait.ge [sflag:s24], $0x4000  }
0xb1: {  	[sflag:s24] =	ssyncset.done $0x0  }
0xb2: {  	s26 =	sadd.s32 $0x980, s30;
	[sflag:s24] =	ssyncadd.s32 $0xFFFFC000  }
0xb3: {  	[spmem:s3] =	stream.indirect.scatter.add.f32 [tilespmem:s22], [sflag:$0x4], $0x80, s26, s12, $0xb8;
	[tilespmem:$0x1C8C0] =	vst v63  }
0xb4: {  	_ =	swait.ge [sflag:s25], $0x4000  }
0xb5: {  	[sflag:s25] =	ssyncset.done $0x0  }
0xb6: {  	s16 =	sadd.s32 $0x280, s30;
	[sflag:s25] =	ssyncadd.s32 $0xFFFFC000  }
0xb7: {  	[tilespmem:s22], [sflag:$0x2] =	stream.indirect.gather [hbm4b:s6+s12], $0x80, s16, s12, $0xb8;
	[tilespmem:$0x1C8C0] =	vst v63  }
0xb8: {  	_ =	swait.ge [sflag:s0], $0x4000  }
0xb9: {  	[sflag:s0] =	ssyncset.done $0x0  }
0xba: {  	s26 =	sadd.s32 $0xA00, s30;
	[sflag:s0] =	ssyncadd.s32 $0xFFFFC000  }
0xbb: {  	[spmem:s3] =	stream.indirect.scatter.add.f32 [tilespmem:s13], [sflag:$0x3], $0x80, s26, s12, $0xb8;
	[tilespmem:$0x1C8C0] =	vst v63  }
0xbc: {  	_ =	swait.ge [sflag:s23], $0x4000  }
0xbd: {  	[sflag:s23] =	ssyncset.done $0x0  }
0xbe: {  	s16 =	sadd.s32 $0x300, s30;
	[sflag:s23] =	ssyncadd.s32 $0xFFFFC000  }
0xbf: {  	[tilespmem:s13], [sflag:$0x1] =	stream.indirect.gather [hbm4b:s6+s12], $0x80, s16, s12, $0xb8;
	[tilespmem:$0x1C8C0] =	vst v63  }
0xc0: {  	_ =	swait.ge [sflag:s24], $0x4000  }
0xc1: {  	[sflag:s24] =	ssyncset.done $0x0  }
0xc2: {  	s26 =	sadd.s32 $0xA80, s30;
	[sflag:s24] =	ssyncadd.s32 $0xFFFFC000  }
0xc3: {  	[spmem:s3] =	stream.indirect.scatter.add.f32 [tilespmem:s22], [sflag:$0x4], $0x80, s26, s12, $0xb8;
	[tilespmem:$0x1C8C0] =	vst v63  }
0xc4: {  	_ =	swait.ge [sflag:s25], $0x4000  }
0xc5: {  	[sflag:s25] =	ssyncset.done $0x0  }
0xc6: {  	s16 =	sadd.s32 $0x380, s30;
	[sflag:s25] =	ssyncadd.s32 $0xFFFFC000  }
0xc7: {  	[tilespmem:s22], [sflag:$0x2] =	stream.indirect.gather [hbm4b:s6+s12], $0x80, s16, s12, $0xb8;
	[tilespmem:$0x1C8C0] =	vst v63  }
0xc8: {  	_ =	swait.ge [sflag:s0], $0x4000  }
0xc9: {  	[sflag:s0] =	ssyncset.done $0x0  }
0xca: {  	p2 =	slt.u32 s7, $0xA;
	s26 =	sadd.s32 $0xB00, s30;
	[sflag:s0] =	ssyncadd.s32 $0xFFFFC000  }
0xcb: {  	[spmem:s3] =	stream.indirect.scatter.add.f32 [tilespmem:s13], [sflag:$0x3], $0x80, s26, s12, $0xb8;
	[tilespmem:$0x1C8C0] =	vst v63  }
.Ltmp7:
0xcc: {  	_ = 	snop;
	(pc) =	sbr.rel @!p2 .LBB2_10-.Ltmp7, $4  }
0xcd: {  	_ =	swait.ge [sflag:s24], $0x4000  }
0xce: {  	[sflag:s24] =	ssyncset.done $0x0  }
0xcf: {  	s30 =	sadd.s32 $0xB80, s30;
	s26 =	smov.u32 s7;
	[sflag:s24] =	ssyncadd.s32 $0xFFFFC000  }
0xd0: {  	[spmem:s3] =	stream.indirect.scatter.add.f32 [tilespmem:s22], [sflag:$0x4], $0x80, s30, s12, $0xb8;
	[tilespmem:$0x1C8C0] =	vst v63  }
.LBB2_7:
0xd1: {  	_ =	swait.ge [sflag:s31], $0x400  }
0xd2: {  	[sflag:s31] =	ssyncset.done $0x0  }
0xd3: {  	[sflag:s31] =	ssyncadd.s32 $0xFFFFFC00  }
0xd4: {  	_ =	swait.ge [sflag:s31], $0x400  }
0xd5: {  	p2 =	seq.s32 s26, $0x0;
	[sflag:s31] =	ssyncset.done $0x0  }
0xd6: {  	s7 =	simm.s32 @!p2 $0x3;
	p3 =	seq.s32 @!p2 s26, $0x9;
	[sflag:s31] =	ssyncadd.s32 $0xFFFFFC00  }
0xd7: {  	p3 =	por p2, !p3;
	_ =	swait.ge @!p2 [sflag:s7], $0x4000  }
.Ltmp8:
0xd8: {  	[sflag:s7] =	ssyncset.done @!p2 $0x0;
	(pc) =	sbr.rel @!p3 .LBB2_9-.Ltmp8, $4  }
0xd9: {  	[sflag:s7] =	ssyncadd.s32 @!p2 $0xFFFFC000;
	s7 =	simm.s32 @!p2 $0x4  }
0xda: {  	_ =	swait.ge @!p2 [sflag:s7], $0x4000  }
0xdb: {  	s15 =	sshll.u32 s26, $0xA;
	[sflag:s7] =	ssyncset.done @!p2 $0x0  }
0xdc: {  	s30 =	sand.u32 $0x400, s15;
	[sflag:s7] =	ssyncadd.s32 @!p2 $0xFFFFC000;
	s7 =	simm.s32 @!p2 $0xA  }
0xdd: {  	s7 =	sadd.s32 @!p2 $0x1, s26  }
0xde: {  	s7 =	simm.s32 @p2 $0x1  }
0xdf: {  	s15 =	sadd.s32 s29, s7  }
.Ltmp9:
0xe0: {  	s15 =	sshll.u32 s15, $0x7;
	(pc) =	sbr.rel .LBB2_9-.Ltmp9, $4  }
0xe1: {  	s16 =	ssub.s32 $0x400, s30;
	s26 =	sadd.s32 s8, s15  }
0xe2: {  	[tilespmem:s16], [sflag:$0x5] =	stream.linear.gather [hbm4b:s26+s4], $0x400, $0x38;
	[tilespmem:$0x1C8C0] =	vst v63  }
0xe3: {  	s15 =	sadd.s32 s9, s15;
	s26 =	ssub.s32 $0xC00, s30  }
0xe4: {  	[tilespmem:s26], [sflag:$0x5] =	stream.linear.gather [hbm4b:s15+s4], $0x400, $0x38;
	[tilespmem:$0x1C8C0] =	vst v63  }
.LBB2_5:
0xe5: {  	_ =	swait.ge [sflag:s23], $0x4000  }
0xe6: {  	[sflag:s23] =	ssyncset.done $0x0  }
0xe7: {  	[sflag:s23] =	ssyncadd.s32 $0xFFFFC000  }
.Ltmp10:
0xe8: {  	_ =	swait.ge [sflag:s25], $0x4000;
	(pc) =	sbr.rel @p1 .LBB2_6-.Ltmp10, $4  }
0xe9: {  	[sflag:s25] =	ssyncset.done $0x0  }
0xea: {  	[sflag:s25] =	ssyncadd.s32 $0xFFFFC000  }
0xeb: {  	[bflag:$0x0] =	sbarrier.arrive $0xFFFF  }
0xec: {  	s7 =	rddreg [dreg:$0x5]  }
.LBB2_11:
0xed: {  	s15 =	stileid.u32;
	s16 =	rddreg [dreg:$0x7]  }
0xee: {  	s26 =	rddreg [dreg:$0x8];
	s15 =	sshll.u32 s15, $0x6  }
0xef: {  	s7 =	sadd.s32 s7, s16;
	s16 =	sshrl.u32 s26, $0x3;
	s15 =	sor.u32 $0x1C06, s15  }
0xf0: {  	[hbm:s7], [sflag:s15] =	dma.local [spmem:s16], $0x2780  }
0xf1: {  	_ =	swait.ge [sflag:s14], $0x2780  }
0xf2: {  	[sflag:s14] =	ssyncset.done $0x0  }
.Ltmp11:
0xf3: {  	s30 =	rddreg [dreg:$0x9];
	[sflag:s14] =	ssyncadd.s32 $0xFFFFD880;
	(pc) =	sbr.rel .LBB2_12-.Ltmp11, $4  }
0xf4: {  	[spmem:s16], [sflag:s15] =	dma.local [hbm:s30], $0x2780  }
0xf5: {  	_ =	swait.ge [sflag:s14], $0x2780  }
0xf6: {  	[sflag:s14] =	ssyncset.done $0x0  }
0xf7: {  	[sflag:s14] =	ssyncadd.s32 $0xFFFFD880  }
.LBB2_10:
0xf8: {  	_ =	swait.ge [sflag:s23], $0x4000  }
0xf9: {  	[sflag:s23] =	ssyncset.done $0x0  }
0xfa: {  	[sflag:s23] =	ssyncadd.s32 $0xFFFFC000  }
.Ltmp12:
0xfb: {  	_ =	swait.ge [sflag:s25], $0x4000;
	(pc) =	sbr.rel @!p1 .LBB2_11-.Ltmp12, $4  }
0xfc: {  	[sflag:s25] =	ssyncset.done $0x0  }
0xfd: {  	[sflag:s25] =	ssyncadd.s32 $0xFFFFC000  }
0xfe: {  	[bflag:$0x0] =	sbarrier.arrive $0xFFFF  }
0xff: {  	s7 =	rddreg [dreg:$0x6]  }
.LBB2_6:
0x100: {  	s7 =	sadd.s32 $0x25080, s7;
	s15 =	sshrl.u32 s28, $0x3;
	s16 =	simm.s32 $0x1FC6  }
0x101: {  	[hbm:s7], [sflag:s16] =	dma.local [spmem:s15], $0x2080  }
0x102: {  	s30 =	stileid.u32;
	_ =	swait.ge [sflag:s14], $0x2080  }
0x103: {  	s7 =	sshll.u32 s30, $0x6;
	[sflag:s14] =	ssyncset.done $0x0  }
0x104: {  	s7 =	sor.u32 $0x1C06, s7;
	[sflag:s14] =	ssyncadd.s32 $0xFFFFDF80  }
0x105: {  	[spmem:s15], [sflag:s7] =	dma.local [hbm:s17], $0x2080  }
0x106: {  	_ =	swait.ge [sflag:s14], $0x2080  }
0x107: {  	[sflag:s14] =	ssyncset.done $0x0  }
0x108: {  	[sflag:s14] =	ssyncadd.s32 $0xFFFFDF80  }
.LBB2_12:
.Ltmp13:
0x109: {  	[bflag:$0x0] =	sbarrier.arrive $0xFFFF;
	(pc) =	sbr.rel @p0 .LBB2_17-.Ltmp13, $4  }
.Ltmp14:
0x10a: {  	s26 =	simm.s32 $0x0;
	s7 =	rddreg [dreg:$0xc];
	(pc) =	sbr.rel @!p0 .LBB2_13-.Ltmp14, $4  }
0x10b: {  	[tilespmem:s26], [sflag:$0x5] =	stream.linear.gather [hbm4b:s7+s26], $0x400, $0x38;
	[tilespmem:$0x1C8C0] =	vst v63  }
0x10c: {  	s15 =	simm.s32 $0x800;
	s30 =	rddreg [dreg:$0xd]  }
0x10d: {  	[tilespmem:s15], [sflag:$0x5] =	stream.linear.gather [hbm4b:s30+s26], $0x400, $0x38;
	[tilespmem:$0x1C8C0] =	vst v63  }
0x10e: {  	_ = 	snop  }
.LBB2_15:
0x10f: {  	[tilespmem:s13], [sflag:$0x1] =	stream.indirect.gather [hbm4b:s1+s12], $0x80, s30, s12, $0xb8;
	[tilespmem:$0x1C8C0] =	vst v63  }
0x110: {  	s15 =	sadd.s32 $0x80, s30  }
0x111: {  	[tilespmem:s22], [sflag:$0x2] =	stream.indirect.gather [hbm4b:s1+s12], $0x80, s15, s12, $0xb8;
	[tilespmem:$0x1C8C0] =	vst v63  }
0x112: {  	_ =	swait.ge [sflag:s0], $0x4000  }
0x113: {  	[sflag:s0] =	ssyncset.done $0x0  }
0x114: {  	s26 =	sor.u32 $0x800, s30;
	[sflag:s0] =	ssyncadd.s32 $0xFFFFC000  }
0x115: {  	[spmem:s3] =	stream.indirect.scatter.add.f32 [tilespmem:s13], [sflag:$0x3], $0x80, s26, s12, $0xb8;
	[tilespmem:$0x1C8C0] =	vst v63  }
0x116: {  	_ =	swait.ge [sflag:s23], $0x4000  }
0x117: {  	[sflag:s23] =	ssyncset.done $0x0  }
0x118: {  	s16 =	sadd.s32 $0x100, s30;
	[sflag:s23] =	ssyncadd.s32 $0xFFFFC000  }
0x119: {  	[tilespmem:s13], [sflag:$0x1] =	stream.indirect.gather [hbm4b:s1+s12], $0x80, s16, s12, $0xb8;
	[tilespmem:$0x1C8C0] =	vst v63  }
0x11a: {  	_ =	swait.ge [sflag:s24], $0x4000  }
0x11b: {  	[sflag:s24] =	ssyncset.done $0x0  }
0x11c: {  	s26 =	sadd.s32 $0x880, s30;
	[sflag:s24] =	ssyncadd.s32 $0xFFFFC000  }
0x11d: {  	[spmem:s3] =	stream.indirect.scatter.add.f32 [tilespmem:s22], [sflag:$0x4], $0x80, s26, s12, $0xb8;
	[tilespmem:$0x1C8C0] =	vst v63  }
0x11e: {  	_ =	swait.ge [sflag:s25], $0x4000  }
0x11f: {  	[sflag:s25] =	ssyncset.done $0x0  }
0x120: {  	s16 =	sadd.s32 $0x180, s30;
	[sflag:s25] =	ssyncadd.s32 $0xFFFFC000  }
0x121: {  	[tilespmem:s22], [sflag:$0x2] =	stream.indirect.gather [hbm4b:s1+s12], $0x80, s16, s12, $0xb8;
	[tilespmem:$0x1C8C0] =	vst v63  }
0x122: {  	_ =	swait.ge [sflag:s0], $0x4000  }
0x123: {  	[sflag:s0] =	ssyncset.done $0x0  }
0x124: {  	s26 =	sadd.s32 $0x900, s30;
	[sflag:s0] =	ssyncadd.s32 $0xFFFFC000  }
0x125: {  	[spmem:s3] =	stream.indirect.scatter.add.f32 [tilespmem:s13], [sflag:$0x3], $0x80, s26, s12, $0xb8;
	[tilespmem:$0x1C8C0] =	vst v63  }
0x126: {  	_ =	swait.ge [sflag:s23], $0x4000  }
0x127: {  	[sflag:s23] =	ssyncset.done $0x0  }
0x128: {  	s16 =	sadd.s32 $0x200, s30;
	[sflag:s23] =	ssyncadd.s32 $0xFFFFC000  }
0x129: {  	[tilespmem:s13], [sflag:$0x1] =	stream.indirect.gather [hbm4b:s1+s12], $0x80, s16, s12, $0xb8;
	[tilespmem:$0x1C8C0] =	vst v63  }
0x12a: {  	_ =	swait.ge [sflag:s24], $0x4000  }
0x12b: {  	[sflag:s24] =	ssyncset.done $0x0  }
0x12c: {  	s26 =	sadd.s32 $0x980, s30;
	[sflag:s24] =	ssyncadd.s32 $0xFFFFC000  }
0x12d: {  	[spmem:s3] =	stream.indirect.scatter.add.f32 [tilespmem:s22], [sflag:$0x4], $0x80, s26, s12, $0xb8;
	[tilespmem:$0x1C8C0] =	vst v63  }
0x12e: {  	_ =	swait.ge [sflag:s25], $0x4000  }
0x12f: {  	[sflag:s25] =	ssyncset.done $0x0  }
0x130: {  	s16 =	sadd.s32 $0x280, s30;
	[sflag:s25] =	ssyncadd.s32 $0xFFFFC000  }
0x131: {  	[tilespmem:s22], [sflag:$0x2] =	stream.indirect.gather [hbm4b:s1+s12], $0x80, s16, s12, $0xb8;
	[tilespmem:$0x1C8C0] =	vst v63  }
0x132: {  	_ =	swait.ge [sflag:s0], $0x4000  }
0x133: {  	[sflag:s0] =	ssyncset.done $0x0  }
0x134: {  	s26 =	sadd.s32 $0xA00, s30;
	[sflag:s0] =	ssyncadd.s32 $0xFFFFC000  }
0x135: {  	[spmem:s3] =	stream.indirect.scatter.add.f32 [tilespmem:s13], [sflag:$0x3], $0x80, s26, s12, $0xb8;
	[tilespmem:$0x1C8C0] =	vst v63  }
0x136: {  	_ =	swait.ge [sflag:s23], $0x4000  }
0x137: {  	[sflag:s23] =	ssyncset.done $0x0  }
0x138: {  	s16 =	sadd.s32 $0x300, s30;
	[sflag:s23] =	ssyncadd.s32 $0xFFFFC000  }
0x139: {  	[tilespmem:s13], [sflag:$0x1] =	stream.indirect.gather [hbm4b:s1+s12], $0x80, s16, s12, $0xb8;
	[tilespmem:$0x1C8C0] =	vst v63  }
0x13a: {  	_ =	swait.ge [sflag:s24], $0x4000  }
0x13b: {  	[sflag:s24] =	ssyncset.done $0x0  }
0x13c: {  	s26 =	sadd.s32 $0xA80, s30;
	[sflag:s24] =	ssyncadd.s32 $0xFFFFC000  }
0x13d: {  	[spmem:s3] =	stream.indirect.scatter.add.f32 [tilespmem:s22], [sflag:$0x4], $0x80, s26, s12, $0xb8;
	[tilespmem:$0x1C8C0] =	vst v63  }
0x13e: {  	_ =	swait.ge [sflag:s25], $0x4000  }
0x13f: {  	[sflag:s25] =	ssyncset.done $0x0  }
0x140: {  	s16 =	sadd.s32 $0x380, s30;
	[sflag:s25] =	ssyncadd.s32 $0xFFFFC000  }
0x141: {  	[tilespmem:s22], [sflag:$0x2] =	stream.indirect.gather [hbm4b:s1+s12], $0x80, s16, s12, $0xb8;
	[tilespmem:$0x1C8C0] =	vst v63  }
0x142: {  	_ =	swait.ge [sflag:s0], $0x4000  }
0x143: {  	[sflag:s0] =	ssyncset.done $0x0  }
0x144: {  	p2 =	slt.u32 s7, $0xA;
	s26 =	sadd.s32 $0xB00, s30;
	[sflag:s0] =	ssyncadd.s32 $0xFFFFC000  }
0x145: {  	[spmem:s3] =	stream.indirect.scatter.add.f32 [tilespmem:s13], [sflag:$0x3], $0x80, s26, s12, $0xb8;
	[tilespmem:$0x1C8C0] =	vst v63  }
.Ltmp15:
0x146: {  	_ = 	snop;
	(pc) =	sbr.rel @!p2 .LBB2_16-.Ltmp15, $4  }
0x147: {  	_ =	swait.ge [sflag:s24], $0x4000  }
0x148: {  	[sflag:s24] =	ssyncset.done $0x0  }
0x149: {  	s30 =	sadd.s32 $0xB80, s30;
	s26 =	smov.u32 s7;
	[sflag:s24] =	ssyncadd.s32 $0xFFFFC000  }
0x14a: {  	[spmem:s3] =	stream.indirect.scatter.add.f32 [tilespmem:s22], [sflag:$0x4], $0x80, s30, s12, $0xb8;
	[tilespmem:$0x1C8C0] =	vst v63  }
.LBB2_13:
0x14b: {  	_ =	swait.ge [sflag:s31], $0x400  }
0x14c: {  	[sflag:s31] =	ssyncset.done $0x0  }
0x14d: {  	[sflag:s31] =	ssyncadd.s32 $0xFFFFFC00  }
0x14e: {  	_ =	swait.ge [sflag:s31], $0x400  }
0x14f: {  	p2 =	seq.s32 s26, $0x0;
	[sflag:s31] =	ssyncset.done $0x0  }
0x150: {  	s7 =	simm.s32 @!p2 $0x3;
	p3 =	seq.s32 @!p2 s26, $0x9;
	[sflag:s31] =	ssyncadd.s32 $0xFFFFFC00  }
0x151: {  	p3 =	por p2, !p3;
	_ =	swait.ge @!p2 [sflag:s7], $0x4000  }
.Ltmp16:
0x152: {  	[sflag:s7] =	ssyncset.done @!p2 $0x0;
	(pc) =	sbr.rel @!p3 .LBB2_15-.Ltmp16, $4  }
0x153: {  	[sflag:s7] =	ssyncadd.s32 @!p2 $0xFFFFC000;
	s7 =	simm.s32 @!p2 $0x4  }
0x154: {  	_ =	swait.ge @!p2 [sflag:s7], $0x4000  }
0x155: {  	s15 =	sshll.u32 s26, $0xA;
	[sflag:s7] =	ssyncset.done @!p2 $0x0  }
0x156: {  	s30 =	sand.u32 $0x400, s15;
	[sflag:s7] =	ssyncadd.s32 @!p2 $0xFFFFC000;
	s7 =	simm.s32 @!p2 $0xA  }
0x157: {  	s7 =	sadd.s32 @!p2 $0x1, s26  }
0x158: {  	s7 =	simm.s32 @p2 $0x1  }
0x159: {  	s15 =	sadd.s32 s29, s7  }
.Ltmp17:
0x15a: {  	s15 =	sshll.u32 s15, $0x7;
	(pc) =	sbr.rel .LBB2_15-.Ltmp17, $4  }
0x15b: {  	s16 =	ssub.s32 $0x400, s30;
	s26 =	sadd.s32 s10, s15  }
0x15c: {  	[tilespmem:s16], [sflag:$0x5] =	stream.linear.gather [hbm4b:s26+s4], $0x400, $0x38;
	[tilespmem:$0x1C8C0] =	vst v63  }
0x15d: {  	s15 =	sadd.s32 s11, s15;
	s26 =	ssub.s32 $0xC00, s30  }
0x15e: {  	[tilespmem:s26], [sflag:$0x5] =	stream.linear.gather [hbm4b:s15+s4], $0x400, $0x38;
	[tilespmem:$0x1C8C0] =	vst v63  }
.LBB2_19:
0x15f: {  	[tilespmem:s13], [sflag:$0x1] =	stream.indirect.gather [hbm4b:s2+s12], $0x80, s30, s12, $0xb8;
	[tilespmem:$0x1C8C0] =	vst v63  }
0x160: {  	s15 =	sadd.s32 $0x80, s30  }
0x161: {  	[tilespmem:s22], [sflag:$0x2] =	stream.indirect.gather [hbm4b:s2+s12], $0x80, s15, s12, $0xb8;
	[tilespmem:$0x1C8C0] =	vst v63  }
0x162: {  	_ =	swait.ge [sflag:s0], $0x4000  }
0x163: {  	[sflag:s0] =	ssyncset.done $0x0  }
0x164: {  	s26 =	sor.u32 $0x800, s30;
	[sflag:s0] =	ssyncadd.s32 $0xFFFFC000  }
0x165: {  	[spmem:s3] =	stream.indirect.scatter.add.f32 [tilespmem:s13], [sflag:$0x3], $0x80, s26, s12, $0xb8;
	[tilespmem:$0x1C8C0] =	vst v63  }
0x166: {  	_ =	swait.ge [sflag:s23], $0x4000  }
0x167: {  	[sflag:s23] =	ssyncset.done $0x0  }
0x168: {  	s16 =	sadd.s32 $0x100, s30;
	[sflag:s23] =	ssyncadd.s32 $0xFFFFC000  }
0x169: {  	[tilespmem:s13], [sflag:$0x1] =	stream.indirect.gather [hbm4b:s2+s12], $0x80, s16, s12, $0xb8;
	[tilespmem:$0x1C8C0] =	vst v63  }
0x16a: {  	_ =	swait.ge [sflag:s24], $0x4000  }
0x16b: {  	[sflag:s24] =	ssyncset.done $0x0  }
0x16c: {  	s26 =	sadd.s32 $0x880, s30;
	[sflag:s24] =	ssyncadd.s32 $0xFFFFC000  }
0x16d: {  	[spmem:s3] =	stream.indirect.scatter.add.f32 [tilespmem:s22], [sflag:$0x4], $0x80, s26, s12, $0xb8;
	[tilespmem:$0x1C8C0] =	vst v63  }
0x16e: {  	_ =	swait.ge [sflag:s25], $0x4000  }
0x16f: {  	[sflag:s25] =	ssyncset.done $0x0  }
0x170: {  	s16 =	sadd.s32 $0x180, s30;
	[sflag:s25] =	ssyncadd.s32 $0xFFFFC000  }
0x171: {  	[tilespmem:s22], [sflag:$0x2] =	stream.indirect.gather [hbm4b:s2+s12], $0x80, s16, s12, $0xb8;
	[tilespmem:$0x1C8C0] =	vst v63  }
0x172: {  	_ =	swait.ge [sflag:s0], $0x4000  }
0x173: {  	[sflag:s0] =	ssyncset.done $0x0  }
0x174: {  	s26 =	sadd.s32 $0x900, s30;
	[sflag:s0] =	ssyncadd.s32 $0xFFFFC000  }
0x175: {  	[spmem:s3] =	stream.indirect.scatter.add.f32 [tilespmem:s13], [sflag:$0x3], $0x80, s26, s12, $0xb8;
	[tilespmem:$0x1C8C0] =	vst v63  }
0x176: {  	_ =	swait.ge [sflag:s23], $0x4000  }
0x177: {  	[sflag:s23] =	ssyncset.done $0x0  }
0x178: {  	s16 =	sadd.s32 $0x200, s30;
	[sflag:s23] =	ssyncadd.s32 $0xFFFFC000  }
0x179: {  	[tilespmem:s13], [sflag:$0x1] =	stream.indirect.gather [hbm4b:s2+s12], $0x80, s16, s12, $0xb8;
	[tilespmem:$0x1C8C0] =	vst v63  }
0x17a: {  	_ =	swait.ge [sflag:s24], $0x4000  }
0x17b: {  	[sflag:s24] =	ssyncset.done $0x0  }
0x17c: {  	s26 =	sadd.s32 $0x980, s30;
	[sflag:s24] =	ssyncadd.s32 $0xFFFFC000  }
0x17d: {  	[spmem:s3] =	stream.indirect.scatter.add.f32 [tilespmem:s22], [sflag:$0x4], $0x80, s26, s12, $0xb8;
	[tilespmem:$0x1C8C0] =	vst v63  }
0x17e: {  	_ =	swait.ge [sflag:s25], $0x4000  }
0x17f: {  	[sflag:s25] =	ssyncset.done $0x0  }
0x180: {  	s16 =	sadd.s32 $0x280, s30;
	[sflag:s25] =	ssyncadd.s32 $0xFFFFC000  }
0x181: {  	[tilespmem:s22], [sflag:$0x2] =	stream.indirect.gather [hbm4b:s2+s12], $0x80, s16, s12, $0xb8;
	[tilespmem:$0x1C8C0] =	vst v63  }
0x182: {  	_ =	swait.ge [sflag:s0], $0x4000  }
0x183: {  	[sflag:s0] =	ssyncset.done $0x0  }
0x184: {  	s26 =	sadd.s32 $0xA00, s30;
	[sflag:s0] =	ssyncadd.s32 $0xFFFFC000  }
0x185: {  	[spmem:s3] =	stream.indirect.scatter.add.f32 [tilespmem:s13], [sflag:$0x3], $0x80, s26, s12, $0xb8;
	[tilespmem:$0x1C8C0] =	vst v63  }
0x186: {  	_ =	swait.ge [sflag:s23], $0x4000  }
0x187: {  	[sflag:s23] =	ssyncset.done $0x0  }
0x188: {  	s16 =	sadd.s32 $0x300, s30;
	[sflag:s23] =	ssyncadd.s32 $0xFFFFC000  }
0x189: {  	[tilespmem:s13], [sflag:$0x1] =	stream.indirect.gather [hbm4b:s2+s12], $0x80, s16, s12, $0xb8;
	[tilespmem:$0x1C8C0] =	vst v63  }
0x18a: {  	_ =	swait.ge [sflag:s24], $0x4000  }
0x18b: {  	[sflag:s24] =	ssyncset.done $0x0  }
0x18c: {  	s26 =	sadd.s32 $0xA80, s30;
	[sflag:s24] =	ssyncadd.s32 $0xFFFFC000  }
0x18d: {  	[spmem:s3] =	stream.indirect.scatter.add.f32 [tilespmem:s22], [sflag:$0x4], $0x80, s26, s12, $0xb8;
	[tilespmem:$0x1C8C0] =	vst v63  }
0x18e: {  	_ =	swait.ge [sflag:s25], $0x4000  }
0x18f: {  	[sflag:s25] =	ssyncset.done $0x0  }
0x190: {  	s16 =	sadd.s32 $0x380, s30;
	[sflag:s25] =	ssyncadd.s32 $0xFFFFC000  }
0x191: {  	[tilespmem:s22], [sflag:$0x2] =	stream.indirect.gather [hbm4b:s2+s12], $0x80, s16, s12, $0xb8;
	[tilespmem:$0x1C8C0] =	vst v63  }
0x192: {  	_ =	swait.ge [sflag:s0], $0x4000  }
0x193: {  	[sflag:s0] =	ssyncset.done $0x0  }
0x194: {  	p2 =	slt.u32 s7, $0xA;
	s26 =	sadd.s32 $0xB00, s30;
	[sflag:s0] =	ssyncadd.s32 $0xFFFFC000  }
0x195: {  	[spmem:s3] =	stream.indirect.scatter.add.f32 [tilespmem:s13], [sflag:$0x3], $0x80, s26, s12, $0xb8;
	[tilespmem:$0x1C8C0] =	vst v63  }
.Ltmp18:
0x196: {  	_ = 	snop;
	(pc) =	sbr.rel @!p2 .LBB2_20-.Ltmp18, $4  }
0x197: {  	_ =	swait.ge [sflag:s24], $0x4000  }
0x198: {  	[sflag:s24] =	ssyncset.done $0x0  }
0x199: {  	s30 =	sadd.s32 $0xB80, s30;
	s26 =	smov.u32 s7;
	[sflag:s24] =	ssyncadd.s32 $0xFFFFC000  }
0x19a: {  	[spmem:s3] =	stream.indirect.scatter.add.f32 [tilespmem:s22], [sflag:$0x4], $0x80, s30, s12, $0xb8;
	[tilespmem:$0x1C8C0] =	vst v63  }
.LBB2_17:
0x19b: {  	_ =	swait.ge [sflag:s31], $0x400  }
0x19c: {  	[sflag:s31] =	ssyncset.done $0x0  }
0x19d: {  	[sflag:s31] =	ssyncadd.s32 $0xFFFFFC00  }
0x19e: {  	_ =	swait.ge [sflag:s31], $0x400  }
0x19f: {  	p2 =	seq.s32 s26, $0x0;
	[sflag:s31] =	ssyncset.done $0x0  }
0x1a0: {  	s7 =	simm.s32 @!p2 $0x3;
	p3 =	seq.s32 @!p2 s26, $0x9;
	[sflag:s31] =	ssyncadd.s32 $0xFFFFFC00  }
0x1a1: {  	p3 =	por p2, !p3;
	_ =	swait.ge @!p2 [sflag:s7], $0x4000  }
.Ltmp19:
0x1a2: {  	[sflag:s7] =	ssyncset.done @!p2 $0x0;
	(pc) =	sbr.rel @!p3 .LBB2_19-.Ltmp19, $4  }
0x1a3: {  	[sflag:s7] =	ssyncadd.s32 @!p2 $0xFFFFC000;
	s7 =	simm.s32 @!p2 $0x4  }
0x1a4: {  	_ =	swait.ge @!p2 [sflag:s7], $0x4000  }
0x1a5: {  	s15 =	sshll.u32 s26, $0xA;
	[sflag:s7] =	ssyncset.done @!p2 $0x0  }
0x1a6: {  	s30 =	sand.u32 $0x400, s15;
	[sflag:s7] =	ssyncadd.s32 @!p2 $0xFFFFC000;
	s7 =	simm.s32 @!p2 $0xA  }
0x1a7: {  	s7 =	sadd.s32 @!p2 $0x1, s26  }
0x1a8: {  	s7 =	simm.s32 @p2 $0x1  }
0x1a9: {  	s15 =	sadd.s32 s29, s7  }
.Ltmp20:
0x1aa: {  	s15 =	sshll.u32 s15, $0x7;
	(pc) =	sbr.rel .LBB2_19-.Ltmp20, $4  }
0x1ab: {  	s16 =	ssub.s32 $0x400, s30;
	s26 =	sadd.s32 s10, s15  }
0x1ac: {  	[tilespmem:s16], [sflag:$0x5] =	stream.linear.gather [hbm4b:s26+s4], $0x400, $0x38;
	[tilespmem:$0x1C8C0] =	vst v63  }
0x1ad: {  	s15 =	sadd.s32 s11, s15;
	s26 =	ssub.s32 $0xC00, s30  }
0x1ae: {  	[tilespmem:s26], [sflag:$0x5] =	stream.linear.gather [hbm4b:s15+s4], $0x400, $0x38;
	[tilespmem:$0x1C8C0] =	vst v63  }
.LBB2_16:
0x1af: {  	_ =	swait.ge [sflag:s23], $0x4000  }
0x1b0: {  	[sflag:s23] =	ssyncset.done $0x0  }
0x1b1: {  	[sflag:s23] =	ssyncadd.s32 $0xFFFFC000  }
0x1b2: {  	_ =	swait.ge [sflag:s25], $0x4000  }
0x1b3: {  	[sflag:s25] =	ssyncset.done $0x0  }
0x1b4: {  	[sflag:s25] =	ssyncadd.s32 $0xFFFFC000  }
0x1b5: {  	[bflag:$0x0] =	sbarrier.arrive $0xFFFF  }
0x1b6: {  	s7 =	simm.s32 @p1 $0x1FC6;
	s15 =	rddreg [dreg:$0x11]  }
0x1b7: {  	[hbm:s15], [sflag:s7] =	dma.local @p1 [spmem:s21], $0x2080  }
0x1b8: {  	s7 =	simm.s32 @p1 $0x6  }
0x1b9: {  	_ =	swait.ge @p1 [sflag:s7], $0x2080  }
0x1ba: {  	[sflag:s7] =	ssyncset.done @p1 $0x0  }
0x1bb: {  	[sflag:s7] =	ssyncadd.s32 @p1 $0xFFFFDF80;
	s7 =	rddreg [dreg:$0xf]  }
0x1bc: {  	[hbm:s7], [sflag:s19] =	dma.local @!p1 [spmem:s20], $0x2780  }
.Ltmp21:
0x1bd: {  	_ = 	snop;
	(pc) =	sbr.rel .LBB2_21-.Ltmp21, $4  }
0x1be: {  	s7 =	simm.s32 @!p1 $0x6  }
0x1bf: {  	_ =	swait.ge @!p1 [sflag:s7], $0x2780  }
0x1c0: {  	[sflag:s7] =	ssyncset.done @!p1 $0x0  }
0x1c1: {  	[sflag:s7] =	ssyncadd.s32 @!p1 $0xFFFFD880  }
.LBB2_22:
0x1c2: {  	_ =	sfence.sel $0x180000  }
0x1c3: {  	[bflag:$0x0] =	sbarrier.arrive $0xFFFF  }
0x1c4: {  	_ =	strace $0x90000047  }
0x1c5: {  	s0 =	stileid.u32;
	[bflag:$0x2] =	sbarrier.arrive $0xFFFF  }
0x1c6: {  	p0 =	sne.s32 s0, $0x0;
	s0 =	rddreg [dreg:$0x4]  }
0x1c7: {  	s0 =	sadd.s32 @!p0 $0x100000, s0  }
0x1c8: {  	[sflag:s0] =	ssyncadd.tile.s32 @!p0 $0x1;
	_ =	shalt  }
.Lfunc_end2:
_tile_overlayer_lowered:
.L_overlay_start_2:
0x1c9: {  	(tag) =	ssettag $0x2  }
0x1ca: {  	s0 =	rddreg [dreg:$0x0];
	s2 =	stileid.u32  }
0x1cb: {  	s1 =	rddreg [dreg:$0x1];
	p0 =	sne.s32 s2, $0x0  }
0x1cc: {  	s3 =	rddreg [dreg:$0x2];
	[bflag:$0x3] =	sbarrier.arrive $0xFFFF;
	s2 =	simm.s32 @!p0 $0x1C06  }
0x1cd: {  	[timem:s3], [sflag:s2] =	dma.local @!p0 [hbm:s0], s1  }
0x1ce: {  	s0 =	simm.s32 @!p0 $0x6  }
0x1cf: {  	_ =	swait.ge @!p0 [sflag:s0], s1  }
0x1d0: {  	s1 =	ssub.s32 @!p0 $0x0, s1;
	[sflag:s0] =	ssyncset.done @!p0 $0x0  }
0x1d1: {  	[sflag:s0] =	ssyncadd.s32 @!p0 s1  }
0x1d2: {  	[bflag:$0x3] =	sbarrier.arrive $0xFFFF  }
0x1d3: {  	_ =	shalt  }

// kernel: kernel.9.cloned.1.call-start
scs
__scs_entry_jumppad:
0x0: {  	(pc) =	sbr.rel $0x88, $3  }
0x1: {  	(tag) =	ssettag $0x0;
	lr =	simm.s32 $0x1  }
0x2: {  	[smem:$0x3F97] =	sst lr;
	_ =	strace $0xD0000000  }
0x3: {  	_ = 	snop  }
0x4: {  	_ = 	snop  }
0x5: {  	_ = 	snop  }
0x6: {  	_ = 	snop  }
0x7: {  	_ = 	snop  }
__scs_overlays_trampoline_lowered:
0x8: {  	[smem:$0x3FA6] =	sst s0  }
0x9: {  	[smem:$0x3FA7] =	sst s1  }
0xa: {  	[smem:$0x3FA8] =	sst s2  }
0xb: {  	[smem:$0x3FA9] =	sst s3  }
0xc: {  	[smem:$0x3FAA] =	sst s4  }
0xd: {  	[smem:$0x3FAB] =	sst s5  }
0xe: {  	[smem:$0x3FAC] =	sst s6  }
0xf: {  	[smem:$0x3FAD] =	sst s7  }
0x10: {  	[smem:$0x3FAE] =	sst s8  }
0x11: {  	[smem:$0x3FAF] =	sst s9;
	s0 =	simm.s32 @!p0 $0x0  }
0x12: {  	s1 =	sld [smem:$0x3F95];
	s0 =	simm.s32 @p0 $0x1  }
0x13: {  	[smem:$0x3FB0] =	sst s0;
	s0 =	simm.s32 @!p1 $0x0  }
0x14: {  	s2 =	sld [smem:$0x3F94];
	s0 =	simm.s32 @p1 $0x1  }
0x15: {  	[smem:$0x3FB1] =	sst s0;
	s0 =	simm.s32 @!p2 $0x0  }
0x16: {  	s3 =	sld [smem:$0x3FDB];
	s0 =	simm.s32 @p2 $0x1  }
0x17: {  	s4 =	simm.s32 $0x1BF5;
	[smem:$0x3FB3] =	sst s0  }
0x18: {  	s0 =	sld [smem:$0x3F96];
	_ =	swait.ge [sflag:s4], $0x0  }
0x19: {  	s7 =	sld [smem:$0x3F97]  }
0x1a: {  	s8 =	sadd.s32 $0xFFFFE003, lr  }
0x1b: {  	s9 =	sadd.s32 $0xFFFFFEF7, lr;
	s5 =	simm.s32 $0xFFFFFFFF;
	p2 =	slt.u32 s8, $0xFFFFF086  }
0x1c: {  	p1 =	slt.u32 s9, $0xF7A;
	s5 =	simm.s32 @!p2 $0x0  }
0x1d: {  	s5 =	simm.s32 @p1 $0x1;
	p0 =	seq.s32 s7, s2  }
0x1e: {  	s7 =	smul.u32 @!p0 $0xF7A, s2;
	p2 =	seq.s32 @!p0 s5, $0x0  }
0x1f: {  	s9 =	smul.u32 $0xF7A, s1;
	s8 =	simm.s32 @!p0 $0x1BF5;
	p2 =	por !p2, p0  }
0x20: {  	[sflag:s8] =	ssyncset.s32 @!p0 $0xFFFFF086;
	s6 =	sadd.s32 @!p0 s3, s7;
	s7 =	simm.s32 @!p0 $0x108  }
0x21: {  	s3 =	sadd.s32 s3, s9;
	s6 =	sadd.s32 @!p0 $0x88, s6;
	s7 =	simm.s32 @p2 $0x1082  }
0x22: {  	[simem:s7], [sflag:s8] =	dma.local @!p0 [hbm:s6], $0xF7A  }
0x23: {  	s9 =	sor.u32 $0xD0000000, s2;
	s6 =	simm.s32 $0x108;
	_ =	swait.ge @!p0 [sflag:s8], $0x0  }
0x24: {  	s3 =	sadd.s32 $0x88, s3;
	s6 =	simm.s32 @!p1 $0x1082;
	[sflag:s4] =	ssyncset.s32 $0xFFFFF086  }
0x25: {  	[simem:s6], [sflag:s4] =	dma.local [hbm:s3], $0xF7A  }
0x26: {  	[smem:$0x3F97] =	sst s1;
	(tag) =	ssettag s2;
	_ =	strace s9  }
0x27: {  	s1 =	sld [smem:$0x3FA7]  }
0x28: {  	s2 =	sld [smem:$0x3FA8]  }
0x29: {  	s4 =	sld [smem:$0x3FAA]  }
0x2a: {  	p0 =	seq.s32 s5, $0x0;
	s5 =	sld [smem:$0x3FAB]  }
0x2b: {  	s6 =	sld [smem:$0x3FAC]  }
0x2c: {  	s7 =	sld [smem:$0x3FAD]  }
0x2d: {  	s3 =	simm.s32 $0x108;
	s8 =	sld [smem:$0x3FAE]  }
0x2e: {  	s3 =	simm.s32 @!p0 $0x1082;
	s9 =	sld [smem:$0x3FAF]  }
0x2f: {  	lr =	sadd.s32 s0, s3;
	s0 =	sld [smem:$0x3FA6]  }
0x30: {  	s3 =	sld [smem:$0x3FA9]  }
0x31: {  	[smem:$0x3FB2] =	sst s10  }
0x32: {  	s10 =	sld [smem:$0x3FB0];
	_ =	sdelay $0x3  }
0x33: {  	p0 =	seq.s32 s10, $0x1;
	s10 =	sld [smem:$0x3FB2];
	_ =	sdelay $0x3  }
0x34: {  	[smem:$0x3FB2] =	sst s10  }
0x35: {  	s10 =	sld [smem:$0x3FB1];
	_ =	sdelay $0x3  }
0x36: {  	p1 =	seq.s32 s10, $0x1;
	s10 =	sld [smem:$0x3FB2];
	_ =	sdelay $0x3  }
0x37: {  	[smem:$0x3FB2] =	sst s10  }
0x38: {  	s10 =	sld [smem:$0x3FB3]  }
0x39: {  	_ = 	snop;
	(pc) =	sbr.ind lr, $3  }
0x3a: {  	_ = 	snop  }
0x3b: {  	_ = 	snop  }
0x3c: {  	p2 =	seq.s32 s10, $0x1;
	s10 =	sld [smem:$0x3FB2]  }
0x3d: {  	_ =	shalt  }
0x3e: {  	_ =	shalt  }
0x3f: {  	_ =	shalt  }
0x40: {  	_ =	shalt  }
0x41: {  	_ =	shalt  }
0x42: {  	_ =	shalt  }
0x43: {  	_ =	shalt  }
0x44: {  	_ =	shalt  }
0x45: {  	_ =	shalt  }
0x46: {  	_ =	shalt  }
0x47: {  	_ =	shalt  }
0x48: {  	_ =	shalt  }
0x49: {  	_ =	shalt  }
0x4a: {  	_ =	shalt  }
0x4b: {  	_ =	shalt  }
0x4c: {  	_ =	shalt  }
0x4d: {  	_ =	shalt  }
0x4e: {  	_ =	shalt  }
0x4f: {  	_ =	shalt  }
0x50: {  	_ =	shalt  }
0x51: {  	_ =	shalt  }
0x52: {  	_ =	shalt  }
0x53: {  	_ =	shalt  }
0x54: {  	_ =	shalt  }
0x55: {  	_ =	shalt  }
0x56: {  	_ =	shalt  }
0x57: {  	_ =	shalt  }
0x58: {  	_ =	shalt  }
0x59: {  	_ =	shalt  }
0x5a: {  	_ =	shalt  }
0x5b: {  	_ =	shalt  }
0x5c: {  	_ =	shalt  }
0x5d: {  	_ =	shalt  }
0x5e: {  	_ =	shalt  }
0x5f: {  	_ =	shalt  }
0x60: {  	_ =	shalt  }
0x61: {  	_ =	shalt  }
0x62: {  	_ =	shalt  }
0x63: {  	_ =	shalt  }
0x64: {  	_ =	shalt  }
0x65: {  	_ =	shalt  }
0x66: {  	_ =	shalt  }
0x67: {  	_ =	shalt  }
0x68: {  	_ =	shalt  }
0x69: {  	_ =	shalt  }
0x6a: {  	_ =	shalt  }
0x6b: {  	_ =	shalt  }
0x6c: {  	_ =	shalt  }
0x6d: {  	_ =	shalt  }
0x6e: {  	_ =	shalt  }
0x6f: {  	_ =	shalt  }
0x70: {  	_ =	shalt  }
0x71: {  	_ =	shalt  }
0x72: {  	_ =	shalt  }
0x73: {  	_ =	shalt  }
0x74: {  	_ =	shalt  }
0x75: {  	_ =	shalt  }
0x76: {  	_ =	shalt  }
0x77: {  	_ =	shalt  }
0x78: {  	_ =	shalt  }
0x79: {  	_ =	shalt  }
0x7a: {  	_ =	shalt  }
0x7b: {  	_ =	shalt  }
0x7c: {  	_ =	shalt  }
0x7d: {  	_ =	shalt  }
0x7e: {  	_ =	shalt  }
0x7f: {  	_ =	shalt  }
0x80: {  	_ =	shalt  }
0x81: {  	_ =	shalt  }
0x82: {  	_ =	shalt  }
0x83: {  	_ =	shalt  }
0x84: {  	_ =	shalt  }
0x85: {  	_ =	shalt  }
0x86: {  	_ =	shalt  }
0x87: {  	_ =	shalt  }
.Lfunc_end0:
.L_simem_size_0:
called_computation.1_lowered:
.L_overlay_start_0:
0x88: {  	s2 =	sld [smem:$0x3FD9]  }
0x89: {  	s3 =	sld [smem:$0x3FFE];
	_ =	sdelay $0x1  }
0x8a: {  	s1 =	srdreg.scid  }
0x8b: {  	s0 =	sand.u32 $0x1, s1  }
0x8c: {  	s17 =	sshll.u32 s0, $0xA;
	s2 =	sadd.s32 s3, s2  }
0x8d: {  	s2 =	sadd.s32 s2, s17  }
0x8e: {  	[smem:$0x3FBE] =	sst s2  }
0x8f: {  	_ = 	snop  }
0x90: {  	(tm) =	ssettm $0x1  }
0x91: {  	s18 =	sld [smem:$0x3FFB];
	_ =	sdelay $0x3  }
0x92: {  	_ =	strace s18  }
0x93: {  	s2 =	sld [smem:$0x3FFC];
	_ =	sdelay $0x3  }
0x94: {  	_ =	strace s2  }
0x95: {  	s2 =	sld [smem:$0x3FFD];
	_ =	sdelay $0x3  }
0x96: {  	_ =	strace s2  }
0x97: {  	_ =	strace $0x8FFFFFFF  }
0x98: {  	s19 =	sld [smem:$0x3FDB];
	_ =	sdelay $0x1  }
0x99: {  	s20 =	simm.s32 $_scs_section_size  }
0x9a: {  	s4 =	simm.s32 $_size__tile_overlayer_lowered;
	s5 =	simm.s32 $_tile_overlayer_lowered  }
0x9b: {  	s6 =	simm.s32 $0x1BFF;
	s21 =	sshll.u32 s5, $0x1;
	s3 =	sadd.s32 s20, s19  }
0x9c: {  	s22 =	simm.s32 $0x0;
	s4 =	sshll.u32 s4, $0x1;
	s5 =	sadd.s32 s21, s3  }
0x9d: {  	[timem:s22], [sflag:s6] =	dma.local [hbm:s5], s4  }
0x9e: {  	_ =	swait.ge [sflag:s6], s4  }
0x9f: {  	s4 =	ssub.s32 $0x0, s4;
	[sflag:s6] =	ssyncset.done $0x0  }
0xa0: {  	[sflag:s6] =	ssyncadd.s32 s4;
	_ =	sdelay $0x1  }
0xa1: {  	s23 =	simm.s32 $0x1B8B  }
0xa2: {  	_ =	swait.ge [sflag:s23], $0x1  }
0xa3: {  	[sflag:s23] =	ssyncset.done $0x0  }
0xa4: {  	[sflag:s23] =	ssyncadd.s32 $0xFFFFFFFF  }
0xa5: {  	s4 =	sld [smem:$0x0]  }
0xa6: {  	s5 =	sand.u32 $0xFFFFFFFE, s1  }
0xa7: {  	p0 =	sne.s32 s1, s5  }
0xa8: {  	s5 =	sshll.u32 @p0 s5, $0xE  }
0xa9: {  	s5 =	sadd.s32 @p0 $0x11B8D, s5;
	s6 =	sshll.u32 @p0 s4, $0x11  }
0xaa: {  	s5 =	sor.u32 @p0 s6, s5  }
0xab: {  	[sflag:s5] =	ssyncadd.remote.s32 @p0 $0x1;
	_ =	sdelay $0x1  }
0xac: {  	s5 =	simm.s32 @p0 $0x1B8D  }
0xad: {  	_ =	swait.eq @p0 [sflag:s5], $0x1  }
0xae: {  	[sflag:s5] =	ssyncadd.s32 @p0 $0xFFFFFFFF  }
0xaf: {  	s6 =	sshll.u32 @!p0 s1, $0xE  }
0xb0: {  	s6 =	sor.u32 @!p0 $0x4000, s6;
	s5 =	simm.s32 @!p0 $0x1B8D  }
0xb1: {  	s4 =	sshll.u32 @!p0 s4, $0x11;
	s6 =	sadd.s32 @!p0 $0x11B8D, s6;
	_ =	swait.eq @!p0 [sflag:s5], $0x1  }
0xb2: {  	s4 =	sor.u32 @!p0 s4, s6;
	[sflag:s5] =	ssyncadd.s32 @!p0 $0xFFFFFFFF  }
0xb3: {  	s25 =	simm.s32 $0x1B8E;
	s24 =	sld [smem:$0x3FFE];
	[sflag:s4] =	ssyncadd.remote.s32 @!p0 $0x1  }
0xb4: {  	s26 =	simm.s32 $execute0_lowered;
	[smem:$0x3FD2] =	sst s25  }
0xb5: {  	s5 =	sshll.u32 s26, $0x1;
	_ =	strace $0x80000049;
	[dreg:$0x1] =	wrdreg $0xFFFFFFFF  }
0xb6: {  	s28 =	simm.s32 $_size_execute0_lowered;
	s3 =	sadd.s32 s3, s5;
	[dreg:$0x0] =	wrdreg $0x0  }
0xb7: {  	s5 =	sshll.u32 s28, $0x1;
	[dreg:$0x2] =	wrdreg s3  }
0xb8: {  	[dreg:$0x3] =	wrdreg s5  }
0xb9: {  	[dreg:$0x4] =	wrdreg $0xC0  }
0xba: {  	_ =	task [dreg:s22], $0x5FFFF  }
0xbb: {  	[dreg:$0x1] =	wrdreg $0xFFFFFFFF  }
0xbc: {  	[dreg:$0x0] =	wrdreg $0x60  }
0xbd: {  	[dreg:$0x2] =	wrdreg s24  }
0xbe: {  	[dreg:$0x3] =	wrdreg $0x44000  }
0xbf: {  	[dreg:$0x4] =	wrdreg $0xA  }
0xc0: {  	_ =	task.clear_ibuf [dreg:s22], $0x5FFFF;
	_ =	strace $0x90000049  }
0xc1: {  	s29 =	simm.s32 $0xA;
	_ =	strace $0x8000004B  }
0xc2: {  	_ =	swait.ge [sflag:s29], $0x1  }
0xc3: {  	[sflag:s29] =	ssyncadd.s32 $0xFFFFFFFF  }
0xc4: {  	_ =	strace $0x9000004B  }
0xc5: {  	_ =	sfence  }
0xc6: {  	s30 =	sld [smem:$0x0];
	_ =	sdelay $0x2  }
0xc7: {  	s31 =	sshll.u32 s1, $0xD;
	s1 =	sshrl.u32 s1, $0x2  }
0xc8: {  	s4 =	sand.u32 $0x4000, s31;
	s1 =	sadd.s32 s1, s30  }
0xc9: {  	s0 =	sor.u32 s4, s0;
	s1 =	sshll.u32 s1, $0x11  }
0xca: {  	s0 =	sor.u32 s1, s0  }
0xcb: {  	s0 =	sadd.s32 $0x8F2B, s0  }
0xcc: {  	[sflag:s0] =	ssyncadd.remote.s32 $0x1  }
0xcd: {  	_ =	sfence.sel $0xFFFF  }
0xce: {  	[dreg:$0x0] =	wrdreg $0xFFFFFFFF;
	(pc) =	sbr.abs _section_cstart, $3  }
0xcf: {  	[dreg:$0x1] =	wrdreg $0xFFFFFFFF  }
0xd0: {  	_ =	task.clear_ibuf [dreg:s22], $0x2FFFF;
	_ =	strace $0x9FFFFFFF  }
0xd1: {  	(tm) =	ssettm $0x7FFFFFFF  }
tec
execute0_lowered:
.L_overlay_start_1:
0x0: {  	(tag) =	ssettag $0x1  }
0x1: {  	s0 =	rddreg [dreg:$0x0]  }
0x2: {  	s1 =	rddreg [dreg:$0x1]  }
0x3: {  	s2 =	srdreg.scid;
	s3 =	simm.s32 $0x0;
	s14 =	simm.s32 $0x12A000  }
0x4: {  	s18 =	simm.s32 $0x400;
	s19 =	simm.s32 $0x1;
	s28 =	simm.s32 $0x280  }
0x5: {  	s29 =	simm.s32 $0x300;
	s30 =	simm.s32 $0x380;
	s31 =	simm.s32 $0x0  }
0x6: {  	s4 =	sand.u32 $0x1, s2;
	s2 =	stileid.u32;
	s23 =	sadd.s32 $0x129800, s0  }
0x7: {  	[smem:$0x7FF] =	sst s3;
	s25 =	sadd.s32 $0x1C4680, s0;
	s5 =	smul.u32 $0x2800, s4  }
0x8: {  	s8 =	sadd.s32 $0x8AE80, s0;
	s12 =	sadd.s32 $0x19D480, s0;
	s9 =	smul.u32 $0x2780, s2  }
0x9: {  	_ =	strace $0x8000004A;
	s6 =	smul.u32 $0x4F000, s2;
	[dreg:$0x3] =	wrdreg s23  }
0xa: {  	s24 =	ssub.s32 $0x2, s4;
	p0 =	seq.s32 s4, $0x0;
	[dreg:$0x5] =	wrdreg s25  }
0xb: {  	s17 =	smul.u32 $0x280, s2;
	s23 =	simm.s32 $0x80;
	p4 =	sne.s32 s4, $0x0  }
0xc: {  	s25 =	simm.s32 $0x180;
	s7 =	sshrl.u32 s24, $0x1;
	s14 =	simm.s32 @!p0 $0x151200  }
0xd: {  	p0 =	seq.s32 s2, $0xF;
	p2 =	seq.s32 @p4 s2, $0xF;
	p5 =	seq.s32 @!p4 s2, $0xF  }
0xe: {  	s16 =	sadd.s32 s5, s0;
	s11 =	sadd.s32 s9, s0;
	s6 =	sshrl.u32 s6, $0x2  }
0xf: {  	s13 =	ssub.s32 s24, s7;
	s0 =	sadd.s32 s14, s0;
	s24 =	simm.s32 $0x100  }
0x10: {  	p1 =	por !p2, !p4;
	p2 =	por p2, !p4;
	p3 =	por !p5, p4  }
0x11: {  	s5 =	sadd.s32 s6, s1;
	s6 =	sadd.s32 $0x128400, s1;
	s7 =	sadd.s32 $0x65E00, s11  }
0x12: {  	p4 =	por p5, p4;
	s10 =	sadd.s32 $0x19F600, s11;
	s11 =	sadd.s32 $0x178400, s11  }
0x13: {  	s13 =	smax.u32 s13, $0x1;
	s14 =	sadd.s32 s0, s9;
	s15 =	sadd.s32 $0x25080, s0  }
0x14: {  	s26 =	sadd.s32 s17, s16;
	s0 =	sshll.u32 @!p0 s2, $0x6;
	[dreg:$0x4] =	wrdreg s10  }
0x15: {  	s16 =	sadd.s32 $0x56E00, s26;
	s17 =	sadd.s32 $0x60E00, s26;
	s20 =	sshrl.u32 @p0 s6, $0x3  }
0x16: {  	s21 =	sor.u32 @!p0 $0x1C01, s0;
	s22 =	sshrl.u32 @!p0 s5, $0x3;
	s26 =	simm.s32 $0x200  }
.LBB2_1:
0x17: {  	s0 =	rddreg [dreg:$0x3]  }
0x18: {  	[tilespmem:s18], [sflag:$0x1] =	stream.linear.gather [hbm4b:s0+s3], $0x4000, $0x38;
	[tilespmem:$0x17CC0] =	vst v63  }
0x19: {  	_ =	swait.ge [sflag:s19], $0x4000  }
0x1a: {  	[sflag:s19] =	ssyncset.done $0x0  }
0x1b: {  	s0 =	simm.s32 @p0 $0x1FC1;
	[sflag:s19] =	ssyncadd.s32 $0xFFFFC000  }
0x1c: {  	[spmem:s20], [sflag:s0] =	dma.local @p0 [hbm:s8], $0x2080  }
0x1d: {  	s0 =	simm.s32 @p0 $0x1  }
0x1e: {  	_ =	swait.ge @p0 [sflag:s0], $0x2080  }
0x1f: {  	[sflag:s0] =	ssyncset.done @p0 $0x0  }
0x20: {  	[sflag:s0] =	ssyncadd.s32 @p0 $0xFFFFDF80;
	s0 =	simm.s32 @!p0 $0x1  }
0x21: {  	[spmem:s22], [sflag:s21] =	dma.local @!p0 [hbm:s7], $0x2780  }
0x22: {  	_ =	swait.ge @!p0 [sflag:s0], $0x2780  }
0x23: {  	[sflag:s0] =	ssyncset.done @!p0 $0x0  }
0x24: {  	[sflag:s0] =	ssyncadd.s32 @!p0 $0xFFFFD880  }
0x25: {  	s10 =	sadd.s32 $0x0, s16;
	[bflag:$0x0] =	sbarrier.arrive $0xFFFF  }
0x26: {  	[tilespmem:s3], [sflag:$0x1] =	stream.linear.gather [hbm4b:s10+s3], $0x400, $0x38;
	[tilespmem:$0x17CC0] =	vst v63  }
0x27: {  	_ =	swait.ge [sflag:s19], $0x400  }
0x28: {  	[sflag:s19] =	ssyncset.done $0x0  }
0x29: {  	[sflag:s19] =	ssyncadd.s32 $0xFFFFFC00  }
0x2a: {  	[spmem:s1] =	stream.indirect.scatter.add.f32 [tilespmem:s18], [sflag:$0x1], $0x80, s3, s23, $0xb8;
	[tilespmem:$0x17CC0] =	vst v63  }
0x2b: {  	_ =	swait.ge [sflag:s19], $0x4000  }
0x2c: {  	[sflag:s19] =	ssyncset.done $0x0  }
0x2d: {  	[sflag:s19] =	ssyncadd.s32 $0xFFFFC000  }
0x2e: {  	[spmem:s1] =	stream.indirect.scatter.add.f32 [tilespmem:s18], [sflag:$0x1], $0x80, s23, s23, $0xb8;
	[tilespmem:$0x17CC0] =	vst v63  }
0x2f: {  	_ =	swait.ge [sflag:s19], $0x4000  }
0x30: {  	[sflag:s19] =	ssyncset.done $0x0  }
0x31: {  	[sflag:s19] =	ssyncadd.s32 $0xFFFFC000  }
0x32: {  	[spmem:s1] =	stream.indirect.scatter.add.f32 [tilespmem:s18], [sflag:$0x1], $0x80, s24, s23, $0xb8;
	[tilespmem:$0x17CC0] =	vst v63  }
0x33: {  	_ =	swait.ge [sflag:s19], $0x4000  }
0x34: {  	[sflag:s19] =	ssyncset.done $0x0  }
0x35: {  	[sflag:s19] =	ssyncadd.s32 $0xFFFFC000  }
0x36: {  	[spmem:s1] =	stream.indirect.scatter.add.f32 [tilespmem:s18], [sflag:$0x1], $0x80, s25, s23, $0xb8;
	[tilespmem:$0x17CC0] =	vst v63  }
0x37: {  	_ =	swait.ge [sflag:s19], $0x4000  }
0x38: {  	[sflag:s19] =	ssyncset.done $0x0  }
0x39: {  	[sflag:s19] =	ssyncadd.s32 $0xFFFFC000  }
0x3a: {  	[spmem:s1] =	stream.indirect.scatter.add.f32 [tilespmem:s18], [sflag:$0x1], $0x80, s26, s23, $0xb8;
	[tilespmem:$0x17CC0] =	vst v63  }
0x3b: {  	_ =	swait.ge [sflag:s19], $0x4000  }
0x3c: {  	[sflag:s19] =	ssyncset.done $0x0  }
0x3d: {  	[sflag:s19] =	ssyncadd.s32 $0xFFFFC000  }
0x3e: {  	[spmem:s1] =	stream.indirect.scatter.add.f32 [tilespmem:s18], [sflag:$0x1], $0x80, s28, s23, $0xb8;
	[tilespmem:$0x17CC0] =	vst v63  }
0x3f: {  	_ =	swait.ge [sflag:s19], $0x4000  }
0x40: {  	[sflag:s19] =	ssyncset.done $0x0  }
0x41: {  	[sflag:s19] =	ssyncadd.s32 $0xFFFFC000  }
0x42: {  	[spmem:s1] =	stream.indirect.scatter.add.f32 [tilespmem:s18], [sflag:$0x1], $0x80, s29, s23, $0xb8;
	[tilespmem:$0x17CC0] =	vst v63  }
0x43: {  	_ =	swait.ge [sflag:s19], $0x4000  }
0x44: {  	[sflag:s19] =	ssyncset.done $0x0  }
0x45: {  	[sflag:s19] =	ssyncadd.s32 $0xFFFFC000  }
0x46: {  	[spmem:s1] =	stream.indirect.scatter.add.f32 [tilespmem:s18], [sflag:$0x1], $0x80, s30, s23, $0xb8;
	[tilespmem:$0x17CC0] =	vst v63  }
0x47: {  	_ =	swait.ge [sflag:s19], $0x4000  }
0x48: {  	s4 =	simm.s32 $0x100;
	s0 =	simm.s32 $0x80;
	[sflag:s19] =	ssyncset.done $0x0  }
.LBB2_2:
0x49: {  	s10 =	sadd.s32 s0, s16  }
0x4a: {  	[sflag:s19] =	ssyncadd.s32 $0xFFFFC000;
	s0 =	smov.u32 s4;
	s9 =	sadd.s32 $0x80, s4  }
0x4b: {  	[tilespmem:s3], [sflag:$0x1] =	stream.linear.gather [hbm4b:s10+s3], $0x400, $0x38;
	[tilespmem:$0x17CC0] =	vst v63  }
0x4c: {  	p5 =	sne.s32 s4, $0x200;
	_ =	swait.ge [sflag:s19], $0x400  }
0x4d: {  	[sflag:s19] =	ssyncset.done $0x0  }
0x4e: {  	[sflag:s19] =	ssyncadd.s32 $0xFFFFFC00  }
0x4f: {  	[spmem:s1] =	stream.indirect.scatter.add.f32 [tilespmem:s18], [sflag:$0x1], $0x80, s3, s23, $0xb8;
	[tilespmem:$0x17CC0] =	vst v63  }
0x50: {  	_ =	swait.ge [sflag:s19], $0x4000  }
0x51: {  	[sflag:s19] =	ssyncset.done $0x0  }
0x52: {  	[sflag:s19] =	ssyncadd.s32 $0xFFFFC000  }
0x53: {  	[spmem:s1] =	stream.indirect.scatter.add.f32 [tilespmem:s18], [sflag:$0x1], $0x80, s23, s23, $0xb8;
	[tilespmem:$0x17CC0] =	vst v63  }
0x54: {  	_ =	swait.ge [sflag:s19], $0x4000  }
0x55: {  	[sflag:s19] =	ssyncset.done $0x0  }
0x56: {  	[sflag:s19] =	ssyncadd.s32 $0xFFFFC000  }
0x57: {  	[spmem:s1] =	stream.indirect.scatter.add.f32 [tilespmem:s18], [sflag:$0x1], $0x80, s24, s23, $0xb8;
	[tilespmem:$0x17CC0] =	vst v63  }
0x58: {  	_ =	swait.ge [sflag:s19], $0x4000  }
0x59: {  	[sflag:s19] =	ssyncset.done $0x0  }
0x5a: {  	[sflag:s19] =	ssyncadd.s32 $0xFFFFC000  }
0x5b: {  	[spmem:s1] =	stream.indirect.scatter.add.f32 [tilespmem:s18], [sflag:$0x1], $0x80, s25, s23, $0xb8;
	[tilespmem:$0x17CC0] =	vst v63  }
0x5c: {  	_ =	swait.ge [sflag:s19], $0x4000  }
0x5d: {  	[sflag:s19] =	ssyncset.done $0x0  }
0x5e: {  	[sflag:s19] =	ssyncadd.s32 $0xFFFFC000  }
0x5f: {  	[spmem:s1] =	stream.indirect.scatter.add.f32 [tilespmem:s18], [sflag:$0x1], $0x80, s26, s23, $0xb8;
	[tilespmem:$0x17CC0] =	vst v63  }
0x60: {  	_ =	swait.ge [sflag:s19], $0x4000  }
0x61: {  	[sflag:s19] =	ssyncset.done $0x0  }
0x62: {  	[sflag:s19] =	ssyncadd.s32 $0xFFFFC000  }
0x63: {  	[spmem:s1] =	stream.indirect.scatter.add.f32 [tilespmem:s18], [sflag:$0x1], $0x80, s28, s23, $0xb8;
	[tilespmem:$0x17CC0] =	vst v63  }
0x64: {  	_ =	swait.ge [sflag:s19], $0x4000  }
0x65: {  	[sflag:s19] =	ssyncset.done $0x0  }
0x66: {  	[sflag:s19] =	ssyncadd.s32 $0xFFFFC000  }
0x67: {  	[spmem:s1] =	stream.indirect.scatter.add.f32 [tilespmem:s18], [sflag:$0x1], $0x80, s29, s23, $0xb8;
	[tilespmem:$0x17CC0] =	vst v63  }
0x68: {  	_ =	swait.ge [sflag:s19], $0x4000  }
.Ltmp0:
0x69: {  	[sflag:s19] =	ssyncset.done $0x0;
	(pc) =	sbr.rel @p5 .LBB2_2-.Ltmp0, $4  }
0x6a: {  	[sflag:s19] =	ssyncadd.s32 $0xFFFFC000  }
0x6b: {  	[spmem:s1] =	stream.indirect.scatter.add.f32 [tilespmem:s18], [sflag:$0x1], $0x80, s30, s23, $0xb8;
	[tilespmem:$0x17CC0] =	vst v63  }
0x6c: {  	_ =	swait.ge [sflag:s19], $0x4000  }
0x6d: {  	s4 =	smov.u32 s9;
	[sflag:s19] =	ssyncset.done $0x0  }
0x6e: {  	s0 =	sadd.s32 s0, s16;
	[sflag:s19] =	ssyncadd.s32 $0xFFFFC000  }
0x6f: {  	[tilespmem:s3], [sflag:$0x1] =	stream.linear.gather [hbm4b:s0+s3], $0x400, $0x38;
	[tilespmem:$0x17CC0] =	vst v63  }
0x70: {  	_ =	swait.ge [sflag:s19], $0x400  }
0x71: {  	[sflag:s19] =	ssyncset.done $0x0  }
0x72: {  	[sflag:s19] =	ssyncadd.s32 $0xFFFFFC00  }
0x73: {  	[spmem:s1] =	stream.indirect.scatter.add.f32 [tilespmem:s18], [sflag:$0x1], $0x80, s3, s23, $0xb8;
	[tilespmem:$0x17CC0] =	vst v63  }
0x74: {  	_ =	swait.ge [sflag:s19], $0x4000  }
0x75: {  	[sflag:s19] =	ssyncset.done $0x0  }
0x76: {  	[sflag:s19] =	ssyncadd.s32 $0xFFFFC000  }
0x77: {  	[spmem:s1] =	stream.indirect.scatter.add.f32 [tilespmem:s18], [sflag:$0x1], $0x80, s23, s23, $0xb8;
	[tilespmem:$0x17CC0] =	vst v63  }
0x78: {  	_ =	swait.ge [sflag:s19], $0x4000  }
0x79: {  	[sflag:s19] =	ssyncset.done $0x0  }
0x7a: {  	[sflag:s19] =	ssyncadd.s32 $0xFFFFC000  }
0x7b: {  	[spmem:s1] =	stream.indirect.scatter.add.f32 [tilespmem:s18], [sflag:$0x1], $0x80, s24, s23, $0xb8;
	[tilespmem:$0x17CC0] =	vst v63  }
0x7c: {  	_ =	swait.ge [sflag:s19], $0x4000  }
0x7d: {  	[sflag:s19] =	ssyncset.done $0x0  }
0x7e: {  	[sflag:s19] =	ssyncadd.s32 $0xFFFFC000  }
0x7f: {  	[spmem:s1] =	stream.indirect.scatter.add.f32 [tilespmem:s18], [sflag:$0x1], $0x80, s25, s23, $0xb8;
	[tilespmem:$0x17CC0] =	vst v63  }
0x80: {  	_ =	swait.ge [sflag:s19], $0x4000  }
0x81: {  	[sflag:s19] =	ssyncset.done $0x0  }
0x82: {  	[sflag:s19] =	ssyncadd.s32 $0xFFFFC000  }
0x83: {  	[spmem:s1] =	stream.indirect.scatter.add.f32 [tilespmem:s18], [sflag:$0x1], $0x80, s26, s23, $0xb8;
	[tilespmem:$0x17CC0] =	vst v63  }
0x84: {  	_ =	swait.ge [sflag:s19], $0x4000  }
0x85: {  	[sflag:s19] =	ssyncset.done $0x0  }
0x86: {  	[sflag:s19] =	ssyncadd.s32 $0xFFFFC000  }
0x87: {  	[spmem:s1] =	stream.indirect.scatter.add.f32 [tilespmem:s18], [sflag:$0x1], $0x80, s28, s23, $0xb8;
	[tilespmem:$0x17CC0] =	vst v63  }
0x88: {  	_ =	swait.ge [sflag:s19], $0x4000  }
0x89: {  	[sflag:s19] =	ssyncset.done $0x0  }
0x8a: {  	[sflag:s19] =	ssyncadd.s32 $0xFFFFC000  }
0x8b: {  	[spmem:s1] =	stream.indirect.scatter.add.f32 [tilespmem:s18], [sflag:$0x1], $0x80, s29, s23, $0xb8;
	[tilespmem:$0x17CC0] =	vst v63  }
0x8c: {  	_ =	swait.ge [sflag:s19], $0x4000  }
0x8d: {  	[sflag:s19] =	ssyncset.done $0x0  }
0x8e: {  	[sflag:s19] =	ssyncadd.s32 $0xFFFFC000  }
0x8f: {  	[spmem:s1] =	stream.indirect.scatter.add.f32 [tilespmem:s18], [sflag:$0x1], $0x80, s30, s23, $0xb8;
	[tilespmem:$0x17CC0] =	vst v63  }
0x90: {  	_ =	swait.ge [sflag:s19], $0x4000  }
0x91: {  	[sflag:s19] =	ssyncset.done $0x0  }
0x92: {  	[sflag:s19] =	ssyncadd.s32 $0xFFFFC000  }
0x93: {  	s0 =	simm.s32 @p0 $0x1FC1;
	[bflag:$0x0] =	sbarrier.arrive $0xFFFF  }
0x94: {  	[hbm:s15], [sflag:s0] =	dma.local @p0 [spmem:s20], $0x2080  }
0x95: {  	s0 =	simm.s32 @p0 $0x1  }
0x96: {  	_ =	swait.ge @p0 [sflag:s0], $0x2080  }
0x97: {  	s4 =	sshll.u32 @p0 s2, $0x6;
	[sflag:s0] =	ssyncset.done @p0 $0x0  }
0x98: {  	s4 =	sor.u32 @p0 $0x1C01, s4;
	[sflag:s0] =	ssyncadd.s32 @p0 $0xFFFFDF80  }
0x99: {  	[spmem:s20], [sflag:s4] =	dma.local @p0 [hbm:s8], $0x2080  }
0x9a: {  	_ =	swait.ge @p0 [sflag:s0], $0x2080  }
0x9b: {  	[sflag:s0] =	ssyncset.done @p0 $0x0  }
0x9c: {  	[sflag:s0] =	ssyncadd.s32 @p0 $0xFFFFDF80;
	s0 =	simm.s32 @!p0 $0x1  }
0x9d: {  	[hbm:s14], [sflag:s21] =	dma.local @!p0 [spmem:s22], $0x2780  }
0x9e: {  	_ =	swait.ge @!p0 [sflag:s0], $0x2780  }
0x9f: {  	[sflag:s0] =	ssyncset.done @!p0 $0x0  }
0xa0: {  	[sflag:s0] =	ssyncadd.s32 @!p0 $0xFFFFD880  }
0xa1: {  	[spmem:s22], [sflag:s21] =	dma.local @!p0 [hbm:s7], $0x2780  }
0xa2: {  	_ =	swait.ge @!p0 [sflag:s0], $0x2780  }
0xa3: {  	[sflag:s0] =	ssyncset.done @!p0 $0x0  }
0xa4: {  	[sflag:s0] =	ssyncadd.s32 @!p0 $0xFFFFD880  }
0xa5: {  	s10 =	sadd.s32 $0x0, s17;
	[bflag:$0x0] =	sbarrier.arrive $0xFFFF  }
0xa6: {  	[tilespmem:s3], [sflag:$0x1] =	stream.linear.gather [hbm4b:s10+s3], $0x400, $0x38;
	[tilespmem:$0x17CC0] =	vst v63  }
0xa7: {  	_ =	swait.ge [sflag:s19], $0x400  }
0xa8: {  	[sflag:s19] =	ssyncset.done $0x0  }
0xa9: {  	[sflag:s19] =	ssyncadd.s32 $0xFFFFFC00  }
0xaa: {  	[spmem:s1] =	stream.indirect.scatter.add.f32 [tilespmem:s18], [sflag:$0x1], $0x80, s3, s23, $0xb8;
	[tilespmem:$0x17CC0] =	vst v63  }
0xab: {  	_ =	swait.ge [sflag:s19], $0x4000  }
0xac: {  	[sflag:s19] =	ssyncset.done $0x0  }
0xad: {  	[sflag:s19] =	ssyncadd.s32 $0xFFFFC000  }
0xae: {  	[spmem:s1] =	stream.indirect.scatter.add.f32 [tilespmem:s18], [sflag:$0x1], $0x80, s23, s23, $0xb8;
	[tilespmem:$0x17CC0] =	vst v63  }
0xaf: {  	_ =	swait.ge [sflag:s19], $0x4000  }
0xb0: {  	[sflag:s19] =	ssyncset.done $0x0  }
0xb1: {  	[sflag:s19] =	ssyncadd.s32 $0xFFFFC000  }
0xb2: {  	[spmem:s1] =	stream.indirect.scatter.add.f32 [tilespmem:s18], [sflag:$0x1], $0x80, s24, s23, $0xb8;
	[tilespmem:$0x17CC0] =	vst v63  }
0xb3: {  	_ =	swait.ge [sflag:s19], $0x4000  }
0xb4: {  	[sflag:s19] =	ssyncset.done $0x0  }
0xb5: {  	[sflag:s19] =	ssyncadd.s32 $0xFFFFC000  }
0xb6: {  	[spmem:s1] =	stream.indirect.scatter.add.f32 [tilespmem:s18], [sflag:$0x1], $0x80, s25, s23, $0xb8;
	[tilespmem:$0x17CC0] =	vst v63  }
0xb7: {  	_ =	swait.ge [sflag:s19], $0x4000  }
0xb8: {  	[sflag:s19] =	ssyncset.done $0x0  }
0xb9: {  	[sflag:s19] =	ssyncadd.s32 $0xFFFFC000  }
0xba: {  	[spmem:s1] =	stream.indirect.scatter.add.f32 [tilespmem:s18], [sflag:$0x1], $0x80, s26, s23, $0xb8;
	[tilespmem:$0x17CC0] =	vst v63  }
0xbb: {  	_ =	swait.ge [sflag:s19], $0x4000  }
0xbc: {  	[sflag:s19] =	ssyncset.done $0x0  }
0xbd: {  	[sflag:s19] =	ssyncadd.s32 $0xFFFFC000  }
0xbe: {  	[spmem:s1] =	stream.indirect.scatter.add.f32 [tilespmem:s18], [sflag:$0x1], $0x80, s28, s23, $0xb8;
	[tilespmem:$0x17CC0] =	vst v63  }
0xbf: {  	_ =	swait.ge [sflag:s19], $0x4000  }
0xc0: {  	[sflag:s19] =	ssyncset.done $0x0  }
0xc1: {  	[sflag:s19] =	ssyncadd.s32 $0xFFFFC000  }
0xc2: {  	[spmem:s1] =	stream.indirect.scatter.add.f32 [tilespmem:s18], [sflag:$0x1], $0x80, s29, s23, $0xb8;
	[tilespmem:$0x17CC0] =	vst v63  }
0xc3: {  	_ =	swait.ge [sflag:s19], $0x4000  }
0xc4: {  	[sflag:s19] =	ssyncset.done $0x0  }
0xc5: {  	[sflag:s19] =	ssyncadd.s32 $0xFFFFC000  }
0xc6: {  	[spmem:s1] =	stream.indirect.scatter.add.f32 [tilespmem:s18], [sflag:$0x1], $0x80, s30, s23, $0xb8;
	[tilespmem:$0x17CC0] =	vst v63  }
0xc7: {  	_ =	swait.ge [sflag:s19], $0x4000  }
0xc8: {  	s9 =	simm.s32 $0x100;
	s0 =	simm.s32 $0x80;
	[sflag:s19] =	ssyncset.done $0x0  }
.LBB2_4:
0xc9: {  	s10 =	sadd.s32 s0, s17  }
0xca: {  	[sflag:s19] =	ssyncadd.s32 $0xFFFFC000;
	s0 =	smov.u32 s9;
	s4 =	sadd.s32 $0x80, s9  }
0xcb: {  	[tilespmem:s3], [sflag:$0x1] =	stream.linear.gather [hbm4b:s10+s3], $0x400, $0x38;
	[tilespmem:$0x17CC0] =	vst v63  }
0xcc: {  	p5 =	sne.s32 s9, $0x200;
	_ =	swait.ge [sflag:s19], $0x400  }
0xcd: {  	[sflag:s19] =	ssyncset.done $0x0  }
0xce: {  	[sflag:s19] =	ssyncadd.s32 $0xFFFFFC00  }
0xcf: {  	[spmem:s1] =	stream.indirect.scatter.add.f32 [tilespmem:s18], [sflag:$0x1], $0x80, s3, s23, $0xb8;
	[tilespmem:$0x17CC0] =	vst v63  }
0xd0: {  	_ =	swait.ge [sflag:s19], $0x4000  }
0xd1: {  	[sflag:s19] =	ssyncset.done $0x0  }
0xd2: {  	[sflag:s19] =	ssyncadd.s32 $0xFFFFC000  }
0xd3: {  	[spmem:s1] =	stream.indirect.scatter.add.f32 [tilespmem:s18], [sflag:$0x1], $0x80, s23, s23, $0xb8;
	[tilespmem:$0x17CC0] =	vst v63  }
0xd4: {  	_ =	swait.ge [sflag:s19], $0x4000  }
0xd5: {  	[sflag:s19] =	ssyncset.done $0x0  }
0xd6: {  	[sflag:s19] =	ssyncadd.s32 $0xFFFFC000  }
0xd7: {  	[spmem:s1] =	stream.indirect.scatter.add.f32 [tilespmem:s18], [sflag:$0x1], $0x80, s24, s23, $0xb8;
	[tilespmem:$0x17CC0] =	vst v63  }
0xd8: {  	_ =	swait.ge [sflag:s19], $0x4000  }
0xd9: {  	[sflag:s19] =	ssyncset.done $0x0  }
0xda: {  	[sflag:s19] =	ssyncadd.s32 $0xFFFFC000  }
0xdb: {  	[spmem:s1] =	stream.indirect.scatter.add.f32 [tilespmem:s18], [sflag:$0x1], $0x80, s25, s23, $0xb8;
	[tilespmem:$0x17CC0] =	vst v63  }
0xdc: {  	_ =	swait.ge [sflag:s19], $0x4000  }
0xdd: {  	[sflag:s19] =	ssyncset.done $0x0  }
0xde: {  	[sflag:s19] =	ssyncadd.s32 $0xFFFFC000  }
0xdf: {  	[spmem:s1] =	stream.indirect.scatter.add.f32 [tilespmem:s18], [sflag:$0x1], $0x80, s26, s23, $0xb8;
	[tilespmem:$0x17CC0] =	vst v63  }
0xe0: {  	_ =	swait.ge [sflag:s19], $0x4000  }
0xe1: {  	[sflag:s19] =	ssyncset.done $0x0  }
0xe2: {  	[sflag:s19] =	ssyncadd.s32 $0xFFFFC000  }
0xe3: {  	[spmem:s1] =	stream.indirect.scatter.add.f32 [tilespmem:s18], [sflag:$0x1], $0x80, s28, s23, $0xb8;
	[tilespmem:$0x17CC0] =	vst v63  }
0xe4: {  	_ =	swait.ge [sflag:s19], $0x4000  }
0xe5: {  	[sflag:s19] =	ssyncset.done $0x0  }
0xe6: {  	[sflag:s19] =	ssyncadd.s32 $0xFFFFC000  }
0xe7: {  	[spmem:s1] =	stream.indirect.scatter.add.f32 [tilespmem:s18], [sflag:$0x1], $0x80, s29, s23, $0xb8;
	[tilespmem:$0x17CC0] =	vst v63  }
0xe8: {  	_ =	swait.ge [sflag:s19], $0x4000  }
.Ltmp1:
0xe9: {  	[sflag:s19] =	ssyncset.done $0x0;
	(pc) =	sbr.rel @p5 .LBB2_4-.Ltmp1, $4  }
0xea: {  	[sflag:s19] =	ssyncadd.s32 $0xFFFFC000  }
0xeb: {  	[spmem:s1] =	stream.indirect.scatter.add.f32 [tilespmem:s18], [sflag:$0x1], $0x80, s30, s23, $0xb8;
	[tilespmem:$0x17CC0] =	vst v63  }
0xec: {  	_ =	swait.ge [sflag:s19], $0x4000  }
0xed: {  	s9 =	smov.u32 s4;
	[sflag:s19] =	ssyncset.done $0x0  }
0xee: {  	s0 =	sadd.s32 s0, s17;
	[sflag:s19] =	ssyncadd.s32 $0xFFFFC000  }
0xef: {  	[tilespmem:s3], [sflag:$0x1] =	stream.linear.gather [hbm4b:s0+s3], $0x400, $0x38;
	[tilespmem:$0x17CC0] =	vst v63  }
0xf0: {  	_ =	swait.ge [sflag:s19], $0x400  }
0xf1: {  	[sflag:s19] =	ssyncset.done $0x0  }
0xf2: {  	[sflag:s19] =	ssyncadd.s32 $0xFFFFFC00  }
0xf3: {  	[spmem:s1] =	stream.indirect.scatter.add.f32 [tilespmem:s18], [sflag:$0x1], $0x80, s3, s23, $0xb8;
	[tilespmem:$0x17CC0] =	vst v63  }
0xf4: {  	_ =	swait.ge [sflag:s19], $0x4000  }
0xf5: {  	[sflag:s19] =	ssyncset.done $0x0  }
0xf6: {  	[sflag:s19] =	ssyncadd.s32 $0xFFFFC000  }
0xf7: {  	[spmem:s1] =	stream.indirect.scatter.add.f32 [tilespmem:s18], [sflag:$0x1], $0x80, s23, s23, $0xb8;
	[tilespmem:$0x17CC0] =	vst v63  }
0xf8: {  	_ =	swait.ge [sflag:s19], $0x4000  }
0xf9: {  	[sflag:s19] =	ssyncset.done $0x0  }
0xfa: {  	[sflag:s19] =	ssyncadd.s32 $0xFFFFC000  }
0xfb: {  	[spmem:s1] =	stream.indirect.scatter.add.f32 [tilespmem:s18], [sflag:$0x1], $0x80, s24, s23, $0xb8;
	[tilespmem:$0x17CC0] =	vst v63  }
0xfc: {  	_ =	swait.ge [sflag:s19], $0x4000  }
0xfd: {  	[sflag:s19] =	ssyncset.done $0x0  }
0xfe: {  	[sflag:s19] =	ssyncadd.s32 $0xFFFFC000  }
0xff: {  	[spmem:s1] =	stream.indirect.scatter.add.f32 [tilespmem:s18], [sflag:$0x1], $0x80, s25, s23, $0xb8;
	[tilespmem:$0x17CC0] =	vst v63  }
0x100: {  	_ =	swait.ge [sflag:s19], $0x4000  }
0x101: {  	[sflag:s19] =	ssyncset.done $0x0  }
0x102: {  	[sflag:s19] =	ssyncadd.s32 $0xFFFFC000  }
0x103: {  	[spmem:s1] =	stream.indirect.scatter.add.f32 [tilespmem:s18], [sflag:$0x1], $0x80, s26, s23, $0xb8;
	[tilespmem:$0x17CC0] =	vst v63  }
0x104: {  	_ =	swait.ge [sflag:s19], $0x4000  }
0x105: {  	[sflag:s19] =	ssyncset.done $0x0  }
0x106: {  	[sflag:s19] =	ssyncadd.s32 $0xFFFFC000  }
0x107: {  	[spmem:s1] =	stream.indirect.scatter.add.f32 [tilespmem:s18], [sflag:$0x1], $0x80, s28, s23, $0xb8;
	[tilespmem:$0x17CC0] =	vst v63  }
0x108: {  	_ =	swait.ge [sflag:s19], $0x4000  }
0x109: {  	[sflag:s19] =	ssyncset.done $0x0  }
0x10a: {  	[sflag:s19] =	ssyncadd.s32 $0xFFFFC000  }
0x10b: {  	[spmem:s1] =	stream.indirect.scatter.add.f32 [tilespmem:s18], [sflag:$0x1], $0x80, s29, s23, $0xb8;
	[tilespmem:$0x17CC0] =	vst v63  }
0x10c: {  	_ =	swait.ge [sflag:s19], $0x4000  }
0x10d: {  	[sflag:s19] =	ssyncset.done $0x0  }
0x10e: {  	[sflag:s19] =	ssyncadd.s32 $0xFFFFC000  }
0x10f: {  	[spmem:s1] =	stream.indirect.scatter.add.f32 [tilespmem:s18], [sflag:$0x1], $0x80, s30, s23, $0xb8;
	[tilespmem:$0x17CC0] =	vst v63  }
0x110: {  	_ =	swait.ge [sflag:s19], $0x4000  }
0x111: {  	[sflag:s19] =	ssyncset.done $0x0  }
0x112: {  	[sflag:s19] =	ssyncadd.s32 $0xFFFFC000  }
0x113: {  	[bflag:$0x0] =	sbarrier.arrive $0xFFFF  }
0x114: {  	s4 =	simm.s32 @!p1 $0x1FC1;
	s0 =	sshrl.u32 @!p1 s6, $0x3;
	s9 =	rddreg [dreg:$0x5]  }
0x115: {  	[hbm:s9], [sflag:s4] =	dma.local @!p1 [spmem:s0], $0x2080  }
0x116: {  	s0 =	simm.s32 @!p1 $0x1  }
0x117: {  	_ =	swait.ge @!p1 [sflag:s0], $0x2080  }
0x118: {  	s4 =	sshll.u32 @!p2 s2, $0x6;
	[sflag:s0] =	ssyncset.done @!p1 $0x0;
	s9 =	rddreg [dreg:$0x4]  }
0x119: {  	[sflag:s0] =	ssyncadd.s32 @!p1 $0xFFFFDF80;
	s0 =	sor.u32 @!p2 $0x1C01, s4;
	s4 =	sshrl.u32 @!p2 s5, $0x3  }
0x11a: {  	[hbm:s9], [sflag:s0] =	dma.local @!p2 [spmem:s4], $0x2780  }
0x11b: {  	s0 =	simm.s32 @!p2 $0x1  }
0x11c: {  	_ =	swait.ge @!p2 [sflag:s0], $0x2780  }
0x11d: {  	[sflag:s0] =	ssyncset.done @!p2 $0x0  }
0x11e: {  	s4 =	simm.s32 @!p3 $0x1FC1;
	[sflag:s0] =	ssyncadd.s32 @!p2 $0xFFFFD880;
	s0 =	sshrl.u32 @!p3 s6, $0x3  }
0x11f: {  	[hbm:s12], [sflag:s4] =	dma.local @!p3 [spmem:s0], $0x2080  }
0x120: {  	s0 =	simm.s32 @!p3 $0x1  }
0x121: {  	s31 =	sadd.s32 $0x1, s31;
	_ =	swait.ge @!p3 [sflag:s0], $0x2080  }
0x122: {  	p5 =	sne.s32 s31, s13;
	s4 =	sshll.u32 @!p4 s2, $0x6;
	[sflag:s0] =	ssyncset.done @!p3 $0x0  }
0x123: {  	[sflag:s0] =	ssyncadd.s32 @!p3 $0xFFFFDF80;
	s0 =	sor.u32 @!p4 $0x1C01, s4;
	s4 =	sshrl.u32 @!p4 s5, $0x3  }
0x124: {  	[hbm:s11], [sflag:s0] =	dma.local @!p4 [spmem:s4], $0x2780  }
.Ltmp2:
0x125: {  	_ = 	snop;
	(pc) =	sbr.rel @p5 .LBB2_1-.Ltmp2, $4  }
0x126: {  	s0 =	simm.s32 @!p4 $0x1  }
0x127: {  	_ =	swait.ge @!p4 [sflag:s0], $0x2780  }
0x128: {  	[sflag:s0] =	ssyncset.done @!p4 $0x0  }
0x129: {  	[sflag:s0] =	ssyncadd.s32 @!p4 $0xFFFFD880  }
0x12a: {  	_ =	sfence.sel $0x180000  }
0x12b: {  	[bflag:$0x0] =	sbarrier.arrive $0xFFFF  }
0x12c: {  	_ =	strace $0x9000004A  }
0x12d: {  	[bflag:$0x2] =	sbarrier.arrive $0xFFFF  }
0x12e: {  	p0 =	sne.s32 s2, $0x0;
	s0 =	rddreg [dreg:$0x2]  }
0x12f: {  	s0 =	sadd.s32 @!p0 $0x100000, s0  }
0x130: {  	[sflag:s0] =	ssyncadd.tile.s32 @!p0 $0x1;
	_ =	shalt  }
.Lfunc_end2:
_tile_overlayer_lowered:
.L_overlay_start_2:
0x131: {  	(tag) =	ssettag $0x2  }
0x132: {  	s0 =	rddreg [dreg:$0x0];
	s2 =	stileid.u32  }
0x133: {  	s1 =	rddreg [dreg:$0x1];
	p0 =	sne.s32 s2, $0x0  }
0x134: {  	s3 =	rddreg [dreg:$0x2];
	[bflag:$0x3] =	sbarrier.arrive $0xFFFF;
	s2 =	simm.s32 @!p0 $0x1C01  }
0x135: {  	[timem:s3], [sflag:s2] =	dma.local @!p0 [hbm:s0], s1  }
0x136: {  	s0 =	simm.s32 @!p0 $0x1  }
0x137: {  	_ =	swait.ge @!p0 [sflag:s0], s1  }
0x138: {  	s1 =	ssub.s32 @!p0 $0x0, s1;
	[sflag:s0] =	ssyncset.done @!p0 $0x0  }
0x139: {  	[sflag:s0] =	ssyncadd.s32 @!p0 s1  }
0x13a: {  	[bflag:$0x3] =	sbarrier.arrive $0xFFFF  }
0x13b: {  	_ =	shalt  }

</sc_bundles>
